<compile_context>
chip_gen: v7x
topology: tpu7x:2x2x1
jax: 0.10.2.dev20260603
libtpu: 0.0.44.dev20260713+nightly
codegen_flags: <defaults>
</compile_context>

<pallas_src>
import math

import jax
import jax.numpy as jnp
from jax import lax
from jax.experimental import pallas as pl
from jax.experimental.pallas import tpu as pltpu
from jax.experimental.pallas import tpu_sc as plsc

D_MODEL = 128
SEQ_L = 200
CHUNK = 128
POS_BUF = SEQ_L + CHUNK - 8
LANES = 16
NUM_CORES = 2
NUM_SUBCORES = 16
NUM_WORKERS = NUM_CORES * NUM_SUBCORES
NBUF = 5
LOOKAHEAD = 2
PHASE_PERIOD = SEQ_L // math.gcd(CHUNK, SEQ_L)
SCALE = math.sqrt(D_MODEL)


def _sc_body(x2_hbm, tab_hbm, pos_hbm, out_hbm, *scratch):
    pos_v = scratch[0]
    rbufs = scratch[1 : 1 + NBUF]
    ibufs = scratch[1 + NBUF : 1 + 2 * NBUF]
    gsems = scratch[1 + 2 * NBUF : 1 + 3 * NBUF]
    ssems = scratch[1 + 3 * NBUF : 1 + 4 * NBUF]
    isems = scratch[1 + 4 * NBUF : 1 + 5 * NBUF]
    psems = scratch[1 + 5 * NBUF : 3 + 5 * NBUF]

    n_chunks = x2_hbm.shape[0] // NUM_WORKERS
    wid = lax.axis_index("s") * NUM_CORES + lax.axis_index("c")
    cbase = wid * n_chunks

    pltpu.async_copy(pos_hbm.at[pl.ds(0, SEQ_L)], pos_v.at[pl.ds(0, SEQ_L)], psems[0])
    pltpu.async_copy(
        pos_hbm.at[pl.ds(0, POS_BUF - SEQ_L)],
        pos_v.at[pl.ds(SEQ_L, POS_BUF - SEQ_L)],
        psems[1],
    )

    for i in range(NBUF):
        pltpu.async_copy(x2_hbm.at[pl.ds(cbase + i, 1)], ibufs[i], isems[i])
    for i in range(LOOKAHEAD):
        pltpu.make_async_copy(x2_hbm.at[pl.ds(0, 1)], ibufs[i], isems[i]).wait()
        pltpu.async_copy(tab_hbm.at[ibufs[i].at[0]], rbufs[i], gsems[i])
    pltpu.make_async_copy(
        pos_hbm.at[pl.ds(0, SEQ_L)], pos_v.at[pl.ds(0, SEQ_L)], psems[0]
    ).wait()
    pltpu.make_async_copy(
        pos_hbm.at[pl.ds(0, POS_BUF - SEQ_L)],
        pos_v.at[pl.ds(SEQ_L, POS_BUF - SEQ_L)],
        psems[1],
    ).wait()

    def outer(o, carry):
        for j in range(NBUF):
            t = NBUF * o + j
            p = j
            q = (j + LOOKAHEAD) % NBUF

            @pl.when(t + LOOKAHEAD < n_chunks)
            def _prefetch():
                @pl.when(t >= NBUF - LOOKAHEAD)
                def _drain_store():
                    pltpu.make_async_copy(
                        rbufs[q], out_hbm.at[pl.ds(0, CHUNK)], ssems[q]
                    ).wait()

                pltpu.make_async_copy(
                    x2_hbm.at[pl.ds(0, 1)], ibufs[q], isems[q]
                ).wait()

                pltpu.async_copy(tab_hbm.at[ibufs[q].at[0]], rbufs[q], gsems[q])

            pltpu.make_async_copy(
                tab_hbm.at[pl.ds(0, CHUNK)], rbufs[p], gsems[p]
            ).wait()

            @pl.when(t + NBUF < n_chunks)
            def _idx_prefetch():
                pltpu.async_copy(
                    x2_hbm.at[pl.ds(cbase + t + NBUF, 1)], ibufs[p], isems[p]
                )

            phase = lax.rem(lax.rem(t, PHASE_PERIOD) * CHUNK, SEQ_L)
            rbuf = rbufs[p]

            @plsc.parallel_loop(0, CHUNK, step=1, unroll=8)
            def row_body(r):
                for c in range(D_MODEL // LANES):
                    sl = pl.ds(c * LANES, LANES)
                    rbuf[r, sl] = rbuf[r, sl] * SCALE + pos_v[phase + r, sl]

            pltpu.async_copy(
                rbufs[p], out_hbm.at[pl.ds((cbase + t) * CHUNK, CHUNK)], ssems[p]
            )
        return carry

    lax.fori_loop(0, n_chunks // NBUF, outer, 0)

    for j in range(NBUF):
        pltpu.make_async_copy(
            rbufs[j], out_hbm.at[pl.ds(0, CHUNK)], ssems[j]
        ).wait()


def kernel(x, emb_weight, pos_encoding):
    b, l = x.shape
    v, d = emb_weight.shape
    x2 = x.reshape(b * l // CHUNK, CHUNK)

    mesh = plsc.VectorSubcoreMesh(
        core_axis_name="c",
        subcore_axis_name="s",
        num_cores=NUM_CORES,
        num_subcores=NUM_SUBCORES,
    )
    run = pl.kernel(
        _sc_body,
        out_type=jax.ShapeDtypeStruct((b * l, d), jnp.float32),
        mesh=mesh,
        scratch_types=(
            [pltpu.VMEM((POS_BUF, d), jnp.float32)]
            + [pltpu.VMEM((CHUNK, d), jnp.float32) for _ in range(NBUF)]
            + [pltpu.VMEM((1, CHUNK), jnp.int32) for _ in range(NBUF)]
            + [pltpu.SemaphoreType.DMA for _ in range(3 * NBUF + 2)]
        ),
    )
    out = run(x2, emb_weight, pos_encoding)
    return out.reshape(b, l, d)

# --- scband reference (transcript-rebuilt; emitter-appended) ---
"""Pipeline reference for scband-text-ia-86844238725842 (READ-ONLY COPY).

The authoritative reference and input builder live on the scoring server;
editing this copy changes nothing except your own understanding.
"""

import math
import jax, jax.numpy as jnp
import numpy as np

VOCAB = 100000
MAX_SEQ_LEN = 512
D = 128
B = 4096
L = 200

def setup_inputs(seed: int = 0) -> dict:
    key = jax.random.key(seed)
    k1, k2, k3 = jax.random.split(key, 3)
    x = jax.random.randint(k1, (B, L), 0, VOCAB, dtype=jnp.int64 if jax.config.jax_enable_x64 else jnp.int32).astype(jnp.int32)
    emb_weight = jax.random.uniform(k2, (VOCAB, D), dtype=jnp.float32, minval=-0.1, maxval=0.1)
    pos_encoding = jax.random.uniform(k3, (MAX_SEQ_LEN, D), dtype=jnp.float32, minval=-0.5, maxval=0.5)
    return {"x": x, "emb_weight": emb_weight, "pos_encoding": pos_encoding}

def reference(x, emb_weight, pos_encoding):
    b, l = x.shape
    scale = math.sqrt(D)
    # embedding lookup -> gather
    embedded = jnp.take(emb_weight, x, axis=0)  # [B, L, D]
    # positional encoding repeated over batch
    p_enc = jnp.broadcast_to(pos_encoding[:l][None, :, :], (b, l, D))
    return embedded * scale + p_enc

if __name__ == "__main__":
    import jax
    _d = setup_inputs()
    print(jax.jit(kernel)(*tuple(_d.values())))

</pallas_src>

<mosaic_0001>
#map = affine_map<(d0, d1) -> (0, 0)>
module attributes {stable_mosaic.version = 14 : i64} {
  func.func @_sc_body(%arg0: i32, %arg1: i32, %arg2: memref<6400x128xi32, #tpu.memory_space<hbm>>, %arg3: memref<100000x128xf32, #tpu.memory_space<hbm>>, %arg4: memref<512x128xf32, #tpu.memory_space<hbm>>, %arg5: memref<819200x128xf32, #tpu.memory_space<hbm>>, %arg6: memref<320x128xf32, #tpu.memory_space<vmem>>, %arg7: memref<128x128xf32, #tpu.memory_space<vmem>>, %arg8: memref<128x128xf32, #tpu.memory_space<vmem>>, %arg9: memref<128x128xf32, #tpu.memory_space<vmem>>, %arg10: memref<128x128xf32, #tpu.memory_space<vmem>>, %arg11: memref<128x128xf32, #tpu.memory_space<vmem>>, %arg12: memref<1x128xi32, #tpu.memory_space<vmem>>, %arg13: memref<1x128xi32, #tpu.memory_space<vmem>>, %arg14: memref<1x128xi32, #tpu.memory_space<vmem>>, %arg15: memref<1x128xi32, #tpu.memory_space<vmem>>, %arg16: memref<1x128xi32, #tpu.memory_space<vmem>>, %arg17: memref<!tpu.dma_semaphore, #tpu.memory_space<semaphore_mem>>, %arg18: memref<!tpu.dma_semaphore, #tpu.memory_space<semaphore_mem>>, %arg19: memref<!tpu.dma_semaphore, #tpu.memory_space<semaphore_mem>>, %arg20: memref<!tpu.dma_semaphore, #tpu.memory_space<semaphore_mem>>, %arg21: memref<!tpu.dma_semaphore, #tpu.memory_space<semaphore_mem>>, %arg22: memref<!tpu.dma_semaphore, #tpu.memory_space<semaphore_mem>>, %arg23: memref<!tpu.dma_semaphore, #tpu.memory_space<semaphore_mem>>, %arg24: memref<!tpu.dma_semaphore, #tpu.memory_space<semaphore_mem>>, %arg25: memref<!tpu.dma_semaphore, #tpu.memory_space<semaphore_mem>>, %arg26: memref<!tpu.dma_semaphore, #tpu.memory_space<semaphore_mem>>, %arg27: memref<!tpu.dma_semaphore, #tpu.memory_space<semaphore_mem>>, %arg28: memref<!tpu.dma_semaphore, #tpu.memory_space<semaphore_mem>>, %arg29: memref<!tpu.dma_semaphore, #tpu.memory_space<semaphore_mem>>, %arg30: memref<!tpu.dma_semaphore, #tpu.memory_space<semaphore_mem>>, %arg31: memref<!tpu.dma_semaphore, #tpu.memory_space<semaphore_mem>>, %arg32: memref<!tpu.dma_semaphore, #tpu.memory_space<semaphore_mem>>, %arg33: memref<!tpu.dma_semaphore, #tpu.memory_space<semaphore_mem>>) attributes {dimension_semantics = [#tpu.dimension_semantics<core_parallel>, #tpu.dimension_semantics<subcore_parallel>], iteration_bounds = array<i64: 2, 16>, scalar_prefetch = 0 : i64, scratch_operands = 28 : i64, tpu.core_type = #tpu.core_type<sc_vector_subcore>, window_params = [{transform_indices = #map}, {transform_indices = #map}, {transform_indices = #map}, {transform_indices = #map}]} {
    %mul3A = arith.constant 2 : i32
    %mul3A_0 = arith.muli %arg1, %mul3A : i32
    %add3A = arith.addi %mul3A_0, %arg0 : i32
    %mul3A_1 = arith.constant 200 : i32
    %mul3A_2 = arith.muli %add3A, %mul3A_1 : i32
    %dma_start3A = arith.constant 0 : i32
    %dma_start3A_3 = arith.constant 0 : i32
    %dma_start3A_4 = tpu.memref_slice %arg6[%dma_start3A, %dma_start3A_3] : memref<320x128xf32, #tpu.memory_space<vmem>> -> memref<200x128xf32, #tpu.memory_space<vmem>>
    %dma_start3A_5 = arith.constant 0 : i32
    %dma_start3A_6 = arith.constant 0 : i32
    %dma_start3A_7 = tpu.memref_slice %arg4[%dma_start3A_5, %dma_start3A_6] : memref<512x128xf32, #tpu.memory_space<hbm>> -> memref<200x128xf32, #tpu.memory_space<hbm>>
    %dma_start3A_8 = arith.constant 0 : i32
    %dma_start3A_9 = arith.constant 0 : i32
    %dma_start3A_10 = tpu.memref_slice %arg6[%dma_start3A_8, %dma_start3A_9] : memref<320x128xf32, #tpu.memory_space<vmem>> -> memref<200x128xf32, #tpu.memory_space<vmem>>
    %dma_start3A_11 = arith.constant 0 : i32
    %dma_start3A_12 = arith.constant 0 : i32
    %dma_start3A_13 = tpu.memref_slice %arg4[%dma_start3A_11, %dma_start3A_12] : memref<512x128xf32, #tpu.memory_space<hbm>> -> memref<200x128xf32, #tpu.memory_space<hbm>>
    tpu.enqueue_dma source(%dma_start3A_13 : memref<200x128xf32, #tpu.memory_space<hbm>>) target(%dma_start3A_10 : memref<200x128xf32, #tpu.memory_space<vmem>>) target_semaphore(%arg32 : memref<!tpu.dma_semaphore, #tpu.memory_space<semaphore_mem>>)
    %dma_start3A_14 = arith.constant 200 : i32
    %dma_start3A_15 = arith.constant 0 : i32
    %dma_start3A_16 = tpu.memref_slice %arg6[%dma_start3A_14, %dma_start3A_15] : memref<320x128xf32, #tpu.memory_space<vmem>> -> memref<120x128xf32, #tpu.memory_space<vmem>>
    %dma_start3A_17 = arith.constant 0 : i32
    %dma_start3A_18 = arith.constant 0 : i32
    %dma_start3A_19 = tpu.memref_slice %arg4[%dma_start3A_17, %dma_start3A_18] : memref<512x128xf32, #tpu.memory_space<hbm>> -> memref<120x128xf32, #tpu.memory_space<hbm>>
    %dma_start3A_20 = arith.constant 200 : i32
    %dma_start3A_21 = arith.constant 0 : i32
    %dma_start3A_22 = tpu.memref_slice %arg6[%dma_start3A_20, %dma_start3A_21] : memref<320x128xf32, #tpu.memory_space<vmem>> -> memref<120x128xf32, #tpu.memory_space<vmem>>
    %dma_start3A_23 = arith.constant 0 : i32
    %dma_start3A_24 = arith.constant 0 : i32
    %dma_start3A_25 = tpu.memref_slice %arg4[%dma_start3A_23, %dma_start3A_24] : memref<512x128xf32, #tpu.memory_space<hbm>> -> memref<120x128xf32, #tpu.memory_space<hbm>>
    tpu.enqueue_dma source(%dma_start3A_25 : memref<120x128xf32, #tpu.memory_space<hbm>>) target(%dma_start3A_22 : memref<120x128xf32, #tpu.memory_space<vmem>>) target_semaphore(%arg33 : memref<!tpu.dma_semaphore, #tpu.memory_space<semaphore_mem>>)
    %add3A_26 = arith.constant 0 : i32
    %add3A_27 = arith.addi %mul3A_2, %add3A_26 : i32
    %dma_start3A_28 = arith.constant 0 : i32
    %dma_start3A_29 = tpu.memref_slice %arg2[%add3A_27, %dma_start3A_28] : memref<6400x128xi32, #tpu.memory_space<hbm>> -> memref<1x128xi32, #tpu.memory_space<hbm>>
    %dma_start3A_30 = arith.constant 0 : i32
    %dma_start3A_31 = tpu.memref_slice %arg2[%add3A_27, %dma_start3A_30] : memref<6400x128xi32, #tpu.memory_space<hbm>> -> memref<1x128xi32, #tpu.memory_space<hbm>>
    tpu.enqueue_dma source(%dma_start3A_31 : memref<1x128xi32, #tpu.memory_space<hbm>>) target(%arg12 : memref<1x128xi32, #tpu.memory_space<vmem>>) target_semaphore(%arg27 : memref<!tpu.dma_semaphore, #tpu.memory_space<semaphore_mem>>)
    %add3A_32 = arith.constant 1 : i32
    %add3A_33 = arith.addi %mul3A_2, %add3A_32 : i32
    %dma_start3A_34 = arith.constant 0 : i32
    %dma_start3A_35 = tpu.memref_slice %arg2[%add3A_33, %dma_start3A_34] : memref<6400x128xi32, #tpu.memory_space<hbm>> -> memref<1x128xi32, #tpu.memory_space<hbm>>
    %dma_start3A_36 = arith.constant 0 : i32
    %dma_start3A_37 = tpu.memref_slice %arg2[%add3A_33, %dma_start3A_36] : memref<6400x128xi32, #tpu.memory_space<hbm>> -> memref<1x128xi32, #tpu.memory_space<hbm>>
    tpu.enqueue_dma source(%dma_start3A_37 : memref<1x128xi32, #tpu.memory_space<hbm>>) target(%arg13 : memref<1x128xi32, #tpu.memory_space<vmem>>) target_semaphore(%arg28 : memref<!tpu.dma_semaphore, #tpu.memory_space<semaphore_mem>>)
    %add3A_38 = arith.constant 2 : i32
    %add3A_39 = arith.addi %mul3A_2, %add3A_38 : i32
    %dma_start3A_40 = arith.constant 0 : i32
    %dma_start3A_41 = tpu.memref_slice %arg2[%add3A_39, %dma_start3A_40] : memref<6400x128xi32, #tpu.memory_space<hbm>> -> memref<1x128xi32, #tpu.memory_space<hbm>>
    %dma_start3A_42 = arith.constant 0 : i32
    %dma_start3A_43 = tpu.memref_slice %arg2[%add3A_39, %dma_start3A_42] : memref<6400x128xi32, #tpu.memory_space<hbm>> -> memref<1x128xi32, #tpu.memory_space<hbm>>
    tpu.enqueue_dma source(%dma_start3A_43 : memref<1x128xi32, #tpu.memory_space<hbm>>) target(%arg14 : memref<1x128xi32, #tpu.memory_space<vmem>>) target_semaphore(%arg29 : memref<!tpu.dma_semaphore, #tpu.memory_space<semaphore_mem>>)
    %add3A_44 = arith.constant 3 : i32
    %add3A_45 = arith.addi %mul3A_2, %add3A_44 : i32
    %dma_start3A_46 = arith.constant 0 : i32
    %dma_start3A_47 = tpu.memref_slice %arg2[%add3A_45, %dma_start3A_46] : memref<6400x128xi32, #tpu.memory_space<hbm>> -> memref<1x128xi32, #tpu.memory_space<hbm>>
    %dma_start3A_48 = arith.constant 0 : i32
    %dma_start3A_49 = tpu.memref_slice %arg2[%add3A_45, %dma_start3A_48] : memref<6400x128xi32, #tpu.memory_space<hbm>> -> memref<1x128xi32, #tpu.memory_space<hbm>>
    tpu.enqueue_dma source(%dma_start3A_49 : memref<1x128xi32, #tpu.memory_space<hbm>>) target(%arg15 : memref<1x128xi32, #tpu.memory_space<vmem>>) target_semaphore(%arg30 : memref<!tpu.dma_semaphore, #tpu.memory_space<semaphore_mem>>)
    %add3A_50 = arith.constant 4 : i32
    %add3A_51 = arith.addi %mul3A_2, %add3A_50 : i32
    %dma_start3A_52 = arith.constant 0 : i32
    %dma_start3A_53 = tpu.memref_slice %arg2[%add3A_51, %dma_start3A_52] : memref<6400x128xi32, #tpu.memory_space<hbm>> -> memref<1x128xi32, #tpu.memory_space<hbm>>
    %dma_start3A_54 = arith.constant 0 : i32
    %dma_start3A_55 = tpu.memref_slice %arg2[%add3A_51, %dma_start3A_54] : memref<6400x128xi32, #tpu.memory_space<hbm>> -> memref<1x128xi32, #tpu.memory_space<hbm>>
    tpu.enqueue_dma source(%dma_start3A_55 : memref<1x128xi32, #tpu.memory_space<hbm>>) target(%arg16 : memref<1x128xi32, #tpu.memory_space<vmem>>) target_semaphore(%arg31 : memref<!tpu.dma_semaphore, #tpu.memory_space<semaphore_mem>>)
    %dma_wait3A = arith.constant 0 : i32
    %dma_wait3A_56 = arith.constant 0 : i32
    %dma_wait3A_57 = tpu.memref_slice %arg2[%dma_wait3A, %dma_wait3A_56] : memref<6400x128xi32, #tpu.memory_space<hbm>> -> memref<1x128xi32, #tpu.memory_space<hbm>>
    %dma_wait3A_58 = arith.constant 0 : i32
    %dma_wait3A_59 = arith.constant 0 : i32
    %dma_wait3A_60 = tpu.memref_slice %arg2[%dma_wait3A_58, %dma_wait3A_59] : memref<6400x128xi32, #tpu.memory_space<hbm>> -> memref<1x128xi32, #tpu.memory_space<hbm>>
    tpu.wait_dma2 semaphore(%arg27 : memref<!tpu.dma_semaphore, #tpu.memory_space<semaphore_mem>>) src(%dma_wait3A_60 : memref<1x128xi32, #tpu.memory_space<hbm>>) dst(%arg12 : memref<1x128xi32, #tpu.memory_space<vmem>>)
    %dma_start3A_61 = arith.constant 0 : i32
    %dma_start3A_62 = arith.constant 0 : i32
    %dma_start3A_63 = tpu.memref_slice %arg12[%dma_start3A_61, %dma_start3A_62] : memref<1x128xi32, #tpu.memory_space<vmem>> -> memref<1x128xi32, #tpu.memory_space<vmem>>
    %dma_start3A_64 = tpu.memref_squeeze %dma_start3A_63 : memref<1x128xi32, #tpu.memory_space<vmem>> -> memref<128xi32, #tpu.memory_space<vmem>>
    %dma_start3A_65 = arith.constant 0 : i32
    %dma_start3A_66 = arith.constant 0 : i32
    %dma_start3A_67 = tpu.memref_slice %arg3[%dma_start3A_65, %dma_start3A_66] : memref<100000x128xf32, #tpu.memory_space<hbm>> -> memref<100000x128xf32, #tpu.memory_space<hbm>>
    tpu.enqueue_indirect_dma source(%dma_start3A_67 : memref<100000x128xf32, #tpu.memory_space<hbm>>) target(%arg7 : memref<128x128xf32, #tpu.memory_space<vmem>>) offsets(%dma_start3A_64 : memref<128xi32, #tpu.memory_space<vmem>>) semaphore(%arg17 : memref<!tpu.dma_semaphore, #tpu.memory_space<semaphore_mem>>)
    %dma_wait3A_68 = arith.constant 0 : i32
    %dma_wait3A_69 = arith.constant 0 : i32
    %dma_wait3A_70 = tpu.memref_slice %arg2[%dma_wait3A_68, %dma_wait3A_69] : memref<6400x128xi32, #tpu.memory_space<hbm>> -> memref<1x128xi32, #tpu.memory_space<hbm>>
    %dma_wait3A_71 = arith.constant 0 : i32
    %dma_wait3A_72 = arith.constant 0 : i32
    %dma_wait3A_73 = tpu.memref_slice %arg2[%dma_wait3A_71, %dma_wait3A_72] : memref<6400x128xi32, #tpu.memory_space<hbm>> -> memref<1x128xi32, #tpu.memory_space<hbm>>
    tpu.wait_dma2 semaphore(%arg28 : memref<!tpu.dma_semaphore, #tpu.memory_space<semaphore_mem>>) src(%dma_wait3A_73 : memref<1x128xi32, #tpu.memory_space<hbm>>) dst(%arg13 : memref<1x128xi32, #tpu.memory_space<vmem>>)
    %dma_start3A_74 = arith.constant 0 : i32
    %dma_start3A_75 = arith.constant 0 : i32
    %dma_start3A_76 = tpu.memref_slice %arg13[%dma_start3A_74, %dma_start3A_75] : memref<1x128xi32, #tpu.memory_space<vmem>> -> memref<1x128xi32, #tpu.memory_space<vmem>>
    %dma_start3A_77 = tpu.memref_squeeze %dma_start3A_76 : memref<1x128xi32, #tpu.memory_space<vmem>> -> memref<128xi32, #tpu.memory_space<vmem>>
    %dma_start3A_78 = arith.constant 0 : i32
    %dma_start3A_79 = arith.constant 0 : i32
    %dma_start3A_80 = tpu.memref_slice %arg3[%dma_start3A_78, %dma_start3A_79] : memref<100000x128xf32, #tpu.memory_space<hbm>> -> memref<100000x128xf32, #tpu.memory_space<hbm>>
    tpu.enqueue_indirect_dma source(%dma_start3A_80 : memref<100000x128xf32, #tpu.memory_space<hbm>>) target(%arg8 : memref<128x128xf32, #tpu.memory_space<vmem>>) offsets(%dma_start3A_77 : memref<128xi32, #tpu.memory_space<vmem>>) semaphore(%arg18 : memref<!tpu.dma_semaphore, #tpu.memory_space<semaphore_mem>>)
    %dma_wait3A_81 = arith.constant 0 : i32
    %dma_wait3A_82 = arith.constant 0 : i32
    %dma_wait3A_83 = tpu.memref_slice %arg6[%dma_wait3A_81, %dma_wait3A_82] : memref<320x128xf32, #tpu.memory_space<vmem>> -> memref<200x128xf32, #tpu.memory_space<vmem>>
    %dma_wait3A_84 = arith.constant 0 : i32
    %dma_wait3A_85 = arith.constant 0 : i32
    %dma_wait3A_86 = tpu.memref_slice %arg4[%dma_wait3A_84, %dma_wait3A_85] : memref<512x128xf32, #tpu.memory_space<hbm>> -> memref<200x128xf32, #tpu.memory_space<hbm>>
    %dma_wait3A_87 = arith.constant 0 : i32
    %dma_wait3A_88 = arith.constant 0 : i32
    %dma_wait3A_89 = tpu.memref_slice %arg6[%dma_wait3A_87, %dma_wait3A_88] : memref<320x128xf32, #tpu.memory_space<vmem>> -> memref<200x128xf32, #tpu.memory_space<vmem>>
    %dma_wait3A_90 = arith.constant 0 : i32
    %dma_wait3A_91 = arith.constant 0 : i32
    %dma_wait3A_92 = tpu.memref_slice %arg4[%dma_wait3A_90, %dma_wait3A_91] : memref<512x128xf32, #tpu.memory_space<hbm>> -> memref<200x128xf32, #tpu.memory_space<hbm>>
    tpu.wait_dma2 semaphore(%arg32 : memref<!tpu.dma_semaphore, #tpu.memory_space<semaphore_mem>>) src(%dma_wait3A_92 : memref<200x128xf32, #tpu.memory_space<hbm>>) dst(%dma_wait3A_89 : memref<200x128xf32, #tpu.memory_space<vmem>>)
    %dma_wait3A_93 = arith.constant 200 : i32
    %dma_wait3A_94 = arith.constant 0 : i32
    %dma_wait3A_95 = tpu.memref_slice %arg6[%dma_wait3A_93, %dma_wait3A_94] : memref<320x128xf32, #tpu.memory_space<vmem>> -> memref<120x128xf32, #tpu.memory_space<vmem>>
    %dma_wait3A_96 = arith.constant 0 : i32
    %dma_wait3A_97 = arith.constant 0 : i32
    %dma_wait3A_98 = tpu.memref_slice %arg4[%dma_wait3A_96, %dma_wait3A_97] : memref<512x128xf32, #tpu.memory_space<hbm>> -> memref<120x128xf32, #tpu.memory_space<hbm>>
    %dma_wait3A_99 = arith.constant 200 : i32
    %dma_wait3A_100 = arith.constant 0 : i32
    %dma_wait3A_101 = tpu.memref_slice %arg6[%dma_wait3A_99, %dma_wait3A_100] : memref<320x128xf32, #tpu.memory_space<vmem>> -> memref<120x128xf32, #tpu.memory_space<vmem>>
    %dma_wait3A_102 = arith.constant 0 : i32
    %dma_wait3A_103 = arith.constant 0 : i32
    %dma_wait3A_104 = tpu.memref_slice %arg4[%dma_wait3A_102, %dma_wait3A_103] : memref<512x128xf32, #tpu.memory_space<hbm>> -> memref<120x128xf32, #tpu.memory_space<hbm>>
    tpu.wait_dma2 semaphore(%arg33 : memref<!tpu.dma_semaphore, #tpu.memory_space<semaphore_mem>>) src(%dma_wait3A_104 : memref<120x128xf32, #tpu.memory_space<hbm>>) dst(%dma_wait3A_101 : memref<120x128xf32, #tpu.memory_space<vmem>>)
    %scan3A = arith.constant 0 : i32
    %scan3A_105 = arith.constant 0 : i32
    %scan3A_106 = arith.constant 40 : i32
    %scan3A_107 = arith.addi %scan3A_105, %scan3A_106 : i32
    %scan3A_108 = arith.constant 1 : i32
    scf.for %scan3A_140 = %scan3A_105 to %scan3A_107 step %scan3A_108  : i32 {
      %mul3A_141 = arith.constant 5 : i32
      %mul3A_142 = arith.muli %mul3A_141, %scan3A_140 : i32
      %add3A_143 = arith.constant 0 : i32
      %add3A_144 = arith.addi %mul3A_142, %add3A_143 : i32
      %add3A_145 = arith.constant 2 : i32
      %add3A_146 = arith.addi %add3A_144, %add3A_145 : i32
      %lt3A = arith.constant 200 : i32
      %lt3A_147 = arith.cmpi slt, %add3A_146, %lt3A : i32
      %convert_element_type3A = arith.extui %lt3A_147 : i1 to i32
      %cond3A = arith.constant 0 : i32
      %cond3A_148 = arith.cmpi ne, %convert_element_type3A, %cond3A : i32
      scf.if %cond3A_148 {
        %ge3A = arith.constant 3 : i32
        %ge3A_336 = arith.cmpi sge, %add3A_144, %ge3A : i32
        %convert_element_type3A_337 = arith.extui %ge3A_336 : i1 to i32
        %cond3A_338 = arith.constant 0 : i32
        %cond3A_339 = arith.cmpi ne, %convert_element_type3A_337, %cond3A_338 : i32
        scf.if %cond3A_339 {
          %dma_wait3A_353 = arith.constant 0 : i32
          %dma_wait3A_354 = arith.constant 0 : i32
          %dma_wait3A_355 = tpu.memref_slice %arg5[%dma_wait3A_353, %dma_wait3A_354] : memref<819200x128xf32, #tpu.memory_space<hbm>> -> memref<128x128xf32, #tpu.memory_space<hbm>>
          %dma_wait3A_356 = arith.constant 0 : i32
          %dma_wait3A_357 = arith.constant 0 : i32
          %dma_wait3A_358 = tpu.memref_slice %arg5[%dma_wait3A_356, %dma_wait3A_357] : memref<819200x128xf32, #tpu.memory_space<hbm>> -> memref<128x128xf32, #tpu.memory_space<hbm>>
          tpu.wait_dma2 semaphore(%arg24 : memref<!tpu.dma_semaphore, #tpu.memory_space<semaphore_mem>>) src(%arg9 : memref<128x128xf32, #tpu.memory_space<vmem>>) dst(%dma_wait3A_358 : memref<128x128xf32, #tpu.memory_space<hbm>>)
        } else {
        }
        %dma_wait3A_340 = arith.constant 0 : i32
        %dma_wait3A_341 = arith.constant 0 : i32
        %dma_wait3A_342 = tpu.memref_slice %arg2[%dma_wait3A_340, %dma_wait3A_341] : memref<6400x128xi32, #tpu.memory_space<hbm>> -> memref<1x128xi32, #tpu.memory_space<hbm>>
        %dma_wait3A_343 = arith.constant 0 : i32
        %dma_wait3A_344 = arith.constant 0 : i32
        %dma_wait3A_345 = tpu.memref_slice %arg2[%dma_wait3A_343, %dma_wait3A_344] : memref<6400x128xi32, #tpu.memory_space<hbm>> -> memref<1x128xi32, #tpu.memory_space<hbm>>
        tpu.wait_dma2 semaphore(%arg29 : memref<!tpu.dma_semaphore, #tpu.memory_space<semaphore_mem>>) src(%dma_wait3A_345 : memref<1x128xi32, #tpu.memory_space<hbm>>) dst(%arg14 : memref<1x128xi32, #tpu.memory_space<vmem>>)
        %dma_start3A_346 = arith.constant 0 : i32
        %dma_start3A_347 = arith.constant 0 : i32
        %dma_start3A_348 = tpu.memref_slice %arg14[%dma_start3A_346, %dma_start3A_347] : memref<1x128xi32, #tpu.memory_space<vmem>> -> memref<1x128xi32, #tpu.memory_space<vmem>>
        %dma_start3A_349 = tpu.memref_squeeze %dma_start3A_348 : memref<1x128xi32, #tpu.memory_space<vmem>> -> memref<128xi32, #tpu.memory_space<vmem>>
        %dma_start3A_350 = arith.constant 0 : i32
        %dma_start3A_351 = arith.constant 0 : i32
        %dma_start3A_352 = tpu.memref_slice %arg3[%dma_start3A_350, %dma_start3A_351] : memref<100000x128xf32, #tpu.memory_space<hbm>> -> memref<100000x128xf32, #tpu.memory_space<hbm>>
        tpu.enqueue_indirect_dma source(%dma_start3A_352 : memref<100000x128xf32, #tpu.memory_space<hbm>>) target(%arg9 : memref<128x128xf32, #tpu.memory_space<vmem>>) offsets(%dma_start3A_349 : memref<128xi32, #tpu.memory_space<vmem>>) semaphore(%arg19 : memref<!tpu.dma_semaphore, #tpu.memory_space<semaphore_mem>>)
      } else {
      }
      %dma_wait3A_149 = arith.constant 0 : i32
      %dma_wait3A_150 = arith.constant 0 : i32
      %dma_wait3A_151 = tpu.memref_slice %arg3[%dma_wait3A_149, %dma_wait3A_150] : memref<100000x128xf32, #tpu.memory_space<hbm>> -> memref<128x128xf32, #tpu.memory_space<hbm>>
      %dma_wait3A_152 = arith.constant 0 : i32
      %dma_wait3A_153 = arith.constant 0 : i32
      %dma_wait3A_154 = tpu.memref_slice %arg3[%dma_wait3A_152, %dma_wait3A_153] : memref<100000x128xf32, #tpu.memory_space<hbm>> -> memref<128x128xf32, #tpu.memory_space<hbm>>
      tpu.wait_dma2 semaphore(%arg17 : memref<!tpu.dma_semaphore, #tpu.memory_space<semaphore_mem>>) src(%dma_wait3A_154 : memref<128x128xf32, #tpu.memory_space<hbm>>) dst(%arg7 : memref<128x128xf32, #tpu.memory_space<vmem>>)
      %add3A_155 = arith.constant 5 : i32
      %add3A_156 = arith.addi %add3A_144, %add3A_155 : i32
      %lt3A_157 = arith.constant 200 : i32
      %lt3A_158 = arith.cmpi slt, %add3A_156, %lt3A_157 : i32
      %convert_element_type3A_159 = arith.extui %lt3A_158 : i1 to i32
      %cond3A_160 = arith.constant 0 : i32
      %cond3A_161 = arith.cmpi ne, %convert_element_type3A_159, %cond3A_160 : i32
      scf.if %cond3A_161 {
        %add3A_336 = arith.addi %mul3A_2, %add3A_144 : i32
        %add3A_337 = arith.constant 5 : i32
        %add3A_338 = arith.addi %add3A_336, %add3A_337 : i32
        %dma_start3A_339 = arith.constant 0 : i32
        %dma_start3A_340 = tpu.memref_slice %arg2[%add3A_338, %dma_start3A_339] : memref<6400x128xi32, #tpu.memory_space<hbm>> -> memref<1x128xi32, #tpu.memory_space<hbm>>
        %dma_start3A_341 = arith.constant 0 : i32
        %dma_start3A_342 = tpu.memref_slice %arg2[%add3A_338, %dma_start3A_341] : memref<6400x128xi32, #tpu.memory_space<hbm>> -> memref<1x128xi32, #tpu.memory_space<hbm>>
        tpu.enqueue_dma source(%dma_start3A_342 : memref<1x128xi32, #tpu.memory_space<hbm>>) target(%arg12 : memref<1x128xi32, #tpu.memory_space<vmem>>) target_semaphore(%arg27 : memref<!tpu.dma_semaphore, #tpu.memory_space<semaphore_mem>>)
      } else {
      }
      %rem3A = arith.constant 25 : i32
      %rem3A_162 = arith.remsi %add3A_144, %rem3A : i32
      %mul3A_163 = arith.constant 128 : i32
      %mul3A_164 = arith.muli %rem3A_162, %mul3A_163 : i32
      %rem3A_165 = arith.constant 200 : i32
      %rem3A_166 = arith.remsi %mul3A_164, %rem3A_165 : i32
      %parallel_loop3A = arith.constant 0 : i32
      %parallel_loop3A_167 = arith.constant 128 : i32
      %parallel_loop3A_168 = arith.constant 1 : i32
      scf.for %parallel_loop3A_336 = %parallel_loop3A to %parallel_loop3A_167 step %parallel_loop3A_168  : i32 {
        %parallel_loop3A_337 = arith.index_cast %parallel_loop3A_336 : i32 to index
        %parallel_loop3A_338 = arith.constant 0 : index
        %parallel_loop3A_339 = tpu.vector_load %arg7[%parallel_loop3A_337, %parallel_loop3A_338] {strides = array<i32>} : memref<128x128xf32, #tpu.memory_space<vmem>>, vector<1x16xf32>,
        %parallel_loop3A_340 = vector.shape_cast %parallel_loop3A_339 : vector<1x16xf32> to vector<16xf32>
        %parallel_loop3A_341 = arith.constant 11.3137083 : f32
        %parallel_loop3A_342 = vector.broadcast %parallel_loop3A_341 : f32 to vector<16xf32>
        %parallel_loop3A_343 = arith.mulf %parallel_loop3A_340, %parallel_loop3A_342 : vector<16xf32>
        %parallel_loop3A_344 = arith.addi %rem3A_166, %parallel_loop3A_336 : i32
        %parallel_loop3A_345 = arith.index_cast %parallel_loop3A_344 : i32 to index
        %parallel_loop3A_346 = arith.constant 0 : index
        %parallel_loop3A_347 = tpu.vector_load %arg6[%parallel_loop3A_345, %parallel_loop3A_346] {strides = array<i32>} : memref<320x128xf32, #tpu.memory_space<vmem>>, vector<1x16xf32>,
        %parallel_loop3A_348 = vector.shape_cast %parallel_loop3A_347 : vector<1x16xf32> to vector<16xf32>
        %parallel_loop3A_349 = arith.addf %parallel_loop3A_343, %parallel_loop3A_348 : vector<16xf32>
        %parallel_loop3A_350 = arith.index_cast %parallel_loop3A_336 : i32 to index
        %parallel_loop3A_351 = arith.constant 0 : index
        %parallel_loop3A_352 = tpu.vector_load %arg7[%parallel_loop3A_350, %parallel_loop3A_351] {strides = array<i32>} : memref<128x128xf32, #tpu.memory_space<vmem>>, vector<1x16xf32>,
        %parallel_loop3A_353 = vector.shape_cast %parallel_loop3A_352 : vector<1x16xf32> to vector<16xf32>
        %parallel_loop3A_354 = vector.shape_cast %parallel_loop3A_349 : vector<16xf32> to vector<1x16xf32>
        tpu.vector_store %arg7[%parallel_loop3A_350, %parallel_loop3A_351], %parallel_loop3A_354 {strides = array<i32>} : memref<128x128xf32, #tpu.memory_space<vmem>>, vector<1x16xf32>,
        %parallel_loop3A_355 = arith.index_cast %parallel_loop3A_336 : i32 to index
        %parallel_loop3A_356 = arith.constant 16 : index
        %parallel_loop3A_357 = tpu.vector_load %arg7[%parallel_loop3A_355, %parallel_loop3A_356] {strides = array<i32>} : memref<128x128xf32, #tpu.memory_space<vmem>>, vector<1x16xf32>,
        %parallel_loop3A_358 = vector.shape_cast %parallel_loop3A_357 : vector<1x16xf32> to vector<16xf32>
        %parallel_loop3A_359 = arith.constant 11.3137083 : f32
        %parallel_loop3A_360 = vector.broadcast %parallel_loop3A_359 : f32 to vector<16xf32>
        %parallel_loop3A_361 = arith.mulf %parallel_loop3A_358, %parallel_loop3A_360 : vector<16xf32>
        %parallel_loop3A_362 = arith.addi %rem3A_166, %parallel_loop3A_336 : i32
        %parallel_loop3A_363 = arith.index_cast %parallel_loop3A_362 : i32 to index
        %parallel_loop3A_364 = arith.constant 16 : index
        %parallel_loop3A_365 = tpu.vector_load %arg6[%parallel_loop3A_363, %parallel_loop3A_364] {strides = array<i32>} : memref<320x128xf32, #tpu.memory_space<vmem>>, vector<1x16xf32>,
        %parallel_loop3A_366 = vector.shape_cast %parallel_loop3A_365 : vector<1x16xf32> to vector<16xf32>
        %parallel_loop3A_367 = arith.addf %parallel_loop3A_361, %parallel_loop3A_366 : vector<16xf32>
        %parallel_loop3A_368 = arith.index_cast %parallel_loop3A_336 : i32 to index
        %parallel_loop3A_369 = arith.constant 16 : index
        %parallel_loop3A_370 = tpu.vector_load %arg7[%parallel_loop3A_368, %parallel_loop3A_369] {strides = array<i32>} : memref<128x128xf32, #tpu.memory_space<vmem>>, vector<1x16xf32>,
        %parallel_loop3A_371 = vector.shape_cast %parallel_loop3A_370 : vector<1x16xf32> to vector<16xf32>
        %parallel_loop3A_372 = vector.shape_cast %parallel_loop3A_367 : vector<16xf32> to vector<1x16xf32>
        tpu.vector_store %arg7[%parallel_loop3A_368, %parallel_loop3A_369], %parallel_loop3A_372 {strides = array<i32>} : memref<128x128xf32, #tpu.memory_space<vmem>>, vector<1x16xf32>,
        %parallel_loop3A_373 = arith.index_cast %parallel_loop3A_336 : i32 to index
        %parallel_loop3A_374 = arith.constant 32 : index
        %parallel_loop3A_375 = tpu.vector_load %arg7[%parallel_loop3A_373, %parallel_loop3A_374] {strides = array<i32>} : memref<128x128xf32, #tpu.memory_space<vmem>>, vector<1x16xf32>,
        %parallel_loop3A_376 = vector.shape_cast %parallel_loop3A_375 : vector<1x16xf32> to vector<16xf32>
        %parallel_loop3A_377 = arith.constant 11.3137083 : f32
        %parallel_loop3A_378 = vector.broadcast %parallel_loop3A_377 : f32 to vector<16xf32>
        %parallel_loop3A_379 = arith.mulf %parallel_loop3A_376, %parallel_loop3A_378 : vector<16xf32>
        %parallel_loop3A_380 = arith.addi %rem3A_166, %parallel_loop3A_336 : i32
        %parallel_loop3A_381 = arith.index_cast %parallel_loop3A_380 : i32 to index
        %parallel_loop3A_382 = arith.constant 32 : index
        %parallel_loop3A_383 = tpu.vector_load %arg6[%parallel_loop3A_381, %parallel_loop3A_382] {strides = array<i32>} : memref<320x128xf32, #tpu.memory_space<vmem>>, vector<1x16xf32>,
        %parallel_loop3A_384 = vector.shape_cast %parallel_loop3A_383 : vector<1x16xf32> to vector<16xf32>
        %parallel_loop3A_385 = arith.addf %parallel_loop3A_379, %parallel_loop3A_384 : vector<16xf32>
        %parallel_loop3A_386 = arith.index_cast %parallel_loop3A_336 : i32 to index
        %parallel_loop3A_387 = arith.constant 32 : index
        %parallel_loop3A_388 = tpu.vector_load %arg7[%parallel_loop3A_386, %parallel_loop3A_387] {strides = array<i32>} : memref<128x128xf32, #tpu.memory_space<vmem>>, vector<1x16xf32>,
        %parallel_loop3A_389 = vector.shape_cast %parallel_loop3A_388 : vector<1x16xf32> to vector<16xf32>
        %parallel_loop3A_390 = vector.shape_cast %parallel_loop3A_385 : vector<16xf32> to vector<1x16xf32>
        tpu.vector_store %arg7[%parallel_loop3A_386, %parallel_loop3A_387], %parallel_loop3A_390 {strides = array<i32>} : memref<128x128xf32, #tpu.memory_space<vmem>>, vector<1x16xf32>,
        %parallel_loop3A_391 = arith.index_cast %parallel_loop3A_336 : i32 to index
        %parallel_loop3A_392 = arith.constant 48 : index
        %parallel_loop3A_393 = tpu.vector_load %arg7[%parallel_loop3A_391, %parallel_loop3A_392] {strides = array<i32>} : memref<128x128xf32, #tpu.memory_space<vmem>>, vector<1x16xf32>,
        %parallel_loop3A_394 = vector.shape_cast %parallel_loop3A_393 : vector<1x16xf32> to vector<16xf32>
        %parallel_loop3A_395 = arith.constant 11.3137083 : f32
        %parallel_loop3A_396 = vector.broadcast %parallel_loop3A_395 : f32 to vector<16xf32>
        %parallel_loop3A_397 = arith.mulf %parallel_loop3A_394, %parallel_loop3A_396 : vector<16xf32>
        %parallel_loop3A_398 = arith.addi %rem3A_166, %parallel_loop3A_336 : i32
        %parallel_loop3A_399 = arith.index_cast %parallel_loop3A_398 : i32 to index
        %parallel_loop3A_400 = arith.constant 48 : index
        %parallel_loop3A_401 = tpu.vector_load %arg6[%parallel_loop3A_399, %parallel_loop3A_400] {strides = array<i32>} : memref<320x128xf32, #tpu.memory_space<vmem>>, vector<1x16xf32>,
        %parallel_loop3A_402 = vector.shape_cast %parallel_loop3A_401 : vector<1x16xf32> to vector<16xf32>
        %parallel_loop3A_403 = arith.addf %parallel_loop3A_397, %parallel_loop3A_402 : vector<16xf32>
        %parallel_loop3A_404 = arith.index_cast %parallel_loop3A_336 : i32 to index
        %parallel_loop3A_405 = arith.constant 48 : index
        %parallel_loop3A_406 = tpu.vector_load %arg7[%parallel_loop3A_404, %parallel_loop3A_405] {strides = array<i32>} : memref<128x128xf32, #tpu.memory_space<vmem>>, vector<1x16xf32>,
        %parallel_loop3A_407 = vector.shape_cast %parallel_loop3A_406 : vector<1x16xf32> to vector<16xf32>
        %parallel_loop3A_408 = vector.shape_cast %parallel_loop3A_403 : vector<16xf32> to vector<1x16xf32>
        tpu.vector_store %arg7[%parallel_loop3A_404, %parallel_loop3A_405], %parallel_loop3A_408 {strides = array<i32>} : memref<128x128xf32, #tpu.memory_space<vmem>>, vector<1x16xf32>,
        %parallel_loop3A_409 = arith.index_cast %parallel_loop3A_336 : i32 to index
        %parallel_loop3A_410 = arith.constant 64 : index
        %parallel_loop3A_411 = tpu.vector_load %arg7[%parallel_loop3A_409, %parallel_loop3A_410] {strides = array<i32>} : memref<128x128xf32, #tpu.memory_space<vmem>>, vector<1x16xf32>,
        %parallel_loop3A_412 = vector.shape_cast %parallel_loop3A_411 : vector<1x16xf32> to vector<16xf32>
        %parallel_loop3A_413 = arith.constant 11.3137083 : f32
        %parallel_loop3A_414 = vector.broadcast %parallel_loop3A_413 : f32 to vector<16xf32>
        %parallel_loop3A_415 = arith.mulf %parallel_loop3A_412, %parallel_loop3A_414 : vector<16xf32>
        %parallel_loop3A_416 = arith.addi %rem3A_166, %parallel_loop3A_336 : i32
        %parallel_loop3A_417 = arith.index_cast %parallel_loop3A_416 : i32 to index
        %parallel_loop3A_418 = arith.constant 64 : index
        %parallel_loop3A_419 = tpu.vector_load %arg6[%parallel_loop3A_417, %parallel_loop3A_418] {strides = array<i32>} : memref<320x128xf32, #tpu.memory_space<vmem>>, vector<1x16xf32>,
        %parallel_loop3A_420 = vector.shape_cast %parallel_loop3A_419 : vector<1x16xf32> to vector<16xf32>
        %parallel_loop3A_421 = arith.addf %parallel_loop3A_415, %parallel_loop3A_420 : vector<16xf32>
        %parallel_loop3A_422 = arith.index_cast %parallel_loop3A_336 : i32 to index
        %parallel_loop3A_423 = arith.constant 64 : index
        %parallel_loop3A_424 = tpu.vector_load %arg7[%parallel_loop3A_422, %parallel_loop3A_423] {strides = array<i32>} : memref<128x128xf32, #tpu.memory_space<vmem>>, vector<1x16xf32>,
        %parallel_loop3A_425 = vector.shape_cast %parallel_loop3A_424 : vector<1x16xf32> to vector<16xf32>
        %parallel_loop3A_426 = vector.shape_cast %parallel_loop3A_421 : vector<16xf32> to vector<1x16xf32>
        tpu.vector_store %arg7[%parallel_loop3A_422, %parallel_loop3A_423], %parallel_loop3A_426 {strides = array<i32>} : memref<128x128xf32, #tpu.memory_space<vmem>>, vector<1x16xf32>,
        %parallel_loop3A_427 = arith.index_cast %parallel_loop3A_336 : i32 to index
        %parallel_loop3A_428 = arith.constant 80 : index
        %parallel_loop3A_429 = tpu.vector_load %arg7[%parallel_loop3A_427, %parallel_loop3A_428] {strides = array<i32>} : memref<128x128xf32, #tpu.memory_space<vmem>>, vector<1x16xf32>,
        %parallel_loop3A_430 = vector.shape_cast %parallel_loop3A_429 : vector<1x16xf32> to vector<16xf32>
        %parallel_loop3A_431 = arith.constant 11.3137083 : f32
        %parallel_loop3A_432 = vector.broadcast %parallel_loop3A_431 : f32 to vector<16xf32>
        %parallel_loop3A_433 = arith.mulf %parallel_loop3A_430, %parallel_loop3A_432 : vector<16xf32>
        %parallel_loop3A_434 = arith.addi %rem3A_166, %parallel_loop3A_336 : i32
        %parallel_loop3A_435 = arith.index_cast %parallel_loop3A_434 : i32 to index
        %parallel_loop3A_436 = arith.constant 80 : index
        %parallel_loop3A_437 = tpu.vector_load %arg6[%parallel_loop3A_435, %parallel_loop3A_436] {strides = array<i32>} : memref<320x128xf32, #tpu.memory_space<vmem>>, vector<1x16xf32>,
        %parallel_loop3A_438 = vector.shape_cast %parallel_loop3A_437 : vector<1x16xf32> to vector<16xf32>
        %parallel_loop3A_439 = arith.addf %parallel_loop3A_433, %parallel_loop3A_438 : vector<16xf32>
        %parallel_loop3A_440 = arith.index_cast %parallel_loop3A_336 : i32 to index
        %parallel_loop3A_441 = arith.constant 80 : index
        %parallel_loop3A_442 = tpu.vector_load %arg7[%parallel_loop3A_440, %parallel_loop3A_441] {strides = array<i32>} : memref<128x128xf32, #tpu.memory_space<vmem>>, vector<1x16xf32>,
        %parallel_loop3A_443 = vector.shape_cast %parallel_loop3A_442 : vector<1x16xf32> to vector<16xf32>
        %parallel_loop3A_444 = vector.shape_cast %parallel_loop3A_439 : vector<16xf32> to vector<1x16xf32>
        tpu.vector_store %arg7[%parallel_loop3A_440, %parallel_loop3A_441], %parallel_loop3A_444 {strides = array<i32>} : memref<128x128xf32, #tpu.memory_space<vmem>>, vector<1x16xf32>,
        %parallel_loop3A_445 = arith.index_cast %parallel_loop3A_336 : i32 to index
        %parallel_loop3A_446 = arith.constant 96 : index
        %parallel_loop3A_447 = tpu.vector_load %arg7[%parallel_loop3A_445, %parallel_loop3A_446] {strides = array<i32>} : memref<128x128xf32, #tpu.memory_space<vmem>>, vector<1x16xf32>,
        %parallel_loop3A_448 = vector.shape_cast %parallel_loop3A_447 : vector<1x16xf32> to vector<16xf32>
        %parallel_loop3A_449 = arith.constant 11.3137083 : f32
        %parallel_loop3A_450 = vector.broadcast %parallel_loop3A_449 : f32 to vector<16xf32>
        %parallel_loop3A_451 = arith.mulf %parallel_loop3A_448, %parallel_loop3A_450 : vector<16xf32>
        %parallel_loop3A_452 = arith.addi %rem3A_166, %parallel_loop3A_336 : i32
        %parallel_loop3A_453 = arith.index_cast %parallel_loop3A_452 : i32 to index
        %parallel_loop3A_454 = arith.constant 96 : index
        %parallel_loop3A_455 = tpu.vector_load %arg6[%parallel_loop3A_453, %parallel_loop3A_454] {strides = array<i32>} : memref<320x128xf32, #tpu.memory_space<vmem>>, vector<1x16xf32>,
        %parallel_loop3A_456 = vector.shape_cast %parallel_loop3A_455 : vector<1x16xf32> to vector<16xf32>
        %parallel_loop3A_457 = arith.addf %parallel_loop3A_451, %parallel_loop3A_456 : vector<16xf32>
        %parallel_loop3A_458 = arith.index_cast %parallel_loop3A_336 : i32 to index
        %parallel_loop3A_459 = arith.constant 96 : index
        %parallel_loop3A_460 = tpu.vector_load %arg7[%parallel_loop3A_458, %parallel_loop3A_459] {strides = array<i32>} : memref<128x128xf32, #tpu.memory_space<vmem>>, vector<1x16xf32>,
        %parallel_loop3A_461 = vector.shape_cast %parallel_loop3A_460 : vector<1x16xf32> to vector<16xf32>
        %parallel_loop3A_462 = vector.shape_cast %parallel_loop3A_457 : vector<16xf32> to vector<1x16xf32>
        tpu.vector_store %arg7[%parallel_loop3A_458, %parallel_loop3A_459], %parallel_loop3A_462 {strides = array<i32>} : memref<128x128xf32, #tpu.memory_space<vmem>>, vector<1x16xf32>,
        %parallel_loop3A_463 = arith.index_cast %parallel_loop3A_336 : i32 to index
        %parallel_loop3A_464 = arith.constant 112 : index
        %parallel_loop3A_465 = tpu.vector_load %arg7[%parallel_loop3A_463, %parallel_loop3A_464] {strides = array<i32>} : memref<128x128xf32, #tpu.memory_space<vmem>>, vector<1x16xf32>,
        %parallel_loop3A_466 = vector.shape_cast %parallel_loop3A_465 : vector<1x16xf32> to vector<16xf32>
        %parallel_loop3A_467 = arith.constant 11.3137083 : f32
        %parallel_loop3A_468 = vector.broadcast %parallel_loop3A_467 : f32 to vector<16xf32>
        %parallel_loop3A_469 = arith.mulf %parallel_loop3A_466, %parallel_loop3A_468 : vector<16xf32>
        %parallel_loop3A_470 = arith.addi %rem3A_166, %parallel_loop3A_336 : i32
        %parallel_loop3A_471 = arith.index_cast %parallel_loop3A_470 : i32 to index
        %parallel_loop3A_472 = arith.constant 112 : index
        %parallel_loop3A_473 = tpu.vector_load %arg6[%parallel_loop3A_471, %parallel_loop3A_472] {strides = array<i32>} : memref<320x128xf32, #tpu.memory_space<vmem>>, vector<1x16xf32>,
        %parallel_loop3A_474 = vector.shape_cast %parallel_loop3A_473 : vector<1x16xf32> to vector<16xf32>
        %parallel_loop3A_475 = arith.addf %parallel_loop3A_469, %parallel_loop3A_474 : vector<16xf32>
        %parallel_loop3A_476 = arith.index_cast %parallel_loop3A_336 : i32 to index
        %parallel_loop3A_477 = arith.constant 112 : index
        %parallel_loop3A_478 = tpu.vector_load %arg7[%parallel_loop3A_476, %parallel_loop3A_477] {strides = array<i32>} : memref<128x128xf32, #tpu.memory_space<vmem>>, vector<1x16xf32>,
        %parallel_loop3A_479 = vector.shape_cast %parallel_loop3A_478 : vector<1x16xf32> to vector<16xf32>
        %parallel_loop3A_480 = vector.shape_cast %parallel_loop3A_475 : vector<16xf32> to vector<1x16xf32>
        tpu.vector_store %arg7[%parallel_loop3A_476, %parallel_loop3A_477], %parallel_loop3A_480 {strides = array<i32>} : memref<128x128xf32, #tpu.memory_space<vmem>>, vector<1x16xf32>,
      } {sc.loop_unroll_factor = 8 : i64, sc.parallel_access}
      %add3A_169 = arith.addi %mul3A_2, %add3A_144 : i32
      %mul3A_170 = arith.constant 128 : i32
      %mul3A_171 = arith.muli %add3A_169, %mul3A_170 : i32
      %dma_start3A_172 = arith.constant 0 : i32
      %dma_start3A_173 = tpu.memref_slice %arg5[%mul3A_171, %dma_start3A_172] : memref<819200x128xf32, #tpu.memory_space<hbm>> -> memref<128x128xf32, #tpu.memory_space<hbm>>
      %dma_start3A_174 = arith.constant 0 : i32
      %dma_start3A_175 = tpu.memref_slice %arg5[%mul3A_171, %dma_start3A_174] : memref<819200x128xf32, #tpu.memory_space<hbm>> -> memref<128x128xf32, #tpu.memory_space<hbm>>
      tpu.enqueue_dma source(%arg7 : memref<128x128xf32, #tpu.memory_space<vmem>>) target(%dma_start3A_175 : memref<128x128xf32, #tpu.memory_space<hbm>>) target_semaphore(%arg22 : memref<!tpu.dma_semaphore, #tpu.memory_space<semaphore_mem>>)
      %mul3A_176 = arith.constant 5 : i32
      %mul3A_177 = arith.muli %mul3A_176, %scan3A_140 : i32
      %add3A_178 = arith.constant 1 : i32
      %add3A_179 = arith.addi %mul3A_177, %add3A_178 : i32
      %add3A_180 = arith.constant 2 : i32
      %add3A_181 = arith.addi %add3A_179, %add3A_180 : i32
      %lt3A_182 = arith.constant 200 : i32
      %lt3A_183 = arith.cmpi slt, %add3A_181, %lt3A_182 : i32
      %convert_element_type3A_184 = arith.extui %lt3A_183 : i1 to i32
      %cond3A_185 = arith.constant 0 : i32
      %cond3A_186 = arith.cmpi ne, %convert_element_type3A_184, %cond3A_185 : i32
      scf.if %cond3A_186 {
        %ge3A = arith.constant 3 : i32
        %ge3A_336 = arith.cmpi sge, %add3A_179, %ge3A : i32
        %convert_element_type3A_337 = arith.extui %ge3A_336 : i1 to i32
        %cond3A_338 = arith.constant 0 : i32
        %cond3A_339 = arith.cmpi ne, %convert_element_type3A_337, %cond3A_338 : i32
        scf.if %cond3A_339 {
          %dma_wait3A_353 = arith.constant 0 : i32
          %dma_wait3A_354 = arith.constant 0 : i32
          %dma_wait3A_355 = tpu.memref_slice %arg5[%dma_wait3A_353, %dma_wait3A_354] : memref<819200x128xf32, #tpu.memory_space<hbm>> -> memref<128x128xf32, #tpu.memory_space<hbm>>
          %dma_wait3A_356 = arith.constant 0 : i32
          %dma_wait3A_357 = arith.constant 0 : i32
          %dma_wait3A_358 = tpu.memref_slice %arg5[%dma_wait3A_356, %dma_wait3A_357] : memref<819200x128xf32, #tpu.memory_space<hbm>> -> memref<128x128xf32, #tpu.memory_space<hbm>>
          tpu.wait_dma2 semaphore(%arg25 : memref<!tpu.dma_semaphore, #tpu.memory_space<semaphore_mem>>) src(%arg10 : memref<128x128xf32, #tpu.memory_space<vmem>>) dst(%dma_wait3A_358 : memref<128x128xf32, #tpu.memory_space<hbm>>)
        } else {
        }
        %dma_wait3A_340 = arith.constant 0 : i32
        %dma_wait3A_341 = arith.constant 0 : i32
        %dma_wait3A_342 = tpu.memref_slice %arg2[%dma_wait3A_340, %dma_wait3A_341] : memref<6400x128xi32, #tpu.memory_space<hbm>> -> memref<1x128xi32, #tpu.memory_space<hbm>>
        %dma_wait3A_343 = arith.constant 0 : i32
        %dma_wait3A_344 = arith.constant 0 : i32
        %dma_wait3A_345 = tpu.memref_slice %arg2[%dma_wait3A_343, %dma_wait3A_344] : memref<6400x128xi32, #tpu.memory_space<hbm>> -> memref<1x128xi32, #tpu.memory_space<hbm>>
        tpu.wait_dma2 semaphore(%arg30 : memref<!tpu.dma_semaphore, #tpu.memory_space<semaphore_mem>>) src(%dma_wait3A_345 : memref<1x128xi32, #tpu.memory_space<hbm>>) dst(%arg15 : memref<1x128xi32, #tpu.memory_space<vmem>>)
        %dma_start3A_346 = arith.constant 0 : i32
        %dma_start3A_347 = arith.constant 0 : i32
        %dma_start3A_348 = tpu.memref_slice %arg15[%dma_start3A_346, %dma_start3A_347] : memref<1x128xi32, #tpu.memory_space<vmem>> -> memref<1x128xi32, #tpu.memory_space<vmem>>
        %dma_start3A_349 = tpu.memref_squeeze %dma_start3A_348 : memref<1x128xi32, #tpu.memory_space<vmem>> -> memref<128xi32, #tpu.memory_space<vmem>>
        %dma_start3A_350 = arith.constant 0 : i32
        %dma_start3A_351 = arith.constant 0 : i32
        %dma_start3A_352 = tpu.memref_slice %arg3[%dma_start3A_350, %dma_start3A_351] : memref<100000x128xf32, #tpu.memory_space<hbm>> -> memref<100000x128xf32, #tpu.memory_space<hbm>>
        tpu.enqueue_indirect_dma source(%dma_start3A_352 : memref<100000x128xf32, #tpu.memory_space<hbm>>) target(%arg10 : memref<128x128xf32, #tpu.memory_space<vmem>>) offsets(%dma_start3A_349 : memref<128xi32, #tpu.memory_space<vmem>>) semaphore(%arg20 : memref<!tpu.dma_semaphore, #tpu.memory_space<semaphore_mem>>)
      } else {
      }
      %dma_wait3A_187 = arith.constant 0 : i32
      %dma_wait3A_188 = arith.constant 0 : i32
      %dma_wait3A_189 = tpu.memref_slice %arg3[%dma_wait3A_187, %dma_wait3A_188] : memref<100000x128xf32, #tpu.memory_space<hbm>> -> memref<128x128xf32, #tpu.memory_space<hbm>>
      %dma_wait3A_190 = arith.constant 0 : i32
      %dma_wait3A_191 = arith.constant 0 : i32
      %dma_wait3A_192 = tpu.memref_slice %arg3[%dma_wait3A_190, %dma_wait3A_191] : memref<100000x128xf32, #tpu.memory_space<hbm>> -> memref<128x128xf32, #tpu.memory_space<hbm>>
      tpu.wait_dma2 semaphore(%arg18 : memref<!tpu.dma_semaphore, #tpu.memory_space<semaphore_mem>>) src(%dma_wait3A_192 : memref<128x128xf32, #tpu.memory_space<hbm>>) dst(%arg8 : memref<128x128xf32, #tpu.memory_space<vmem>>)
      %add3A_193 = arith.constant 5 : i32
      %add3A_194 = arith.addi %add3A_179, %add3A_193 : i32
      %lt3A_195 = arith.constant 200 : i32
      %lt3A_196 = arith.cmpi slt, %add3A_194, %lt3A_195 : i32
      %convert_element_type3A_197 = arith.extui %lt3A_196 : i1 to i32
      %cond3A_198 = arith.constant 0 : i32
      %cond3A_199 = arith.cmpi ne, %convert_element_type3A_197, %cond3A_198 : i32
      scf.if %cond3A_199 {
        %add3A_336 = arith.addi %mul3A_2, %add3A_179 : i32
        %add3A_337 = arith.constant 5 : i32
        %add3A_338 = arith.addi %add3A_336, %add3A_337 : i32
        %dma_start3A_339 = arith.constant 0 : i32
        %dma_start3A_340 = tpu.memref_slice %arg2[%add3A_338, %dma_start3A_339] : memref<6400x128xi32, #tpu.memory_space<hbm>> -> memref<1x128xi32, #tpu.memory_space<hbm>>
        %dma_start3A_341 = arith.constant 0 : i32
        %dma_start3A_342 = tpu.memref_slice %arg2[%add3A_338, %dma_start3A_341] : memref<6400x128xi32, #tpu.memory_space<hbm>> -> memref<1x128xi32, #tpu.memory_space<hbm>>
        tpu.enqueue_dma source(%dma_start3A_342 : memref<1x128xi32, #tpu.memory_space<hbm>>) target(%arg13 : memref<1x128xi32, #tpu.memory_space<vmem>>) target_semaphore(%arg28 : memref<!tpu.dma_semaphore, #tpu.memory_space<semaphore_mem>>)
      } else {
      }
      %rem3A_200 = arith.constant 25 : i32
      %rem3A_201 = arith.remsi %add3A_179, %rem3A_200 : i32
      %mul3A_202 = arith.constant 128 : i32
      %mul3A_203 = arith.muli %rem3A_201, %mul3A_202 : i32
      %rem3A_204 = arith.constant 200 : i32
      %rem3A_205 = arith.remsi %mul3A_203, %rem3A_204 : i32
      %parallel_loop3A_206 = arith.constant 0 : i32
      %parallel_loop3A_207 = arith.constant 128 : i32
      %parallel_loop3A_208 = arith.constant 1 : i32
      scf.for %parallel_loop3A_336 = %parallel_loop3A_206 to %parallel_loop3A_207 step %parallel_loop3A_208  : i32 {
        %parallel_loop3A_337 = arith.index_cast %parallel_loop3A_336 : i32 to index
        %parallel_loop3A_338 = arith.constant 0 : index
        %parallel_loop3A_339 = tpu.vector_load %arg8[%parallel_loop3A_337, %parallel_loop3A_338] {strides = array<i32>} : memref<128x128xf32, #tpu.memory_space<vmem>>, vector<1x16xf32>,
        %parallel_loop3A_340 = vector.shape_cast %parallel_loop3A_339 : vector<1x16xf32> to vector<16xf32>
        %parallel_loop3A_341 = arith.constant 11.3137083 : f32
        %parallel_loop3A_342 = vector.broadcast %parallel_loop3A_341 : f32 to vector<16xf32>
        %parallel_loop3A_343 = arith.mulf %parallel_loop3A_340, %parallel_loop3A_342 : vector<16xf32>
        %parallel_loop3A_344 = arith.addi %rem3A_205, %parallel_loop3A_336 : i32
        %parallel_loop3A_345 = arith.index_cast %parallel_loop3A_344 : i32 to index
        %parallel_loop3A_346 = arith.constant 0 : index
        %parallel_loop3A_347 = tpu.vector_load %arg6[%parallel_loop3A_345, %parallel_loop3A_346] {strides = array<i32>} : memref<320x128xf32, #tpu.memory_space<vmem>>, vector<1x16xf32>,
        %parallel_loop3A_348 = vector.shape_cast %parallel_loop3A_347 : vector<1x16xf32> to vector<16xf32>
        %parallel_loop3A_349 = arith.addf %parallel_loop3A_343, %parallel_loop3A_348 : vector<16xf32>
        %parallel_loop3A_350 = arith.index_cast %parallel_loop3A_336 : i32 to index
        %parallel_loop3A_351 = arith.constant 0 : index
        %parallel_loop3A_352 = tpu.vector_load %arg8[%parallel_loop3A_350, %parallel_loop3A_351] {strides = array<i32>} : memref<128x128xf32, #tpu.memory_space<vmem>>, vector<1x16xf32>,
        %parallel_loop3A_353 = vector.shape_cast %parallel_loop3A_352 : vector<1x16xf32> to vector<16xf32>
        %parallel_loop3A_354 = vector.shape_cast %parallel_loop3A_349 : vector<16xf32> to vector<1x16xf32>
        tpu.vector_store %arg8[%parallel_loop3A_350, %parallel_loop3A_351], %parallel_loop3A_354 {strides = array<i32>} : memref<128x128xf32, #tpu.memory_space<vmem>>, vector<1x16xf32>,
        %parallel_loop3A_355 = arith.index_cast %parallel_loop3A_336 : i32 to index
        %parallel_loop3A_356 = arith.constant 16 : index
        %parallel_loop3A_357 = tpu.vector_load %arg8[%parallel_loop3A_355, %parallel_loop3A_356] {strides = array<i32>} : memref<128x128xf32, #tpu.memory_space<vmem>>, vector<1x16xf32>,
        %parallel_loop3A_358 = vector.shape_cast %parallel_loop3A_357 : vector<1x16xf32> to vector<16xf32>
        %parallel_loop3A_359 = arith.constant 11.3137083 : f32
        %parallel_loop3A_360 = vector.broadcast %parallel_loop3A_359 : f32 to vector<16xf32>
        %parallel_loop3A_361 = arith.mulf %parallel_loop3A_358, %parallel_loop3A_360 : vector<16xf32>
        %parallel_loop3A_362 = arith.addi %rem3A_205, %parallel_loop3A_336 : i32
        %parallel_loop3A_363 = arith.index_cast %parallel_loop3A_362 : i32 to index
        %parallel_loop3A_364 = arith.constant 16 : index
        %parallel_loop3A_365 = tpu.vector_load %arg6[%parallel_loop3A_363, %parallel_loop3A_364] {strides = array<i32>} : memref<320x128xf32, #tpu.memory_space<vmem>>, vector<1x16xf32>,
        %parallel_loop3A_366 = vector.shape_cast %parallel_loop3A_365 : vector<1x16xf32> to vector<16xf32>
        %parallel_loop3A_367 = arith.addf %parallel_loop3A_361, %parallel_loop3A_366 : vector<16xf32>
        %parallel_loop3A_368 = arith.index_cast %parallel_loop3A_336 : i32 to index
        %parallel_loop3A_369 = arith.constant 16 : index
        %parallel_loop3A_370 = tpu.vector_load %arg8[%parallel_loop3A_368, %parallel_loop3A_369] {strides = array<i32>} : memref<128x128xf32, #tpu.memory_space<vmem>>, vector<1x16xf32>,
        %parallel_loop3A_371 = vector.shape_cast %parallel_loop3A_370 : vector<1x16xf32> to vector<16xf32>
        %parallel_loop3A_372 = vector.shape_cast %parallel_loop3A_367 : vector<16xf32> to vector<1x16xf32>
        tpu.vector_store %arg8[%parallel_loop3A_368, %parallel_loop3A_369], %parallel_loop3A_372 {strides = array<i32>} : memref<128x128xf32, #tpu.memory_space<vmem>>, vector<1x16xf32>,
        %parallel_loop3A_373 = arith.index_cast %parallel_loop3A_336 : i32 to index
        %parallel_loop3A_374 = arith.constant 32 : index
        %parallel_loop3A_375 = tpu.vector_load %arg8[%parallel_loop3A_373, %parallel_loop3A_374] {strides = array<i32>} : memref<128x128xf32, #tpu.memory_space<vmem>>, vector<1x16xf32>,
        %parallel_loop3A_376 = vector.shape_cast %parallel_loop3A_375 : vector<1x16xf32> to vector<16xf32>
        %parallel_loop3A_377 = arith.constant 11.3137083 : f32
        %parallel_loop3A_378 = vector.broadcast %parallel_loop3A_377 : f32 to vector<16xf32>
        %parallel_loop3A_379 = arith.mulf %parallel_loop3A_376, %parallel_loop3A_378 : vector<16xf32>
        %parallel_loop3A_380 = arith.addi %rem3A_205, %parallel_loop3A_336 : i32
        %parallel_loop3A_381 = arith.index_cast %parallel_loop3A_380 : i32 to index
        %parallel_loop3A_382 = arith.constant 32 : index
        %parallel_loop3A_383 = tpu.vector_load %arg6[%parallel_loop3A_381, %parallel_loop3A_382] {strides = array<i32>} : memref<320x128xf32, #tpu.memory_space<vmem>>, vector<1x16xf32>,
        %parallel_loop3A_384 = vector.shape_cast %parallel_loop3A_383 : vector<1x16xf32> to vector<16xf32>
        %parallel_loop3A_385 = arith.addf %parallel_loop3A_379, %parallel_loop3A_384 : vector<16xf32>
        %parallel_loop3A_386 = arith.index_cast %parallel_loop3A_336 : i32 to index
        %parallel_loop3A_387 = arith.constant 32 : index
        %parallel_loop3A_388 = tpu.vector_load %arg8[%parallel_loop3A_386, %parallel_loop3A_387] {strides = array<i32>} : memref<128x128xf32, #tpu.memory_space<vmem>>, vector<1x16xf32>,
        %parallel_loop3A_389 = vector.shape_cast %parallel_loop3A_388 : vector<1x16xf32> to vector<16xf32>
        %parallel_loop3A_390 = vector.shape_cast %parallel_loop3A_385 : vector<16xf32> to vector<1x16xf32>
        tpu.vector_store %arg8[%parallel_loop3A_386, %parallel_loop3A_387], %parallel_loop3A_390 {strides = array<i32>} : memref<128x128xf32, #tpu.memory_space<vmem>>, vector<1x16xf32>,
        %parallel_loop3A_391 = arith.index_cast %parallel_loop3A_336 : i32 to index
        %parallel_loop3A_392 = arith.constant 48 : index
        %parallel_loop3A_393 = tpu.vector_load %arg8[%parallel_loop3A_391, %parallel_loop3A_392] {strides = array<i32>} : memref<128x128xf32, #tpu.memory_space<vmem>>, vector<1x16xf32>,
        %parallel_loop3A_394 = vector.shape_cast %parallel_loop3A_393 : vector<1x16xf32> to vector<16xf32>
        %parallel_loop3A_395 = arith.constant 11.3137083 : f32
        %parallel_loop3A_396 = vector.broadcast %parallel_loop3A_395 : f32 to vector<16xf32>
        %parallel_loop3A_397 = arith.mulf %parallel_loop3A_394, %parallel_loop3A_396 : vector<16xf32>
        %parallel_loop3A_398 = arith.addi %rem3A_205, %parallel_loop3A_336 : i32
        %parallel_loop3A_399 = arith.index_cast %parallel_loop3A_398 : i32 to index
        %parallel_loop3A_400 = arith.constant 48 : index
        %parallel_loop3A_401 = tpu.vector_load %arg6[%parallel_loop3A_399, %parallel_loop3A_400] {strides = array<i32>} : memref<320x128xf32, #tpu.memory_space<vmem>>, vector<1x16xf32>,
        %parallel_loop3A_402 = vector.shape_cast %parallel_loop3A_401 : vector<1x16xf32> to vector<16xf32>
        %parallel_loop3A_403 = arith.addf %parallel_loop3A_397, %parallel_loop3A_402 : vector<16xf32>
        %parallel_loop3A_404 = arith.index_cast %parallel_loop3A_336 : i32 to index
        %parallel_loop3A_405 = arith.constant 48 : index
        %parallel_loop3A_406 = tpu.vector_load %arg8[%parallel_loop3A_404, %parallel_loop3A_405] {strides = array<i32>} : memref<128x128xf32, #tpu.memory_space<vmem>>, vector<1x16xf32>,
        %parallel_loop3A_407 = vector.shape_cast %parallel_loop3A_406 : vector<1x16xf32> to vector<16xf32>
        %parallel_loop3A_408 = vector.shape_cast %parallel_loop3A_403 : vector<16xf32> to vector<1x16xf32>
        tpu.vector_store %arg8[%parallel_loop3A_404, %parallel_loop3A_405], %parallel_loop3A_408 {strides = array<i32>} : memref<128x128xf32, #tpu.memory_space<vmem>>, vector<1x16xf32>,
        %parallel_loop3A_409 = arith.index_cast %parallel_loop3A_336 : i32 to index
        %parallel_loop3A_410 = arith.constant 64 : index
        %parallel_loop3A_411 = tpu.vector_load %arg8[%parallel_loop3A_409, %parallel_loop3A_410] {strides = array<i32>} : memref<128x128xf32, #tpu.memory_space<vmem>>, vector<1x16xf32>,
        %parallel_loop3A_412 = vector.shape_cast %parallel_loop3A_411 : vector<1x16xf32> to vector<16xf32>
        %parallel_loop3A_413 = arith.constant 11.3137083 : f32
        %parallel_loop3A_414 = vector.broadcast %parallel_loop3A_413 : f32 to vector<16xf32>
        %parallel_loop3A_415 = arith.mulf %parallel_loop3A_412, %parallel_loop3A_414 : vector<16xf32>
        %parallel_loop3A_416 = arith.addi %rem3A_205, %parallel_loop3A_336 : i32
        %parallel_loop3A_417 = arith.index_cast %parallel_loop3A_416 : i32 to index
        %parallel_loop3A_418 = arith.constant 64 : index
        %parallel_loop3A_419 = tpu.vector_load %arg6[%parallel_loop3A_417, %parallel_loop3A_418] {strides = array<i32>} : memref<320x128xf32, #tpu.memory_space<vmem>>, vector<1x16xf32>,
        %parallel_loop3A_420 = vector.shape_cast %parallel_loop3A_419 : vector<1x16xf32> to vector<16xf32>
        %parallel_loop3A_421 = arith.addf %parallel_loop3A_415, %parallel_loop3A_420 : vector<16xf32>
        %parallel_loop3A_422 = arith.index_cast %parallel_loop3A_336 : i32 to index
        %parallel_loop3A_423 = arith.constant 64 : index
        %parallel_loop3A_424 = tpu.vector_load %arg8[%parallel_loop3A_422, %parallel_loop3A_423] {strides = array<i32>} : memref<128x128xf32, #tpu.memory_space<vmem>>, vector<1x16xf32>,
        %parallel_loop3A_425 = vector.shape_cast %parallel_loop3A_424 : vector<1x16xf32> to vector<16xf32>
        %parallel_loop3A_426 = vector.shape_cast %parallel_loop3A_421 : vector<16xf32> to vector<1x16xf32>
        tpu.vector_store %arg8[%parallel_loop3A_422, %parallel_loop3A_423], %parallel_loop3A_426 {strides = array<i32>} : memref<128x128xf32, #tpu.memory_space<vmem>>, vector<1x16xf32>,
        %parallel_loop3A_427 = arith.index_cast %parallel_loop3A_336 : i32 to index
        %parallel_loop3A_428 = arith.constant 80 : index
        %parallel_loop3A_429 = tpu.vector_load %arg8[%parallel_loop3A_427, %parallel_loop3A_428] {strides = array<i32>} : memref<128x128xf32, #tpu.memory_space<vmem>>, vector<1x16xf32>,
        %parallel_loop3A_430 = vector.shape_cast %parallel_loop3A_429 : vector<1x16xf32> to vector<16xf32>
        %parallel_loop3A_431 = arith.constant 11.3137083 : f32
        %parallel_loop3A_432 = vector.broadcast %parallel_loop3A_431 : f32 to vector<16xf32>
        %parallel_loop3A_433 = arith.mulf %parallel_loop3A_430, %parallel_loop3A_432 : vector<16xf32>
        %parallel_loop3A_434 = arith.addi %rem3A_205, %parallel_loop3A_336 : i32
        %parallel_loop3A_435 = arith.index_cast %parallel_loop3A_434 : i32 to index
        %parallel_loop3A_436 = arith.constant 80 : index
        %parallel_loop3A_437 = tpu.vector_load %arg6[%parallel_loop3A_435, %parallel_loop3A_436] {strides = array<i32>} : memref<320x128xf32, #tpu.memory_space<vmem>>, vector<1x16xf32>,
        %parallel_loop3A_438 = vector.shape_cast %parallel_loop3A_437 : vector<1x16xf32> to vector<16xf32>
        %parallel_loop3A_439 = arith.addf %parallel_loop3A_433, %parallel_loop3A_438 : vector<16xf32>
        %parallel_loop3A_440 = arith.index_cast %parallel_loop3A_336 : i32 to index
        %parallel_loop3A_441 = arith.constant 80 : index
        %parallel_loop3A_442 = tpu.vector_load %arg8[%parallel_loop3A_440, %parallel_loop3A_441] {strides = array<i32>} : memref<128x128xf32, #tpu.memory_space<vmem>>, vector<1x16xf32>,
        %parallel_loop3A_443 = vector.shape_cast %parallel_loop3A_442 : vector<1x16xf32> to vector<16xf32>
        %parallel_loop3A_444 = vector.shape_cast %parallel_loop3A_439 : vector<16xf32> to vector<1x16xf32>
        tpu.vector_store %arg8[%parallel_loop3A_440, %parallel_loop3A_441], %parallel_loop3A_444 {strides = array<i32>} : memref<128x128xf32, #tpu.memory_space<vmem>>, vector<1x16xf32>,
        %parallel_loop3A_445 = arith.index_cast %parallel_loop3A_336 : i32 to index
        %parallel_loop3A_446 = arith.constant 96 : index
        %parallel_loop3A_447 = tpu.vector_load %arg8[%parallel_loop3A_445, %parallel_loop3A_446] {strides = array<i32>} : memref<128x128xf32, #tpu.memory_space<vmem>>, vector<1x16xf32>,
        %parallel_loop3A_448 = vector.shape_cast %parallel_loop3A_447 : vector<1x16xf32> to vector<16xf32>
        %parallel_loop3A_449 = arith.constant 11.3137083 : f32
        %parallel_loop3A_450 = vector.broadcast %parallel_loop3A_449 : f32 to vector<16xf32>
        %parallel_loop3A_451 = arith.mulf %parallel_loop3A_448, %parallel_loop3A_450 : vector<16xf32>
        %parallel_loop3A_452 = arith.addi %rem3A_205, %parallel_loop3A_336 : i32
        %parallel_loop3A_453 = arith.index_cast %parallel_loop3A_452 : i32 to index
        %parallel_loop3A_454 = arith.constant 96 : index
        %parallel_loop3A_455 = tpu.vector_load %arg6[%parallel_loop3A_453, %parallel_loop3A_454] {strides = array<i32>} : memref<320x128xf32, #tpu.memory_space<vmem>>, vector<1x16xf32>,
        %parallel_loop3A_456 = vector.shape_cast %parallel_loop3A_455 : vector<1x16xf32> to vector<16xf32>
        %parallel_loop3A_457 = arith.addf %parallel_loop3A_451, %parallel_loop3A_456 : vector<16xf32>
        %parallel_loop3A_458 = arith.index_cast %parallel_loop3A_336 : i32 to index
        %parallel_loop3A_459 = arith.constant 96 : index
        %parallel_loop3A_460 = tpu.vector_load %arg8[%parallel_loop3A_458, %parallel_loop3A_459] {strides = array<i32>} : memref<128x128xf32, #tpu.memory_space<vmem>>, vector<1x16xf32>,
        %parallel_loop3A_461 = vector.shape_cast %parallel_loop3A_460 : vector<1x16xf32> to vector<16xf32>
        %parallel_loop3A_462 = vector.shape_cast %parallel_loop3A_457 : vector<16xf32> to vector<1x16xf32>
        tpu.vector_store %arg8[%parallel_loop3A_458, %parallel_loop3A_459], %parallel_loop3A_462 {strides = array<i32>} : memref<128x128xf32, #tpu.memory_space<vmem>>, vector<1x16xf32>,
        %parallel_loop3A_463 = arith.index_cast %parallel_loop3A_336 : i32 to index
        %parallel_loop3A_464 = arith.constant 112 : index
        %parallel_loop3A_465 = tpu.vector_load %arg8[%parallel_loop3A_463, %parallel_loop3A_464] {strides = array<i32>} : memref<128x128xf32, #tpu.memory_space<vmem>>, vector<1x16xf32>,
        %parallel_loop3A_466 = vector.shape_cast %parallel_loop3A_465 : vector<1x16xf32> to vector<16xf32>
        %parallel_loop3A_467 = arith.constant 11.3137083 : f32
        %parallel_loop3A_468 = vector.broadcast %parallel_loop3A_467 : f32 to vector<16xf32>
        %parallel_loop3A_469 = arith.mulf %parallel_loop3A_466, %parallel_loop3A_468 : vector<16xf32>
        %parallel_loop3A_470 = arith.addi %rem3A_205, %parallel_loop3A_336 : i32
        %parallel_loop3A_471 = arith.index_cast %parallel_loop3A_470 : i32 to index
        %parallel_loop3A_472 = arith.constant 112 : index
        %parallel_loop3A_473 = tpu.vector_load %arg6[%parallel_loop3A_471, %parallel_loop3A_472] {strides = array<i32>} : memref<320x128xf32, #tpu.memory_space<vmem>>, vector<1x16xf32>,
        %parallel_loop3A_474 = vector.shape_cast %parallel_loop3A_473 : vector<1x16xf32> to vector<16xf32>
        %parallel_loop3A_475 = arith.addf %parallel_loop3A_469, %parallel_loop3A_474 : vector<16xf32>
        %parallel_loop3A_476 = arith.index_cast %parallel_loop3A_336 : i32 to index
        %parallel_loop3A_477 = arith.constant 112 : index
        %parallel_loop3A_478 = tpu.vector_load %arg8[%parallel_loop3A_476, %parallel_loop3A_477] {strides = array<i32>} : memref<128x128xf32, #tpu.memory_space<vmem>>, vector<1x16xf32>,
        %parallel_loop3A_479 = vector.shape_cast %parallel_loop3A_478 : vector<1x16xf32> to vector<16xf32>
        %parallel_loop3A_480 = vector.shape_cast %parallel_loop3A_475 : vector<16xf32> to vector<1x16xf32>
        tpu.vector_store %arg8[%parallel_loop3A_476, %parallel_loop3A_477], %parallel_loop3A_480 {strides = array<i32>} : memref<128x128xf32, #tpu.memory_space<vmem>>, vector<1x16xf32>,
      } {sc.loop_unroll_factor = 8 : i64, sc.parallel_access}
      %add3A_209 = arith.addi %mul3A_2, %add3A_179 : i32
      %mul3A_210 = arith.constant 128 : i32
      %mul3A_211 = arith.muli %add3A_209, %mul3A_210 : i32
      %dma_start3A_212 = arith.constant 0 : i32
      %dma_start3A_213 = tpu.memref_slice %arg5[%mul3A_211, %dma_start3A_212] : memref<819200x128xf32, #tpu.memory_space<hbm>> -> memref<128x128xf32, #tpu.memory_space<hbm>>
      %dma_start3A_214 = arith.constant 0 : i32
      %dma_start3A_215 = tpu.memref_slice %arg5[%mul3A_211, %dma_start3A_214] : memref<819200x128xf32, #tpu.memory_space<hbm>> -> memref<128x128xf32, #tpu.memory_space<hbm>>
      tpu.enqueue_dma source(%arg8 : memref<128x128xf32, #tpu.memory_space<vmem>>) target(%dma_start3A_215 : memref<128x128xf32, #tpu.memory_space<hbm>>) target_semaphore(%arg23 : memref<!tpu.dma_semaphore, #tpu.memory_space<semaphore_mem>>)
      %mul3A_216 = arith.constant 5 : i32
      %mul3A_217 = arith.muli %mul3A_216, %scan3A_140 : i32
      %add3A_218 = arith.constant 2 : i32
      %add3A_219 = arith.addi %mul3A_217, %add3A_218 : i32
      %add3A_220 = arith.constant 2 : i32
      %add3A_221 = arith.addi %add3A_219, %add3A_220 : i32
      %lt3A_222 = arith.constant 200 : i32
      %lt3A_223 = arith.cmpi slt, %add3A_221, %lt3A_222 : i32
      %convert_element_type3A_224 = arith.extui %lt3A_223 : i1 to i32
      %cond3A_225 = arith.constant 0 : i32
      %cond3A_226 = arith.cmpi ne, %convert_element_type3A_224, %cond3A_225 : i32
      scf.if %cond3A_226 {
        %ge3A = arith.constant 3 : i32
        %ge3A_336 = arith.cmpi sge, %add3A_219, %ge3A : i32
        %convert_element_type3A_337 = arith.extui %ge3A_336 : i1 to i32
        %cond3A_338 = arith.constant 0 : i32
        %cond3A_339 = arith.cmpi ne, %convert_element_type3A_337, %cond3A_338 : i32
        scf.if %cond3A_339 {
          %dma_wait3A_353 = arith.constant 0 : i32
          %dma_wait3A_354 = arith.constant 0 : i32
          %dma_wait3A_355 = tpu.memref_slice %arg5[%dma_wait3A_353, %dma_wait3A_354] : memref<819200x128xf32, #tpu.memory_space<hbm>> -> memref<128x128xf32, #tpu.memory_space<hbm>>
          %dma_wait3A_356 = arith.constant 0 : i32
          %dma_wait3A_357 = arith.constant 0 : i32
          %dma_wait3A_358 = tpu.memref_slice %arg5[%dma_wait3A_356, %dma_wait3A_357] : memref<819200x128xf32, #tpu.memory_space<hbm>> -> memref<128x128xf32, #tpu.memory_space<hbm>>
          tpu.wait_dma2 semaphore(%arg26 : memref<!tpu.dma_semaphore, #tpu.memory_space<semaphore_mem>>) src(%arg11 : memref<128x128xf32, #tpu.memory_space<vmem>>) dst(%dma_wait3A_358 : memref<128x128xf32, #tpu.memory_space<hbm>>)
        } else {
        }
        %dma_wait3A_340 = arith.constant 0 : i32
        %dma_wait3A_341 = arith.constant 0 : i32
        %dma_wait3A_342 = tpu.memref_slice %arg2[%dma_wait3A_340, %dma_wait3A_341] : memref<6400x128xi32, #tpu.memory_space<hbm>> -> memref<1x128xi32, #tpu.memory_space<hbm>>
        %dma_wait3A_343 = arith.constant 0 : i32
        %dma_wait3A_344 = arith.constant 0 : i32
        %dma_wait3A_345 = tpu.memref_slice %arg2[%dma_wait3A_343, %dma_wait3A_344] : memref<6400x128xi32, #tpu.memory_space<hbm>> -> memref<1x128xi32, #tpu.memory_space<hbm>>
        tpu.wait_dma2 semaphore(%arg31 : memref<!tpu.dma_semaphore, #tpu.memory_space<semaphore_mem>>) src(%dma_wait3A_345 : memref<1x128xi32, #tpu.memory_space<hbm>>) dst(%arg16 : memref<1x128xi32, #tpu.memory_space<vmem>>)
        %dma_start3A_346 = arith.constant 0 : i32
        %dma_start3A_347 = arith.constant 0 : i32
        %dma_start3A_348 = tpu.memref_slice %arg16[%dma_start3A_346, %dma_start3A_347] : memref<1x128xi32, #tpu.memory_space<vmem>> -> memref<1x128xi32, #tpu.memory_space<vmem>>
        %dma_start3A_349 = tpu.memref_squeeze %dma_start3A_348 : memref<1x128xi32, #tpu.memory_space<vmem>> -> memref<128xi32, #tpu.memory_space<vmem>>
        %dma_start3A_350 = arith.constant 0 : i32
        %dma_start3A_351 = arith.constant 0 : i32
        %dma_start3A_352 = tpu.memref_slice %arg3[%dma_start3A_350, %dma_start3A_351] : memref<100000x128xf32, #tpu.memory_space<hbm>> -> memref<100000x128xf32, #tpu.memory_space<hbm>>
        tpu.enqueue_indirect_dma source(%dma_start3A_352 : memref<100000x128xf32, #tpu.memory_space<hbm>>) target(%arg11 : memref<128x128xf32, #tpu.memory_space<vmem>>) offsets(%dma_start3A_349 : memref<128xi32, #tpu.memory_space<vmem>>) semaphore(%arg21 : memref<!tpu.dma_semaphore, #tpu.memory_space<semaphore_mem>>)
      } else {
      }
      %dma_wait3A_227 = arith.constant 0 : i32
      %dma_wait3A_228 = arith.constant 0 : i32
      %dma_wait3A_229 = tpu.memref_slice %arg3[%dma_wait3A_227, %dma_wait3A_228] : memref<100000x128xf32, #tpu.memory_space<hbm>> -> memref<128x128xf32, #tpu.memory_space<hbm>>
      %dma_wait3A_230 = arith.constant 0 : i32
      %dma_wait3A_231 = arith.constant 0 : i32
      %dma_wait3A_232 = tpu.memref_slice %arg3[%dma_wait3A_230, %dma_wait3A_231] : memref<100000x128xf32, #tpu.memory_space<hbm>> -> memref<128x128xf32, #tpu.memory_space<hbm>>
      tpu.wait_dma2 semaphore(%arg19 : memref<!tpu.dma_semaphore, #tpu.memory_space<semaphore_mem>>) src(%dma_wait3A_232 : memref<128x128xf32, #tpu.memory_space<hbm>>) dst(%arg9 : memref<128x128xf32, #tpu.memory_space<vmem>>)
      %add3A_233 = arith.constant 5 : i32
      %add3A_234 = arith.addi %add3A_219, %add3A_233 : i32
      %lt3A_235 = arith.constant 200 : i32
      %lt3A_236 = arith.cmpi slt, %add3A_234, %lt3A_235 : i32
      %convert_element_type3A_237 = arith.extui %lt3A_236 : i1 to i32
      %cond3A_238 = arith.constant 0 : i32
      %cond3A_239 = arith.cmpi ne, %convert_element_type3A_237, %cond3A_238 : i32
      scf.if %cond3A_239 {
        %add3A_336 = arith.addi %mul3A_2, %add3A_219 : i32
        %add3A_337 = arith.constant 5 : i32
        %add3A_338 = arith.addi %add3A_336, %add3A_337 : i32
        %dma_start3A_339 = arith.constant 0 : i32
        %dma_start3A_340 = tpu.memref_slice %arg2[%add3A_338, %dma_start3A_339] : memref<6400x128xi32, #tpu.memory_space<hbm>> -> memref<1x128xi32, #tpu.memory_space<hbm>>
        %dma_start3A_341 = arith.constant 0 : i32
        %dma_start3A_342 = tpu.memref_slice %arg2[%add3A_338, %dma_start3A_341] : memref<6400x128xi32, #tpu.memory_space<hbm>> -> memref<1x128xi32, #tpu.memory_space<hbm>>
        tpu.enqueue_dma source(%dma_start3A_342 : memref<1x128xi32, #tpu.memory_space<hbm>>) target(%arg14 : memref<1x128xi32, #tpu.memory_space<vmem>>) target_semaphore(%arg29 : memref<!tpu.dma_semaphore, #tpu.memory_space<semaphore_mem>>)
      } else {
      }
      %rem3A_240 = arith.constant 25 : i32
      %rem3A_241 = arith.remsi %add3A_219, %rem3A_240 : i32
      %mul3A_242 = arith.constant 128 : i32
      %mul3A_243 = arith.muli %rem3A_241, %mul3A_242 : i32
      %rem3A_244 = arith.constant 200 : i32
      %rem3A_245 = arith.remsi %mul3A_243, %rem3A_244 : i32
      %parallel_loop3A_246 = arith.constant 0 : i32
      %parallel_loop3A_247 = arith.constant 128 : i32
      %parallel_loop3A_248 = arith.constant 1 : i32
      scf.for %parallel_loop3A_336 = %parallel_loop3A_246 to %parallel_loop3A_247 step %parallel_loop3A_248  : i32 {
        %parallel_loop3A_337 = arith.index_cast %parallel_loop3A_336 : i32 to index
        %parallel_loop3A_338 = arith.constant 0 : index
        %parallel_loop3A_339 = tpu.vector_load %arg9[%parallel_loop3A_337, %parallel_loop3A_338] {strides = array<i32>} : memref<128x128xf32, #tpu.memory_space<vmem>>, vector<1x16xf32>,
        %parallel_loop3A_340 = vector.shape_cast %parallel_loop3A_339 : vector<1x16xf32> to vector<16xf32>
        %parallel_loop3A_341 = arith.constant 11.3137083 : f32
        %parallel_loop3A_342 = vector.broadcast %parallel_loop3A_341 : f32 to vector<16xf32>
        %parallel_loop3A_343 = arith.mulf %parallel_loop3A_340, %parallel_loop3A_342 : vector<16xf32>
        %parallel_loop3A_344 = arith.addi %rem3A_245, %parallel_loop3A_336 : i32
        %parallel_loop3A_345 = arith.index_cast %parallel_loop3A_344 : i32 to index
        %parallel_loop3A_346 = arith.constant 0 : index
        %parallel_loop3A_347 = tpu.vector_load %arg6[%parallel_loop3A_345, %parallel_loop3A_346] {strides = array<i32>} : memref<320x128xf32, #tpu.memory_space<vmem>>, vector<1x16xf32>,
        %parallel_loop3A_348 = vector.shape_cast %parallel_loop3A_347 : vector<1x16xf32> to vector<16xf32>
        %parallel_loop3A_349 = arith.addf %parallel_loop3A_343, %parallel_loop3A_348 : vector<16xf32>
        %parallel_loop3A_350 = arith.index_cast %parallel_loop3A_336 : i32 to index
        %parallel_loop3A_351 = arith.constant 0 : index
        %parallel_loop3A_352 = tpu.vector_load %arg9[%parallel_loop3A_350, %parallel_loop3A_351] {strides = array<i32>} : memref<128x128xf32, #tpu.memory_space<vmem>>, vector<1x16xf32>,
        %parallel_loop3A_353 = vector.shape_cast %parallel_loop3A_352 : vector<1x16xf32> to vector<16xf32>
        %parallel_loop3A_354 = vector.shape_cast %parallel_loop3A_349 : vector<16xf32> to vector<1x16xf32>
        tpu.vector_store %arg9[%parallel_loop3A_350, %parallel_loop3A_351], %parallel_loop3A_354 {strides = array<i32>} : memref<128x128xf32, #tpu.memory_space<vmem>>, vector<1x16xf32>,
        %parallel_loop3A_355 = arith.index_cast %parallel_loop3A_336 : i32 to index
        %parallel_loop3A_356 = arith.constant 16 : index
        %parallel_loop3A_357 = tpu.vector_load %arg9[%parallel_loop3A_355, %parallel_loop3A_356] {strides = array<i32>} : memref<128x128xf32, #tpu.memory_space<vmem>>, vector<1x16xf32>,
        %parallel_loop3A_358 = vector.shape_cast %parallel_loop3A_357 : vector<1x16xf32> to vector<16xf32>
        %parallel_loop3A_359 = arith.constant 11.3137083 : f32
        %parallel_loop3A_360 = vector.broadcast %parallel_loop3A_359 : f32 to vector<16xf32>
        %parallel_loop3A_361 = arith.mulf %parallel_loop3A_358, %parallel_loop3A_360 : vector<16xf32>
        %parallel_loop3A_362 = arith.addi %rem3A_245, %parallel_loop3A_336 : i32
        %parallel_loop3A_363 = arith.index_cast %parallel_loop3A_362 : i32 to index
        %parallel_loop3A_364 = arith.constant 16 : index
        %parallel_loop3A_365 = tpu.vector_load %arg6[%parallel_loop3A_363, %parallel_loop3A_364] {strides = array<i32>} : memref<320x128xf32, #tpu.memory_space<vmem>>, vector<1x16xf32>,
        %parallel_loop3A_366 = vector.shape_cast %parallel_loop3A_365 : vector<1x16xf32> to vector<16xf32>
        %parallel_loop3A_367 = arith.addf %parallel_loop3A_361, %parallel_loop3A_366 : vector<16xf32>
        %parallel_loop3A_368 = arith.index_cast %parallel_loop3A_336 : i32 to index
        %parallel_loop3A_369 = arith.constant 16 : index
        %parallel_loop3A_370 = tpu.vector_load %arg9[%parallel_loop3A_368, %parallel_loop3A_369] {strides = array<i32>} : memref<128x128xf32, #tpu.memory_space<vmem>>, vector<1x16xf32>,
        %parallel_loop3A_371 = vector.shape_cast %parallel_loop3A_370 : vector<1x16xf32> to vector<16xf32>
        %parallel_loop3A_372 = vector.shape_cast %parallel_loop3A_367 : vector<16xf32> to vector<1x16xf32>
        tpu.vector_store %arg9[%parallel_loop3A_368, %parallel_loop3A_369], %parallel_loop3A_372 {strides = array<i32>} : memref<128x128xf32, #tpu.memory_space<vmem>>, vector<1x16xf32>,
        %parallel_loop3A_373 = arith.index_cast %parallel_loop3A_336 : i32 to index
        %parallel_loop3A_374 = arith.constant 32 : index
        %parallel_loop3A_375 = tpu.vector_load %arg9[%parallel_loop3A_373, %parallel_loop3A_374] {strides = array<i32>} : memref<128x128xf32, #tpu.memory_space<vmem>>, vector<1x16xf32>,
        %parallel_loop3A_376 = vector.shape_cast %parallel_loop3A_375 : vector<1x16xf32> to vector<16xf32>
        %parallel_loop3A_377 = arith.constant 11.3137083 : f32
        %parallel_loop3A_378 = vector.broadcast %parallel_loop3A_377 : f32 to vector<16xf32>
        %parallel_loop3A_379 = arith.mulf %parallel_loop3A_376, %parallel_loop3A_378 : vector<16xf32>
        %parallel_loop3A_380 = arith.addi %rem3A_245, %parallel_loop3A_336 : i32
        %parallel_loop3A_381 = arith.index_cast %parallel_loop3A_380 : i32 to index
        %parallel_loop3A_382 = arith.constant 32 : index
        %parallel_loop3A_383 = tpu.vector_load %arg6[%parallel_loop3A_381, %parallel_loop3A_382] {strides = array<i32>} : memref<320x128xf32, #tpu.memory_space<vmem>>, vector<1x16xf32>,
        %parallel_loop3A_384 = vector.shape_cast %parallel_loop3A_383 : vector<1x16xf32> to vector<16xf32>
        %parallel_loop3A_385 = arith.addf %parallel_loop3A_379, %parallel_loop3A_384 : vector<16xf32>
        %parallel_loop3A_386 = arith.index_cast %parallel_loop3A_336 : i32 to index
        %parallel_loop3A_387 = arith.constant 32 : index
        %parallel_loop3A_388 = tpu.vector_load %arg9[%parallel_loop3A_386, %parallel_loop3A_387] {strides = array<i32>} : memref<128x128xf32, #tpu.memory_space<vmem>>, vector<1x16xf32>,
        %parallel_loop3A_389 = vector.shape_cast %parallel_loop3A_388 : vector<1x16xf32> to vector<16xf32>
        %parallel_loop3A_390 = vector.shape_cast %parallel_loop3A_385 : vector<16xf32> to vector<1x16xf32>
        tpu.vector_store %arg9[%parallel_loop3A_386, %parallel_loop3A_387], %parallel_loop3A_390 {strides = array<i32>} : memref<128x128xf32, #tpu.memory_space<vmem>>, vector<1x16xf32>,
        %parallel_loop3A_391 = arith.index_cast %parallel_loop3A_336 : i32 to index
        %parallel_loop3A_392 = arith.constant 48 : index
        %parallel_loop3A_393 = tpu.vector_load %arg9[%parallel_loop3A_391, %parallel_loop3A_392] {strides = array<i32>} : memref<128x128xf32, #tpu.memory_space<vmem>>, vector<1x16xf32>,
        %parallel_loop3A_394 = vector.shape_cast %parallel_loop3A_393 : vector<1x16xf32> to vector<16xf32>
        %parallel_loop3A_395 = arith.constant 11.3137083 : f32
        %parallel_loop3A_396 = vector.broadcast %parallel_loop3A_395 : f32 to vector<16xf32>
        %parallel_loop3A_397 = arith.mulf %parallel_loop3A_394, %parallel_loop3A_396 : vector<16xf32>
        %parallel_loop3A_398 = arith.addi %rem3A_245, %parallel_loop3A_336 : i32
        %parallel_loop3A_399 = arith.index_cast %parallel_loop3A_398 : i32 to index
        %parallel_loop3A_400 = arith.constant 48 : index
        %parallel_loop3A_401 = tpu.vector_load %arg6[%parallel_loop3A_399, %parallel_loop3A_400] {strides = array<i32>} : memref<320x128xf32, #tpu.memory_space<vmem>>, vector<1x16xf32>,
        %parallel_loop3A_402 = vector.shape_cast %parallel_loop3A_401 : vector<1x16xf32> to vector<16xf32>
        %parallel_loop3A_403 = arith.addf %parallel_loop3A_397, %parallel_loop3A_402 : vector<16xf32>
        %parallel_loop3A_404 = arith.index_cast %parallel_loop3A_336 : i32 to index
        %parallel_loop3A_405 = arith.constant 48 : index
        %parallel_loop3A_406 = tpu.vector_load %arg9[%parallel_loop3A_404, %parallel_loop3A_405] {strides = array<i32>} : memref<128x128xf32, #tpu.memory_space<vmem>>, vector<1x16xf32>,
        %parallel_loop3A_407 = vector.shape_cast %parallel_loop3A_406 : vector<1x16xf32> to vector<16xf32>
        %parallel_loop3A_408 = vector.shape_cast %parallel_loop3A_403 : vector<16xf32> to vector<1x16xf32>
        tpu.vector_store %arg9[%parallel_loop3A_404, %parallel_loop3A_405], %parallel_loop3A_408 {strides = array<i32>} : memref<128x128xf32, #tpu.memory_space<vmem>>, vector<1x16xf32>,
        %parallel_loop3A_409 = arith.index_cast %parallel_loop3A_336 : i32 to index
        %parallel_loop3A_410 = arith.constant 64 : index
        %parallel_loop3A_411 = tpu.vector_load %arg9[%parallel_loop3A_409, %parallel_loop3A_410] {strides = array<i32>} : memref<128x128xf32, #tpu.memory_space<vmem>>, vector<1x16xf32>,
        %parallel_loop3A_412 = vector.shape_cast %parallel_loop3A_411 : vector<1x16xf32> to vector<16xf32>
        %parallel_loop3A_413 = arith.constant 11.3137083 : f32
        %parallel_loop3A_414 = vector.broadcast %parallel_loop3A_413 : f32 to vector<16xf32>
        %parallel_loop3A_415 = arith.mulf %parallel_loop3A_412, %parallel_loop3A_414 : vector<16xf32>
        %parallel_loop3A_416 = arith.addi %rem3A_245, %parallel_loop3A_336 : i32
        %parallel_loop3A_417 = arith.index_cast %parallel_loop3A_416 : i32 to index
        %parallel_loop3A_418 = arith.constant 64 : index
        %parallel_loop3A_419 = tpu.vector_load %arg6[%parallel_loop3A_417, %parallel_loop3A_418] {strides = array<i32>} : memref<320x128xf32, #tpu.memory_space<vmem>>, vector<1x16xf32>,
        %parallel_loop3A_420 = vector.shape_cast %parallel_loop3A_419 : vector<1x16xf32> to vector<16xf32>
        %parallel_loop3A_421 = arith.addf %parallel_loop3A_415, %parallel_loop3A_420 : vector<16xf32>
        %parallel_loop3A_422 = arith.index_cast %parallel_loop3A_336 : i32 to index
        %parallel_loop3A_423 = arith.constant 64 : index
        %parallel_loop3A_424 = tpu.vector_load %arg9[%parallel_loop3A_422, %parallel_loop3A_423] {strides = array<i32>} : memref<128x128xf32, #tpu.memory_space<vmem>>, vector<1x16xf32>,
        %parallel_loop3A_425 = vector.shape_cast %parallel_loop3A_424 : vector<1x16xf32> to vector<16xf32>
        %parallel_loop3A_426 = vector.shape_cast %parallel_loop3A_421 : vector<16xf32> to vector<1x16xf32>
        tpu.vector_store %arg9[%parallel_loop3A_422, %parallel_loop3A_423], %parallel_loop3A_426 {strides = array<i32>} : memref<128x128xf32, #tpu.memory_space<vmem>>, vector<1x16xf32>,
        %parallel_loop3A_427 = arith.index_cast %parallel_loop3A_336 : i32 to index
        %parallel_loop3A_428 = arith.constant 80 : index
        %parallel_loop3A_429 = tpu.vector_load %arg9[%parallel_loop3A_427, %parallel_loop3A_428] {strides = array<i32>} : memref<128x128xf32, #tpu.memory_space<vmem>>, vector<1x16xf32>,
        %parallel_loop3A_430 = vector.shape_cast %parallel_loop3A_429 : vector<1x16xf32> to vector<16xf32>
        %parallel_loop3A_431 = arith.constant 11.3137083 : f32
        %parallel_loop3A_432 = vector.broadcast %parallel_loop3A_431 : f32 to vector<16xf32>
        %parallel_loop3A_433 = arith.mulf %parallel_loop3A_430, %parallel_loop3A_432 : vector<16xf32>
        %parallel_loop3A_434 = arith.addi %rem3A_245, %parallel_loop3A_336 : i32
        %parallel_loop3A_435 = arith.index_cast %parallel_loop3A_434 : i32 to index
        %parallel_loop3A_436 = arith.constant 80 : index
        %parallel_loop3A_437 = tpu.vector_load %arg6[%parallel_loop3A_435, %parallel_loop3A_436] {strides = array<i32>} : memref<320x128xf32, #tpu.memory_space<vmem>>, vector<1x16xf32>,
        %parallel_loop3A_438 = vector.shape_cast %parallel_loop3A_437 : vector<1x16xf32> to vector<16xf32>
        %parallel_loop3A_439 = arith.addf %parallel_loop3A_433, %parallel_loop3A_438 : vector<16xf32>
        %parallel_loop3A_440 = arith.index_cast %parallel_loop3A_336 : i32 to index
        %parallel_loop3A_441 = arith.constant 80 : index
        %parallel_loop3A_442 = tpu.vector_load %arg9[%parallel_loop3A_440, %parallel_loop3A_441] {strides = array<i32>} : memref<128x128xf32, #tpu.memory_space<vmem>>, vector<1x16xf32>,
        %parallel_loop3A_443 = vector.shape_cast %parallel_loop3A_442 : vector<1x16xf32> to vector<16xf32>
        %parallel_loop3A_444 = vector.shape_cast %parallel_loop3A_439 : vector<16xf32> to vector<1x16xf32>
        tpu.vector_store %arg9[%parallel_loop3A_440, %parallel_loop3A_441], %parallel_loop3A_444 {strides = array<i32>} : memref<128x128xf32, #tpu.memory_space<vmem>>, vector<1x16xf32>,
        %parallel_loop3A_445 = arith.index_cast %parallel_loop3A_336 : i32 to index
        %parallel_loop3A_446 = arith.constant 96 : index
        %parallel_loop3A_447 = tpu.vector_load %arg9[%parallel_loop3A_445, %parallel_loop3A_446] {strides = array<i32>} : memref<128x128xf32, #tpu.memory_space<vmem>>, vector<1x16xf32>,
        %parallel_loop3A_448 = vector.shape_cast %parallel_loop3A_447 : vector<1x16xf32> to vector<16xf32>
        %parallel_loop3A_449 = arith.constant 11.3137083 : f32
        %parallel_loop3A_450 = vector.broadcast %parallel_loop3A_449 : f32 to vector<16xf32>
        %parallel_loop3A_451 = arith.mulf %parallel_loop3A_448, %parallel_loop3A_450 : vector<16xf32>
        %parallel_loop3A_452 = arith.addi %rem3A_245, %parallel_loop3A_336 : i32
        %parallel_loop3A_453 = arith.index_cast %parallel_loop3A_452 : i32 to index
        %parallel_loop3A_454 = arith.constant 96 : index
        %parallel_loop3A_455 = tpu.vector_load %arg6[%parallel_loop3A_453, %parallel_loop3A_454] {strides = array<i32>} : memref<320x128xf32, #tpu.memory_space<vmem>>, vector<1x16xf32>,
        %parallel_loop3A_456 = vector.shape_cast %parallel_loop3A_455 : vector<1x16xf32> to vector<16xf32>
        %parallel_loop3A_457 = arith.addf %parallel_loop3A_451, %parallel_loop3A_456 : vector<16xf32>
        %parallel_loop3A_458 = arith.index_cast %parallel_loop3A_336 : i32 to index
        %parallel_loop3A_459 = arith.constant 96 : index
        %parallel_loop3A_460 = tpu.vector_load %arg9[%parallel_loop3A_458, %parallel_loop3A_459] {strides = array<i32>} : memref<128x128xf32, #tpu.memory_space<vmem>>, vector<1x16xf32>,
        %parallel_loop3A_461 = vector.shape_cast %parallel_loop3A_460 : vector<1x16xf32> to vector<16xf32>
        %parallel_loop3A_462 = vector.shape_cast %parallel_loop3A_457 : vector<16xf32> to vector<1x16xf32>
        tpu.vector_store %arg9[%parallel_loop3A_458, %parallel_loop3A_459], %parallel_loop3A_462 {strides = array<i32>} : memref<128x128xf32, #tpu.memory_space<vmem>>, vector<1x16xf32>,
        %parallel_loop3A_463 = arith.index_cast %parallel_loop3A_336 : i32 to index
        %parallel_loop3A_464 = arith.constant 112 : index
        %parallel_loop3A_465 = tpu.vector_load %arg9[%parallel_loop3A_463, %parallel_loop3A_464] {strides = array<i32>} : memref<128x128xf32, #tpu.memory_space<vmem>>, vector<1x16xf32>,
        %parallel_loop3A_466 = vector.shape_cast %parallel_loop3A_465 : vector<1x16xf32> to vector<16xf32>
        %parallel_loop3A_467 = arith.constant 11.3137083 : f32
        %parallel_loop3A_468 = vector.broadcast %parallel_loop3A_467 : f32 to vector<16xf32>
        %parallel_loop3A_469 = arith.mulf %parallel_loop3A_466, %parallel_loop3A_468 : vector<16xf32>
        %parallel_loop3A_470 = arith.addi %rem3A_245, %parallel_loop3A_336 : i32
        %parallel_loop3A_471 = arith.index_cast %parallel_loop3A_470 : i32 to index
        %parallel_loop3A_472 = arith.constant 112 : index
        %parallel_loop3A_473 = tpu.vector_load %arg6[%parallel_loop3A_471, %parallel_loop3A_472] {strides = array<i32>} : memref<320x128xf32, #tpu.memory_space<vmem>>, vector<1x16xf32>,
        %parallel_loop3A_474 = vector.shape_cast %parallel_loop3A_473 : vector<1x16xf32> to vector<16xf32>
        %parallel_loop3A_475 = arith.addf %parallel_loop3A_469, %parallel_loop3A_474 : vector<16xf32>
        %parallel_loop3A_476 = arith.index_cast %parallel_loop3A_336 : i32 to index
        %parallel_loop3A_477 = arith.constant 112 : index
        %parallel_loop3A_478 = tpu.vector_load %arg9[%parallel_loop3A_476, %parallel_loop3A_477] {strides = array<i32>} : memref<128x128xf32, #tpu.memory_space<vmem>>, vector<1x16xf32>,
        %parallel_loop3A_479 = vector.shape_cast %parallel_loop3A_478 : vector<1x16xf32> to vector<16xf32>
        %parallel_loop3A_480 = vector.shape_cast %parallel_loop3A_475 : vector<16xf32> to vector<1x16xf32>
        tpu.vector_store %arg9[%parallel_loop3A_476, %parallel_loop3A_477], %parallel_loop3A_480 {strides = array<i32>} : memref<128x128xf32, #tpu.memory_space<vmem>>, vector<1x16xf32>,
      } {sc.loop_unroll_factor = 8 : i64, sc.parallel_access}
      %add3A_249 = arith.addi %mul3A_2, %add3A_219 : i32
      %mul3A_250 = arith.constant 128 : i32
      %mul3A_251 = arith.muli %add3A_249, %mul3A_250 : i32
      %dma_start3A_252 = arith.constant 0 : i32
      %dma_start3A_253 = tpu.memref_slice %arg5[%mul3A_251, %dma_start3A_252] : memref<819200x128xf32, #tpu.memory_space<hbm>> -> memref<128x128xf32, #tpu.memory_space<hbm>>
      %dma_start3A_254 = arith.constant 0 : i32
      %dma_start3A_255 = tpu.memref_slice %arg5[%mul3A_251, %dma_start3A_254] : memref<819200x128xf32, #tpu.memory_space<hbm>> -> memref<128x128xf32, #tpu.memory_space<hbm>>
      tpu.enqueue_dma source(%arg9 : memref<128x128xf32, #tpu.memory_space<vmem>>) target(%dma_start3A_255 : memref<128x128xf32, #tpu.memory_space<hbm>>) target_semaphore(%arg24 : memref<!tpu.dma_semaphore, #tpu.memory_space<semaphore_mem>>)
      %mul3A_256 = arith.constant 5 : i32
      %mul3A_257 = arith.muli %mul3A_256, %scan3A_140 : i32
      %add3A_258 = arith.constant 3 : i32
      %add3A_259 = arith.addi %mul3A_257, %add3A_258 : i32
      %add3A_260 = arith.constant 2 : i32
      %add3A_261 = arith.addi %add3A_259, %add3A_260 : i32
      %lt3A_262 = arith.constant 200 : i32
      %lt3A_263 = arith.cmpi slt, %add3A_261, %lt3A_262 : i32
      %convert_element_type3A_264 = arith.extui %lt3A_263 : i1 to i32
      %cond3A_265 = arith.constant 0 : i32
      %cond3A_266 = arith.cmpi ne, %convert_element_type3A_264, %cond3A_265 : i32
      scf.if %cond3A_266 {
        %ge3A = arith.constant 3 : i32
        %ge3A_336 = arith.cmpi sge, %add3A_259, %ge3A : i32
        %convert_element_type3A_337 = arith.extui %ge3A_336 : i1 to i32
        %cond3A_338 = arith.constant 0 : i32
        %cond3A_339 = arith.cmpi ne, %convert_element_type3A_337, %cond3A_338 : i32
        scf.if %cond3A_339 {
          %dma_wait3A_353 = arith.constant 0 : i32
          %dma_wait3A_354 = arith.constant 0 : i32
          %dma_wait3A_355 = tpu.memref_slice %arg5[%dma_wait3A_353, %dma_wait3A_354] : memref<819200x128xf32, #tpu.memory_space<hbm>> -> memref<128x128xf32, #tpu.memory_space<hbm>>
          %dma_wait3A_356 = arith.constant 0 : i32
          %dma_wait3A_357 = arith.constant 0 : i32
          %dma_wait3A_358 = tpu.memref_slice %arg5[%dma_wait3A_356, %dma_wait3A_357] : memref<819200x128xf32, #tpu.memory_space<hbm>> -> memref<128x128xf32, #tpu.memory_space<hbm>>
          tpu.wait_dma2 semaphore(%arg22 : memref<!tpu.dma_semaphore, #tpu.memory_space<semaphore_mem>>) src(%arg7 : memref<128x128xf32, #tpu.memory_space<vmem>>) dst(%dma_wait3A_358 : memref<128x128xf32, #tpu.memory_space<hbm>>)
        } else {
        }
        %dma_wait3A_340 = arith.constant 0 : i32
        %dma_wait3A_341 = arith.constant 0 : i32
        %dma_wait3A_342 = tpu.memref_slice %arg2[%dma_wait3A_340, %dma_wait3A_341] : memref<6400x128xi32, #tpu.memory_space<hbm>> -> memref<1x128xi32, #tpu.memory_space<hbm>>
        %dma_wait3A_343 = arith.constant 0 : i32
        %dma_wait3A_344 = arith.constant 0 : i32
        %dma_wait3A_345 = tpu.memref_slice %arg2[%dma_wait3A_343, %dma_wait3A_344] : memref<6400x128xi32, #tpu.memory_space<hbm>> -> memref<1x128xi32, #tpu.memory_space<hbm>>
        tpu.wait_dma2 semaphore(%arg27 : memref<!tpu.dma_semaphore, #tpu.memory_space<semaphore_mem>>) src(%dma_wait3A_345 : memref<1x128xi32, #tpu.memory_space<hbm>>) dst(%arg12 : memref<1x128xi32, #tpu.memory_space<vmem>>)
        %dma_start3A_346 = arith.constant 0 : i32
        %dma_start3A_347 = arith.constant 0 : i32
        %dma_start3A_348 = tpu.memref_slice %arg12[%dma_start3A_346, %dma_start3A_347] : memref<1x128xi32, #tpu.memory_space<vmem>> -> memref<1x128xi32, #tpu.memory_space<vmem>>
        %dma_start3A_349 = tpu.memref_squeeze %dma_start3A_348 : memref<1x128xi32, #tpu.memory_space<vmem>> -> memref<128xi32, #tpu.memory_space<vmem>>
        %dma_start3A_350 = arith.constant 0 : i32
        %dma_start3A_351 = arith.constant 0 : i32
        %dma_start3A_352 = tpu.memref_slice %arg3[%dma_start3A_350, %dma_start3A_351] : memref<100000x128xf32, #tpu.memory_space<hbm>> -> memref<100000x128xf32, #tpu.memory_space<hbm>>
        tpu.enqueue_indirect_dma source(%dma_start3A_352 : memref<100000x128xf32, #tpu.memory_space<hbm>>) target(%arg7 : memref<128x128xf32, #tpu.memory_space<vmem>>) offsets(%dma_start3A_349 : memref<128xi32, #tpu.memory_space<vmem>>) semaphore(%arg17 : memref<!tpu.dma_semaphore, #tpu.memory_space<semaphore_mem>>)
      } else {
      }
      %dma_wait3A_267 = arith.constant 0 : i32
      %dma_wait3A_268 = arith.constant 0 : i32
      %dma_wait3A_269 = tpu.memref_slice %arg3[%dma_wait3A_267, %dma_wait3A_268] : memref<100000x128xf32, #tpu.memory_space<hbm>> -> memref<128x128xf32, #tpu.memory_space<hbm>>
      %dma_wait3A_270 = arith.constant 0 : i32
      %dma_wait3A_271 = arith.constant 0 : i32
      %dma_wait3A_272 = tpu.memref_slice %arg3[%dma_wait3A_270, %dma_wait3A_271] : memref<100000x128xf32, #tpu.memory_space<hbm>> -> memref<128x128xf32, #tpu.memory_space<hbm>>
      tpu.wait_dma2 semaphore(%arg20 : memref<!tpu.dma_semaphore, #tpu.memory_space<semaphore_mem>>) src(%dma_wait3A_272 : memref<128x128xf32, #tpu.memory_space<hbm>>) dst(%arg10 : memref<128x128xf32, #tpu.memory_space<vmem>>)
      %add3A_273 = arith.constant 5 : i32
      %add3A_274 = arith.addi %add3A_259, %add3A_273 : i32
      %lt3A_275 = arith.constant 200 : i32
      %lt3A_276 = arith.cmpi slt, %add3A_274, %lt3A_275 : i32
      %convert_element_type3A_277 = arith.extui %lt3A_276 : i1 to i32
      %cond3A_278 = arith.constant 0 : i32
      %cond3A_279 = arith.cmpi ne, %convert_element_type3A_277, %cond3A_278 : i32
      scf.if %cond3A_279 {
        %add3A_336 = arith.addi %mul3A_2, %add3A_259 : i32
        %add3A_337 = arith.constant 5 : i32
        %add3A_338 = arith.addi %add3A_336, %add3A_337 : i32
        %dma_start3A_339 = arith.constant 0 : i32
        %dma_start3A_340 = tpu.memref_slice %arg2[%add3A_338, %dma_start3A_339] : memref<6400x128xi32, #tpu.memory_space<hbm>> -> memref<1x128xi32, #tpu.memory_space<hbm>>
        %dma_start3A_341 = arith.constant 0 : i32
        %dma_start3A_342 = tpu.memref_slice %arg2[%add3A_338, %dma_start3A_341] : memref<6400x128xi32, #tpu.memory_space<hbm>> -> memref<1x128xi32, #tpu.memory_space<hbm>>
        tpu.enqueue_dma source(%dma_start3A_342 : memref<1x128xi32, #tpu.memory_space<hbm>>) target(%arg15 : memref<1x128xi32, #tpu.memory_space<vmem>>) target_semaphore(%arg30 : memref<!tpu.dma_semaphore, #tpu.memory_space<semaphore_mem>>)
      } else {
      }
      %rem3A_280 = arith.constant 25 : i32
      %rem3A_281 = arith.remsi %add3A_259, %rem3A_280 : i32
      %mul3A_282 = arith.constant 128 : i32
      %mul3A_283 = arith.muli %rem3A_281, %mul3A_282 : i32
      %rem3A_284 = arith.constant 200 : i32
      %rem3A_285 = arith.remsi %mul3A_283, %rem3A_284 : i32
      %parallel_loop3A_286 = arith.constant 0 : i32
      %parallel_loop3A_287 = arith.constant 128 : i32
      %parallel_loop3A_288 = arith.constant 1 : i32
      scf.for %parallel_loop3A_336 = %parallel_loop3A_286 to %parallel_loop3A_287 step %parallel_loop3A_288  : i32 {
        %parallel_loop3A_337 = arith.index_cast %parallel_loop3A_336 : i32 to index
        %parallel_loop3A_338 = arith.constant 0 : index
        %parallel_loop3A_339 = tpu.vector_load %arg10[%parallel_loop3A_337, %parallel_loop3A_338] {strides = array<i32>} : memref<128x128xf32, #tpu.memory_space<vmem>>, vector<1x16xf32>,
        %parallel_loop3A_340 = vector.shape_cast %parallel_loop3A_339 : vector<1x16xf32> to vector<16xf32>
        %parallel_loop3A_341 = arith.constant 11.3137083 : f32
        %parallel_loop3A_342 = vector.broadcast %parallel_loop3A_341 : f32 to vector<16xf32>
        %parallel_loop3A_343 = arith.mulf %parallel_loop3A_340, %parallel_loop3A_342 : vector<16xf32>
        %parallel_loop3A_344 = arith.addi %rem3A_285, %parallel_loop3A_336 : i32
        %parallel_loop3A_345 = arith.index_cast %parallel_loop3A_344 : i32 to index
        %parallel_loop3A_346 = arith.constant 0 : index
        %parallel_loop3A_347 = tpu.vector_load %arg6[%parallel_loop3A_345, %parallel_loop3A_346] {strides = array<i32>} : memref<320x128xf32, #tpu.memory_space<vmem>>, vector<1x16xf32>,
        %parallel_loop3A_348 = vector.shape_cast %parallel_loop3A_347 : vector<1x16xf32> to vector<16xf32>
        %parallel_loop3A_349 = arith.addf %parallel_loop3A_343, %parallel_loop3A_348 : vector<16xf32>
        %parallel_loop3A_350 = arith.index_cast %parallel_loop3A_336 : i32 to index
        %parallel_loop3A_351 = arith.constant 0 : index
        %parallel_loop3A_352 = tpu.vector_load %arg10[%parallel_loop3A_350, %parallel_loop3A_351] {strides = array<i32>} : memref<128x128xf32, #tpu.memory_space<vmem>>, vector<1x16xf32>,
        %parallel_loop3A_353 = vector.shape_cast %parallel_loop3A_352 : vector<1x16xf32> to vector<16xf32>
        %parallel_loop3A_354 = vector.shape_cast %parallel_loop3A_349 : vector<16xf32> to vector<1x16xf32>
        tpu.vector_store %arg10[%parallel_loop3A_350, %parallel_loop3A_351], %parallel_loop3A_354 {strides = array<i32>} : memref<128x128xf32, #tpu.memory_space<vmem>>, vector<1x16xf32>,
        %parallel_loop3A_355 = arith.index_cast %parallel_loop3A_336 : i32 to index
        %parallel_loop3A_356 = arith.constant 16 : index
        %parallel_loop3A_357 = tpu.vector_load %arg10[%parallel_loop3A_355, %parallel_loop3A_356] {strides = array<i32>} : memref<128x128xf32, #tpu.memory_space<vmem>>, vector<1x16xf32>,
        %parallel_loop3A_358 = vector.shape_cast %parallel_loop3A_357 : vector<1x16xf32> to vector<16xf32>
        %parallel_loop3A_359 = arith.constant 11.3137083 : f32
        %parallel_loop3A_360 = vector.broadcast %parallel_loop3A_359 : f32 to vector<16xf32>
        %parallel_loop3A_361 = arith.mulf %parallel_loop3A_358, %parallel_loop3A_360 : vector<16xf32>
        %parallel_loop3A_362 = arith.addi %rem3A_285, %parallel_loop3A_336 : i32
        %parallel_loop3A_363 = arith.index_cast %parallel_loop3A_362 : i32 to index
        %parallel_loop3A_364 = arith.constant 16 : index
        %parallel_loop3A_365 = tpu.vector_load %arg6[%parallel_loop3A_363, %parallel_loop3A_364] {strides = array<i32>} : memref<320x128xf32, #tpu.memory_space<vmem>>, vector<1x16xf32>,
        %parallel_loop3A_366 = vector.shape_cast %parallel_loop3A_365 : vector<1x16xf32> to vector<16xf32>
        %parallel_loop3A_367 = arith.addf %parallel_loop3A_361, %parallel_loop3A_366 : vector<16xf32>
        %parallel_loop3A_368 = arith.index_cast %parallel_loop3A_336 : i32 to index
        %parallel_loop3A_369 = arith.constant 16 : index
        %parallel_loop3A_370 = tpu.vector_load %arg10[%parallel_loop3A_368, %parallel_loop3A_369] {strides = array<i32>} : memref<128x128xf32, #tpu.memory_space<vmem>>, vector<1x16xf32>,
        %parallel_loop3A_371 = vector.shape_cast %parallel_loop3A_370 : vector<1x16xf32> to vector<16xf32>
        %parallel_loop3A_372 = vector.shape_cast %parallel_loop3A_367 : vector<16xf32> to vector<1x16xf32>
        tpu.vector_store %arg10[%parallel_loop3A_368, %parallel_loop3A_369], %parallel_loop3A_372 {strides = array<i32>} : memref<128x128xf32, #tpu.memory_space<vmem>>, vector<1x16xf32>,
        %parallel_loop3A_373 = arith.index_cast %parallel_loop3A_336 : i32 to index
        %parallel_loop3A_374 = arith.constant 32 : index
        %parallel_loop3A_375 = tpu.vector_load %arg10[%parallel_loop3A_373, %parallel_loop3A_374] {strides = array<i32>} : memref<128x128xf32, #tpu.memory_space<vmem>>, vector<1x16xf32>,
        %parallel_loop3A_376 = vector.shape_cast %parallel_loop3A_375 : vector<1x16xf32> to vector<16xf32>
        %parallel_loop3A_377 = arith.constant 11.3137083 : f32
        %parallel_loop3A_378 = vector.broadcast %parallel_loop3A_377 : f32 to vector<16xf32>
        %parallel_loop3A_379 = arith.mulf %parallel_loop3A_376, %parallel_loop3A_378 : vector<16xf32>
        %parallel_loop3A_380 = arith.addi %rem3A_285, %parallel_loop3A_336 : i32
        %parallel_loop3A_381 = arith.index_cast %parallel_loop3A_380 : i32 to index
        %parallel_loop3A_382 = arith.constant 32 : index
        %parallel_loop3A_383 = tpu.vector_load %arg6[%parallel_loop3A_381, %parallel_loop3A_382] {strides = array<i32>} : memref<320x128xf32, #tpu.memory_space<vmem>>, vector<1x16xf32>,
        %parallel_loop3A_384 = vector.shape_cast %parallel_loop3A_383 : vector<1x16xf32> to vector<16xf32>
        %parallel_loop3A_385 = arith.addf %parallel_loop3A_379, %parallel_loop3A_384 : vector<16xf32>
        %parallel_loop3A_386 = arith.index_cast %parallel_loop3A_336 : i32 to index
        %parallel_loop3A_387 = arith.constant 32 : index
        %parallel_loop3A_388 = tpu.vector_load %arg10[%parallel_loop3A_386, %parallel_loop3A_387] {strides = array<i32>} : memref<128x128xf32, #tpu.memory_space<vmem>>, vector<1x16xf32>,
        %parallel_loop3A_389 = vector.shape_cast %parallel_loop3A_388 : vector<1x16xf32> to vector<16xf32>
        %parallel_loop3A_390 = vector.shape_cast %parallel_loop3A_385 : vector<16xf32> to vector<1x16xf32>
        tpu.vector_store %arg10[%parallel_loop3A_386, %parallel_loop3A_387], %parallel_loop3A_390 {strides = array<i32>} : memref<128x128xf32, #tpu.memory_space<vmem>>, vector<1x16xf32>,
        %parallel_loop3A_391 = arith.index_cast %parallel_loop3A_336 : i32 to index
        %parallel_loop3A_392 = arith.constant 48 : index
        %parallel_loop3A_393 = tpu.vector_load %arg10[%parallel_loop3A_391, %parallel_loop3A_392] {strides = array<i32>} : memref<128x128xf32, #tpu.memory_space<vmem>>, vector<1x16xf32>,
        %parallel_loop3A_394 = vector.shape_cast %parallel_loop3A_393 : vector<1x16xf32> to vector<16xf32>
        %parallel_loop3A_395 = arith.constant 11.3137083 : f32
        %parallel_loop3A_396 = vector.broadcast %parallel_loop3A_395 : f32 to vector<16xf32>
        %parallel_loop3A_397 = arith.mulf %parallel_loop3A_394, %parallel_loop3A_396 : vector<16xf32>
        %parallel_loop3A_398 = arith.addi %rem3A_285, %parallel_loop3A_336 : i32
        %parallel_loop3A_399 = arith.index_cast %parallel_loop3A_398 : i32 to index
        %parallel_loop3A_400 = arith.constant 48 : index
        %parallel_loop3A_401 = tpu.vector_load %arg6[%parallel_loop3A_399, %parallel_loop3A_400] {strides = array<i32>} : memref<320x128xf32, #tpu.memory_space<vmem>>, vector<1x16xf32>,
        %parallel_loop3A_402 = vector.shape_cast %parallel_loop3A_401 : vector<1x16xf32> to vector<16xf32>
        %parallel_loop3A_403 = arith.addf %parallel_loop3A_397, %parallel_loop3A_402 : vector<16xf32>
        %parallel_loop3A_404 = arith.index_cast %parallel_loop3A_336 : i32 to index
        %parallel_loop3A_405 = arith.constant 48 : index
        %parallel_loop3A_406 = tpu.vector_load %arg10[%parallel_loop3A_404, %parallel_loop3A_405] {strides = array<i32>} : memref<128x128xf32, #tpu.memory_space<vmem>>, vector<1x16xf32>,
        %parallel_loop3A_407 = vector.shape_cast %parallel_loop3A_406 : vector<1x16xf32> to vector<16xf32>
        %parallel_loop3A_408 = vector.shape_cast %parallel_loop3A_403 : vector<16xf32> to vector<1x16xf32>
        tpu.vector_store %arg10[%parallel_loop3A_404, %parallel_loop3A_405], %parallel_loop3A_408 {strides = array<i32>} : memref<128x128xf32, #tpu.memory_space<vmem>>, vector<1x16xf32>,
        %parallel_loop3A_409 = arith.index_cast %parallel_loop3A_336 : i32 to index
        %parallel_loop3A_410 = arith.constant 64 : index
        %parallel_loop3A_411 = tpu.vector_load %arg10[%parallel_loop3A_409, %parallel_loop3A_410] {strides = array<i32>} : memref<128x128xf32, #tpu.memory_space<vmem>>, vector<1x16xf32>,
        %parallel_loop3A_412 = vector.shape_cast %parallel_loop3A_411 : vector<1x16xf32> to vector<16xf32>
        %parallel_loop3A_413 = arith.constant 11.3137083 : f32
        %parallel_loop3A_414 = vector.broadcast %parallel_loop3A_413 : f32 to vector<16xf32>
        %parallel_loop3A_415 = arith.mulf %parallel_loop3A_412, %parallel_loop3A_414 : vector<16xf32>
        %parallel_loop3A_416 = arith.addi %rem3A_285, %parallel_loop3A_336 : i32
        %parallel_loop3A_417 = arith.index_cast %parallel_loop3A_416 : i32 to index
        %parallel_loop3A_418 = arith.constant 64 : index
        %parallel_loop3A_419 = tpu.vector_load %arg6[%parallel_loop3A_417, %parallel_loop3A_418] {strides = array<i32>} : memref<320x128xf32, #tpu.memory_space<vmem>>, vector<1x16xf32>,
        %parallel_loop3A_420 = vector.shape_cast %parallel_loop3A_419 : vector<1x16xf32> to vector<16xf32>
        %parallel_loop3A_421 = arith.addf %parallel_loop3A_415, %parallel_loop3A_420 : vector<16xf32>
        %parallel_loop3A_422 = arith.index_cast %parallel_loop3A_336 : i32 to index
        %parallel_loop3A_423 = arith.constant 64 : index
        %parallel_loop3A_424 = tpu.vector_load %arg10[%parallel_loop3A_422, %parallel_loop3A_423] {strides = array<i32>} : memref<128x128xf32, #tpu.memory_space<vmem>>, vector<1x16xf32>,
        %parallel_loop3A_425 = vector.shape_cast %parallel_loop3A_424 : vector<1x16xf32> to vector<16xf32>
        %parallel_loop3A_426 = vector.shape_cast %parallel_loop3A_421 : vector<16xf32> to vector<1x16xf32>
        tpu.vector_store %arg10[%parallel_loop3A_422, %parallel_loop3A_423], %parallel_loop3A_426 {strides = array<i32>} : memref<128x128xf32, #tpu.memory_space<vmem>>, vector<1x16xf32>,
        %parallel_loop3A_427 = arith.index_cast %parallel_loop3A_336 : i32 to index
        %parallel_loop3A_428 = arith.constant 80 : index
        %parallel_loop3A_429 = tpu.vector_load %arg10[%parallel_loop3A_427, %parallel_loop3A_428] {strides = array<i32>} : memref<128x128xf32, #tpu.memory_space<vmem>>, vector<1x16xf32>,
        %parallel_loop3A_430 = vector.shape_cast %parallel_loop3A_429 : vector<1x16xf32> to vector<16xf32>
        %parallel_loop3A_431 = arith.constant 11.3137083 : f32
        %parallel_loop3A_432 = vector.broadcast %parallel_loop3A_431 : f32 to vector<16xf32>
        %parallel_loop3A_433 = arith.mulf %parallel_loop3A_430, %parallel_loop3A_432 : vector<16xf32>
        %parallel_loop3A_434 = arith.addi %rem3A_285, %parallel_loop3A_336 : i32
        %parallel_loop3A_435 = arith.index_cast %parallel_loop3A_434 : i32 to index
        %parallel_loop3A_436 = arith.constant 80 : index
        %parallel_loop3A_437 = tpu.vector_load %arg6[%parallel_loop3A_435, %parallel_loop3A_436] {strides = array<i32>} : memref<320x128xf32, #tpu.memory_space<vmem>>, vector<1x16xf32>,
        %parallel_loop3A_438 = vector.shape_cast %parallel_loop3A_437 : vector<1x16xf32> to vector<16xf32>
        %parallel_loop3A_439 = arith.addf %parallel_loop3A_433, %parallel_loop3A_438 : vector<16xf32>
        %parallel_loop3A_440 = arith.index_cast %parallel_loop3A_336 : i32 to index
        %parallel_loop3A_441 = arith.constant 80 : index
        %parallel_loop3A_442 = tpu.vector_load %arg10[%parallel_loop3A_440, %parallel_loop3A_441] {strides = array<i32>} : memref<128x128xf32, #tpu.memory_space<vmem>>, vector<1x16xf32>,
        %parallel_loop3A_443 = vector.shape_cast %parallel_loop3A_442 : vector<1x16xf32> to vector<16xf32>
        %parallel_loop3A_444 = vector.shape_cast %parallel_loop3A_439 : vector<16xf32> to vector<1x16xf32>
        tpu.vector_store %arg10[%parallel_loop3A_440, %parallel_loop3A_441], %parallel_loop3A_444 {strides = array<i32>} : memref<128x128xf32, #tpu.memory_space<vmem>>, vector<1x16xf32>,
        %parallel_loop3A_445 = arith.index_cast %parallel_loop3A_336 : i32 to index
        %parallel_loop3A_446 = arith.constant 96 : index
        %parallel_loop3A_447 = tpu.vector_load %arg10[%parallel_loop3A_445, %parallel_loop3A_446] {strides = array<i32>} : memref<128x128xf32, #tpu.memory_space<vmem>>, vector<1x16xf32>,
        %parallel_loop3A_448 = vector.shape_cast %parallel_loop3A_447 : vector<1x16xf32> to vector<16xf32>
        %parallel_loop3A_449 = arith.constant 11.3137083 : f32
        %parallel_loop3A_450 = vector.broadcast %parallel_loop3A_449 : f32 to vector<16xf32>
        %parallel_loop3A_451 = arith.mulf %parallel_loop3A_448, %parallel_loop3A_450 : vector<16xf32>
        %parallel_loop3A_452 = arith.addi %rem3A_285, %parallel_loop3A_336 : i32
        %parallel_loop3A_453 = arith.index_cast %parallel_loop3A_452 : i32 to index
        %parallel_loop3A_454 = arith.constant 96 : index
        %parallel_loop3A_455 = tpu.vector_load %arg6[%parallel_loop3A_453, %parallel_loop3A_454] {strides = array<i32>} : memref<320x128xf32, #tpu.memory_space<vmem>>, vector<1x16xf32>,
        %parallel_loop3A_456 = vector.shape_cast %parallel_loop3A_455 : vector<1x16xf32> to vector<16xf32>
        %parallel_loop3A_457 = arith.addf %parallel_loop3A_451, %parallel_loop3A_456 : vector<16xf32>
        %parallel_loop3A_458 = arith.index_cast %parallel_loop3A_336 : i32 to index
        %parallel_loop3A_459 = arith.constant 96 : index
        %parallel_loop3A_460 = tpu.vector_load %arg10[%parallel_loop3A_458, %parallel_loop3A_459] {strides = array<i32>} : memref<128x128xf32, #tpu.memory_space<vmem>>, vector<1x16xf32>,
        %parallel_loop3A_461 = vector.shape_cast %parallel_loop3A_460 : vector<1x16xf32> to vector<16xf32>
        %parallel_loop3A_462 = vector.shape_cast %parallel_loop3A_457 : vector<16xf32> to vector<1x16xf32>
        tpu.vector_store %arg10[%parallel_loop3A_458, %parallel_loop3A_459], %parallel_loop3A_462 {strides = array<i32>} : memref<128x128xf32, #tpu.memory_space<vmem>>, vector<1x16xf32>,
        %parallel_loop3A_463 = arith.index_cast %parallel_loop3A_336 : i32 to index
        %parallel_loop3A_464 = arith.constant 112 : index
        %parallel_loop3A_465 = tpu.vector_load %arg10[%parallel_loop3A_463, %parallel_loop3A_464] {strides = array<i32>} : memref<128x128xf32, #tpu.memory_space<vmem>>, vector<1x16xf32>,
        %parallel_loop3A_466 = vector.shape_cast %parallel_loop3A_465 : vector<1x16xf32> to vector<16xf32>
        %parallel_loop3A_467 = arith.constant 11.3137083 : f32
        %parallel_loop3A_468 = vector.broadcast %parallel_loop3A_467 : f32 to vector<16xf32>
        %parallel_loop3A_469 = arith.mulf %parallel_loop3A_466, %parallel_loop3A_468 : vector<16xf32>
        %parallel_loop3A_470 = arith.addi %rem3A_285, %parallel_loop3A_336 : i32
        %parallel_loop3A_471 = arith.index_cast %parallel_loop3A_470 : i32 to index
        %parallel_loop3A_472 = arith.constant 112 : index
        %parallel_loop3A_473 = tpu.vector_load %arg6[%parallel_loop3A_471, %parallel_loop3A_472] {strides = array<i32>} : memref<320x128xf32, #tpu.memory_space<vmem>>, vector<1x16xf32>,
        %parallel_loop3A_474 = vector.shape_cast %parallel_loop3A_473 : vector<1x16xf32> to vector<16xf32>
        %parallel_loop3A_475 = arith.addf %parallel_loop3A_469, %parallel_loop3A_474 : vector<16xf32>
        %parallel_loop3A_476 = arith.index_cast %parallel_loop3A_336 : i32 to index
        %parallel_loop3A_477 = arith.constant 112 : index
        %parallel_loop3A_478 = tpu.vector_load %arg10[%parallel_loop3A_476, %parallel_loop3A_477] {strides = array<i32>} : memref<128x128xf32, #tpu.memory_space<vmem>>, vector<1x16xf32>,
        %parallel_loop3A_479 = vector.shape_cast %parallel_loop3A_478 : vector<1x16xf32> to vector<16xf32>
        %parallel_loop3A_480 = vector.shape_cast %parallel_loop3A_475 : vector<16xf32> to vector<1x16xf32>
        tpu.vector_store %arg10[%parallel_loop3A_476, %parallel_loop3A_477], %parallel_loop3A_480 {strides = array<i32>} : memref<128x128xf32, #tpu.memory_space<vmem>>, vector<1x16xf32>,
      } {sc.loop_unroll_factor = 8 : i64, sc.parallel_access}
      %add3A_289 = arith.addi %mul3A_2, %add3A_259 : i32
      %mul3A_290 = arith.constant 128 : i32
      %mul3A_291 = arith.muli %add3A_289, %mul3A_290 : i32
      %dma_start3A_292 = arith.constant 0 : i32
      %dma_start3A_293 = tpu.memref_slice %arg5[%mul3A_291, %dma_start3A_292] : memref<819200x128xf32, #tpu.memory_space<hbm>> -> memref<128x128xf32, #tpu.memory_space<hbm>>
      %dma_start3A_294 = arith.constant 0 : i32
      %dma_start3A_295 = tpu.memref_slice %arg5[%mul3A_291, %dma_start3A_294] : memref<819200x128xf32, #tpu.memory_space<hbm>> -> memref<128x128xf32, #tpu.memory_space<hbm>>
      tpu.enqueue_dma source(%arg10 : memref<128x128xf32, #tpu.memory_space<vmem>>) target(%dma_start3A_295 : memref<128x128xf32, #tpu.memory_space<hbm>>) target_semaphore(%arg25 : memref<!tpu.dma_semaphore, #tpu.memory_space<semaphore_mem>>)
      %mul3A_296 = arith.constant 5 : i32
      %mul3A_297 = arith.muli %mul3A_296, %scan3A_140 : i32
      %add3A_298 = arith.constant 4 : i32
      %add3A_299 = arith.addi %mul3A_297, %add3A_298 : i32
      %add3A_300 = arith.constant 2 : i32
      %add3A_301 = arith.addi %add3A_299, %add3A_300 : i32
      %lt3A_302 = arith.constant 200 : i32
      %lt3A_303 = arith.cmpi slt, %add3A_301, %lt3A_302 : i32
      %convert_element_type3A_304 = arith.extui %lt3A_303 : i1 to i32
      %cond3A_305 = arith.constant 0 : i32
      %cond3A_306 = arith.cmpi ne, %convert_element_type3A_304, %cond3A_305 : i32
      scf.if %cond3A_306 {
        %ge3A = arith.constant 3 : i32
        %ge3A_336 = arith.cmpi sge, %add3A_299, %ge3A : i32
        %convert_element_type3A_337 = arith.extui %ge3A_336 : i1 to i32
        %cond3A_338 = arith.constant 0 : i32
        %cond3A_339 = arith.cmpi ne, %convert_element_type3A_337, %cond3A_338 : i32
        scf.if %cond3A_339 {
          %dma_wait3A_353 = arith.constant 0 : i32
          %dma_wait3A_354 = arith.constant 0 : i32
          %dma_wait3A_355 = tpu.memref_slice %arg5[%dma_wait3A_353, %dma_wait3A_354] : memref<819200x128xf32, #tpu.memory_space<hbm>> -> memref<128x128xf32, #tpu.memory_space<hbm>>
          %dma_wait3A_356 = arith.constant 0 : i32
          %dma_wait3A_357 = arith.constant 0 : i32
          %dma_wait3A_358 = tpu.memref_slice %arg5[%dma_wait3A_356, %dma_wait3A_357] : memref<819200x128xf32, #tpu.memory_space<hbm>> -> memref<128x128xf32, #tpu.memory_space<hbm>>
          tpu.wait_dma2 semaphore(%arg23 : memref<!tpu.dma_semaphore, #tpu.memory_space<semaphore_mem>>) src(%arg8 : memref<128x128xf32, #tpu.memory_space<vmem>>) dst(%dma_wait3A_358 : memref<128x128xf32, #tpu.memory_space<hbm>>)
        } else {
        }
        %dma_wait3A_340 = arith.constant 0 : i32
        %dma_wait3A_341 = arith.constant 0 : i32
        %dma_wait3A_342 = tpu.memref_slice %arg2[%dma_wait3A_340, %dma_wait3A_341] : memref<6400x128xi32, #tpu.memory_space<hbm>> -> memref<1x128xi32, #tpu.memory_space<hbm>>
        %dma_wait3A_343 = arith.constant 0 : i32
        %dma_wait3A_344 = arith.constant 0 : i32
        %dma_wait3A_345 = tpu.memref_slice %arg2[%dma_wait3A_343, %dma_wait3A_344] : memref<6400x128xi32, #tpu.memory_space<hbm>> -> memref<1x128xi32, #tpu.memory_space<hbm>>
        tpu.wait_dma2 semaphore(%arg28 : memref<!tpu.dma_semaphore, #tpu.memory_space<semaphore_mem>>) src(%dma_wait3A_345 : memref<1x128xi32, #tpu.memory_space<hbm>>) dst(%arg13 : memref<1x128xi32, #tpu.memory_space<vmem>>)
        %dma_start3A_346 = arith.constant 0 : i32
        %dma_start3A_347 = arith.constant 0 : i32
        %dma_start3A_348 = tpu.memref_slice %arg13[%dma_start3A_346, %dma_start3A_347] : memref<1x128xi32, #tpu.memory_space<vmem>> -> memref<1x128xi32, #tpu.memory_space<vmem>>
        %dma_start3A_349 = tpu.memref_squeeze %dma_start3A_348 : memref<1x128xi32, #tpu.memory_space<vmem>> -> memref<128xi32, #tpu.memory_space<vmem>>
        %dma_start3A_350 = arith.constant 0 : i32
        %dma_start3A_351 = arith.constant 0 : i32
        %dma_start3A_352 = tpu.memref_slice %arg3[%dma_start3A_350, %dma_start3A_351] : memref<100000x128xf32, #tpu.memory_space<hbm>> -> memref<100000x128xf32, #tpu.memory_space<hbm>>
        tpu.enqueue_indirect_dma source(%dma_start3A_352 : memref<100000x128xf32, #tpu.memory_space<hbm>>) target(%arg8 : memref<128x128xf32, #tpu.memory_space<vmem>>) offsets(%dma_start3A_349 : memref<128xi32, #tpu.memory_space<vmem>>) semaphore(%arg18 : memref<!tpu.dma_semaphore, #tpu.memory_space<semaphore_mem>>)
      } else {
      }
      %dma_wait3A_307 = arith.constant 0 : i32
      %dma_wait3A_308 = arith.constant 0 : i32
      %dma_wait3A_309 = tpu.memref_slice %arg3[%dma_wait3A_307, %dma_wait3A_308] : memref<100000x128xf32, #tpu.memory_space<hbm>> -> memref<128x128xf32, #tpu.memory_space<hbm>>
      %dma_wait3A_310 = arith.constant 0 : i32
      %dma_wait3A_311 = arith.constant 0 : i32
      %dma_wait3A_312 = tpu.memref_slice %arg3[%dma_wait3A_310, %dma_wait3A_311] : memref<100000x128xf32, #tpu.memory_space<hbm>> -> memref<128x128xf32, #tpu.memory_space<hbm>>
      tpu.wait_dma2 semaphore(%arg21 : memref<!tpu.dma_semaphore, #tpu.memory_space<semaphore_mem>>) src(%dma_wait3A_312 : memref<128x128xf32, #tpu.memory_space<hbm>>) dst(%arg11 : memref<128x128xf32, #tpu.memory_space<vmem>>)
      %add3A_313 = arith.constant 5 : i32
      %add3A_314 = arith.addi %add3A_299, %add3A_313 : i32
      %lt3A_315 = arith.constant 200 : i32
      %lt3A_316 = arith.cmpi slt, %add3A_314, %lt3A_315 : i32
      %convert_element_type3A_317 = arith.extui %lt3A_316 : i1 to i32
      %cond3A_318 = arith.constant 0 : i32
      %cond3A_319 = arith.cmpi ne, %convert_element_type3A_317, %cond3A_318 : i32
      scf.if %cond3A_319 {
        %add3A_336 = arith.addi %mul3A_2, %add3A_299 : i32
        %add3A_337 = arith.constant 5 : i32
        %add3A_338 = arith.addi %add3A_336, %add3A_337 : i32
        %dma_start3A_339 = arith.constant 0 : i32
        %dma_start3A_340 = tpu.memref_slice %arg2[%add3A_338, %dma_start3A_339] : memref<6400x128xi32, #tpu.memory_space<hbm>> -> memref<1x128xi32, #tpu.memory_space<hbm>>
        %dma_start3A_341 = arith.constant 0 : i32
        %dma_start3A_342 = tpu.memref_slice %arg2[%add3A_338, %dma_start3A_341] : memref<6400x128xi32, #tpu.memory_space<hbm>> -> memref<1x128xi32, #tpu.memory_space<hbm>>
        tpu.enqueue_dma source(%dma_start3A_342 : memref<1x128xi32, #tpu.memory_space<hbm>>) target(%arg16 : memref<1x128xi32, #tpu.memory_space<vmem>>) target_semaphore(%arg31 : memref<!tpu.dma_semaphore, #tpu.memory_space<semaphore_mem>>)
      } else {
      }
      %rem3A_320 = arith.constant 25 : i32
      %rem3A_321 = arith.remsi %add3A_299, %rem3A_320 : i32
      %mul3A_322 = arith.constant 128 : i32
      %mul3A_323 = arith.muli %rem3A_321, %mul3A_322 : i32
      %rem3A_324 = arith.constant 200 : i32
      %rem3A_325 = arith.remsi %mul3A_323, %rem3A_324 : i32
      %parallel_loop3A_326 = arith.constant 0 : i32
      %parallel_loop3A_327 = arith.constant 128 : i32
      %parallel_loop3A_328 = arith.constant 1 : i32
      scf.for %parallel_loop3A_336 = %parallel_loop3A_326 to %parallel_loop3A_327 step %parallel_loop3A_328  : i32 {
        %parallel_loop3A_337 = arith.index_cast %parallel_loop3A_336 : i32 to index
        %parallel_loop3A_338 = arith.constant 0 : index
        %parallel_loop3A_339 = tpu.vector_load %arg11[%parallel_loop3A_337, %parallel_loop3A_338] {strides = array<i32>} : memref<128x128xf32, #tpu.memory_space<vmem>>, vector<1x16xf32>,
        %parallel_loop3A_340 = vector.shape_cast %parallel_loop3A_339 : vector<1x16xf32> to vector<16xf32>
        %parallel_loop3A_341 = arith.constant 11.3137083 : f32
        %parallel_loop3A_342 = vector.broadcast %parallel_loop3A_341 : f32 to vector<16xf32>
        %parallel_loop3A_343 = arith.mulf %parallel_loop3A_340, %parallel_loop3A_342 : vector<16xf32>
        %parallel_loop3A_344 = arith.addi %rem3A_325, %parallel_loop3A_336 : i32
        %parallel_loop3A_345 = arith.index_cast %parallel_loop3A_344 : i32 to index
        %parallel_loop3A_346 = arith.constant 0 : index
        %parallel_loop3A_347 = tpu.vector_load %arg6[%parallel_loop3A_345, %parallel_loop3A_346] {strides = array<i32>} : memref<320x128xf32, #tpu.memory_space<vmem>>, vector<1x16xf32>,
        %parallel_loop3A_348 = vector.shape_cast %parallel_loop3A_347 : vector<1x16xf32> to vector<16xf32>
        %parallel_loop3A_349 = arith.addf %parallel_loop3A_343, %parallel_loop3A_348 : vector<16xf32>
        %parallel_loop3A_350 = arith.index_cast %parallel_loop3A_336 : i32 to index
        %parallel_loop3A_351 = arith.constant 0 : index
        %parallel_loop3A_352 = tpu.vector_load %arg11[%parallel_loop3A_350, %parallel_loop3A_351] {strides = array<i32>} : memref<128x128xf32, #tpu.memory_space<vmem>>, vector<1x16xf32>,
        %parallel_loop3A_353 = vector.shape_cast %parallel_loop3A_352 : vector<1x16xf32> to vector<16xf32>
        %parallel_loop3A_354 = vector.shape_cast %parallel_loop3A_349 : vector<16xf32> to vector<1x16xf32>
        tpu.vector_store %arg11[%parallel_loop3A_350, %parallel_loop3A_351], %parallel_loop3A_354 {strides = array<i32>} : memref<128x128xf32, #tpu.memory_space<vmem>>, vector<1x16xf32>,
        %parallel_loop3A_355 = arith.index_cast %parallel_loop3A_336 : i32 to index
        %parallel_loop3A_356 = arith.constant 16 : index
        %parallel_loop3A_357 = tpu.vector_load %arg11[%parallel_loop3A_355, %parallel_loop3A_356] {strides = array<i32>} : memref<128x128xf32, #tpu.memory_space<vmem>>, vector<1x16xf32>,
        %parallel_loop3A_358 = vector.shape_cast %parallel_loop3A_357 : vector<1x16xf32> to vector<16xf32>
        %parallel_loop3A_359 = arith.constant 11.3137083 : f32
        %parallel_loop3A_360 = vector.broadcast %parallel_loop3A_359 : f32 to vector<16xf32>
        %parallel_loop3A_361 = arith.mulf %parallel_loop3A_358, %parallel_loop3A_360 : vector<16xf32>
        %parallel_loop3A_362 = arith.addi %rem3A_325, %parallel_loop3A_336 : i32
        %parallel_loop3A_363 = arith.index_cast %parallel_loop3A_362 : i32 to index
        %parallel_loop3A_364 = arith.constant 16 : index
        %parallel_loop3A_365 = tpu.vector_load %arg6[%parallel_loop3A_363, %parallel_loop3A_364] {strides = array<i32>} : memref<320x128xf32, #tpu.memory_space<vmem>>, vector<1x16xf32>,
        %parallel_loop3A_366 = vector.shape_cast %parallel_loop3A_365 : vector<1x16xf32> to vector<16xf32>
        %parallel_loop3A_367 = arith.addf %parallel_loop3A_361, %parallel_loop3A_366 : vector<16xf32>
        %parallel_loop3A_368 = arith.index_cast %parallel_loop3A_336 : i32 to index
        %parallel_loop3A_369 = arith.constant 16 : index
        %parallel_loop3A_370 = tpu.vector_load %arg11[%parallel_loop3A_368, %parallel_loop3A_369] {strides = array<i32>} : memref<128x128xf32, #tpu.memory_space<vmem>>, vector<1x16xf32>,
        %parallel_loop3A_371 = vector.shape_cast %parallel_loop3A_370 : vector<1x16xf32> to vector<16xf32>
        %parallel_loop3A_372 = vector.shape_cast %parallel_loop3A_367 : vector<16xf32> to vector<1x16xf32>
        tpu.vector_store %arg11[%parallel_loop3A_368, %parallel_loop3A_369], %parallel_loop3A_372 {strides = array<i32>} : memref<128x128xf32, #tpu.memory_space<vmem>>, vector<1x16xf32>,
        %parallel_loop3A_373 = arith.index_cast %parallel_loop3A_336 : i32 to index
        %parallel_loop3A_374 = arith.constant 32 : index
        %parallel_loop3A_375 = tpu.vector_load %arg11[%parallel_loop3A_373, %parallel_loop3A_374] {strides = array<i32>} : memref<128x128xf32, #tpu.memory_space<vmem>>, vector<1x16xf32>,
        %parallel_loop3A_376 = vector.shape_cast %parallel_loop3A_375 : vector<1x16xf32> to vector<16xf32>
        %parallel_loop3A_377 = arith.constant 11.3137083 : f32
        %parallel_loop3A_378 = vector.broadcast %parallel_loop3A_377 : f32 to vector<16xf32>
        %parallel_loop3A_379 = arith.mulf %parallel_loop3A_376, %parallel_loop3A_378 : vector<16xf32>
        %parallel_loop3A_380 = arith.addi %rem3A_325, %parallel_loop3A_336 : i32
        %parallel_loop3A_381 = arith.index_cast %parallel_loop3A_380 : i32 to index
        %parallel_loop3A_382 = arith.constant 32 : index
        %parallel_loop3A_383 = tpu.vector_load %arg6[%parallel_loop3A_381, %parallel_loop3A_382] {strides = array<i32>} : memref<320x128xf32, #tpu.memory_space<vmem>>, vector<1x16xf32>,
        %parallel_loop3A_384 = vector.shape_cast %parallel_loop3A_383 : vector<1x16xf32> to vector<16xf32>
        %parallel_loop3A_385 = arith.addf %parallel_loop3A_379, %parallel_loop3A_384 : vector<16xf32>
        %parallel_loop3A_386 = arith.index_cast %parallel_loop3A_336 : i32 to index
        %parallel_loop3A_387 = arith.constant 32 : index
        %parallel_loop3A_388 = tpu.vector_load %arg11[%parallel_loop3A_386, %parallel_loop3A_387] {strides = array<i32>} : memref<128x128xf32, #tpu.memory_space<vmem>>, vector<1x16xf32>,
        %parallel_loop3A_389 = vector.shape_cast %parallel_loop3A_388 : vector<1x16xf32> to vector<16xf32>
        %parallel_loop3A_390 = vector.shape_cast %parallel_loop3A_385 : vector<16xf32> to vector<1x16xf32>
        tpu.vector_store %arg11[%parallel_loop3A_386, %parallel_loop3A_387], %parallel_loop3A_390 {strides = array<i32>} : memref<128x128xf32, #tpu.memory_space<vmem>>, vector<1x16xf32>,
        %parallel_loop3A_391 = arith.index_cast %parallel_loop3A_336 : i32 to index
        %parallel_loop3A_392 = arith.constant 48 : index
        %parallel_loop3A_393 = tpu.vector_load %arg11[%parallel_loop3A_391, %parallel_loop3A_392] {strides = array<i32>} : memref<128x128xf32, #tpu.memory_space<vmem>>, vector<1x16xf32>,
        %parallel_loop3A_394 = vector.shape_cast %parallel_loop3A_393 : vector<1x16xf32> to vector<16xf32>
        %parallel_loop3A_395 = arith.constant 11.3137083 : f32
        %parallel_loop3A_396 = vector.broadcast %parallel_loop3A_395 : f32 to vector<16xf32>
        %parallel_loop3A_397 = arith.mulf %parallel_loop3A_394, %parallel_loop3A_396 : vector<16xf32>
        %parallel_loop3A_398 = arith.addi %rem3A_325, %parallel_loop3A_336 : i32
        %parallel_loop3A_399 = arith.index_cast %parallel_loop3A_398 : i32 to index
        %parallel_loop3A_400 = arith.constant 48 : index
        %parallel_loop3A_401 = tpu.vector_load %arg6[%parallel_loop3A_399, %parallel_loop3A_400] {strides = array<i32>} : memref<320x128xf32, #tpu.memory_space<vmem>>, vector<1x16xf32>,
        %parallel_loop3A_402 = vector.shape_cast %parallel_loop3A_401 : vector<1x16xf32> to vector<16xf32>
        %parallel_loop3A_403 = arith.addf %parallel_loop3A_397, %parallel_loop3A_402 : vector<16xf32>
        %parallel_loop3A_404 = arith.index_cast %parallel_loop3A_336 : i32 to index
        %parallel_loop3A_405 = arith.constant 48 : index
        %parallel_loop3A_406 = tpu.vector_load %arg11[%parallel_loop3A_404, %parallel_loop3A_405] {strides = array<i32>} : memref<128x128xf32, #tpu.memory_space<vmem>>, vector<1x16xf32>,
        %parallel_loop3A_407 = vector.shape_cast %parallel_loop3A_406 : vector<1x16xf32> to vector<16xf32>
        %parallel_loop3A_408 = vector.shape_cast %parallel_loop3A_403 : vector<16xf32> to vector<1x16xf32>
        tpu.vector_store %arg11[%parallel_loop3A_404, %parallel_loop3A_405], %parallel_loop3A_408 {strides = array<i32>} : memref<128x128xf32, #tpu.memory_space<vmem>>, vector<1x16xf32>,
        %parallel_loop3A_409 = arith.index_cast %parallel_loop3A_336 : i32 to index
        %parallel_loop3A_410 = arith.constant 64 : index
        %parallel_loop3A_411 = tpu.vector_load %arg11[%parallel_loop3A_409, %parallel_loop3A_410] {strides = array<i32>} : memref<128x128xf32, #tpu.memory_space<vmem>>, vector<1x16xf32>,
        %parallel_loop3A_412 = vector.shape_cast %parallel_loop3A_411 : vector<1x16xf32> to vector<16xf32>
        %parallel_loop3A_413 = arith.constant 11.3137083 : f32
        %parallel_loop3A_414 = vector.broadcast %parallel_loop3A_413 : f32 to vector<16xf32>
        %parallel_loop3A_415 = arith.mulf %parallel_loop3A_412, %parallel_loop3A_414 : vector<16xf32>
        %parallel_loop3A_416 = arith.addi %rem3A_325, %parallel_loop3A_336 : i32
        %parallel_loop3A_417 = arith.index_cast %parallel_loop3A_416 : i32 to index
        %parallel_loop3A_418 = arith.constant 64 : index
        %parallel_loop3A_419 = tpu.vector_load %arg6[%parallel_loop3A_417, %parallel_loop3A_418] {strides = array<i32>} : memref<320x128xf32, #tpu.memory_space<vmem>>, vector<1x16xf32>,
        %parallel_loop3A_420 = vector.shape_cast %parallel_loop3A_419 : vector<1x16xf32> to vector<16xf32>
        %parallel_loop3A_421 = arith.addf %parallel_loop3A_415, %parallel_loop3A_420 : vector<16xf32>
        %parallel_loop3A_422 = arith.index_cast %parallel_loop3A_336 : i32 to index
        %parallel_loop3A_423 = arith.constant 64 : index
        %parallel_loop3A_424 = tpu.vector_load %arg11[%parallel_loop3A_422, %parallel_loop3A_423] {strides = array<i32>} : memref<128x128xf32, #tpu.memory_space<vmem>>, vector<1x16xf32>,
        %parallel_loop3A_425 = vector.shape_cast %parallel_loop3A_424 : vector<1x16xf32> to vector<16xf32>
        %parallel_loop3A_426 = vector.shape_cast %parallel_loop3A_421 : vector<16xf32> to vector<1x16xf32>
        tpu.vector_store %arg11[%parallel_loop3A_422, %parallel_loop3A_423], %parallel_loop3A_426 {strides = array<i32>} : memref<128x128xf32, #tpu.memory_space<vmem>>, vector<1x16xf32>,
        %parallel_loop3A_427 = arith.index_cast %parallel_loop3A_336 : i32 to index
        %parallel_loop3A_428 = arith.constant 80 : index
        %parallel_loop3A_429 = tpu.vector_load %arg11[%parallel_loop3A_427, %parallel_loop3A_428] {strides = array<i32>} : memref<128x128xf32, #tpu.memory_space<vmem>>, vector<1x16xf32>,
        %parallel_loop3A_430 = vector.shape_cast %parallel_loop3A_429 : vector<1x16xf32> to vector<16xf32>
        %parallel_loop3A_431 = arith.constant 11.3137083 : f32
        %parallel_loop3A_432 = vector.broadcast %parallel_loop3A_431 : f32 to vector<16xf32>
        %parallel_loop3A_433 = arith.mulf %parallel_loop3A_430, %parallel_loop3A_432 : vector<16xf32>
        %parallel_loop3A_434 = arith.addi %rem3A_325, %parallel_loop3A_336 : i32
        %parallel_loop3A_435 = arith.index_cast %parallel_loop3A_434 : i32 to index
        %parallel_loop3A_436 = arith.constant 80 : index
        %parallel_loop3A_437 = tpu.vector_load %arg6[%parallel_loop3A_435, %parallel_loop3A_436] {strides = array<i32>} : memref<320x128xf32, #tpu.memory_space<vmem>>, vector<1x16xf32>,
        %parallel_loop3A_438 = vector.shape_cast %parallel_loop3A_437 : vector<1x16xf32> to vector<16xf32>
        %parallel_loop3A_439 = arith.addf %parallel_loop3A_433, %parallel_loop3A_438 : vector<16xf32>
        %parallel_loop3A_440 = arith.index_cast %parallel_loop3A_336 : i32 to index
        %parallel_loop3A_441 = arith.constant 80 : index
        %parallel_loop3A_442 = tpu.vector_load %arg11[%parallel_loop3A_440, %parallel_loop3A_441] {strides = array<i32>} : memref<128x128xf32, #tpu.memory_space<vmem>>, vector<1x16xf32>,
        %parallel_loop3A_443 = vector.shape_cast %parallel_loop3A_442 : vector<1x16xf32> to vector<16xf32>
        %parallel_loop3A_444 = vector.shape_cast %parallel_loop3A_439 : vector<16xf32> to vector<1x16xf32>
        tpu.vector_store %arg11[%parallel_loop3A_440, %parallel_loop3A_441], %parallel_loop3A_444 {strides = array<i32>} : memref<128x128xf32, #tpu.memory_space<vmem>>, vector<1x16xf32>,
        %parallel_loop3A_445 = arith.index_cast %parallel_loop3A_336 : i32 to index
        %parallel_loop3A_446 = arith.constant 96 : index
        %parallel_loop3A_447 = tpu.vector_load %arg11[%parallel_loop3A_445, %parallel_loop3A_446] {strides = array<i32>} : memref<128x128xf32, #tpu.memory_space<vmem>>, vector<1x16xf32>,
        %parallel_loop3A_448 = vector.shape_cast %parallel_loop3A_447 : vector<1x16xf32> to vector<16xf32>
        %parallel_loop3A_449 = arith.constant 11.3137083 : f32
        %parallel_loop3A_450 = vector.broadcast %parallel_loop3A_449 : f32 to vector<16xf32>
        %parallel_loop3A_451 = arith.mulf %parallel_loop3A_448, %parallel_loop3A_450 : vector<16xf32>
        %parallel_loop3A_452 = arith.addi %rem3A_325, %parallel_loop3A_336 : i32
        %parallel_loop3A_453 = arith.index_cast %parallel_loop3A_452 : i32 to index
        %parallel_loop3A_454 = arith.constant 96 : index
        %parallel_loop3A_455 = tpu.vector_load %arg6[%parallel_loop3A_453, %parallel_loop3A_454] {strides = array<i32>} : memref<320x128xf32, #tpu.memory_space<vmem>>, vector<1x16xf32>,
        %parallel_loop3A_456 = vector.shape_cast %parallel_loop3A_455 : vector<1x16xf32> to vector<16xf32>
        %parallel_loop3A_457 = arith.addf %parallel_loop3A_451, %parallel_loop3A_456 : vector<16xf32>
        %parallel_loop3A_458 = arith.index_cast %parallel_loop3A_336 : i32 to index
        %parallel_loop3A_459 = arith.constant 96 : index
        %parallel_loop3A_460 = tpu.vector_load %arg11[%parallel_loop3A_458, %parallel_loop3A_459] {strides = array<i32>} : memref<128x128xf32, #tpu.memory_space<vmem>>, vector<1x16xf32>,
        %parallel_loop3A_461 = vector.shape_cast %parallel_loop3A_460 : vector<1x16xf32> to vector<16xf32>
        %parallel_loop3A_462 = vector.shape_cast %parallel_loop3A_457 : vector<16xf32> to vector<1x16xf32>
        tpu.vector_store %arg11[%parallel_loop3A_458, %parallel_loop3A_459], %parallel_loop3A_462 {strides = array<i32>} : memref<128x128xf32, #tpu.memory_space<vmem>>, vector<1x16xf32>,
        %parallel_loop3A_463 = arith.index_cast %parallel_loop3A_336 : i32 to index
        %parallel_loop3A_464 = arith.constant 112 : index
        %parallel_loop3A_465 = tpu.vector_load %arg11[%parallel_loop3A_463, %parallel_loop3A_464] {strides = array<i32>} : memref<128x128xf32, #tpu.memory_space<vmem>>, vector<1x16xf32>,
        %parallel_loop3A_466 = vector.shape_cast %parallel_loop3A_465 : vector<1x16xf32> to vector<16xf32>
        %parallel_loop3A_467 = arith.constant 11.3137083 : f32
        %parallel_loop3A_468 = vector.broadcast %parallel_loop3A_467 : f32 to vector<16xf32>
        %parallel_loop3A_469 = arith.mulf %parallel_loop3A_466, %parallel_loop3A_468 : vector<16xf32>
        %parallel_loop3A_470 = arith.addi %rem3A_325, %parallel_loop3A_336 : i32
        %parallel_loop3A_471 = arith.index_cast %parallel_loop3A_470 : i32 to index
        %parallel_loop3A_472 = arith.constant 112 : index
        %parallel_loop3A_473 = tpu.vector_load %arg6[%parallel_loop3A_471, %parallel_loop3A_472] {strides = array<i32>} : memref<320x128xf32, #tpu.memory_space<vmem>>, vector<1x16xf32>,
        %parallel_loop3A_474 = vector.shape_cast %parallel_loop3A_473 : vector<1x16xf32> to vector<16xf32>
        %parallel_loop3A_475 = arith.addf %parallel_loop3A_469, %parallel_loop3A_474 : vector<16xf32>
        %parallel_loop3A_476 = arith.index_cast %parallel_loop3A_336 : i32 to index
        %parallel_loop3A_477 = arith.constant 112 : index
        %parallel_loop3A_478 = tpu.vector_load %arg11[%parallel_loop3A_476, %parallel_loop3A_477] {strides = array<i32>} : memref<128x128xf32, #tpu.memory_space<vmem>>, vector<1x16xf32>,
        %parallel_loop3A_479 = vector.shape_cast %parallel_loop3A_478 : vector<1x16xf32> to vector<16xf32>
        %parallel_loop3A_480 = vector.shape_cast %parallel_loop3A_475 : vector<16xf32> to vector<1x16xf32>
        tpu.vector_store %arg11[%parallel_loop3A_476, %parallel_loop3A_477], %parallel_loop3A_480 {strides = array<i32>} : memref<128x128xf32, #tpu.memory_space<vmem>>, vector<1x16xf32>,
      } {sc.loop_unroll_factor = 8 : i64, sc.parallel_access}
      %add3A_329 = arith.addi %mul3A_2, %add3A_299 : i32
      %mul3A_330 = arith.constant 128 : i32
      %mul3A_331 = arith.muli %add3A_329, %mul3A_330 : i32
      %dma_start3A_332 = arith.constant 0 : i32
      %dma_start3A_333 = tpu.memref_slice %arg5[%mul3A_331, %dma_start3A_332] : memref<819200x128xf32, #tpu.memory_space<hbm>> -> memref<128x128xf32, #tpu.memory_space<hbm>>
      %dma_start3A_334 = arith.constant 0 : i32
      %dma_start3A_335 = tpu.memref_slice %arg5[%mul3A_331, %dma_start3A_334] : memref<819200x128xf32, #tpu.memory_space<hbm>> -> memref<128x128xf32, #tpu.memory_space<hbm>>
      tpu.enqueue_dma source(%arg11 : memref<128x128xf32, #tpu.memory_space<vmem>>) target(%dma_start3A_335 : memref<128x128xf32, #tpu.memory_space<hbm>>) target_semaphore(%arg26 : memref<!tpu.dma_semaphore, #tpu.memory_space<semaphore_mem>>)
    }
    %scan3A_109 = arith.constant 40 : i32
    %dma_wait3A_110 = arith.constant 0 : i32
    %dma_wait3A_111 = arith.constant 0 : i32
    %dma_wait3A_112 = tpu.memref_slice %arg5[%dma_wait3A_110, %dma_wait3A_111] : memref<819200x128xf32, #tpu.memory_space<hbm>> -> memref<128x128xf32, #tpu.memory_space<hbm>>
    %dma_wait3A_113 = arith.constant 0 : i32
    %dma_wait3A_114 = arith.constant 0 : i32
    %dma_wait3A_115 = tpu.memref_slice %arg5[%dma_wait3A_113, %dma_wait3A_114] : memref<819200x128xf32, #tpu.memory_space<hbm>> -> memref<128x128xf32, #tpu.memory_space<hbm>>
    tpu.wait_dma2 semaphore(%arg22 : memref<!tpu.dma_semaphore, #tpu.memory_space<semaphore_mem>>) src(%arg7 : memref<128x128xf32, #tpu.memory_space<vmem>>) dst(%dma_wait3A_115 : memref<128x128xf32, #tpu.memory_space<hbm>>)
    %dma_wait3A_116 = arith.constant 0 : i32
    %dma_wait3A_117 = arith.constant 0 : i32
    %dma_wait3A_118 = tpu.memref_slice %arg5[%dma_wait3A_116, %dma_wait3A_117] : memref<819200x128xf32, #tpu.memory_space<hbm>> -> memref<128x128xf32, #tpu.memory_space<hbm>>
    %dma_wait3A_119 = arith.constant 0 : i32
    %dma_wait3A_120 = arith.constant 0 : i32
    %dma_wait3A_121 = tpu.memref_slice %arg5[%dma_wait3A_119, %dma_wait3A_120] : memref<819200x128xf32, #tpu.memory_space<hbm>> -> memref<128x128xf32, #tpu.memory_space<hbm>>
    tpu.wait_dma2 semaphore(%arg23 : memref<!tpu.dma_semaphore, #tpu.memory_space<semaphore_mem>>) src(%arg8 : memref<128x128xf32, #tpu.memory_space<vmem>>) dst(%dma_wait3A_121 : memref<128x128xf32, #tpu.memory_space<hbm>>)
    %dma_wait3A_122 = arith.constant 0 : i32
    %dma_wait3A_123 = arith.constant 0 : i32
    %dma_wait3A_124 = tpu.memref_slice %arg5[%dma_wait3A_122, %dma_wait3A_123] : memref<819200x128xf32, #tpu.memory_space<hbm>> -> memref<128x128xf32, #tpu.memory_space<hbm>>
    %dma_wait3A_125 = arith.constant 0 : i32
    %dma_wait3A_126 = arith.constant 0 : i32
    %dma_wait3A_127 = tpu.memref_slice %arg5[%dma_wait3A_125, %dma_wait3A_126] : memref<819200x128xf32, #tpu.memory_space<hbm>> -> memref<128x128xf32, #tpu.memory_space<hbm>>
    tpu.wait_dma2 semaphore(%arg24 : memref<!tpu.dma_semaphore, #tpu.memory_space<semaphore_mem>>) src(%arg9 : memref<128x128xf32, #tpu.memory_space<vmem>>) dst(%dma_wait3A_127 : memref<128x128xf32, #tpu.memory_space<hbm>>)
    %dma_wait3A_128 = arith.constant 0 : i32
    %dma_wait3A_129 = arith.constant 0 : i32
    %dma_wait3A_130 = tpu.memref_slice %arg5[%dma_wait3A_128, %dma_wait3A_129] : memref<819200x128xf32, #tpu.memory_space<hbm>> -> memref<128x128xf32, #tpu.memory_space<hbm>>
    %dma_wait3A_131 = arith.constant 0 : i32
    %dma_wait3A_132 = arith.constant 0 : i32
    %dma_wait3A_133 = tpu.memref_slice %arg5[%dma_wait3A_131, %dma_wait3A_132] : memref<819200x128xf32, #tpu.memory_space<hbm>> -> memref<128x128xf32, #tpu.memory_space<hbm>>
    tpu.wait_dma2 semaphore(%arg25 : memref<!tpu.dma_semaphore, #tpu.memory_space<semaphore_mem>>) src(%arg10 : memref<128x128xf32, #tpu.memory_space<vmem>>) dst(%dma_wait3A_133 : memref<128x128xf32, #tpu.memory_space<hbm>>)
    %dma_wait3A_134 = arith.constant 0 : i32
    %dma_wait3A_135 = arith.constant 0 : i32
    %dma_wait3A_136 = tpu.memref_slice %arg5[%dma_wait3A_134, %dma_wait3A_135] : memref<819200x128xf32, #tpu.memory_space<hbm>> -> memref<128x128xf32, #tpu.memory_space<hbm>>
    %dma_wait3A_137 = arith.constant 0 : i32
    %dma_wait3A_138 = arith.constant 0 : i32
    %dma_wait3A_139 = tpu.memref_slice %arg5[%dma_wait3A_137, %dma_wait3A_138] : memref<819200x128xf32, #tpu.memory_space<hbm>> -> memref<128x128xf32, #tpu.memory_space<hbm>>
    tpu.wait_dma2 semaphore(%arg26 : memref<!tpu.dma_semaphore, #tpu.memory_space<semaphore_mem>>) src(%arg11 : memref<128x128xf32, #tpu.memory_space<vmem>>) dst(%dma_wait3A_139 : memref<128x128xf32, #tpu.memory_space<hbm>>)
    return
  }
}

</mosaic_0001>

<sc_bundles>
// kernel: kernel.3.cloned.1.call-start
scs
__scs_entry_jumppad:
0x0: {  	(pc) =	sbr.rel $0x88, $3  }
0x1: {  	(tag) =	ssettag $0x0;
	lr =	simm.s32 $0x1  }
0x2: {  	[smem:$0x3F9E] =	sst lr;
	_ =	strace $0xD0000000  }
0x3: {  	_ = 	snop  }
0x4: {  	_ = 	snop  }
0x5: {  	_ = 	snop  }
0x6: {  	_ = 	snop  }
0x7: {  	_ = 	snop  }
__scs_overlays_trampoline_lowered:
0x8: {  	[smem:$0x3FAD] =	sst s0  }
0x9: {  	[smem:$0x3FAE] =	sst s1  }
0xa: {  	[smem:$0x3FAF] =	sst s2  }
0xb: {  	[smem:$0x3FB0] =	sst s3  }
0xc: {  	[smem:$0x3FB1] =	sst s4  }
0xd: {  	[smem:$0x3FB2] =	sst s5  }
0xe: {  	[smem:$0x3FB3] =	sst s6  }
0xf: {  	[smem:$0x3FB4] =	sst s7  }
0x10: {  	[smem:$0x3FB5] =	sst s8  }
0x11: {  	[smem:$0x3FB6] =	sst s9;
	s0 =	simm.s32 @!p0 $0x0  }
0x12: {  	s1 =	sld [smem:$0x3F9C];
	s0 =	simm.s32 @p0 $0x1  }
0x13: {  	[smem:$0x3FB7] =	sst s0;
	s0 =	simm.s32 @!p1 $0x0  }
0x14: {  	s2 =	sld [smem:$0x3F9B];
	s0 =	simm.s32 @p1 $0x1  }
0x15: {  	[smem:$0x3FB8] =	sst s0;
	s0 =	simm.s32 @!p2 $0x0  }
0x16: {  	s3 =	sld [smem:$0x3FDB];
	s0 =	simm.s32 @p2 $0x1  }
0x17: {  	s4 =	simm.s32 $0x1BF5;
	[smem:$0x3FBA] =	sst s0  }
0x18: {  	s0 =	sld [smem:$0x3F9D];
	_ =	swait.ge [sflag:s4], $0x0  }
0x19: {  	s7 =	sld [smem:$0x3F9E]  }
0x1a: {  	s8 =	sadd.s32 $0xFFFFE003, lr  }
0x1b: {  	s9 =	sadd.s32 $0xFFFFFEF7, lr;
	s5 =	simm.s32 $0xFFFFFFFF;
	p2 =	slt.u32 s8, $0xFFFFF086  }
0x1c: {  	p1 =	slt.u32 s9, $0xF7A;
	s5 =	simm.s32 @!p2 $0x0  }
0x1d: {  	s5 =	simm.s32 @p1 $0x1;
	p0 =	seq.s32 s7, s2  }
0x1e: {  	s7 =	smul.u32 @!p0 $0xF7A, s2;
	p2 =	seq.s32 @!p0 s5, $0x0  }
0x1f: {  	s9 =	smul.u32 $0xF7A, s1;
	s8 =	simm.s32 @!p0 $0x1BF5;
	p2 =	por !p2, p0  }
0x20: {  	[sflag:s8] =	ssyncset.s32 @!p0 $0xFFFFF086;
	s6 =	sadd.s32 @!p0 s3, s7;
	s7 =	simm.s32 @!p0 $0x108  }
0x21: {  	s3 =	sadd.s32 s3, s9;
	s6 =	sadd.s32 @!p0 $0x88, s6;
	s7 =	simm.s32 @p2 $0x1082  }
0x22: {  	[simem:s7], [sflag:s8] =	dma.local @!p0 [hbm:s6], $0xF7A  }
0x23: {  	s9 =	sor.u32 $0xD0000000, s2;
	s6 =	simm.s32 $0x108;
	_ =	swait.ge @!p0 [sflag:s8], $0x0  }
0x24: {  	s3 =	sadd.s32 $0x88, s3;
	s6 =	simm.s32 @!p1 $0x1082;
	[sflag:s4] =	ssyncset.s32 $0xFFFFF086  }
0x25: {  	[simem:s6], [sflag:s4] =	dma.local [hbm:s3], $0xF7A  }
0x26: {  	[smem:$0x3F9E] =	sst s1;
	(tag) =	ssettag s2;
	_ =	strace s9  }
0x27: {  	s1 =	sld [smem:$0x3FAE]  }
0x28: {  	s2 =	sld [smem:$0x3FAF]  }
0x29: {  	s4 =	sld [smem:$0x3FB1]  }
0x2a: {  	p0 =	seq.s32 s5, $0x0;
	s5 =	sld [smem:$0x3FB2]  }
0x2b: {  	s6 =	sld [smem:$0x3FB3]  }
0x2c: {  	s7 =	sld [smem:$0x3FB4]  }
0x2d: {  	s3 =	simm.s32 $0x108;
	s8 =	sld [smem:$0x3FB5]  }
0x2e: {  	s3 =	simm.s32 @!p0 $0x1082;
	s9 =	sld [smem:$0x3FB6]  }
0x2f: {  	lr =	sadd.s32 s0, s3;
	s0 =	sld [smem:$0x3FAD]  }
0x30: {  	s3 =	sld [smem:$0x3FB0]  }
0x31: {  	[smem:$0x3FB9] =	sst s10  }
0x32: {  	s10 =	sld [smem:$0x3FB7];
	_ =	sdelay $0x3  }
0x33: {  	p0 =	seq.s32 s10, $0x1;
	s10 =	sld [smem:$0x3FB9];
	_ =	sdelay $0x3  }
0x34: {  	[smem:$0x3FB9] =	sst s10  }
0x35: {  	s10 =	sld [smem:$0x3FB8];
	_ =	sdelay $0x3  }
0x36: {  	p1 =	seq.s32 s10, $0x1;
	s10 =	sld [smem:$0x3FB9];
	_ =	sdelay $0x3  }
0x37: {  	[smem:$0x3FB9] =	sst s10  }
0x38: {  	s10 =	sld [smem:$0x3FBA]  }
0x39: {  	_ = 	snop;
	(pc) =	sbr.ind lr, $3  }
0x3a: {  	_ = 	snop  }
0x3b: {  	_ = 	snop  }
0x3c: {  	p2 =	seq.s32 s10, $0x1;
	s10 =	sld [smem:$0x3FB9]  }
0x3d: {  	_ =	shalt  }
0x3e: {  	_ =	shalt  }
0x3f: {  	_ =	shalt  }
0x40: {  	_ =	shalt  }
0x41: {  	_ =	shalt  }
0x42: {  	_ =	shalt  }
0x43: {  	_ =	shalt  }
0x44: {  	_ =	shalt  }
0x45: {  	_ =	shalt  }
0x46: {  	_ =	shalt  }
0x47: {  	_ =	shalt  }
0x48: {  	_ =	shalt  }
0x49: {  	_ =	shalt  }
0x4a: {  	_ =	shalt  }
0x4b: {  	_ =	shalt  }
0x4c: {  	_ =	shalt  }
0x4d: {  	_ =	shalt  }
0x4e: {  	_ =	shalt  }
0x4f: {  	_ =	shalt  }
0x50: {  	_ =	shalt  }
0x51: {  	_ =	shalt  }
0x52: {  	_ =	shalt  }
0x53: {  	_ =	shalt  }
0x54: {  	_ =	shalt  }
0x55: {  	_ =	shalt  }
0x56: {  	_ =	shalt  }
0x57: {  	_ =	shalt  }
0x58: {  	_ =	shalt  }
0x59: {  	_ =	shalt  }
0x5a: {  	_ =	shalt  }
0x5b: {  	_ =	shalt  }
0x5c: {  	_ =	shalt  }
0x5d: {  	_ =	shalt  }
0x5e: {  	_ =	shalt  }
0x5f: {  	_ =	shalt  }
0x60: {  	_ =	shalt  }
0x61: {  	_ =	shalt  }
0x62: {  	_ =	shalt  }
0x63: {  	_ =	shalt  }
0x64: {  	_ =	shalt  }
0x65: {  	_ =	shalt  }
0x66: {  	_ =	shalt  }
0x67: {  	_ =	shalt  }
0x68: {  	_ =	shalt  }
0x69: {  	_ =	shalt  }
0x6a: {  	_ =	shalt  }
0x6b: {  	_ =	shalt  }
0x6c: {  	_ =	shalt  }
0x6d: {  	_ =	shalt  }
0x6e: {  	_ =	shalt  }
0x6f: {  	_ =	shalt  }
0x70: {  	_ =	shalt  }
0x71: {  	_ =	shalt  }
0x72: {  	_ =	shalt  }
0x73: {  	_ =	shalt  }
0x74: {  	_ =	shalt  }
0x75: {  	_ =	shalt  }
0x76: {  	_ =	shalt  }
0x77: {  	_ =	shalt  }
0x78: {  	_ =	shalt  }
0x79: {  	_ =	shalt  }
0x7a: {  	_ =	shalt  }
0x7b: {  	_ =	shalt  }
0x7c: {  	_ =	shalt  }
0x7d: {  	_ =	shalt  }
0x7e: {  	_ =	shalt  }
0x7f: {  	_ =	shalt  }
0x80: {  	_ =	shalt  }
0x81: {  	_ =	shalt  }
0x82: {  	_ =	shalt  }
0x83: {  	_ =	shalt  }
0x84: {  	_ =	shalt  }
0x85: {  	_ =	shalt  }
0x86: {  	_ =	shalt  }
0x87: {  	_ =	shalt  }
.Lfunc_end0:
.L_simem_size_0:
called_computation_lowered:
.L_overlay_start_0:
0x88: {  	s2 =	sld [smem:$0x3FD9]  }
0x89: {  	s3 =	sld [smem:$0x3FFE];
	_ =	sdelay $0x1  }
0x8a: {  	s1 =	srdreg.scid  }
0x8b: {  	s0 =	sand.u32 $0x1, s1  }
0x8c: {  	s17 =	sshll.u32 s0, $0xA;
	s2 =	sadd.s32 s3, s2  }
0x8d: {  	s2 =	sadd.s32 s2, s17  }
0x8e: {  	[smem:$0x3FC5] =	sst s2  }
0x8f: {  	_ = 	snop  }
0x90: {  	s2 =	sld [smem:$0x3FC8]  }
0x91: {  	s18 =	sld [smem:$0x3FC7]  }
0x92: {  	s4 =	sld [smem:$0x3FD0];
	(tm) =	ssettm $0x1  }
0x93: {  	s5 =	sld [smem:$0x3FFB];
	_ =	sdelay $0x3  }
0x94: {  	_ =	strace s5  }
0x95: {  	s5 =	sld [smem:$0x3FFC];
	_ =	sdelay $0x3  }
0x96: {  	_ =	strace s5  }
0x97: {  	s5 =	sld [smem:$0x3FFD];
	_ =	sdelay $0x3  }
0x98: {  	_ =	strace s5  }
0x99: {  	_ =	strace $0x8FFFFFFF  }
0x9a: {  	s19 =	sld [smem:$0x3FDB];
	_ =	sdelay $0x1  }
0x9b: {  	s6 =	simm.s32 $_scs_section_size  }
0x9c: {  	s7 =	simm.s32 $_size__tile_overlayer_lowered;
	s8 =	simm.s32 $_tile_overlayer_lowered  }
0x9d: {  	s22 =	simm.s32 $0x1BFF;
	s21 =	sshll.u32 s8, $0x1;
	s5 =	sadd.s32 s6, s19  }
0x9e: {  	s9 =	simm.s32 $0x0;
	s20 =	sshll.u32 s7, $0x1;
	s7 =	sadd.s32 s21, s5  }
0x9f: {  	[timem:s9], [sflag:s22] =	dma.local [hbm:s7], s20  }
0xa0: {  	_ =	swait.ge [sflag:s22], s20  }
0xa1: {  	s6 =	ssub.s32 $0x0, s20;
	[sflag:s22] =	ssyncset.done $0x0  }
0xa2: {  	[sflag:s22] =	ssyncadd.s32 s6;
	_ =	sdelay $0x1  }
0xa3: {  	s23 =	simm.s32 $0x1B8B  }
0xa4: {  	_ =	swait.ge [sflag:s23], $0x1  }
0xa5: {  	[sflag:s23] =	ssyncset.done $0x0  }
0xa6: {  	s25 =	simm.s32 $0x1B8E;
	s24 =	sld [smem:$0x3FFE];
	[sflag:s23] =	ssyncadd.s32 $0xFFFFFFFF  }
0xa7: {  	s26 =	simm.s32 $execute0_lowered;
	[smem:$0x3FD2] =	sst s25  }
0xa8: {  	s7 =	sshll.u32 s26, $0x1;
	_ =	strace $0x80000046;
	[dreg:$0x1] =	wrdreg $0xFFFFFFFF  }
0xa9: {  	s28 =	simm.s32 $_size_execute0_lowered;
	s5 =	sadd.s32 s5, s7;
	[dreg:$0x0] =	wrdreg $0x0  }
0xaa: {  	s7 =	sshll.u32 s28, $0x1;
	[dreg:$0x2] =	wrdreg s5  }
0xab: {  	[dreg:$0x3] =	wrdreg s7  }
0xac: {  	[dreg:$0x4] =	wrdreg $0xC0  }
0xad: {  	_ =	task [dreg:s9], $0x5FFFF  }
0xae: {  	[dreg:$0x1] =	wrdreg $0xFFFFFFFF  }
0xaf: {  	[dreg:$0x0] =	wrdreg $0x60  }
0xb0: {  	[dreg:$0x2] =	wrdreg s24  }
0xb1: {  	[dreg:$0x3] =	wrdreg s2  }
0xb2: {  	[dreg:$0x4] =	wrdreg s18  }
0xb3: {  	[dreg:$0x5] =	wrdreg s4  }
0xb4: {  	[dreg:$0x6] =	wrdreg $0x9  }
0xb5: {  	_ =	task.clear_ibuf [dreg:s9], $0x7FFFF;
	_ =	strace $0x90000046  }
0xb6: {  	s29 =	simm.s32 $0x9;
	_ =	strace $0x80000048  }
0xb7: {  	_ =	swait.ge [sflag:s29], $0x1  }
0xb8: {  	[sflag:s29] =	ssyncadd.s32 $0xFFFFFFFF  }
0xb9: {  	_ =	strace $0x90000048  }
0xba: {  	_ =	sfence  }
0xbb: {  	s30 =	sld [smem:$0x0];
	_ =	sdelay $0x2  }
0xbc: {  	s31 =	sshll.u32 s1, $0xD;
	s1 =	sshrl.u32 s1, $0x2  }
0xbd: {  	s3 =	sand.u32 $0x4000, s31;
	s1 =	sadd.s32 s1, s30  }
0xbe: {  	s0 =	sor.u32 s3, s0;
	s1 =	sshll.u32 s1, $0x11  }
0xbf: {  	s0 =	sor.u32 s1, s0  }
0xc0: {  	s0 =	sadd.s32 $0x8F2B, s0  }
0xc1: {  	[sflag:s0] =	ssyncadd.remote.s32 $0x1  }
0xc2: {  	_ =	sfence.sel $0xFFFF  }
0xc3: {  	[dreg:$0x0] =	wrdreg $0xFFFFFFFF;
	(pc) =	sbr.abs _section_cstart, $3  }
0xc4: {  	[dreg:$0x1] =	wrdreg $0xFFFFFFFF  }
0xc5: {  	_ =	task.clear_ibuf [dreg:s9], $0x2FFFF;
	_ =	strace $0x9FFFFFFF  }
0xc6: {  	(tm) =	ssettm $0x7FFFFFFF  }
0xc7: {  	_ =	shalt  }
tec
execute0_lowered:
.L_overlay_start_1:
0x0: {  	(tag) =	ssettag $0x1  }
0x1: {  	s0 =	rddreg [dreg:$0x0]  }
0x2: {  	s1 =	rddreg [dreg:$0x1];
	s2 =	srdreg.scid  }
0x3: {  	s3 =	stileid.u32;
	s4 =	rddreg [dreg:$0x3];
	s5 =	simm.s32 $0x0  }
0x4: {  	s28 =	simm.s32 $0x80;
	s2 =	sand.u32 $0x1, s2;
	s3 =	sshll.u32 s3, $0x1  }
0x5: {  	s19 =	simm.s32 $0x12000;
	s3 =	sor.u32 s2, s3;
	s2 =	ssub.s32 $0x2, s2  }
0x6: {  	s30 =	simm.s32 $0x1;
	s6 =	smul.u32 $0xC80, s3;
	s7 =	sshrl.u32 s2, $0x1  }
0x7: {  	s31 =	simm.s32 $0xE;
	s14 =	simm.s32 $0xF;
	s2 =	ssub.s32 s2, s7  }
0x8: {  	[smem:$0x7FF] =	sst s5;
	s8 =	sadd.s32 s6, s0;
	s2 =	smax.u32 s2, $0x1  }
0x9: {  	_ =	strace $0x80000047;
	s23 =	sadd.s32 $0x400, s8;
	[dreg:$0xa] =	wrdreg s2  }
0xa: {  	s15 =	simm.s32 $0x3;
	s24 =	sadd.s32 $0x410, s8;
	[dreg:$0x5] =	wrdreg s23  }
0xb: {  	s13 =	sadd.s32 $0x450, s0;
	s25 =	sadd.s32 $0x420, s8;
	[dreg:$0x6] =	wrdreg s24  }
0xc: {  	s7 =	simm.s32 $0x0;
	s26 =	sadd.s32 $0x430, s8;
	[dreg:$0x7] =	wrdreg s25  }
0xd: {  	s6 =	smul.u32 $0xC8, s3;
	s29 =	sadd.s32 $0x440, s8;
	[dreg:$0x8] =	wrdreg s26  }
0xe: {  	s0 =	simm.s32 $0x2;
	[dreg:$0x9] =	wrdreg s29;
	s26 =	simm.s32 $0xD  }
.LBB2_1:
0xf: {  	s2 =	rddreg [dreg:$0x2]  }
0x10: {  	[tilespmem:s5], [sflag:$0x10] =	stream.linear.gather [hbm4b:s2+s5], $0x6400, $0x38;
	[tilespmem:$0x1E280] =	vst v63  }
0x11: {  	[dreg:$0xb] =	wrdreg s7;
	s3 =	simm.s32 $0x6400  }
0x12: {  	[tilespmem:s3], [sflag:$0x11] =	stream.linear.gather [hbm4b:s2+s5], $0x3C00, $0x38;
	[tilespmem:$0x1E280] =	vst v63  }
0x13: {  	s8 =	rddreg [dreg:$0x5];
	s9 =	simm.s32 $0x1E000  }
0x14: {  	[tilespmem:s9], [sflag:$0xB] =	stream.linear.gather [hbm4b:s8+s5], $0x80, $0x38;
	[tilespmem:$0x1E280] =	vst v63  }
0x15: {  	s10 =	rddreg [dreg:$0x6];
	s11 =	simm.s32 $0x1E080  }
0x16: {  	[tilespmem:s11], [sflag:$0xC] =	stream.linear.gather [hbm4b:s10+s5], $0x80, $0x38;
	[tilespmem:$0x1E280] =	vst v63  }
0x17: {  	s12 =	rddreg [dreg:$0x7];
	s8 =	simm.s32 $0x1E100  }
0x18: {  	[tilespmem:s8], [sflag:$0xD] =	stream.linear.gather [hbm4b:s12+s5], $0x80, $0x38;
	[tilespmem:$0x1E280] =	vst v63  }
0x19: {  	s16 =	rddreg [dreg:$0x8];
	s17 =	simm.s32 $0x1E180  }
0x1a: {  	[tilespmem:s17], [sflag:$0xE] =	stream.linear.gather [hbm4b:s16+s5], $0x80, $0x38;
	[tilespmem:$0x1E280] =	vst v63  }
0x1b: {  	s18 =	rddreg [dreg:$0x9];
	s20 =	simm.s32 $0x1E200;
	s21 =	simm.s32 $0xB  }
0x1c: {  	[tilespmem:s20], [sflag:$0xF] =	stream.linear.gather [hbm4b:s18+s5], $0x80, $0x38;
	[tilespmem:$0x1E280] =	vst v63  }
0x1d: {  	_ =	swait.ge [sflag:s21], $0x80  }
0x1e: {  	[sflag:s21] =	ssyncset.done $0x0  }
0x1f: {  	s22 =	simm.s32 $0xA000;
	s23 =	simm.s32 $0xC;
	[sflag:s21] =	ssyncadd.s32 $0xFFFFFF80  }
0x20: {  	[tilespmem:s22], [sflag:$0x1] =	stream.indirect.gather [hbm4b:s1+s28], $0x80, s9, s28, $0xb8;
	[tilespmem:$0x1E280] =	vst v63  }
0x21: {  	_ =	swait.ge [sflag:s23], $0x80  }
0x22: {  	[sflag:s23] =	ssyncset.done $0x0  }
0x23: {  	s24 =	simm.s32 $0xE000;
	s25 =	simm.s32 $0x10;
	[sflag:s23] =	ssyncadd.s32 $0xFFFFFF80  }
0x24: {  	[tilespmem:s24], [sflag:$0x2] =	stream.indirect.gather [hbm4b:s1+s28], $0x80, s11, s28, $0xb8;
	[tilespmem:$0x1E280] =	vst v63  }
0x25: {  	_ =	swait.ge [sflag:s25], $0x6400  }
0x26: {  	s29 =	simm.s32 $0x11;
	[sflag:s25] =	ssyncset.done $0x0  }
0x27: {  	s7 =	simm.s32 $0x0;
	s12 =	simm.s32 $0x100;
	[sflag:s25] =	ssyncadd.s32 $0xFFFF9C00  }
0x28: {  	s8 =	simm.s32 $0x0;
	s16 =	simm.s32 $0x0;
	_ =	swait.ge [sflag:s29], $0x3C00  }
0x29: {  	s20 =	simm.s32 $0x180;
	s22 =	simm.s32 $0x200;
	[sflag:s29] =	ssyncset.done $0x0  }
0x2a: {  	s24 =	simm.s32 $0x0;
	s25 =	simm.s32 $0x80;
	[sflag:s29] =	ssyncadd.s32 $0xFFFFC400  }
.LBB2_2:
0x2b: {  	s2 =	sand.u32 $0xFFFF, s16  }
0x2c: {  	s2 =	smul.u32 $0x47AF, s2;
	_ =	sdelay $0x1  }
0x2d: {  	s2 =	sshrl.u32 s2, $0x10  }
0x2e: {  	s3 =	ssub.s32 s16, s2  }
0x2f: {  	s3 =	sand.u32 $0xFFFE, s3  }
0x30: {  	s3 =	sshrl.u32 s3, $0x1  }
0x31: {  	s2 =	sadd.s32 s2, s3  }
0x32: {  	s2 =	sshrl.u32 s2, $0x4  }
0x33: {  	s2 =	smul.u32 $0xC80, s2  }
0x34: {  	p0 =	seq.s32 s8, $0x0  }
0x35: {  	s9 =	simm.s32 @!p0 $0x8;
	s21 =	ssub.s32 s7, s2  }
0x36: {  	_ =	swait.ge @!p0 [sflag:s9], $0x4000;
	s3 =	sand.u32 $0xFFF8, s21  }
0x37: {  	s11 =	smul.u32 $0x5, s8;
	[sflag:s9] =	ssyncset.done @!p0 $0x0;
	s3 =	sshrl.u32 s3, $0x3  }
0x38: {  	[sflag:s9] =	ssyncadd.s32 @!p0 $0xFFFFC000;
	s3 =	smul.u32 $0x147B, s3  }
0x39: {  	s23 =	simm.s32 $0x1E100;
	p1 =	seq.s32 s8, $0x27;
	_ =	swait.ge [sflag:s26], $0x80  }
0x3a: {  	s17 =	simm.s32 $0xA200;
	[sflag:s26] =	ssyncset.done $0x0;
	s3 =	sshrl.u32 s3, $0x11  }
0x3b: {  	s10 =	simm.s32 @!p1 $0x1E000;
	[sflag:s26] =	ssyncadd.s32 $0xFFFFFF80;
	s3 =	smul.u32 $0xC8, s3  }
0x3c: {  	[tilespmem:s19], [sflag:$0x3] =	stream.indirect.gather [hbm4b:s1+s28], $0x80, s23, s28, $0xb8;
	[tilespmem:$0x1E280] =	vst v63  }
0x3d: {  	s9 =	sadd.s32 @!p1 s6, s11;
	_ =	swait.ge [sflag:s30], $0x4000;
	s3 =	ssub.s32 s7, s3  }
0x3e: {  	[sflag:s30] =	ssyncset.done $0x0;
	s2 =	ssub.s32 s3, s2;
	s3 =	sshll.u32 @!p1 s9, $0x4  }
0x3f: {  	[sflag:s30] =	ssyncadd.s32 $0xFFFFC000;
	s9 =	simm.s32 @!p1 $0x0;
	s3 =	sadd.s32 @!p1 s13, s3  }
0x40: {  	[tilespmem:s10], [sflag:$0xB] =	stream.linear.gather @!p1 [hbm4b:s3+s9], $0x80, $0x38;
	[tilespmem:$0x1E280] =	vst v63  }
0x41: {  	v0 =	vld [tilespmem:s17+$0x180]  }
0x42: {  	v1 =	vld [tilespmem:s17+$0xFFFFFE80]  }
0x43: {  	s2 =	sand.u32 $0xFFFF, s2;
	v3 =	vld [tilespmem:s17+$0xFFFFFF00]  }
0x44: {  	s2 =	sshll.u32 s2, $0x7;
	v4 =	vld [tilespmem:s17+$0xFFFFFF80]  }
0x45: {  	s23 =	sadd.s32 $0x200, s2;
	v5 =	vld [tilespmem:s17+$0x0]  }
0x46: {  	v2 =	vld [tilespmem:s23+$0x180]  }
0x47: {  	v6 =	vld [tilespmem:s17+$0x80]  }
0x48: {  	v7 =	vld [tilespmem:s17+$0x100]  }
0x49: {  	v8 =	vld [tilespmem:s17+$0xFFFFFE00];
	v0 =	vmul.f32 $1.131370830e+01, v0  }
0x4a: {  	v9 =	vld [tilespmem:s23+$0xFFFFFE00]  }
0x4b: {  	v10 =	vld [tilespmem:s23+$0xFFFFFE80];
	v0 =	vadd.f32 v2, v0  }
0x4c: {  	v2 =	vld [tilespmem:s17+$0x190]  }
0x4d: {  	v11 =	vld [tilespmem:s23+$0xFFFFFF00];
	[tilespmem:s17+$0x180] =	vst v0  }
0x4e: {  	v0 =	vld [tilespmem:s23+$0x190]  }
0x4f: {  	v12 =	vld [tilespmem:s23+$0xFFFFFF80];
	v8 =	vmul.f32 $1.131370830e+01, v8  }
0x50: {  	v13 =	vld [tilespmem:s23+$0x0];
	v1 =	vmul.f32 $1.131370830e+01, v1  }
0x51: {  	v8 =	vadd.f32 v9, v8;
	v9 =	vld [tilespmem:s23+$0x80];
	v2 =	vmul.f32 $1.131370830e+01, v2  }
0x52: {  	v1 =	vadd.f32 v10, v1;
	v10 =	vld [tilespmem:s17+$0xFFFFFF90]  }
0x53: {  	v3 =	vmul.f32 $1.131370830e+01, v3;
	[tilespmem:s17+$0xFFFFFE00] =	vst v8;
	v8 =	vld [tilespmem:s23+$0x100];
	v0 =	vadd.f32 v0, v2  }
0x54: {  	v5 =	vmul.f32 $1.131370830e+01, v5;
	[tilespmem:s17+$0xFFFFFE80] =	vst v1;
	v2 =	vld [tilespmem:s17+$0x1A0]  }
0x55: {  	v3 =	vadd.f32 v11, v3;
	v1 =	vld [tilespmem:s17+$0xFFFFFE10];
	[tilespmem:s17+$0x190] =	vst v0  }
0x56: {  	v5 =	vadd.f32 v13, v5;
	v0 =	vmul.f32 $1.131370830e+01, v4;
	v4 =	vld [tilespmem:s23+$0x1A0]  }
0x57: {  	[tilespmem:s17+$0xFFFFFF00] =	vst v3;
	v3 =	vld [tilespmem:s17+$0xFFFFFE90]  }
0x58: {  	[tilespmem:s17+$0x0] =	vst v5;
	v5 =	vld [tilespmem:s17+$0x1B0];
	v0 =	vadd.f32 v12, v0  }
0x59: {  	v11 =	vld [tilespmem:s23+$0xFFFFFF10];
	v2 =	vmul.f32 $1.131370830e+01, v2  }
0x5a: {  	v6 =	vmul.f32 $1.131370830e+01, v6;
	v7 =	vmul.f32 $1.131370830e+01, v7;
	[tilespmem:s17+$0xFFFFFF80] =	vst v0;
	v0 =	vld [tilespmem:s17+$0xFFFFFF10]  }
0x5b: {  	v51 =	vld [tilespmem:s23+$0xFFFFFF90];
	v2 =	vadd.f32 v4, v2  }
0x5c: {  	v4 =	vadd.f32 v9, v6;
	v6 =	vadd.f32 v8, v7;
	v7 =	vld [tilespmem:s17+$0x10]  }
0x5d: {  	v8 =	vld [tilespmem:s23+$0xFFFFFE10]  }
0x5e: {  	v9 =	vld [tilespmem:s23+$0xFFFFFE90];
	[tilespmem:s17+$0x1A0] =	vst v2  }
0x5f: {  	v10 =	vmul.f32 $1.131370830e+01, v10;
	[tilespmem:s17+$0x80] =	vst v4;
	v4 =	vld [tilespmem:s17+$0x90]  }
0x60: {  	v1 =	vmul.f32 $1.131370830e+01, v1;
	[tilespmem:s17+$0x100] =	vst v6;
	v6 =	vld [tilespmem:s17+$0x110]  }
0x61: {  	v2 =	vld [tilespmem:s23+$0x1B0];
	v0 =	vmul.f32 $1.131370830e+01, v0;
	v10 =	vadd.f32 v51, v10  }
0x62: {  	v1 =	vadd.f32 v8, v1;
	v8 =	vld [tilespmem:s23+$0x10]  }
0x63: {  	v0 =	vadd.f32 v11, v0;
	v11 =	vld [tilespmem:s17+$0xFFFFFEA0];
	[tilespmem:s17+$0xFFFFFF90] =	vst v10  }
0x64: {  	v5 =	vmul.f32 $1.131370830e+01, v5;
	[tilespmem:s17+$0xFFFFFE10] =	vst v1;
	v1 =	vld [tilespmem:s23+$0x110]  }
0x65: {  	v53 =	vld [tilespmem:s23+$0xFFFFFFA0]  }
0x66: {  	v7 =	vmul.f32 $1.131370830e+01, v7;
	[tilespmem:s17+$0xFFFFFF10] =	vst v0;
	v2 =	vadd.f32 v2, v5;
	v5 =	vld [tilespmem:s17+$0x1C0]  }
0x67: {  	v52 =	vld [tilespmem:s23+$0xFFFFFF20]  }
0x68: {  	v0 =	vadd.f32 v8, v7;
	v7 =	vld [tilespmem:s17+$0x1D0]  }
0x69: {  	[tilespmem:s17+$0x1B0] =	vst v2;
	v2 =	vmul.f32 $1.131370830e+01, v3;
	v8 =	vld [tilespmem:s17+$0xFFFFFF20]  }
0x6a: {  	v6 =	vmul.f32 $1.131370830e+01, v6;
	v3 =	vld [tilespmem:s23+$0x1C0]  }
0x6b: {  	v2 =	vadd.f32 v9, v2;
	v9 =	vld [tilespmem:s23+$0x90]  }
0x6c: {  	[tilespmem:s17+$0x10] =	vst v0;
	v0 =	vadd.f32 v1, v6;
	v1 =	vld [tilespmem:s17+$0xFFFFFFA0]  }
0x6d: {  	v6 =	vld [tilespmem:s17+$0x120]  }
0x6e: {  	[tilespmem:s17+$0xFFFFFE90] =	vst v2;
	v2 =	vld [tilespmem:s17+$0xFFFFFE20]  }
0x6f: {  	v4 =	vmul.f32 $1.131370830e+01, v4;
	v5 =	vmul.f32 $1.131370830e+01, v5;
	v10 =	vld [tilespmem:s23+$0xFFFFFEA0]  }
0x70: {  	[tilespmem:s17+$0x110] =	vst v0;
	v0 =	vld [tilespmem:s17+$0xA0]  }
0x71: {  	v3 =	vadd.f32 v3, v5;
	v5 =	vmul.f32 $1.131370830e+01, v11;
	v11 =	vld [tilespmem:s23+$0x20];
	v4 =	vadd.f32 v9, v4  }
0x72: {  	v9 =	vld [tilespmem:s23+$0xFFFFFE20];
	v1 =	vmul.f32 $1.131370830e+01, v1  }
0x73: {  	[tilespmem:s17+$0x90] =	vst v4;
	v4 =	vld [tilespmem:s17+$0x20]  }
0x74: {  	[tilespmem:s17+$0x1C0] =	vst v3;
	v1 =	vadd.f32 v53, v1;
	v3 =	vadd.f32 v10, v5;
	v5 =	vld [tilespmem:s23+$0x120]  }
0x75: {  	v2 =	vmul.f32 $1.131370830e+01, v2;
	v10 =	vld [tilespmem:s23+$0x1D0]  }
0x76: {  	[tilespmem:s17+$0xFFFFFFA0] =	vst v1;
	v1 =	vld [tilespmem:s17+$0xFFFFFF30]  }
0x77: {  	v8 =	vmul.f32 $1.131370830e+01, v8;
	v2 =	vadd.f32 v9, v2;
	v9 =	vld [tilespmem:s23+$0xA0]  }
0x78: {  	[tilespmem:s17+$0xFFFFFEA0] =	vst v3;
	v3 =	vld [tilespmem:s17+$0xFFFFFE30]  }
0x79: {  	v54 =	vld [tilespmem:s23+$0xFFFFFFB0];
	v4 =	vmul.f32 $1.131370830e+01, v4;
	[tilespmem:s17+$0xFFFFFE20] =	vst v2;
	v2 =	vadd.f32 v52, v8  }
0x7a: {  	v0 =	vmul.f32 $1.131370830e+01, v0;
	v8 =	vld [tilespmem:s23+$0xFFFFFE30]  }
0x7b: {  	[tilespmem:s17+$0xFFFFFF20] =	vst v2;
	v2 =	vadd.f32 v11, v4;
	v4 =	vld [tilespmem:s17+$0xFFFFFEB0]  }
0x7c: {  	v6 =	vmul.f32 $1.131370830e+01, v6;
	v0 =	vadd.f32 v9, v0;
	v9 =	vld [tilespmem:s23+$0xFFFFFEB0]  }
0x7d: {  	v11 =	vld [tilespmem:s23+$0xFFFFFF30]  }
0x7e: {  	[tilespmem:s17+$0x20] =	vst v2;
	v2 =	vadd.f32 v5, v6;
	v5 =	vld [tilespmem:s17+$0xFFFFFFB0]  }
0x7f: {  	v6 =	vld [tilespmem:s17+$0x130]  }
0x80: {  	v3 =	vmul.f32 $1.131370830e+01, v3;
	[tilespmem:s17+$0xA0] =	vst v0;
	v0 =	vld [tilespmem:s17+$0x30]  }
0x81: {  	v55 =	vld [tilespmem:s23+$0x30]  }
0x82: {  	[tilespmem:s17+$0x120] =	vst v2;
	v2 =	vld [tilespmem:s17+$0xB0];
	v3 =	vadd.f32 v8, v3  }
0x83: {  	v1 =	vmul.f32 $1.131370830e+01, v1;
	v8 =	vld [tilespmem:s23+$0xB0]  }
0x84: {  	v4 =	vmul.f32 $1.131370830e+01, v4;
	[tilespmem:s17+$0xFFFFFE30] =	vst v3;
	v3 =	vld [tilespmem:s17+$0x1E0]  }
0x85: {  	v1 =	vadd.f32 v11, v1;
	v11 =	vld [tilespmem:s17+$0xFFFFFE40]  }
0x86: {  	v5 =	vmul.f32 $1.131370830e+01, v5;
	v4 =	vadd.f32 v9, v4;
	v9 =	vld [tilespmem:s23+$0x130]  }
0x87: {  	[tilespmem:s17+$0xFFFFFF30] =	vst v1;
	v1 =	vld [tilespmem:s17+$0xFFFFFF40]  }
0x88: {  	v0 =	vmul.f32 $1.131370830e+01, v0;
	[tilespmem:s17+$0xFFFFFEB0] =	vst v4;
	v4 =	vadd.f32 v54, v5;
	v5 =	vmul.f32 $1.131370830e+01, v6;
	v6 =	vld [tilespmem:s17+$0xFFFFFEC0]  }
0x89: {  	v2 =	vmul.f32 $1.131370830e+01, v2;
	v56 =	vld [tilespmem:s23+$0xFFFFFF40]  }
0x8a: {  	v0 =	vadd.f32 v55, v0;
	[tilespmem:s17+$0xFFFFFFB0] =	vst v4;
	v4 =	vld [tilespmem:s17+$0xFFFFFFC0]  }
0x8b: {  	v2 =	vadd.f32 v8, v2;
	v8 =	vld [tilespmem:s23+$0xFFFFFE40]  }
0x8c: {  	[tilespmem:s17+$0x30] =	vst v0;
	v0 =	vadd.f32 v9, v5;
	v5 =	vld [tilespmem:s17+$0x40]  }
0x8d: {  	v9 =	vld [tilespmem:s23+$0xFFFFFEC0]  }
0x8e: {  	v7 =	vmul.f32 $1.131370830e+01, v7;
	v57 =	vld [tilespmem:s23+$0xFFFFFFC0]  }
0x8f: {  	[tilespmem:s17+$0xB0] =	vst v2;
	v2 =	vld [tilespmem:s17+$0xC0]  }
0x90: {  	v7 =	vadd.f32 v10, v7;
	v10 =	vld [tilespmem:s23+$0x40]  }
0x91: {  	v11 =	vmul.f32 $1.131370830e+01, v11;
	[tilespmem:s17+$0x130] =	vst v0;
	v0 =	vld [tilespmem:s17+$0x140]  }
0x92: {  	[tilespmem:s17+$0x1D0] =	vst v7;
	v6 =	vmul.f32 $1.131370830e+01, v6;
	v7 =	vld [tilespmem:s23+$0x140]  }
0x93: {  	v1 =	vmul.f32 $1.131370830e+01, v1;
	v8 =	vadd.f32 v8, v11;
	v11 =	vld [tilespmem:s23+$0xC0]  }
0x94: {  	v4 =	vmul.f32 $1.131370830e+01, v4;
	v6 =	vadd.f32 v9, v6;
	v9 =	vld [tilespmem:s23+$0x1E0]  }
0x95: {  	v1 =	vadd.f32 v56, v1;
	v5 =	vmul.f32 $1.131370830e+01, v5;
	[tilespmem:s17+$0xFFFFFE40] =	vst v8;
	v8 =	vld [tilespmem:s17+$0xFFFFFE50]  }
0x96: {  	v4 =	vadd.f32 v57, v4;
	[tilespmem:s17+$0xFFFFFEC0] =	vst v6;
	v6 =	vld [tilespmem:s17+$0xFFFFFED0]  }
0x97: {  	[tilespmem:s17+$0xFFFFFF40] =	vst v1;
	v1 =	vadd.f32 v10, v5;
	v5 =	vld [tilespmem:s17+$0xFFFFFF50]  }
0x98: {  	[tilespmem:s17+$0xFFFFFFC0] =	vst v4;
	v4 =	vld [tilespmem:s17+$0xFFFFFFD0]  }
0x99: {  	v0 =	vmul.f32 $1.131370830e+01, v0;
	v10 =	vld [tilespmem:s23+$0xFFFFFED0]  }
0x9a: {  	v2 =	vmul.f32 $1.131370830e+01, v2;
	[tilespmem:s17+$0x40] =	vst v1;
	v1 =	vld [tilespmem:s17+$0x50]  }
0x9b: {  	v0 =	vadd.f32 v7, v0;
	v7 =	vld [tilespmem:s23+$0xFFFFFE50]  }
0x9c: {  	v2 =	vadd.f32 v11, v2;
	v11 =	vld [tilespmem:s23+$0xFFFFFF50]  }
0x9d: {  	v58 =	vld [tilespmem:s23+$0xFFFFFFD0]  }
0x9e: {  	v59 =	vld [tilespmem:s23+$0x50]  }
0x9f: {  	[tilespmem:s17+$0xC0] =	vst v2;
	v2 =	vld [tilespmem:s17+$0xD0];
	v8 =	vmul.f32 $1.131370830e+01, v8  }
0xa0: {  	[tilespmem:s17+$0x140] =	vst v0;
	v0 =	vld [tilespmem:s17+$0x150];
	v6 =	vmul.f32 $1.131370830e+01, v6  }
0xa1: {  	v5 =	vmul.f32 $1.131370830e+01, v5;
	v7 =	vadd.f32 v7, v8;
	v8 =	vld [tilespmem:s23+$0xD0]  }
0xa2: {  	v6 =	vadd.f32 v10, v6;
	v10 =	vld [tilespmem:s23+$0x150]  }
0xa3: {  	v4 =	vmul.f32 $1.131370830e+01, v4;
	v5 =	vadd.f32 v11, v5;
	v11 =	vld [tilespmem:s17+$0xFFFFFE60]  }
0xa4: {  	[tilespmem:s17+$0xFFFFFE50] =	vst v7;
	v7 =	vld [tilespmem:s17+$0x1F0]  }
0xa5: {  	v1 =	vmul.f32 $1.131370830e+01, v1;
	v4 =	vadd.f32 v58, v4;
	[tilespmem:s17+$0xFFFFFED0] =	vst v6;
	v6 =	vld [tilespmem:s17+$0xFFFFFEE0]  }
0xa6: {  	[tilespmem:s17+$0xFFFFFF50] =	vst v5;
	v5 =	vld [tilespmem:s17+$0xFFFFFF60]  }
0xa7: {  	v1 =	vadd.f32 v59, v1;
	[tilespmem:s17+$0xFFFFFFD0] =	vst v4;
	v4 =	vld [tilespmem:s17+$0xFFFFFFE0]  }
0xa8: {  	v60 =	vld [tilespmem:s23+$0xFFFFFF60]  }
0xa9: {  	v2 =	vmul.f32 $1.131370830e+01, v2;
	[tilespmem:s17+$0x50] =	vst v1;
	v1 =	vld [tilespmem:s17+$0x60]  }
0xaa: {  	s9 =	smulhi.u32 $0x51EB851F, s24;
	v0 =	vmul.f32 $1.131370830e+01, v0;
	v61 =	vld [tilespmem:s23+$0xFFFFFFE0]  }
0xab: {  	v3 =	vmul.f32 $1.131370830e+01, v3;
	v2 =	vadd.f32 v8, v2;
	v8 =	vld [tilespmem:s23+$0xFFFFFE60]  }
0xac: {  	s2 =	sshrl.u32 s9, $0x3;
	v0 =	vadd.f32 v10, v0;
	v10 =	vld [tilespmem:s23+$0xFFFFFEE0]  }
0xad: {  	s2 =	smul.u32 $0xC80, s2;
	v3 =	vadd.f32 v9, v3;
	v9 =	vld [tilespmem:s23+$0x60]  }
0xae: {  	v11 =	vmul.f32 $1.131370830e+01, v11;
	[tilespmem:s17+$0xD0] =	vst v2;
	v2 =	vld [tilespmem:s17+$0xE0]  }
0xaf: {  	s10 =	ssub.s32 s22, s2;
	[tilespmem:s17+$0x150] =	vst v0;
	v0 =	vld [tilespmem:s17+$0x160];
	v6 =	vmul.f32 $1.131370830e+01, v6;
	v5 =	vmul.f32 $1.131370830e+01, v5  }
0xb0: {  	s18 =	ssub.s32 s20, s2;
	s19 =	ssub.s32 s12, s2;
	s3 =	sand.u32 $0xFFF8, s10;
	v8 =	vadd.f32 v8, v11;
	v11 =	vld [tilespmem:s23+$0xE0]  }
0xb1: {  	s9 =	sand.u32 $0xFFF8, s18;
	s10 =	sand.u32 $0xFFF8, s19;
	s3 =	sshrl.u32 s3, $0x3;
	[tilespmem:s17+$0x1E0] =	vst v3;
	v3 =	vmul.f32 $1.131370830e+01, v4;
	v5 =	vadd.f32 v60, v5;
	v4 =	vadd.f32 v10, v6;
	v6 =	vld [tilespmem:s23+$0x160]  }
0xb2: {  	s18 =	ssub.s32 s25, s2;
	s9 =	sshrl.u32 s9, $0x3;
	s3 =	smul.u32 $0x147B, s3;
	v1 =	vmul.f32 $1.131370830e+01, v1;
	v10 =	vld [tilespmem:s23+$0x1F0]  }
0xb3: {  	s10 =	sshrl.u32 s10, $0x3;
	s18 =	sand.u32 $0xFFF8, s18;
	s9 =	smul.u32 $0x147B, s9;
	[tilespmem:s17+$0xFFFFFF60] =	vst v5;
	v5 =	vld [tilespmem:s17+$0xFFFFFF70]  }
0xb4: {  	s10 =	smul.u32 $0x147B, s10;
	s18 =	sshrl.u32 s18, $0x3;
	v1 =	vadd.f32 v9, v1;
	v9 =	vld [tilespmem:s17+$0x70]  }
0xb5: {  	s18 =	smul.u32 $0x147B, s18;
	s3 =	sshrl.u32 s3, $0x11;
	v3 =	vadd.f32 v61, v3;
	[tilespmem:s17+$0xFFFFFE60] =	vst v8;
	v8 =	vld [tilespmem:s17+$0xFFFFFE70]  }
0xb6: {  	s10 =	sshrl.u32 s10, $0x11;
	s3 =	smul.u32 $0xC8, s3;
	[tilespmem:s17+$0xFFFFFEE0] =	vst v4;
	v4 =	vld [tilespmem:s17+$0xFFFFFEF0]  }
0xb7: {  	s9 =	sshrl.u32 s9, $0x11;
	s10 =	smul.u32 $0xC8, s10;
	v2 =	vmul.f32 $1.131370830e+01, v2;
	[tilespmem:s17+$0xFFFFFFE0] =	vst v3;
	v3 =	vld [tilespmem:s17+$0xFFFFFFF0]  }
0xb8: {  	s29 =	simm.s32 $0x0;
	s21 =	smul.u32 $0xC8, s9;
	v0 =	vmul.f32 $1.131370830e+01, v0;
	v62 =	vld [tilespmem:s23+$0xFFFFFE70]  }
0xb9: {  	s18 =	sshrl.u32 s18, $0x11;
	s3 =	ssub.s32 s22, s3;
	s10 =	ssub.s32 s12, s10;
	v63 =	vld [tilespmem:s23+$0xFFFFFEF0];
	v2 =	vadd.f32 v11, v2  }
0xba: {  	s18 =	smul.u32 $0xC8, s18;
	s3 =	ssub.s32 s3, s2;
	s10 =	ssub.s32 s10, s2;
	v0 =	vadd.f32 v6, v0;
	v11 =	vld [tilespmem:s17+$0x170]  }
0xbb: {  	s19 =	ssub.s32 s20, s21;
	s3 =	sand.u32 $0xFFFF, s3;
	s10 =	sand.u32 $0xFFFF, s10;
	[tilespmem:s17+$0xE0] =	vst v2;
	v2 =	vld [tilespmem:s17+$0xF0]  }
0xbc: {  	s18 =	ssub.s32 s25, s18;
	s3 =	sshll.u32 s3, $0x7;
	s21 =	sshll.u32 s10, $0x7;
	v6 =	vmul.f32 $1.131370830e+01, v7;
	[tilespmem:s17+$0x160] =	vst v0;
	v0 =	vld [tilespmem:s23+$0xFFFFFF70]  }
0xbd: {  	s9 =	sadd.s32 $0x200, s3;
	s3 =	ssub.s32 s19, s2;
	s2 =	ssub.s32 s18, s2;
	[tilespmem:s17+$0x60] =	vst v1;
	v1 =	vld [tilespmem:s23+$0xFFFFFFF0];
	v14 =	vmul.f32 $1.131370830e+01, v8  }
0xbe: {  	s19 =	sadd.s32 $0x200, s21;
	s3 =	sand.u32 $0xFFFF, s3;
	s2 =	sand.u32 $0xFFFF, s2;
	v7 =	vmul.f32 $1.131370830e+01, v5;
	v15 =	vmul.f32 $1.131370830e+01, v4;
	v10 =	vadd.f32 v10, v6;
	v6 =	vld [tilespmem:s23+$0x70]  }
0xbf: {  	s18 =	sadd.s32 $0x2, s11;
	s3 =	sshll.u32 s3, $0x7;
	s2 =	sshll.u32 s2, $0x7;
	v3 =	vmul.f32 $1.131370830e+01, v3;
	v8 =	vld [tilespmem:s23+$0xF0];
	v5 =	vmul.f32 $1.131370830e+01, v11;
	v11 =	vadd.f32 v62, v14  }
0xc0: {  	s10 =	sadd.s32 $0x200, s3;
	s21 =	sadd.s32 $0x200, s2;
	s2 =	simm.s32 $0xA600;
	v4 =	vmul.f32 $1.131370830e+01, v9;
	v9 =	vld [tilespmem:s23+$0x170];
	[tilespmem:s17+$0x1F0] =	vst v10;
	v10 =	vadd.f32 v63, v15;
	v2 =	vmul.f32 $1.131370830e+01, v2  }
.LBB2_3:
0xc1: {  	v12 =	vld [tilespmem:s2+$0x180];
	s29 =	sadd.s32 $0x8, s29;
	[tilespmem:s17+$0xFFFFFE70] =	vst v11;
	v0 =	vadd.f32 v0, v7  }
0xc2: {  	s23 =	sadd.s32 $0x400, s23;
	v7 =	vld [tilespmem:s2+$0xFFFFFE80];
	p2 =	slt.u32 s29, $0x78;
	[tilespmem:s17+$0xFFFFFEF0] =	vst v10;
	v1 =	vadd.f32 v1, v3  }
0xc3: {  	v3 =	vld [tilespmem:s23+$0x180];
	[tilespmem:s17+$0xFFFFFF70] =	vst v0;
	v0 =	vadd.f32 v6, v4  }
0xc4: {  	v4 =	vld [tilespmem:s2+$0xFFFFFF00];
	[tilespmem:s17+$0xFFFFFFF0] =	vst v1;
	v1 =	vadd.f32 v8, v2  }
0xc5: {  	v2 =	vld [tilespmem:s2+$0xFFFFFF80];
	[tilespmem:s17+$0x70] =	vst v0;
	v0 =	vadd.f32 v9, v5  }
0xc6: {  	v5 =	vld [tilespmem:s2+$0x0];
	v6 =	vmul.f32 $1.131370830e+01, v12;
	[tilespmem:s17+$0xF0] =	vst v1  }
0xc7: {  	v1 =	vmul.f32 $1.131370830e+01, v7;
	v7 =	vld [tilespmem:s2+$0x80];
	[tilespmem:s17+$0x170] =	vst v0;
	s17 =	smov.u32 s2  }
0xc8: {  	v0 =	vld [tilespmem:s2+$0x100];
	v3 =	vadd.f32 v3, v6  }
0xc9: {  	v4 =	vmul.f32 $1.131370830e+01, v4;
	v6 =	vld [tilespmem:s2+$0x190]  }
0xca: {  	v8 =	vld [tilespmem:s2+$0xFFFFFE00];
	v2 =	vmul.f32 $1.131370830e+01, v2;
	[tilespmem:s2+$0x180] =	vst v3  }
0xcb: {  	v3 =	vmul.f32 $1.131370830e+01, v5;
	v5 =	vld [tilespmem:s23+$0x190]  }
0xcc: {  	v9 =	vld [tilespmem:s23+$0xFFFFFE00];
	v7 =	vmul.f32 $1.131370830e+01, v7  }
0xcd: {  	v10 =	vld [tilespmem:s23+$0xFFFFFE80];
	v0 =	vmul.f32 $1.131370830e+01, v0  }
0xce: {  	v11 =	vld [tilespmem:s23+$0xFFFFFF00];
	v6 =	vmul.f32 $1.131370830e+01, v6  }
0xcf: {  	v8 =	vmul.f32 $1.131370830e+01, v8;
	v12 =	vld [tilespmem:s23+$0xFFFFFF80]  }
0xd0: {  	v13 =	vld [tilespmem:s23+$0x0];
	v5 =	vadd.f32 v5, v6  }
0xd1: {  	v6 =	vadd.f32 v9, v8;
	v8 =	vld [tilespmem:s2+$0x1A0]  }
0xd2: {  	v1 =	vadd.f32 v10, v1;
	v9 =	vld [tilespmem:s23+$0x80];
	[tilespmem:s2+$0x190] =	vst v5  }
0xd3: {  	[tilespmem:s2+$0xFFFFFE00] =	vst v6;
	v4 =	vadd.f32 v11, v4;
	v5 =	vld [tilespmem:s23+$0x1A0]  }
0xd4: {  	[tilespmem:s2+$0xFFFFFE80] =	vst v1;
	v1 =	vadd.f32 v12, v2;
	v2 =	vld [tilespmem:s23+$0x100]  }
0xd5: {  	v6 =	vld [tilespmem:s2+$0xFFFFFE10];
	[tilespmem:s2+$0xFFFFFF00] =	vst v4;
	v3 =	vadd.f32 v13, v3  }
0xd6: {  	v4 =	vld [tilespmem:s2+$0xFFFFFE90];
	[tilespmem:s2+$0xFFFFFF80] =	vst v1;
	v1 =	vmul.f32 $1.131370830e+01, v8  }
0xd7: {  	v8 =	vld [tilespmem:s2+$0xFFFFFF10];
	[tilespmem:s2+$0x0] =	vst v3;
	v3 =	vadd.f32 v9, v7  }
0xd8: {  	v7 =	vld [tilespmem:s2+$0xFFFFFF90];
	v1 =	vadd.f32 v5, v1  }
0xd9: {  	[tilespmem:s2+$0x80] =	vst v3;
	v0 =	vadd.f32 v2, v0;
	v2 =	vld [tilespmem:s2+$0x1B0]  }
0xda: {  	v3 =	vmul.f32 $1.131370830e+01, v6;
	v5 =	vld [tilespmem:s2+$0x10];
	[tilespmem:s2+$0x1A0] =	vst v1  }
0xdb: {  	v1 =	vmul.f32 $1.131370830e+01, v4;
	[tilespmem:s2+$0x100] =	vst v0;
	v0 =	vld [tilespmem:s23+$0x1B0]  }
0xdc: {  	v4 =	vmul.f32 $1.131370830e+01, v8;
	v6 =	vld [tilespmem:s2+$0x90]  }
0xdd: {  	v7 =	vmul.f32 $1.131370830e+01, v7;
	v8 =	vld [tilespmem:s2+$0x110]  }
0xde: {  	v9 =	vld [tilespmem:s23+$0xFFFFFE10];
	v2 =	vmul.f32 $1.131370830e+01, v2  }
0xdf: {  	v10 =	vld [tilespmem:s23+$0xFFFFFE90];
	v5 =	vmul.f32 $1.131370830e+01, v5  }
0xe0: {  	v11 =	vld [tilespmem:s23+$0xFFFFFF10];
	v0 =	vadd.f32 v0, v2  }
0xe1: {  	v2 =	vmul.f32 $1.131370830e+01, v6;
	v6 =	vld [tilespmem:s2+$0x1C0]  }
0xe2: {  	v12 =	vld [tilespmem:s23+$0xFFFFFF90];
	v8 =	vmul.f32 $1.131370830e+01, v8;
	[tilespmem:s2+$0x1B0] =	vst v0  }
0xe3: {  	v0 =	vadd.f32 v9, v3;
	v3 =	vld [tilespmem:s23+$0x1C0]  }
0xe4: {  	v1 =	vadd.f32 v10, v1;
	v9 =	vld [tilespmem:s23+$0x10]  }
0xe5: {  	[tilespmem:s2+$0xFFFFFE10] =	vst v0;
	v0 =	vadd.f32 v11, v4;
	v4 =	vld [tilespmem:s23+$0x90]  }
0xe6: {  	[tilespmem:s2+$0xFFFFFE90] =	vst v1;
	v1 =	vld [tilespmem:s23+$0x110];
	v6 =	vmul.f32 $1.131370830e+01, v6  }
0xe7: {  	v10 =	vld [tilespmem:s2+$0xFFFFFE20];
	[tilespmem:s2+$0xFFFFFF10] =	vst v0;
	v0 =	vadd.f32 v12, v7  }
0xe8: {  	v7 =	vld [tilespmem:s2+$0xFFFFFEA0];
	v3 =	vadd.f32 v3, v6  }
0xe9: {  	[tilespmem:s2+$0xFFFFFF90] =	vst v0;
	v0 =	vadd.f32 v9, v5;
	v5 =	vld [tilespmem:s2+$0x1D0]  }
0xea: {  	v6 =	vld [tilespmem:s2+$0xFFFFFF20];
	v2 =	vadd.f32 v4, v2;
	[tilespmem:s2+$0x1C0] =	vst v3  }
0xeb: {  	[tilespmem:s2+$0x10] =	vst v0;
	v0 =	vadd.f32 v1, v8;
	v1 =	vld [tilespmem:s23+$0x1D0]  }
0xec: {  	v3 =	vmul.f32 $1.131370830e+01, v10;
	v4 =	vld [tilespmem:s2+$0xFFFFFFA0];
	[tilespmem:s2+$0x90] =	vst v2  }
0xed: {  	v2 =	vmul.f32 $1.131370830e+01, v7;
	v7 =	vld [tilespmem:s2+$0x20];
	[tilespmem:s2+$0x110] =	vst v0  }
0xee: {  	v0 =	vld [tilespmem:s2+$0xA0];
	v5 =	vmul.f32 $1.131370830e+01, v5  }
0xef: {  	v6 =	vmul.f32 $1.131370830e+01, v6;
	v8 =	vld [tilespmem:s2+$0x120]  }
0xf0: {  	v9 =	vld [tilespmem:s23+$0xFFFFFE20];
	v1 =	vadd.f32 v1, v5  }
0xf1: {  	v4 =	vmul.f32 $1.131370830e+01, v4;
	v5 =	vld [tilespmem:s2+$0x1E0]  }
0xf2: {  	v10 =	vld [tilespmem:s23+$0xFFFFFEA0];
	v7 =	vmul.f32 $1.131370830e+01, v7;
	[tilespmem:s2+$0x1D0] =	vst v1  }
0xf3: {  	v0 =	vmul.f32 $1.131370830e+01, v0;
	v1 =	vld [tilespmem:s23+$0x1E0]  }
0xf4: {  	v11 =	vld [tilespmem:s23+$0xFFFFFF20];
	v8 =	vmul.f32 $1.131370830e+01, v8  }
0xf5: {  	v3 =	vadd.f32 v9, v3;
	v9 =	vld [tilespmem:s23+$0xFFFFFFA0]  }
0xf6: {  	v12 =	vld [tilespmem:s23+$0x20];
	v5 =	vmul.f32 $1.131370830e+01, v5  }
0xf7: {  	[tilespmem:s2+$0xFFFFFE20] =	vst v3;
	v2 =	vadd.f32 v10, v2;
	v3 =	vld [tilespmem:s23+$0xA0]  }
0xf8: {  	v10 =	vld [tilespmem:s23+$0x120];
	v1 =	vadd.f32 v1, v5  }
0xf9: {  	[tilespmem:s2+$0xFFFFFEA0] =	vst v2;
	v2 =	vadd.f32 v11, v6;
	v5 =	vld [tilespmem:s2+$0x1F0]  }
0xfa: {  	v6 =	vld [tilespmem:s2+$0xFFFFFE30];
	v4 =	vadd.f32 v9, v4;
	[tilespmem:s2+$0x1E0] =	vst v1  }
0xfb: {  	[tilespmem:s2+$0xFFFFFF20] =	vst v2;
	v1 =	vadd.f32 v12, v7;
	v2 =	vld [tilespmem:s23+$0x1F0]  }
0xfc: {  	v7 =	vld [tilespmem:s2+$0xFFFFFEB0];
	[tilespmem:s2+$0xFFFFFFA0] =	vst v4;
	v0 =	vadd.f32 v3, v0  }
0xfd: {  	v3 =	vld [tilespmem:s2+$0xFFFFFF30];
	[tilespmem:s2+$0x20] =	vst v1;
	v1 =	vadd.f32 v10, v8  }
0xfe: {  	v4 =	vld [tilespmem:s2+$0xFFFFFFB0];
	[tilespmem:s2+$0xA0] =	vst v0;
	v0 =	vmul.f32 $1.131370830e+01, v5  }
0xff: {  	v5 =	vmul.f32 $1.131370830e+01, v6;
	v6 =	vld [tilespmem:s2+$0x30];
	[tilespmem:s2+$0x120] =	vst v1  }
0x100: {  	v1 =	vld [tilespmem:s2+$0xB0];
	v0 =	vadd.f32 v2, v0  }
0x101: {  	v2 =	vmul.f32 $1.131370830e+01, v7;
	v7 =	vld [tilespmem:s2+$0x130]  }
0x102: {  	v8 =	vld [tilespmem:s23+$0xFFFFFE30];
	v3 =	vmul.f32 $1.131370830e+01, v3;
	[tilespmem:s2+$0x1F0] =	vst v0  }
0x103: {  	v0 =	vld [tilespmem:s23+$0xFFFFFEB0];
	v4 =	vmul.f32 $1.131370830e+01, v4  }
0x104: {  	v9 =	vld [tilespmem:s23+$0xFFFFFF30];
	v6 =	vmul.f32 $1.131370830e+01, v6  }
0x105: {  	v10 =	vld [tilespmem:s23+$0xFFFFFFB0];
	v1 =	vmul.f32 $1.131370830e+01, v1  }
0x106: {  	v11 =	vld [tilespmem:s23+$0x30];
	v7 =	vmul.f32 $1.131370830e+01, v7  }
0x107: {  	v5 =	vadd.f32 v8, v5;
	v8 =	vld [tilespmem:s23+$0xB0]  }
0x108: {  	v0 =	vadd.f32 v0, v2;
	v2 =	vld [tilespmem:s23+$0x130]  }
0x109: {  	[tilespmem:s2+$0xFFFFFE30] =	vst v5;
	v5 =	vld [tilespmem:s2+$0xFFFFFE40];
	v3 =	vadd.f32 v9, v3  }
0x10a: {  	[tilespmem:s2+$0xFFFFFEB0] =	vst v0;
	v0 =	vld [tilespmem:s2+$0xFFFFFEC0];
	v4 =	vadd.f32 v10, v4  }
0x10b: {  	[tilespmem:s2+$0xFFFFFF30] =	vst v3;
	v3 =	vld [tilespmem:s2+$0xFFFFFF40];
	v6 =	vadd.f32 v11, v6  }
0x10c: {  	[tilespmem:s2+$0xFFFFFFB0] =	vst v4;
	v4 =	vld [tilespmem:s2+$0xFFFFFFC0];
	v1 =	vadd.f32 v8, v1  }
0x10d: {  	[tilespmem:s2+$0x30] =	vst v6;
	v6 =	vld [tilespmem:s2+$0x40];
	v2 =	vadd.f32 v2, v7  }
0x10e: {  	v5 =	vmul.f32 $1.131370830e+01, v5;
	[tilespmem:s2+$0xB0] =	vst v1;
	v1 =	vld [tilespmem:s2+$0xC0]  }
0x10f: {  	v0 =	vmul.f32 $1.131370830e+01, v0;
	[tilespmem:s2+$0x130] =	vst v2;
	v2 =	vld [tilespmem:s2+$0x140]  }
0x110: {  	v7 =	vld [tilespmem:s23+$0xFFFFFE40];
	v3 =	vmul.f32 $1.131370830e+01, v3  }
0x111: {  	v8 =	vld [tilespmem:s23+$0xFFFFFEC0];
	v4 =	vmul.f32 $1.131370830e+01, v4  }
0x112: {  	v9 =	vld [tilespmem:s23+$0xFFFFFF40];
	v6 =	vmul.f32 $1.131370830e+01, v6  }
0x113: {  	v10 =	vld [tilespmem:s23+$0xFFFFFFC0];
	v1 =	vmul.f32 $1.131370830e+01, v1  }
0x114: {  	v11 =	vld [tilespmem:s23+$0x40];
	v2 =	vmul.f32 $1.131370830e+01, v2  }
0x115: {  	v5 =	vadd.f32 v7, v5;
	v7 =	vld [tilespmem:s23+$0xC0]  }
0x116: {  	v0 =	vadd.f32 v8, v0;
	v8 =	vld [tilespmem:s23+$0x140]  }
0x117: {  	[tilespmem:s2+$0xFFFFFE40] =	vst v5;
	v5 =	vld [tilespmem:s2+$0xFFFFFE50];
	v3 =	vadd.f32 v9, v3  }
0x118: {  	[tilespmem:s2+$0xFFFFFEC0] =	vst v0;
	v0 =	vld [tilespmem:s2+$0xFFFFFED0];
	v4 =	vadd.f32 v10, v4  }
0x119: {  	[tilespmem:s2+$0xFFFFFF40] =	vst v3;
	v3 =	vld [tilespmem:s2+$0xFFFFFF50];
	v6 =	vadd.f32 v11, v6  }
0x11a: {  	[tilespmem:s2+$0xFFFFFFC0] =	vst v4;
	v4 =	vld [tilespmem:s2+$0xFFFFFFD0];
	v1 =	vadd.f32 v7, v1  }
0x11b: {  	[tilespmem:s2+$0x40] =	vst v6;
	v6 =	vld [tilespmem:s2+$0x50];
	v2 =	vadd.f32 v8, v2  }
0x11c: {  	v5 =	vmul.f32 $1.131370830e+01, v5;
	[tilespmem:s2+$0xC0] =	vst v1;
	v1 =	vld [tilespmem:s2+$0xD0]  }
0x11d: {  	v0 =	vmul.f32 $1.131370830e+01, v0;
	[tilespmem:s2+$0x140] =	vst v2;
	v2 =	vld [tilespmem:s2+$0x150]  }
0x11e: {  	v7 =	vld [tilespmem:s23+$0xFFFFFE50];
	v3 =	vmul.f32 $1.131370830e+01, v3  }
0x11f: {  	v8 =	vld [tilespmem:s23+$0xFFFFFED0];
	v4 =	vmul.f32 $1.131370830e+01, v4  }
0x120: {  	v9 =	vld [tilespmem:s23+$0xFFFFFF50];
	v6 =	vmul.f32 $1.131370830e+01, v6  }
0x121: {  	v10 =	vld [tilespmem:s23+$0xFFFFFFD0];
	v1 =	vmul.f32 $1.131370830e+01, v1  }
0x122: {  	v11 =	vld [tilespmem:s23+$0x50];
	v2 =	vmul.f32 $1.131370830e+01, v2  }
0x123: {  	v5 =	vadd.f32 v7, v5;
	v7 =	vld [tilespmem:s23+$0xD0]  }
0x124: {  	v0 =	vadd.f32 v8, v0;
	v8 =	vld [tilespmem:s23+$0x150]  }
0x125: {  	[tilespmem:s2+$0xFFFFFE50] =	vst v5;
	v5 =	vld [tilespmem:s2+$0xFFFFFE60];
	v3 =	vadd.f32 v9, v3  }
0x126: {  	[tilespmem:s2+$0xFFFFFED0] =	vst v0;
	v0 =	vld [tilespmem:s2+$0xFFFFFEE0];
	v4 =	vadd.f32 v10, v4  }
0x127: {  	[tilespmem:s2+$0xFFFFFF50] =	vst v3;
	v3 =	vld [tilespmem:s2+$0xFFFFFF60];
	v6 =	vadd.f32 v11, v6  }
0x128: {  	[tilespmem:s2+$0xFFFFFFD0] =	vst v4;
	v4 =	vld [tilespmem:s2+$0xFFFFFFE0];
	v1 =	vadd.f32 v7, v1  }
0x129: {  	[tilespmem:s2+$0x50] =	vst v6;
	v6 =	vld [tilespmem:s2+$0x60];
	v2 =	vadd.f32 v8, v2  }
0x12a: {  	v5 =	vmul.f32 $1.131370830e+01, v5;
	[tilespmem:s2+$0xD0] =	vst v1;
	v1 =	vld [tilespmem:s2+$0xE0]  }
0x12b: {  	v0 =	vmul.f32 $1.131370830e+01, v0;
	[tilespmem:s2+$0x150] =	vst v2;
	v2 =	vld [tilespmem:s2+$0x160]  }
0x12c: {  	v7 =	vld [tilespmem:s23+$0xFFFFFE60];
	v3 =	vmul.f32 $1.131370830e+01, v3  }
0x12d: {  	v8 =	vld [tilespmem:s23+$0xFFFFFEE0];
	v4 =	vmul.f32 $1.131370830e+01, v4  }
0x12e: {  	v9 =	vld [tilespmem:s23+$0xFFFFFF60];
	v6 =	vmul.f32 $1.131370830e+01, v6  }
0x12f: {  	v10 =	vld [tilespmem:s23+$0xFFFFFFE0];
	v1 =	vmul.f32 $1.131370830e+01, v1  }
0x130: {  	v11 =	vld [tilespmem:s23+$0x60];
	v2 =	vmul.f32 $1.131370830e+01, v2  }
0x131: {  	v5 =	vadd.f32 v7, v5;
	v7 =	vld [tilespmem:s23+$0xE0]  }
0x132: {  	v0 =	vadd.f32 v8, v0;
	v8 =	vld [tilespmem:s23+$0x160]  }
0x133: {  	[tilespmem:s2+$0xFFFFFE60] =	vst v5;
	v5 =	vld [tilespmem:s2+$0xFFFFFE70];
	v3 =	vadd.f32 v9, v3  }
0x134: {  	[tilespmem:s2+$0xFFFFFEE0] =	vst v0;
	v0 =	vld [tilespmem:s2+$0xFFFFFEF0];
	v4 =	vadd.f32 v10, v4  }
0x135: {  	[tilespmem:s2+$0xFFFFFF60] =	vst v3;
	v3 =	vld [tilespmem:s2+$0xFFFFFF70];
	v6 =	vadd.f32 v11, v6  }
0x136: {  	[tilespmem:s2+$0xFFFFFFE0] =	vst v4;
	v4 =	vld [tilespmem:s2+$0xFFFFFFF0];
	v1 =	vadd.f32 v7, v1  }
0x137: {  	[tilespmem:s2+$0x60] =	vst v6;
	v6 =	vld [tilespmem:s2+$0x70];
	v2 =	vadd.f32 v8, v2  }
0x138: {  	v8 =	vmul.f32 $1.131370830e+01, v5;
	[tilespmem:s2+$0xE0] =	vst v1;
	v5 =	vld [tilespmem:s2+$0xF0]  }
0x139: {  	v9 =	vmul.f32 $1.131370830e+01, v0;
	[tilespmem:s2+$0x160] =	vst v2;
	v10 =	vld [tilespmem:s2+$0x170]  }
0x13a: {  	v11 =	vld [tilespmem:s23+$0xFFFFFE70];
	v7 =	vmul.f32 $1.131370830e+01, v3  }
0x13b: {  	v12 =	vld [tilespmem:s23+$0xFFFFFEF0];
	v3 =	vmul.f32 $1.131370830e+01, v4  }
.Ltmp0:
0x13c: {  	v0 =	vld [tilespmem:s23+$0xFFFFFF70];
	v4 =	vmul.f32 $1.131370830e+01, v6;
	(pc) =	sbr.rel @p2 .LBB2_3-.Ltmp0, $4  }
0x13d: {  	v1 =	vld [tilespmem:s23+$0xFFFFFFF0];
	v2 =	vmul.f32 $1.131370830e+01, v5  }
0x13e: {  	v6 =	vld [tilespmem:s23+$0x70];
	v5 =	vmul.f32 $1.131370830e+01, v10  }
0x13f: {  	v11 =	vadd.f32 v11, v8;
	v8 =	vld [tilespmem:s23+$0xF0]  }
0x140: {  	s2 =	sadd.s32 $0x400, s2;
	v10 =	vadd.f32 v12, v9;
	v9 =	vld [tilespmem:s23+$0x170]  }
0x141: {  	[tilespmem:s17+$0xFFFFFE70] =	vst v11;
	v0 =	vadd.f32 v0, v7  }
0x142: {  	[tilespmem:s17+$0xFFFFFEF0] =	vst v10;
	v1 =	vadd.f32 v1, v3  }
0x143: {  	[tilespmem:s17+$0xFFFFFF70] =	vst v0;
	v0 =	vadd.f32 v6, v4  }
0x144: {  	[tilespmem:s17+$0xFFFFFFF0] =	vst v1;
	v1 =	vadd.f32 v8, v2  }
0x145: {  	s2 =	sadd.s32 s6, s11;
	[tilespmem:s17+$0x70] =	vst v0;
	v0 =	vadd.f32 v9, v5  }
0x146: {  	s2 =	sshll.u32 s2, $0xB;
	[tilespmem:s17+$0xF0] =	vst v1  }
0x147: {  	s3 =	simm.s32 $0xA000;
	s2 =	sadd.s32 s4, s2;
	[tilespmem:s17+$0x170] =	vst v0  }
0x148: {  	[hbm4b:s2+s5] =	stream.linear.scatter [tilespmem:s3], [sflag:$0x6], $0x4000, $0x38;
	[tilespmem:$0x1E280] =	vst v63  }
0x149: {  	s2 =	simm.s32 @!p0 $0x9  }
0x14a: {  	_ =	swait.ge @!p0 [sflag:s2], $0x4000  }
0x14b: {  	[sflag:s2] =	ssyncset.done @!p0 $0x0  }
0x14c: {  	[sflag:s2] =	ssyncadd.s32 @!p0 $0xFFFFC000  }
0x14d: {  	_ =	swait.ge [sflag:s31], $0x80  }
0x14e: {  	[sflag:s31] =	ssyncset.done $0x0  }
0x14f: {  	s23 =	simm.s32 $0x16000;
	s17 =	simm.s32 $0x1E180;
	[sflag:s31] =	ssyncadd.s32 $0xFFFFFF80  }
0x150: {  	[tilespmem:s23], [sflag:$0x4] =	stream.indirect.gather [hbm4b:s1+s28], $0x80, s17, s28, $0xb8;
	[tilespmem:$0x1E280] =	vst v63  }
0x151: {  	s23 =	sadd.s32 $0x1, s11  }
0x152: {  	s29 =	simm.s32 $0xE200;
	_ =	swait.ge [sflag:s0], $0x4000;
	s2 =	sadd.s32 @!p1 s6, s23  }
0x153: {  	s3 =	simm.s32 @!p1 $0x0;
	[sflag:s0] =	ssyncset.done $0x0;
	s2 =	sshll.u32 @!p1 s2, $0x4  }
0x154: {  	s17 =	simm.s32 @!p1 $0x1E080;
	[sflag:s0] =	ssyncadd.s32 $0xFFFFC000;
	s2 =	sadd.s32 @!p1 s13, s2  }
0x155: {  	[tilespmem:s17], [sflag:$0xC] =	stream.linear.gather @!p1 [hbm4b:s2+s3], $0x80, $0x38;
	[tilespmem:$0x1E280] =	vst v63  }
0x156: {  	v0 =	vld [tilespmem:s29+$0x180]  }
0x157: {  	v1 =	vld [tilespmem:s29+$0xFFFFFE80]  }
0x158: {  	v2 =	vld [tilespmem:s21+$0x180]  }
0x159: {  	v3 =	vld [tilespmem:s29+$0xFFFFFF00]  }
0x15a: {  	v4 =	vld [tilespmem:s29+$0xFFFFFF80]  }
0x15b: {  	v5 =	vld [tilespmem:s29+$0x0]  }
0x15c: {  	v6 =	vld [tilespmem:s29+$0x80]  }
0x15d: {  	v7 =	vld [tilespmem:s29+$0x100]  }
0x15e: {  	v8 =	vld [tilespmem:s29+$0xFFFFFE00];
	v0 =	vmul.f32 $1.131370830e+01, v0  }
0x15f: {  	v9 =	vld [tilespmem:s21+$0xFFFFFE00]  }
0x160: {  	v10 =	vld [tilespmem:s21+$0xFFFFFE80];
	v0 =	vadd.f32 v2, v0  }
0x161: {  	v2 =	vld [tilespmem:s29+$0x190]  }
0x162: {  	v11 =	vld [tilespmem:s21+$0xFFFFFF00];
	[tilespmem:s29+$0x180] =	vst v0  }
0x163: {  	v0 =	vld [tilespmem:s21+$0x190]  }
0x164: {  	v12 =	vld [tilespmem:s21+$0xFFFFFF80];
	v8 =	vmul.f32 $1.131370830e+01, v8  }
0x165: {  	v13 =	vld [tilespmem:s21+$0x0];
	v1 =	vmul.f32 $1.131370830e+01, v1  }
0x166: {  	v8 =	vadd.f32 v9, v8;
	v9 =	vld [tilespmem:s21+$0x80];
	v2 =	vmul.f32 $1.131370830e+01, v2  }
0x167: {  	v1 =	vadd.f32 v10, v1;
	v10 =	vld [tilespmem:s29+$0xFFFFFF90]  }
0x168: {  	v3 =	vmul.f32 $1.131370830e+01, v3;
	[tilespmem:s29+$0xFFFFFE00] =	vst v8;
	v8 =	vld [tilespmem:s21+$0x100];
	v0 =	vadd.f32 v0, v2  }
0x169: {  	v5 =	vmul.f32 $1.131370830e+01, v5;
	[tilespmem:s29+$0xFFFFFE80] =	vst v1;
	v2 =	vld [tilespmem:s29+$0x1A0]  }
0x16a: {  	v3 =	vadd.f32 v11, v3;
	v1 =	vld [tilespmem:s29+$0xFFFFFE10];
	[tilespmem:s29+$0x190] =	vst v0  }
0x16b: {  	v5 =	vadd.f32 v13, v5;
	v0 =	vmul.f32 $1.131370830e+01, v4;
	v4 =	vld [tilespmem:s21+$0x1A0]  }
0x16c: {  	[tilespmem:s29+$0xFFFFFF00] =	vst v3;
	v3 =	vld [tilespmem:s29+$0xFFFFFE90]  }
0x16d: {  	[tilespmem:s29+$0x0] =	vst v5;
	v5 =	vld [tilespmem:s29+$0x1B0];
	v0 =	vadd.f32 v12, v0  }
0x16e: {  	v11 =	vld [tilespmem:s21+$0xFFFFFF10];
	v2 =	vmul.f32 $1.131370830e+01, v2  }
0x16f: {  	v6 =	vmul.f32 $1.131370830e+01, v6;
	v7 =	vmul.f32 $1.131370830e+01, v7;
	[tilespmem:s29+$0xFFFFFF80] =	vst v0;
	v0 =	vld [tilespmem:s29+$0xFFFFFF10]  }
0x170: {  	v51 =	vld [tilespmem:s21+$0xFFFFFF90];
	v2 =	vadd.f32 v4, v2  }
0x171: {  	v4 =	vadd.f32 v9, v6;
	v6 =	vadd.f32 v8, v7;
	v7 =	vld [tilespmem:s29+$0x10]  }
0x172: {  	v8 =	vld [tilespmem:s21+$0xFFFFFE10]  }
0x173: {  	v9 =	vld [tilespmem:s21+$0xFFFFFE90];
	[tilespmem:s29+$0x1A0] =	vst v2  }
0x174: {  	v10 =	vmul.f32 $1.131370830e+01, v10;
	[tilespmem:s29+$0x80] =	vst v4;
	v4 =	vld [tilespmem:s29+$0x90]  }
0x175: {  	v1 =	vmul.f32 $1.131370830e+01, v1;
	[tilespmem:s29+$0x100] =	vst v6;
	v6 =	vld [tilespmem:s29+$0x110]  }
0x176: {  	v2 =	vld [tilespmem:s21+$0x1B0];
	v0 =	vmul.f32 $1.131370830e+01, v0;
	v10 =	vadd.f32 v51, v10  }
0x177: {  	v1 =	vadd.f32 v8, v1;
	v8 =	vld [tilespmem:s21+$0x10]  }
0x178: {  	v0 =	vadd.f32 v11, v0;
	v11 =	vld [tilespmem:s29+$0xFFFFFEA0];
	[tilespmem:s29+$0xFFFFFF90] =	vst v10  }
0x179: {  	v5 =	vmul.f32 $1.131370830e+01, v5;
	[tilespmem:s29+$0xFFFFFE10] =	vst v1;
	v1 =	vld [tilespmem:s21+$0x110]  }
0x17a: {  	v53 =	vld [tilespmem:s21+$0xFFFFFFA0]  }
0x17b: {  	v7 =	vmul.f32 $1.131370830e+01, v7;
	[tilespmem:s29+$0xFFFFFF10] =	vst v0;
	v2 =	vadd.f32 v2, v5;
	v5 =	vld [tilespmem:s29+$0x1C0]  }
0x17c: {  	v52 =	vld [tilespmem:s21+$0xFFFFFF20]  }
0x17d: {  	v0 =	vadd.f32 v8, v7;
	v7 =	vld [tilespmem:s29+$0x1D0]  }
0x17e: {  	[tilespmem:s29+$0x1B0] =	vst v2;
	v2 =	vmul.f32 $1.131370830e+01, v3;
	v8 =	vld [tilespmem:s29+$0xFFFFFF20]  }
0x17f: {  	v6 =	vmul.f32 $1.131370830e+01, v6;
	v3 =	vld [tilespmem:s21+$0x1C0]  }
0x180: {  	v2 =	vadd.f32 v9, v2;
	v9 =	vld [tilespmem:s21+$0x90]  }
0x181: {  	[tilespmem:s29+$0x10] =	vst v0;
	v0 =	vadd.f32 v1, v6;
	v1 =	vld [tilespmem:s29+$0xFFFFFFA0]  }
0x182: {  	v6 =	vld [tilespmem:s29+$0x120]  }
0x183: {  	[tilespmem:s29+$0xFFFFFE90] =	vst v2;
	v2 =	vld [tilespmem:s29+$0xFFFFFE20]  }
0x184: {  	v4 =	vmul.f32 $1.131370830e+01, v4;
	v5 =	vmul.f32 $1.131370830e+01, v5;
	v10 =	vld [tilespmem:s21+$0xFFFFFEA0]  }
0x185: {  	[tilespmem:s29+$0x110] =	vst v0;
	v0 =	vld [tilespmem:s29+$0xA0]  }
0x186: {  	v3 =	vadd.f32 v3, v5;
	v5 =	vmul.f32 $1.131370830e+01, v11;
	v11 =	vld [tilespmem:s21+$0x20];
	v4 =	vadd.f32 v9, v4  }
0x187: {  	v9 =	vld [tilespmem:s21+$0xFFFFFE20];
	v1 =	vmul.f32 $1.131370830e+01, v1  }
0x188: {  	[tilespmem:s29+$0x90] =	vst v4;
	v4 =	vld [tilespmem:s29+$0x20]  }
0x189: {  	[tilespmem:s29+$0x1C0] =	vst v3;
	v1 =	vadd.f32 v53, v1;
	v3 =	vadd.f32 v10, v5;
	v5 =	vld [tilespmem:s21+$0x120]  }
0x18a: {  	v2 =	vmul.f32 $1.131370830e+01, v2;
	v10 =	vld [tilespmem:s21+$0x1D0]  }
0x18b: {  	[tilespmem:s29+$0xFFFFFFA0] =	vst v1;
	v1 =	vld [tilespmem:s29+$0xFFFFFF30]  }
0x18c: {  	v8 =	vmul.f32 $1.131370830e+01, v8;
	v2 =	vadd.f32 v9, v2;
	v9 =	vld [tilespmem:s21+$0xA0]  }
0x18d: {  	[tilespmem:s29+$0xFFFFFEA0] =	vst v3;
	v3 =	vld [tilespmem:s29+$0xFFFFFE30]  }
0x18e: {  	v54 =	vld [tilespmem:s21+$0xFFFFFFB0];
	v4 =	vmul.f32 $1.131370830e+01, v4;
	[tilespmem:s29+$0xFFFFFE20] =	vst v2;
	v2 =	vadd.f32 v52, v8  }
0x18f: {  	v0 =	vmul.f32 $1.131370830e+01, v0;
	v8 =	vld [tilespmem:s21+$0xFFFFFE30]  }
0x190: {  	[tilespmem:s29+$0xFFFFFF20] =	vst v2;
	v2 =	vadd.f32 v11, v4;
	v4 =	vld [tilespmem:s29+$0xFFFFFEB0]  }
0x191: {  	v6 =	vmul.f32 $1.131370830e+01, v6;
	v0 =	vadd.f32 v9, v0;
	v9 =	vld [tilespmem:s21+$0xFFFFFEB0]  }
0x192: {  	v11 =	vld [tilespmem:s21+$0xFFFFFF30]  }
0x193: {  	[tilespmem:s29+$0x20] =	vst v2;
	v2 =	vadd.f32 v5, v6;
	v5 =	vld [tilespmem:s29+$0xFFFFFFB0]  }
0x194: {  	v6 =	vld [tilespmem:s29+$0x130]  }
0x195: {  	v3 =	vmul.f32 $1.131370830e+01, v3;
	[tilespmem:s29+$0xA0] =	vst v0;
	v0 =	vld [tilespmem:s29+$0x30]  }
0x196: {  	v55 =	vld [tilespmem:s21+$0x30]  }
0x197: {  	[tilespmem:s29+$0x120] =	vst v2;
	v2 =	vld [tilespmem:s29+$0xB0];
	v3 =	vadd.f32 v8, v3  }
0x198: {  	v1 =	vmul.f32 $1.131370830e+01, v1;
	v8 =	vld [tilespmem:s21+$0xB0]  }
0x199: {  	v4 =	vmul.f32 $1.131370830e+01, v4;
	[tilespmem:s29+$0xFFFFFE30] =	vst v3;
	v3 =	vld [tilespmem:s29+$0x1E0]  }
0x19a: {  	v1 =	vadd.f32 v11, v1;
	v11 =	vld [tilespmem:s29+$0xFFFFFE40]  }
0x19b: {  	v5 =	vmul.f32 $1.131370830e+01, v5;
	v4 =	vadd.f32 v9, v4;
	v9 =	vld [tilespmem:s21+$0x130]  }
0x19c: {  	[tilespmem:s29+$0xFFFFFF30] =	vst v1;
	v1 =	vld [tilespmem:s29+$0xFFFFFF40]  }
0x19d: {  	v0 =	vmul.f32 $1.131370830e+01, v0;
	[tilespmem:s29+$0xFFFFFEB0] =	vst v4;
	v4 =	vadd.f32 v54, v5;
	v5 =	vmul.f32 $1.131370830e+01, v6;
	v6 =	vld [tilespmem:s29+$0xFFFFFEC0]  }
0x19e: {  	v2 =	vmul.f32 $1.131370830e+01, v2;
	v56 =	vld [tilespmem:s21+$0xFFFFFF40]  }
0x19f: {  	v0 =	vadd.f32 v55, v0;
	[tilespmem:s29+$0xFFFFFFB0] =	vst v4;
	v4 =	vld [tilespmem:s29+$0xFFFFFFC0]  }
0x1a0: {  	v2 =	vadd.f32 v8, v2;
	v8 =	vld [tilespmem:s21+$0xFFFFFE40]  }
0x1a1: {  	[tilespmem:s29+$0x30] =	vst v0;
	v0 =	vadd.f32 v9, v5;
	v5 =	vld [tilespmem:s29+$0x40]  }
0x1a2: {  	v9 =	vld [tilespmem:s21+$0xFFFFFEC0]  }
0x1a3: {  	v7 =	vmul.f32 $1.131370830e+01, v7;
	v57 =	vld [tilespmem:s21+$0xFFFFFFC0]  }
0x1a4: {  	[tilespmem:s29+$0xB0] =	vst v2;
	v2 =	vld [tilespmem:s29+$0xC0]  }
0x1a5: {  	v7 =	vadd.f32 v10, v7;
	v10 =	vld [tilespmem:s21+$0x40]  }
0x1a6: {  	v11 =	vmul.f32 $1.131370830e+01, v11;
	[tilespmem:s29+$0x130] =	vst v0;
	v0 =	vld [tilespmem:s29+$0x140]  }
0x1a7: {  	[tilespmem:s29+$0x1D0] =	vst v7;
	v6 =	vmul.f32 $1.131370830e+01, v6;
	v7 =	vld [tilespmem:s21+$0x140]  }
0x1a8: {  	v1 =	vmul.f32 $1.131370830e+01, v1;
	v8 =	vadd.f32 v8, v11;
	v11 =	vld [tilespmem:s21+$0xC0]  }
0x1a9: {  	v4 =	vmul.f32 $1.131370830e+01, v4;
	v6 =	vadd.f32 v9, v6;
	v9 =	vld [tilespmem:s21+$0x1E0]  }
0x1aa: {  	v1 =	vadd.f32 v56, v1;
	v5 =	vmul.f32 $1.131370830e+01, v5;
	[tilespmem:s29+$0xFFFFFE40] =	vst v8;
	v8 =	vld [tilespmem:s29+$0xFFFFFE50]  }
0x1ab: {  	v4 =	vadd.f32 v57, v4;
	[tilespmem:s29+$0xFFFFFEC0] =	vst v6;
	v6 =	vld [tilespmem:s29+$0xFFFFFED0]  }
0x1ac: {  	[tilespmem:s29+$0xFFFFFF40] =	vst v1;
	v1 =	vadd.f32 v10, v5;
	v5 =	vld [tilespmem:s29+$0xFFFFFF50]  }
0x1ad: {  	[tilespmem:s29+$0xFFFFFFC0] =	vst v4;
	v4 =	vld [tilespmem:s29+$0xFFFFFFD0]  }
0x1ae: {  	v0 =	vmul.f32 $1.131370830e+01, v0;
	v10 =	vld [tilespmem:s21+$0xFFFFFED0]  }
0x1af: {  	v2 =	vmul.f32 $1.131370830e+01, v2;
	[tilespmem:s29+$0x40] =	vst v1;
	v1 =	vld [tilespmem:s29+$0x50]  }
0x1b0: {  	v0 =	vadd.f32 v7, v0;
	v7 =	vld [tilespmem:s21+$0xFFFFFE50]  }
0x1b1: {  	v2 =	vadd.f32 v11, v2;
	v11 =	vld [tilespmem:s21+$0xFFFFFF50]  }
0x1b2: {  	v58 =	vld [tilespmem:s21+$0xFFFFFFD0]  }
0x1b3: {  	v59 =	vld [tilespmem:s21+$0x50]  }
0x1b4: {  	[tilespmem:s29+$0xC0] =	vst v2;
	v2 =	vld [tilespmem:s29+$0xD0];
	v8 =	vmul.f32 $1.131370830e+01, v8  }
0x1b5: {  	[tilespmem:s29+$0x140] =	vst v0;
	v0 =	vld [tilespmem:s29+$0x150];
	v6 =	vmul.f32 $1.131370830e+01, v6  }
0x1b6: {  	v5 =	vmul.f32 $1.131370830e+01, v5;
	v7 =	vadd.f32 v7, v8;
	v8 =	vld [tilespmem:s21+$0xD0]  }
0x1b7: {  	v6 =	vadd.f32 v10, v6;
	v10 =	vld [tilespmem:s21+$0x150]  }
0x1b8: {  	v4 =	vmul.f32 $1.131370830e+01, v4;
	v5 =	vadd.f32 v11, v5;
	v11 =	vld [tilespmem:s29+$0xFFFFFE60]  }
0x1b9: {  	[tilespmem:s29+$0xFFFFFE50] =	vst v7;
	v7 =	vld [tilespmem:s29+$0x1F0]  }
0x1ba: {  	v1 =	vmul.f32 $1.131370830e+01, v1;
	v4 =	vadd.f32 v58, v4;
	[tilespmem:s29+$0xFFFFFED0] =	vst v6;
	v6 =	vld [tilespmem:s29+$0xFFFFFEE0]  }
0x1bb: {  	[tilespmem:s29+$0xFFFFFF50] =	vst v5;
	v5 =	vld [tilespmem:s29+$0xFFFFFF60]  }
0x1bc: {  	v1 =	vadd.f32 v59, v1;
	[tilespmem:s29+$0xFFFFFFD0] =	vst v4;
	v4 =	vld [tilespmem:s29+$0xFFFFFFE0]  }
0x1bd: {  	v60 =	vld [tilespmem:s21+$0xFFFFFF60]  }
0x1be: {  	v2 =	vmul.f32 $1.131370830e+01, v2;
	[tilespmem:s29+$0x50] =	vst v1;
	v1 =	vld [tilespmem:s29+$0x60]  }
0x1bf: {  	v0 =	vmul.f32 $1.131370830e+01, v0;
	v61 =	vld [tilespmem:s21+$0xFFFFFFE0]  }
0x1c0: {  	v3 =	vmul.f32 $1.131370830e+01, v3;
	v2 =	vadd.f32 v8, v2;
	v8 =	vld [tilespmem:s21+$0xFFFFFE60]  }
0x1c1: {  	v0 =	vadd.f32 v10, v0;
	v10 =	vld [tilespmem:s21+$0xFFFFFEE0]  }
0x1c2: {  	v3 =	vadd.f32 v9, v3;
	v9 =	vld [tilespmem:s21+$0x60]  }
0x1c3: {  	v11 =	vmul.f32 $1.131370830e+01, v11;
	[tilespmem:s29+$0xD0] =	vst v2;
	v2 =	vld [tilespmem:s29+$0xE0]  }
0x1c4: {  	[tilespmem:s29+$0x150] =	vst v0;
	v0 =	vld [tilespmem:s29+$0x160];
	v6 =	vmul.f32 $1.131370830e+01, v6;
	v5 =	vmul.f32 $1.131370830e+01, v5  }
0x1c5: {  	v8 =	vadd.f32 v8, v11;
	v11 =	vld [tilespmem:s21+$0xE0]  }
0x1c6: {  	[tilespmem:s29+$0x1E0] =	vst v3;
	v3 =	vmul.f32 $1.131370830e+01, v4;
	v5 =	vadd.f32 v60, v5;
	v4 =	vadd.f32 v10, v6;
	v6 =	vld [tilespmem:s21+$0x160]  }
0x1c7: {  	v1 =	vmul.f32 $1.131370830e+01, v1;
	v10 =	vld [tilespmem:s21+$0x1F0]  }
0x1c8: {  	[tilespmem:s29+$0xFFFFFF60] =	vst v5;
	v5 =	vld [tilespmem:s29+$0xFFFFFF70]  }
0x1c9: {  	v1 =	vadd.f32 v9, v1;
	v9 =	vld [tilespmem:s29+$0xF0]  }
0x1ca: {  	v3 =	vadd.f32 v61, v3;
	[tilespmem:s29+$0xFFFFFE60] =	vst v8;
	v8 =	vld [tilespmem:s29+$0xFFFFFE70]  }
0x1cb: {  	[tilespmem:s29+$0xFFFFFEE0] =	vst v4;
	v4 =	vld [tilespmem:s29+$0xFFFFFEF0]  }
0x1cc: {  	[tilespmem:s29+$0xFFFFFFE0] =	vst v3;
	v3 =	vld [tilespmem:s29+$0xFFFFFFF0]  }
0x1cd: {  	v2 =	vmul.f32 $1.131370830e+01, v2;
	v0 =	vmul.f32 $1.131370830e+01, v0;
	[tilespmem:s29+$0x60] =	vst v1;
	v1 =	vld [tilespmem:s29+$0x70]  }
0x1ce: {  	v62 =	vld [tilespmem:s21+$0xFFFFFE70]  }
0x1cf: {  	v2 =	vadd.f32 v11, v2;
	v0 =	vadd.f32 v6, v0;
	v11 =	vld [tilespmem:s29+$0x170]  }
0x1d0: {  	v63 =	vld [tilespmem:s21+$0xFFFFFEF0]  }
0x1d1: {  	[tilespmem:s29+$0x160] =	vst v0;
	v0 =	vmul.f32 $1.131370830e+01, v7;
	v7 =	vld [tilespmem:s21+$0xFFFFFF70]  }
0x1d2: {  	v14 =	vmul.f32 $1.131370830e+01, v8;
	v15 =	vmul.f32 $1.131370830e+01, v4;
	v4 =	vld [tilespmem:s21+$0xFFFFFFF0]  }
0x1d3: {  	v6 =	vmul.f32 $1.131370830e+01, v5;
	v5 =	vld [tilespmem:s21+$0x70];
	[tilespmem:s29+$0xE0] =	vst v2;
	v10 =	vadd.f32 v10, v0  }
0x1d4: {  	v2 =	vmul.f32 $1.131370830e+01, v1;
	v8 =	vld [tilespmem:s21+$0xF0];
	v1 =	vmul.f32 $1.131370830e+01, v11;
	v11 =	vadd.f32 v62, v14  }
0x1d5: {  	s17 =	sadd.s32 $0x3, s11;
	s2 =	simm.s32 $0x0;
	s3 =	simm.s32 $0xE600;
	v3 =	vmul.f32 $1.131370830e+01, v3;
	v0 =	vmul.f32 $1.131370830e+01, v9;
	v9 =	vld [tilespmem:s21+$0x170];
	[tilespmem:s29+$0x1F0] =	vst v10;
	v10 =	vadd.f32 v63, v15  }
.LBB2_5:
0x1d6: {  	v12 =	vld [tilespmem:s3+$0x180];
	s2 =	sadd.s32 $0x8, s2;
	[tilespmem:s29+$0xFFFFFE70] =	vst v11;
	v6 =	vadd.f32 v7, v6  }
0x1d7: {  	s21 =	sadd.s32 $0x400, s21;
	v7 =	vld [tilespmem:s3+$0xFFFFFE80];
	p2 =	slt.u32 s2, $0x78;
	[tilespmem:s29+$0xFFFFFEF0] =	vst v10;
	v3 =	vadd.f32 v4, v3  }
0x1d8: {  	v4 =	vld [tilespmem:s21+$0x180];
	[tilespmem:s29+$0xFFFFFF70] =	vst v6;
	v2 =	vadd.f32 v5, v2  }
0x1d9: {  	v5 =	vld [tilespmem:s3+$0xFFFFFF00];
	[tilespmem:s29+$0xFFFFFFF0] =	vst v3;
	v0 =	vadd.f32 v8, v0  }
0x1da: {  	v3 =	vld [tilespmem:s3+$0xFFFFFF80];
	[tilespmem:s29+$0x70] =	vst v2;
	v1 =	vadd.f32 v9, v1  }
0x1db: {  	v2 =	vld [tilespmem:s3+$0x0];
	v6 =	vmul.f32 $1.131370830e+01, v12;
	[tilespmem:s29+$0xF0] =	vst v0  }
0x1dc: {  	v0 =	vmul.f32 $1.131370830e+01, v7;
	v7 =	vld [tilespmem:s3+$0x80];
	[tilespmem:s29+$0x170] =	vst v1;
	s29 =	smov.u32 s3  }
0x1dd: {  	v1 =	vld [tilespmem:s3+$0x100];
	v4 =	vadd.f32 v4, v6  }
0x1de: {  	v5 =	vmul.f32 $1.131370830e+01, v5;
	v6 =	vld [tilespmem:s3+$0x190]  }
0x1df: {  	v8 =	vld [tilespmem:s3+$0xFFFFFE00];
	v3 =	vmul.f32 $1.131370830e+01, v3;
	[tilespmem:s3+$0x180] =	vst v4  }
0x1e0: {  	v2 =	vmul.f32 $1.131370830e+01, v2;
	v4 =	vld [tilespmem:s21+$0x190]  }
0x1e1: {  	v9 =	vld [tilespmem:s21+$0xFFFFFE00];
	v7 =	vmul.f32 $1.131370830e+01, v7  }
0x1e2: {  	v10 =	vld [tilespmem:s21+$0xFFFFFE80];
	v1 =	vmul.f32 $1.131370830e+01, v1  }
0x1e3: {  	v11 =	vld [tilespmem:s21+$0xFFFFFF00];
	v6 =	vmul.f32 $1.131370830e+01, v6  }
0x1e4: {  	v8 =	vmul.f32 $1.131370830e+01, v8;
	v12 =	vld [tilespmem:s21+$0xFFFFFF80]  }
0x1e5: {  	v13 =	vld [tilespmem:s21+$0x0];
	v4 =	vadd.f32 v4, v6  }
0x1e6: {  	v6 =	vadd.f32 v9, v8;
	v8 =	vld [tilespmem:s3+$0x1A0]  }
0x1e7: {  	v0 =	vadd.f32 v10, v0;
	v9 =	vld [tilespmem:s21+$0x80];
	[tilespmem:s3+$0x190] =	vst v4  }
0x1e8: {  	[tilespmem:s3+$0xFFFFFE00] =	vst v6;
	v4 =	vadd.f32 v11, v5;
	v5 =	vld [tilespmem:s21+$0x1A0]  }
0x1e9: {  	[tilespmem:s3+$0xFFFFFE80] =	vst v0;
	v0 =	vadd.f32 v12, v3;
	v3 =	vld [tilespmem:s21+$0x100]  }
0x1ea: {  	v6 =	vld [tilespmem:s3+$0xFFFFFE10];
	[tilespmem:s3+$0xFFFFFF00] =	vst v4;
	v2 =	vadd.f32 v13, v2  }
0x1eb: {  	v4 =	vld [tilespmem:s3+$0xFFFFFE90];
	[tilespmem:s3+$0xFFFFFF80] =	vst v0;
	v0 =	vmul.f32 $1.131370830e+01, v8  }
0x1ec: {  	v8 =	vld [tilespmem:s3+$0xFFFFFF10];
	[tilespmem:s3+$0x0] =	vst v2;
	v2 =	vadd.f32 v9, v7  }
0x1ed: {  	v7 =	vld [tilespmem:s3+$0xFFFFFF90];
	v0 =	vadd.f32 v5, v0  }
0x1ee: {  	[tilespmem:s3+$0x80] =	vst v2;
	v1 =	vadd.f32 v3, v1;
	v2 =	vld [tilespmem:s3+$0x1B0]  }
0x1ef: {  	v3 =	vmul.f32 $1.131370830e+01, v6;
	v5 =	vld [tilespmem:s3+$0x10];
	[tilespmem:s3+$0x1A0] =	vst v0  }
0x1f0: {  	v0 =	vmul.f32 $1.131370830e+01, v4;
	[tilespmem:s3+$0x100] =	vst v1;
	v1 =	vld [tilespmem:s21+$0x1B0]  }
0x1f1: {  	v4 =	vmul.f32 $1.131370830e+01, v8;
	v6 =	vld [tilespmem:s3+$0x90]  }
0x1f2: {  	v7 =	vmul.f32 $1.131370830e+01, v7;
	v8 =	vld [tilespmem:s3+$0x110]  }
0x1f3: {  	v9 =	vld [tilespmem:s21+$0xFFFFFE10];
	v2 =	vmul.f32 $1.131370830e+01, v2  }
0x1f4: {  	v10 =	vld [tilespmem:s21+$0xFFFFFE90];
	v5 =	vmul.f32 $1.131370830e+01, v5  }
0x1f5: {  	v11 =	vld [tilespmem:s21+$0xFFFFFF10];
	v1 =	vadd.f32 v1, v2  }
0x1f6: {  	v2 =	vmul.f32 $1.131370830e+01, v6;
	v6 =	vld [tilespmem:s3+$0x1C0]  }
0x1f7: {  	v12 =	vld [tilespmem:s21+$0xFFFFFF90];
	v8 =	vmul.f32 $1.131370830e+01, v8;
	[tilespmem:s3+$0x1B0] =	vst v1  }
0x1f8: {  	v1 =	vadd.f32 v9, v3;
	v3 =	vld [tilespmem:s21+$0x1C0]  }
0x1f9: {  	v0 =	vadd.f32 v10, v0;
	v9 =	vld [tilespmem:s21+$0x10]  }
0x1fa: {  	[tilespmem:s3+$0xFFFFFE10] =	vst v1;
	v1 =	vadd.f32 v11, v4;
	v4 =	vld [tilespmem:s21+$0x90]  }
0x1fb: {  	[tilespmem:s3+$0xFFFFFE90] =	vst v0;
	v0 =	vld [tilespmem:s21+$0x110];
	v6 =	vmul.f32 $1.131370830e+01, v6  }
0x1fc: {  	v10 =	vld [tilespmem:s3+$0xFFFFFE20];
	[tilespmem:s3+$0xFFFFFF10] =	vst v1;
	v1 =	vadd.f32 v12, v7  }
0x1fd: {  	v7 =	vld [tilespmem:s3+$0xFFFFFEA0];
	v3 =	vadd.f32 v3, v6  }
0x1fe: {  	[tilespmem:s3+$0xFFFFFF90] =	vst v1;
	v1 =	vadd.f32 v9, v5;
	v5 =	vld [tilespmem:s3+$0x1D0]  }
0x1ff: {  	v6 =	vld [tilespmem:s3+$0xFFFFFF20];
	v2 =	vadd.f32 v4, v2;
	[tilespmem:s3+$0x1C0] =	vst v3  }
0x200: {  	[tilespmem:s3+$0x10] =	vst v1;
	v0 =	vadd.f32 v0, v8;
	v1 =	vld [tilespmem:s21+$0x1D0]  }
0x201: {  	v3 =	vmul.f32 $1.131370830e+01, v10;
	v4 =	vld [tilespmem:s3+$0xFFFFFFA0];
	[tilespmem:s3+$0x90] =	vst v2  }
0x202: {  	v2 =	vmul.f32 $1.131370830e+01, v7;
	v7 =	vld [tilespmem:s3+$0x20];
	[tilespmem:s3+$0x110] =	vst v0  }
0x203: {  	v0 =	vld [tilespmem:s3+$0xA0];
	v5 =	vmul.f32 $1.131370830e+01, v5  }
0x204: {  	v6 =	vmul.f32 $1.131370830e+01, v6;
	v8 =	vld [tilespmem:s3+$0x120]  }
0x205: {  	v9 =	vld [tilespmem:s21+$0xFFFFFE20];
	v1 =	vadd.f32 v1, v5  }
0x206: {  	v4 =	vmul.f32 $1.131370830e+01, v4;
	v5 =	vld [tilespmem:s3+$0x1E0]  }
0x207: {  	v10 =	vld [tilespmem:s21+$0xFFFFFEA0];
	v7 =	vmul.f32 $1.131370830e+01, v7;
	[tilespmem:s3+$0x1D0] =	vst v1  }
0x208: {  	v0 =	vmul.f32 $1.131370830e+01, v0;
	v1 =	vld [tilespmem:s21+$0x1E0]  }
0x209: {  	v11 =	vld [tilespmem:s21+$0xFFFFFF20];
	v8 =	vmul.f32 $1.131370830e+01, v8  }
0x20a: {  	v3 =	vadd.f32 v9, v3;
	v9 =	vld [tilespmem:s21+$0xFFFFFFA0]  }
0x20b: {  	v12 =	vld [tilespmem:s21+$0x20];
	v5 =	vmul.f32 $1.131370830e+01, v5  }
0x20c: {  	[tilespmem:s3+$0xFFFFFE20] =	vst v3;
	v2 =	vadd.f32 v10, v2;
	v3 =	vld [tilespmem:s21+$0xA0]  }
0x20d: {  	v10 =	vld [tilespmem:s21+$0x120];
	v1 =	vadd.f32 v1, v5  }
0x20e: {  	[tilespmem:s3+$0xFFFFFEA0] =	vst v2;
	v2 =	vadd.f32 v11, v6;
	v5 =	vld [tilespmem:s3+$0x1F0]  }
0x20f: {  	v6 =	vld [tilespmem:s3+$0xFFFFFE30];
	v4 =	vadd.f32 v9, v4;
	[tilespmem:s3+$0x1E0] =	vst v1  }
0x210: {  	[tilespmem:s3+$0xFFFFFF20] =	vst v2;
	v1 =	vadd.f32 v12, v7;
	v2 =	vld [tilespmem:s21+$0x1F0]  }
0x211: {  	v7 =	vld [tilespmem:s3+$0xFFFFFEB0];
	[tilespmem:s3+$0xFFFFFFA0] =	vst v4;
	v0 =	vadd.f32 v3, v0  }
0x212: {  	v3 =	vld [tilespmem:s3+$0xFFFFFF30];
	[tilespmem:s3+$0x20] =	vst v1;
	v1 =	vadd.f32 v10, v8  }
0x213: {  	v4 =	vld [tilespmem:s3+$0xFFFFFFB0];
	[tilespmem:s3+$0xA0] =	vst v0;
	v0 =	vmul.f32 $1.131370830e+01, v5  }
0x214: {  	v5 =	vmul.f32 $1.131370830e+01, v6;
	v6 =	vld [tilespmem:s3+$0x30];
	[tilespmem:s3+$0x120] =	vst v1  }
0x215: {  	v1 =	vld [tilespmem:s3+$0xB0];
	v0 =	vadd.f32 v2, v0  }
0x216: {  	v2 =	vmul.f32 $1.131370830e+01, v7;
	v7 =	vld [tilespmem:s3+$0x130]  }
0x217: {  	v8 =	vld [tilespmem:s21+$0xFFFFFE30];
	v3 =	vmul.f32 $1.131370830e+01, v3;
	[tilespmem:s3+$0x1F0] =	vst v0  }
0x218: {  	v0 =	vld [tilespmem:s21+$0xFFFFFEB0];
	v4 =	vmul.f32 $1.131370830e+01, v4  }
0x219: {  	v9 =	vld [tilespmem:s21+$0xFFFFFF30];
	v6 =	vmul.f32 $1.131370830e+01, v6  }
0x21a: {  	v10 =	vld [tilespmem:s21+$0xFFFFFFB0];
	v1 =	vmul.f32 $1.131370830e+01, v1  }
0x21b: {  	v11 =	vld [tilespmem:s21+$0x30];
	v7 =	vmul.f32 $1.131370830e+01, v7  }
0x21c: {  	v5 =	vadd.f32 v8, v5;
	v8 =	vld [tilespmem:s21+$0xB0]  }
0x21d: {  	v0 =	vadd.f32 v0, v2;
	v2 =	vld [tilespmem:s21+$0x130]  }
0x21e: {  	[tilespmem:s3+$0xFFFFFE30] =	vst v5;
	v5 =	vld [tilespmem:s3+$0xFFFFFE40];
	v3 =	vadd.f32 v9, v3  }
0x21f: {  	[tilespmem:s3+$0xFFFFFEB0] =	vst v0;
	v0 =	vld [tilespmem:s3+$0xFFFFFEC0];
	v4 =	vadd.f32 v10, v4  }
0x220: {  	[tilespmem:s3+$0xFFFFFF30] =	vst v3;
	v3 =	vld [tilespmem:s3+$0xFFFFFF40];
	v6 =	vadd.f32 v11, v6  }
0x221: {  	[tilespmem:s3+$0xFFFFFFB0] =	vst v4;
	v4 =	vld [tilespmem:s3+$0xFFFFFFC0];
	v1 =	vadd.f32 v8, v1  }
0x222: {  	[tilespmem:s3+$0x30] =	vst v6;
	v6 =	vld [tilespmem:s3+$0x40];
	v2 =	vadd.f32 v2, v7  }
0x223: {  	v5 =	vmul.f32 $1.131370830e+01, v5;
	[tilespmem:s3+$0xB0] =	vst v1;
	v1 =	vld [tilespmem:s3+$0xC0]  }
0x224: {  	v0 =	vmul.f32 $1.131370830e+01, v0;
	[tilespmem:s3+$0x130] =	vst v2;
	v2 =	vld [tilespmem:s3+$0x140]  }
0x225: {  	v7 =	vld [tilespmem:s21+$0xFFFFFE40];
	v3 =	vmul.f32 $1.131370830e+01, v3  }
0x226: {  	v8 =	vld [tilespmem:s21+$0xFFFFFEC0];
	v4 =	vmul.f32 $1.131370830e+01, v4  }
0x227: {  	v9 =	vld [tilespmem:s21+$0xFFFFFF40];
	v6 =	vmul.f32 $1.131370830e+01, v6  }
0x228: {  	v10 =	vld [tilespmem:s21+$0xFFFFFFC0];
	v1 =	vmul.f32 $1.131370830e+01, v1  }
0x229: {  	v11 =	vld [tilespmem:s21+$0x40];
	v2 =	vmul.f32 $1.131370830e+01, v2  }
0x22a: {  	v5 =	vadd.f32 v7, v5;
	v7 =	vld [tilespmem:s21+$0xC0]  }
0x22b: {  	v0 =	vadd.f32 v8, v0;
	v8 =	vld [tilespmem:s21+$0x140]  }
0x22c: {  	[tilespmem:s3+$0xFFFFFE40] =	vst v5;
	v5 =	vld [tilespmem:s3+$0xFFFFFE50];
	v3 =	vadd.f32 v9, v3  }
0x22d: {  	[tilespmem:s3+$0xFFFFFEC0] =	vst v0;
	v0 =	vld [tilespmem:s3+$0xFFFFFED0];
	v4 =	vadd.f32 v10, v4  }
0x22e: {  	[tilespmem:s3+$0xFFFFFF40] =	vst v3;
	v3 =	vld [tilespmem:s3+$0xFFFFFF50];
	v6 =	vadd.f32 v11, v6  }
0x22f: {  	[tilespmem:s3+$0xFFFFFFC0] =	vst v4;
	v4 =	vld [tilespmem:s3+$0xFFFFFFD0];
	v1 =	vadd.f32 v7, v1  }
0x230: {  	[tilespmem:s3+$0x40] =	vst v6;
	v6 =	vld [tilespmem:s3+$0x50];
	v2 =	vadd.f32 v8, v2  }
0x231: {  	v5 =	vmul.f32 $1.131370830e+01, v5;
	[tilespmem:s3+$0xC0] =	vst v1;
	v1 =	vld [tilespmem:s3+$0xD0]  }
0x232: {  	v0 =	vmul.f32 $1.131370830e+01, v0;
	[tilespmem:s3+$0x140] =	vst v2;
	v2 =	vld [tilespmem:s3+$0x150]  }
0x233: {  	v7 =	vld [tilespmem:s21+$0xFFFFFE50];
	v3 =	vmul.f32 $1.131370830e+01, v3  }
0x234: {  	v8 =	vld [tilespmem:s21+$0xFFFFFED0];
	v4 =	vmul.f32 $1.131370830e+01, v4  }
0x235: {  	v9 =	vld [tilespmem:s21+$0xFFFFFF50];
	v6 =	vmul.f32 $1.131370830e+01, v6  }
0x236: {  	v10 =	vld [tilespmem:s21+$0xFFFFFFD0];
	v1 =	vmul.f32 $1.131370830e+01, v1  }
0x237: {  	v11 =	vld [tilespmem:s21+$0x50];
	v2 =	vmul.f32 $1.131370830e+01, v2  }
0x238: {  	v5 =	vadd.f32 v7, v5;
	v7 =	vld [tilespmem:s21+$0xD0]  }
0x239: {  	v0 =	vadd.f32 v8, v0;
	v8 =	vld [tilespmem:s21+$0x150]  }
0x23a: {  	[tilespmem:s3+$0xFFFFFE50] =	vst v5;
	v5 =	vld [tilespmem:s3+$0xFFFFFE60];
	v3 =	vadd.f32 v9, v3  }
0x23b: {  	[tilespmem:s3+$0xFFFFFED0] =	vst v0;
	v0 =	vld [tilespmem:s3+$0xFFFFFEE0];
	v4 =	vadd.f32 v10, v4  }
0x23c: {  	[tilespmem:s3+$0xFFFFFF50] =	vst v3;
	v3 =	vld [tilespmem:s3+$0xFFFFFF60];
	v6 =	vadd.f32 v11, v6  }
0x23d: {  	[tilespmem:s3+$0xFFFFFFD0] =	vst v4;
	v4 =	vld [tilespmem:s3+$0xFFFFFFE0];
	v1 =	vadd.f32 v7, v1  }
0x23e: {  	[tilespmem:s3+$0x50] =	vst v6;
	v6 =	vld [tilespmem:s3+$0x60];
	v2 =	vadd.f32 v8, v2  }
0x23f: {  	v5 =	vmul.f32 $1.131370830e+01, v5;
	[tilespmem:s3+$0xD0] =	vst v1;
	v1 =	vld [tilespmem:s3+$0xE0]  }
0x240: {  	v0 =	vmul.f32 $1.131370830e+01, v0;
	[tilespmem:s3+$0x150] =	vst v2;
	v2 =	vld [tilespmem:s3+$0x160]  }
0x241: {  	v7 =	vld [tilespmem:s21+$0xFFFFFE60];
	v3 =	vmul.f32 $1.131370830e+01, v3  }
0x242: {  	v8 =	vld [tilespmem:s21+$0xFFFFFEE0];
	v4 =	vmul.f32 $1.131370830e+01, v4  }
0x243: {  	v9 =	vld [tilespmem:s21+$0xFFFFFF60];
	v6 =	vmul.f32 $1.131370830e+01, v6  }
0x244: {  	v10 =	vld [tilespmem:s21+$0xFFFFFFE0];
	v1 =	vmul.f32 $1.131370830e+01, v1  }
0x245: {  	v11 =	vld [tilespmem:s21+$0x60];
	v2 =	vmul.f32 $1.131370830e+01, v2  }
0x246: {  	v5 =	vadd.f32 v7, v5;
	v7 =	vld [tilespmem:s21+$0xE0]  }
0x247: {  	v0 =	vadd.f32 v8, v0;
	v8 =	vld [tilespmem:s21+$0x160]  }
0x248: {  	[tilespmem:s3+$0xFFFFFE60] =	vst v5;
	v5 =	vld [tilespmem:s3+$0xFFFFFE70];
	v3 =	vadd.f32 v9, v3  }
0x249: {  	[tilespmem:s3+$0xFFFFFEE0] =	vst v0;
	v0 =	vld [tilespmem:s3+$0xFFFFFEF0];
	v4 =	vadd.f32 v10, v4  }
0x24a: {  	[tilespmem:s3+$0xFFFFFF60] =	vst v3;
	v3 =	vld [tilespmem:s3+$0xFFFFFF70];
	v6 =	vadd.f32 v11, v6  }
0x24b: {  	[tilespmem:s3+$0xFFFFFFE0] =	vst v4;
	v4 =	vld [tilespmem:s3+$0xFFFFFFF0];
	v1 =	vadd.f32 v7, v1  }
0x24c: {  	[tilespmem:s3+$0x60] =	vst v6;
	v9 =	vld [tilespmem:s3+$0x70];
	v2 =	vadd.f32 v8, v2  }
0x24d: {  	v8 =	vmul.f32 $1.131370830e+01, v5;
	[tilespmem:s3+$0xE0] =	vst v1;
	v1 =	vld [tilespmem:s3+$0xF0]  }
0x24e: {  	v10 =	vmul.f32 $1.131370830e+01, v0;
	[tilespmem:s3+$0x160] =	vst v2;
	v11 =	vld [tilespmem:s3+$0x170]  }
0x24f: {  	v12 =	vld [tilespmem:s21+$0xFFFFFE70];
	v6 =	vmul.f32 $1.131370830e+01, v3  }
0x250: {  	v13 =	vld [tilespmem:s21+$0xFFFFFEF0];
	v3 =	vmul.f32 $1.131370830e+01, v4  }
.Ltmp1:
0x251: {  	v7 =	vld [tilespmem:s21+$0xFFFFFF70];
	v2 =	vmul.f32 $1.131370830e+01, v9;
	(pc) =	sbr.rel @p2 .LBB2_5-.Ltmp1, $4  }
0x252: {  	v4 =	vld [tilespmem:s21+$0xFFFFFFF0];
	v0 =	vmul.f32 $1.131370830e+01, v1  }
0x253: {  	v5 =	vld [tilespmem:s21+$0x70];
	v1 =	vmul.f32 $1.131370830e+01, v11  }
0x254: {  	v11 =	vadd.f32 v12, v8;
	v8 =	vld [tilespmem:s21+$0xF0]  }
0x255: {  	s3 =	sadd.s32 $0x400, s3;
	v10 =	vadd.f32 v13, v10;
	v9 =	vld [tilespmem:s21+$0x170]  }
0x256: {  	[tilespmem:s29+$0xFFFFFE70] =	vst v11;
	v6 =	vadd.f32 v7, v6  }
0x257: {  	[tilespmem:s29+$0xFFFFFEF0] =	vst v10;
	v3 =	vadd.f32 v4, v3  }
0x258: {  	[tilespmem:s29+$0xFFFFFF70] =	vst v6;
	v2 =	vadd.f32 v5, v2  }
0x259: {  	s2 =	sadd.s32 s6, s23;
	[tilespmem:s29+$0xFFFFFFF0] =	vst v3;
	v0 =	vadd.f32 v8, v0  }
0x25a: {  	s2 =	sshll.u32 s2, $0xB;
	[tilespmem:s29+$0x70] =	vst v2;
	v1 =	vadd.f32 v9, v1  }
0x25b: {  	s2 =	sand.u32 $0x1FFFF800, s2;
	[tilespmem:s29+$0xF0] =	vst v0  }
0x25c: {  	s3 =	simm.s32 $0xE000;
	s2 =	sadd.s32 s4, s2;
	[tilespmem:s29+$0x170] =	vst v1  }
0x25d: {  	[hbm4b:s2+s5] =	stream.linear.scatter [tilespmem:s3], [sflag:$0x7], $0x4000, $0x38;
	[tilespmem:$0x1E280] =	vst v63  }
0x25e: {  	s2 =	simm.s32 @!p0 $0xA  }
0x25f: {  	_ =	swait.ge @!p0 [sflag:s2], $0x4000  }
0x260: {  	[sflag:s2] =	ssyncset.done @!p0 $0x0  }
0x261: {  	[sflag:s2] =	ssyncadd.s32 @!p0 $0xFFFFC000  }
0x262: {  	_ =	swait.ge [sflag:s14], $0x80  }
0x263: {  	[sflag:s14] =	ssyncset.done $0x0  }
0x264: {  	s23 =	simm.s32 $0x1A000;
	s29 =	simm.s32 $0x1E200;
	[sflag:s14] =	ssyncadd.s32 $0xFFFFFF80  }
0x265: {  	[tilespmem:s23], [sflag:$0x5] =	stream.indirect.gather [hbm4b:s1+s28], $0x80, s29, s28, $0xb8;
	[tilespmem:$0x1E280] =	vst v63  }
0x266: {  	s2 =	sadd.s32 @!p1 s6, s18;
	_ =	swait.ge [sflag:s15], $0x4000  }
0x267: {  	s21 =	simm.s32 @!p1 $0x1E100;
	s2 =	sshll.u32 @!p1 s2, $0x4;
	[sflag:s15] =	ssyncset.done $0x0  }
0x268: {  	s3 =	simm.s32 @!p1 $0x0;
	s2 =	sadd.s32 @!p1 s13, s2;
	[sflag:s15] =	ssyncadd.s32 $0xFFFFC000  }
0x269: {  	[tilespmem:s21], [sflag:$0xD] =	stream.linear.gather @!p1 [hbm4b:s2+s3], $0x80, $0x38;
	[tilespmem:$0x1E280] =	vst v63  }
0x26a: {  	s21 =	simm.s32 $0x12200  }
0x26b: {  	v0 =	vld [tilespmem:s21+$0x180]  }
0x26c: {  	v1 =	vld [tilespmem:s21+$0xFFFFFE80]  }
0x26d: {  	v2 =	vld [tilespmem:s19+$0x180]  }
0x26e: {  	v3 =	vld [tilespmem:s21+$0xFFFFFF00]  }
0x26f: {  	v4 =	vld [tilespmem:s21+$0xFFFFFF80]  }
0x270: {  	v5 =	vld [tilespmem:s21+$0x0]  }
0x271: {  	v6 =	vld [tilespmem:s21+$0x80]  }
0x272: {  	v7 =	vld [tilespmem:s21+$0x100]  }
0x273: {  	v8 =	vld [tilespmem:s21+$0xFFFFFE00];
	v0 =	vmul.f32 $1.131370830e+01, v0  }
0x274: {  	v9 =	vld [tilespmem:s19+$0xFFFFFE00]  }
0x275: {  	v10 =	vld [tilespmem:s19+$0xFFFFFE80];
	v0 =	vadd.f32 v2, v0  }
0x276: {  	v2 =	vld [tilespmem:s21+$0x190]  }
0x277: {  	v11 =	vld [tilespmem:s19+$0xFFFFFF00];
	[tilespmem:s21+$0x180] =	vst v0  }
0x278: {  	v0 =	vld [tilespmem:s19+$0x190]  }
0x279: {  	v12 =	vld [tilespmem:s19+$0xFFFFFF80];
	v8 =	vmul.f32 $1.131370830e+01, v8  }
0x27a: {  	v13 =	vld [tilespmem:s19+$0x0];
	v1 =	vmul.f32 $1.131370830e+01, v1  }
0x27b: {  	v8 =	vadd.f32 v9, v8;
	v9 =	vld [tilespmem:s19+$0x80];
	v2 =	vmul.f32 $1.131370830e+01, v2  }
0x27c: {  	v1 =	vadd.f32 v10, v1;
	v10 =	vld [tilespmem:s21+$0xFFFFFF90]  }
0x27d: {  	v3 =	vmul.f32 $1.131370830e+01, v3;
	[tilespmem:s21+$0xFFFFFE00] =	vst v8;
	v8 =	vld [tilespmem:s19+$0x100];
	v0 =	vadd.f32 v0, v2  }
0x27e: {  	v5 =	vmul.f32 $1.131370830e+01, v5;
	[tilespmem:s21+$0xFFFFFE80] =	vst v1;
	v2 =	vld [tilespmem:s21+$0x1A0]  }
0x27f: {  	v3 =	vadd.f32 v11, v3;
	v1 =	vld [tilespmem:s21+$0xFFFFFE10];
	[tilespmem:s21+$0x190] =	vst v0  }
0x280: {  	v5 =	vadd.f32 v13, v5;
	v0 =	vmul.f32 $1.131370830e+01, v4;
	v4 =	vld [tilespmem:s19+$0x1A0]  }
0x281: {  	[tilespmem:s21+$0xFFFFFF00] =	vst v3;
	v3 =	vld [tilespmem:s21+$0xFFFFFE90]  }
0x282: {  	[tilespmem:s21+$0x0] =	vst v5;
	v5 =	vld [tilespmem:s21+$0x1B0];
	v0 =	vadd.f32 v12, v0  }
0x283: {  	v11 =	vld [tilespmem:s19+$0xFFFFFF10];
	v2 =	vmul.f32 $1.131370830e+01, v2  }
0x284: {  	v6 =	vmul.f32 $1.131370830e+01, v6;
	v7 =	vmul.f32 $1.131370830e+01, v7;
	[tilespmem:s21+$0xFFFFFF80] =	vst v0;
	v0 =	vld [tilespmem:s21+$0xFFFFFF10]  }
0x285: {  	v51 =	vld [tilespmem:s19+$0xFFFFFF90];
	v2 =	vadd.f32 v4, v2  }
0x286: {  	v4 =	vadd.f32 v9, v6;
	v6 =	vadd.f32 v8, v7;
	v7 =	vld [tilespmem:s21+$0x10]  }
0x287: {  	v8 =	vld [tilespmem:s19+$0xFFFFFE10]  }
0x288: {  	v9 =	vld [tilespmem:s19+$0xFFFFFE90];
	[tilespmem:s21+$0x1A0] =	vst v2  }
0x289: {  	v10 =	vmul.f32 $1.131370830e+01, v10;
	[tilespmem:s21+$0x80] =	vst v4;
	v4 =	vld [tilespmem:s21+$0x90]  }
0x28a: {  	v1 =	vmul.f32 $1.131370830e+01, v1;
	[tilespmem:s21+$0x100] =	vst v6;
	v6 =	vld [tilespmem:s21+$0x110]  }
0x28b: {  	v2 =	vld [tilespmem:s19+$0x1B0];
	v0 =	vmul.f32 $1.131370830e+01, v0;
	v10 =	vadd.f32 v51, v10  }
0x28c: {  	v1 =	vadd.f32 v8, v1;
	v8 =	vld [tilespmem:s19+$0x10]  }
0x28d: {  	v0 =	vadd.f32 v11, v0;
	v11 =	vld [tilespmem:s21+$0xFFFFFEA0];
	[tilespmem:s21+$0xFFFFFF90] =	vst v10  }
0x28e: {  	v5 =	vmul.f32 $1.131370830e+01, v5;
	[tilespmem:s21+$0xFFFFFE10] =	vst v1;
	v1 =	vld [tilespmem:s19+$0x110]  }
0x28f: {  	v53 =	vld [tilespmem:s19+$0xFFFFFFA0]  }
0x290: {  	v7 =	vmul.f32 $1.131370830e+01, v7;
	[tilespmem:s21+$0xFFFFFF10] =	vst v0;
	v2 =	vadd.f32 v2, v5;
	v5 =	vld [tilespmem:s21+$0x1C0]  }
0x291: {  	v52 =	vld [tilespmem:s19+$0xFFFFFF20]  }
0x292: {  	v0 =	vadd.f32 v8, v7;
	v7 =	vld [tilespmem:s21+$0x1D0]  }
0x293: {  	[tilespmem:s21+$0x1B0] =	vst v2;
	v2 =	vmul.f32 $1.131370830e+01, v3;
	v8 =	vld [tilespmem:s21+$0xFFFFFF20]  }
0x294: {  	v6 =	vmul.f32 $1.131370830e+01, v6;
	v3 =	vld [tilespmem:s19+$0x1C0]  }
0x295: {  	v2 =	vadd.f32 v9, v2;
	v9 =	vld [tilespmem:s19+$0x90]  }
0x296: {  	[tilespmem:s21+$0x10] =	vst v0;
	v0 =	vadd.f32 v1, v6;
	v1 =	vld [tilespmem:s21+$0xFFFFFFA0]  }
0x297: {  	v6 =	vld [tilespmem:s21+$0x120]  }
0x298: {  	[tilespmem:s21+$0xFFFFFE90] =	vst v2;
	v2 =	vld [tilespmem:s21+$0xFFFFFE20]  }
0x299: {  	v4 =	vmul.f32 $1.131370830e+01, v4;
	v5 =	vmul.f32 $1.131370830e+01, v5;
	v10 =	vld [tilespmem:s19+$0xFFFFFEA0]  }
0x29a: {  	[tilespmem:s21+$0x110] =	vst v0;
	v0 =	vld [tilespmem:s21+$0xA0]  }
0x29b: {  	v3 =	vadd.f32 v3, v5;
	v5 =	vmul.f32 $1.131370830e+01, v11;
	v11 =	vld [tilespmem:s19+$0x20];
	v4 =	vadd.f32 v9, v4  }
0x29c: {  	v9 =	vld [tilespmem:s19+$0xFFFFFE20];
	v1 =	vmul.f32 $1.131370830e+01, v1  }
0x29d: {  	[tilespmem:s21+$0x90] =	vst v4;
	v4 =	vld [tilespmem:s21+$0x20]  }
0x29e: {  	[tilespmem:s21+$0x1C0] =	vst v3;
	v1 =	vadd.f32 v53, v1;
	v3 =	vadd.f32 v10, v5;
	v5 =	vld [tilespmem:s19+$0x120]  }
0x29f: {  	v2 =	vmul.f32 $1.131370830e+01, v2;
	v10 =	vld [tilespmem:s19+$0x1D0]  }
0x2a0: {  	[tilespmem:s21+$0xFFFFFFA0] =	vst v1;
	v1 =	vld [tilespmem:s21+$0xFFFFFF30]  }
0x2a1: {  	v8 =	vmul.f32 $1.131370830e+01, v8;
	v2 =	vadd.f32 v9, v2;
	v9 =	vld [tilespmem:s19+$0xA0]  }
0x2a2: {  	[tilespmem:s21+$0xFFFFFEA0] =	vst v3;
	v3 =	vld [tilespmem:s21+$0xFFFFFE30]  }
0x2a3: {  	v54 =	vld [tilespmem:s19+$0xFFFFFFB0];
	v4 =	vmul.f32 $1.131370830e+01, v4;
	[tilespmem:s21+$0xFFFFFE20] =	vst v2;
	v2 =	vadd.f32 v52, v8  }
0x2a4: {  	v0 =	vmul.f32 $1.131370830e+01, v0;
	v8 =	vld [tilespmem:s19+$0xFFFFFE30]  }
0x2a5: {  	[tilespmem:s21+$0xFFFFFF20] =	vst v2;
	v2 =	vadd.f32 v11, v4;
	v4 =	vld [tilespmem:s21+$0xFFFFFEB0]  }
0x2a6: {  	v6 =	vmul.f32 $1.131370830e+01, v6;
	v0 =	vadd.f32 v9, v0;
	v9 =	vld [tilespmem:s19+$0xFFFFFEB0]  }
0x2a7: {  	v11 =	vld [tilespmem:s19+$0xFFFFFF30]  }
0x2a8: {  	[tilespmem:s21+$0x20] =	vst v2;
	v2 =	vadd.f32 v5, v6;
	v5 =	vld [tilespmem:s21+$0xFFFFFFB0]  }
0x2a9: {  	v6 =	vld [tilespmem:s21+$0x130]  }
0x2aa: {  	v3 =	vmul.f32 $1.131370830e+01, v3;
	[tilespmem:s21+$0xA0] =	vst v0;
	v0 =	vld [tilespmem:s21+$0x30]  }
0x2ab: {  	v55 =	vld [tilespmem:s19+$0x30]  }
0x2ac: {  	[tilespmem:s21+$0x120] =	vst v2;
	v2 =	vld [tilespmem:s21+$0xB0];
	v3 =	vadd.f32 v8, v3  }
0x2ad: {  	v1 =	vmul.f32 $1.131370830e+01, v1;
	v8 =	vld [tilespmem:s19+$0xB0]  }
0x2ae: {  	v4 =	vmul.f32 $1.131370830e+01, v4;
	[tilespmem:s21+$0xFFFFFE30] =	vst v3;
	v3 =	vld [tilespmem:s21+$0x1E0]  }
0x2af: {  	v1 =	vadd.f32 v11, v1;
	v11 =	vld [tilespmem:s21+$0xFFFFFE40]  }
0x2b0: {  	v5 =	vmul.f32 $1.131370830e+01, v5;
	v4 =	vadd.f32 v9, v4;
	v9 =	vld [tilespmem:s19+$0x130]  }
0x2b1: {  	[tilespmem:s21+$0xFFFFFF30] =	vst v1;
	v1 =	vld [tilespmem:s21+$0xFFFFFF40]  }
0x2b2: {  	v0 =	vmul.f32 $1.131370830e+01, v0;
	[tilespmem:s21+$0xFFFFFEB0] =	vst v4;
	v4 =	vadd.f32 v54, v5;
	v5 =	vmul.f32 $1.131370830e+01, v6;
	v6 =	vld [tilespmem:s21+$0xFFFFFEC0]  }
0x2b3: {  	v2 =	vmul.f32 $1.131370830e+01, v2;
	v56 =	vld [tilespmem:s19+$0xFFFFFF40]  }
0x2b4: {  	v0 =	vadd.f32 v55, v0;
	[tilespmem:s21+$0xFFFFFFB0] =	vst v4;
	v4 =	vld [tilespmem:s21+$0xFFFFFFC0]  }
0x2b5: {  	v2 =	vadd.f32 v8, v2;
	v8 =	vld [tilespmem:s19+$0xFFFFFE40]  }
0x2b6: {  	[tilespmem:s21+$0x30] =	vst v0;
	v0 =	vadd.f32 v9, v5;
	v5 =	vld [tilespmem:s21+$0x40]  }
0x2b7: {  	v9 =	vld [tilespmem:s19+$0xFFFFFEC0]  }
0x2b8: {  	v7 =	vmul.f32 $1.131370830e+01, v7;
	v57 =	vld [tilespmem:s19+$0xFFFFFFC0]  }
0x2b9: {  	[tilespmem:s21+$0xB0] =	vst v2;
	v2 =	vld [tilespmem:s21+$0xC0]  }
0x2ba: {  	v7 =	vadd.f32 v10, v7;
	v10 =	vld [tilespmem:s19+$0x40]  }
0x2bb: {  	v11 =	vmul.f32 $1.131370830e+01, v11;
	[tilespmem:s21+$0x130] =	vst v0;
	v0 =	vld [tilespmem:s21+$0x140]  }
0x2bc: {  	[tilespmem:s21+$0x1D0] =	vst v7;
	v6 =	vmul.f32 $1.131370830e+01, v6;
	v7 =	vld [tilespmem:s19+$0x140]  }
0x2bd: {  	v1 =	vmul.f32 $1.131370830e+01, v1;
	v8 =	vadd.f32 v8, v11;
	v11 =	vld [tilespmem:s19+$0xC0]  }
0x2be: {  	v4 =	vmul.f32 $1.131370830e+01, v4;
	v6 =	vadd.f32 v9, v6;
	v9 =	vld [tilespmem:s19+$0x1E0]  }
0x2bf: {  	v1 =	vadd.f32 v56, v1;
	v5 =	vmul.f32 $1.131370830e+01, v5;
	[tilespmem:s21+$0xFFFFFE40] =	vst v8;
	v8 =	vld [tilespmem:s21+$0xFFFFFE50]  }
0x2c0: {  	v4 =	vadd.f32 v57, v4;
	[tilespmem:s21+$0xFFFFFEC0] =	vst v6;
	v6 =	vld [tilespmem:s21+$0xFFFFFED0]  }
0x2c1: {  	[tilespmem:s21+$0xFFFFFF40] =	vst v1;
	v1 =	vadd.f32 v10, v5;
	v5 =	vld [tilespmem:s21+$0xFFFFFF50]  }
0x2c2: {  	[tilespmem:s21+$0xFFFFFFC0] =	vst v4;
	v4 =	vld [tilespmem:s21+$0xFFFFFFD0]  }
0x2c3: {  	v0 =	vmul.f32 $1.131370830e+01, v0;
	v10 =	vld [tilespmem:s19+$0xFFFFFED0]  }
0x2c4: {  	v2 =	vmul.f32 $1.131370830e+01, v2;
	[tilespmem:s21+$0x40] =	vst v1;
	v1 =	vld [tilespmem:s21+$0x50]  }
0x2c5: {  	v0 =	vadd.f32 v7, v0;
	v7 =	vld [tilespmem:s19+$0xFFFFFE50]  }
0x2c6: {  	v2 =	vadd.f32 v11, v2;
	v11 =	vld [tilespmem:s19+$0xFFFFFF50]  }
0x2c7: {  	v58 =	vld [tilespmem:s19+$0xFFFFFFD0]  }
0x2c8: {  	v59 =	vld [tilespmem:s19+$0x50]  }
0x2c9: {  	[tilespmem:s21+$0xC0] =	vst v2;
	v2 =	vld [tilespmem:s21+$0xD0];
	v8 =	vmul.f32 $1.131370830e+01, v8  }
0x2ca: {  	[tilespmem:s21+$0x140] =	vst v0;
	v0 =	vld [tilespmem:s21+$0x150];
	v6 =	vmul.f32 $1.131370830e+01, v6  }
0x2cb: {  	v5 =	vmul.f32 $1.131370830e+01, v5;
	v7 =	vadd.f32 v7, v8;
	v8 =	vld [tilespmem:s19+$0xD0]  }
0x2cc: {  	v6 =	vadd.f32 v10, v6;
	v10 =	vld [tilespmem:s19+$0x150]  }
0x2cd: {  	v4 =	vmul.f32 $1.131370830e+01, v4;
	v5 =	vadd.f32 v11, v5;
	v11 =	vld [tilespmem:s21+$0xFFFFFE60]  }
0x2ce: {  	[tilespmem:s21+$0xFFFFFE50] =	vst v7;
	v7 =	vld [tilespmem:s21+$0x1F0]  }
0x2cf: {  	v1 =	vmul.f32 $1.131370830e+01, v1;
	v4 =	vadd.f32 v58, v4;
	[tilespmem:s21+$0xFFFFFED0] =	vst v6;
	v6 =	vld [tilespmem:s21+$0xFFFFFEE0]  }
0x2d0: {  	[tilespmem:s21+$0xFFFFFF50] =	vst v5;
	v5 =	vld [tilespmem:s21+$0xFFFFFF60]  }
0x2d1: {  	v1 =	vadd.f32 v59, v1;
	[tilespmem:s21+$0xFFFFFFD0] =	vst v4;
	v4 =	vld [tilespmem:s21+$0xFFFFFFE0]  }
0x2d2: {  	v60 =	vld [tilespmem:s19+$0xFFFFFF60]  }
0x2d3: {  	v2 =	vmul.f32 $1.131370830e+01, v2;
	[tilespmem:s21+$0x50] =	vst v1;
	v1 =	vld [tilespmem:s21+$0x60]  }
0x2d4: {  	v0 =	vmul.f32 $1.131370830e+01, v0;
	v61 =	vld [tilespmem:s19+$0xFFFFFFE0]  }
0x2d5: {  	v3 =	vmul.f32 $1.131370830e+01, v3;
	v2 =	vadd.f32 v8, v2;
	v8 =	vld [tilespmem:s19+$0xFFFFFE60]  }
0x2d6: {  	v0 =	vadd.f32 v10, v0;
	v10 =	vld [tilespmem:s19+$0xFFFFFEE0]  }
0x2d7: {  	v3 =	vadd.f32 v9, v3;
	v9 =	vld [tilespmem:s19+$0x60]  }
0x2d8: {  	v11 =	vmul.f32 $1.131370830e+01, v11;
	[tilespmem:s21+$0xD0] =	vst v2;
	v2 =	vld [tilespmem:s21+$0xE0]  }
0x2d9: {  	[tilespmem:s21+$0x150] =	vst v0;
	v0 =	vld [tilespmem:s21+$0x160];
	v6 =	vmul.f32 $1.131370830e+01, v6;
	v5 =	vmul.f32 $1.131370830e+01, v5  }
0x2da: {  	v8 =	vadd.f32 v8, v11;
	v11 =	vld [tilespmem:s19+$0xE0]  }
0x2db: {  	[tilespmem:s21+$0x1E0] =	vst v3;
	v3 =	vmul.f32 $1.131370830e+01, v4;
	v5 =	vadd.f32 v60, v5;
	v4 =	vadd.f32 v10, v6;
	v6 =	vld [tilespmem:s19+$0x160]  }
0x2dc: {  	v1 =	vmul.f32 $1.131370830e+01, v1;
	v10 =	vld [tilespmem:s19+$0x1F0]  }
0x2dd: {  	[tilespmem:s21+$0xFFFFFF60] =	vst v5;
	v5 =	vld [tilespmem:s21+$0xFFFFFF70]  }
0x2de: {  	v1 =	vadd.f32 v9, v1;
	v9 =	vld [tilespmem:s21+$0xF0]  }
0x2df: {  	v3 =	vadd.f32 v61, v3;
	[tilespmem:s21+$0xFFFFFE60] =	vst v8;
	v8 =	vld [tilespmem:s21+$0xFFFFFE70]  }
0x2e0: {  	[tilespmem:s21+$0xFFFFFEE0] =	vst v4;
	v4 =	vld [tilespmem:s21+$0xFFFFFEF0]  }
0x2e1: {  	[tilespmem:s21+$0xFFFFFFE0] =	vst v3;
	v3 =	vld [tilespmem:s21+$0xFFFFFFF0]  }
0x2e2: {  	v2 =	vmul.f32 $1.131370830e+01, v2;
	v0 =	vmul.f32 $1.131370830e+01, v0;
	[tilespmem:s21+$0x60] =	vst v1;
	v1 =	vld [tilespmem:s21+$0x70]  }
0x2e3: {  	v62 =	vld [tilespmem:s19+$0xFFFFFE70]  }
0x2e4: {  	v2 =	vadd.f32 v11, v2;
	v0 =	vadd.f32 v6, v0;
	v11 =	vld [tilespmem:s21+$0x170]  }
0x2e5: {  	v63 =	vld [tilespmem:s19+$0xFFFFFEF0]  }
0x2e6: {  	[tilespmem:s21+$0x160] =	vst v0;
	v0 =	vmul.f32 $1.131370830e+01, v7;
	v7 =	vld [tilespmem:s19+$0xFFFFFF70]  }
0x2e7: {  	v14 =	vmul.f32 $1.131370830e+01, v8;
	v15 =	vmul.f32 $1.131370830e+01, v4;
	v4 =	vld [tilespmem:s19+$0xFFFFFFF0]  }
0x2e8: {  	v6 =	vmul.f32 $1.131370830e+01, v5;
	v5 =	vld [tilespmem:s19+$0x70];
	[tilespmem:s21+$0xE0] =	vst v2;
	v10 =	vadd.f32 v10, v0  }
0x2e9: {  	v2 =	vmul.f32 $1.131370830e+01, v1;
	v8 =	vld [tilespmem:s19+$0xF0];
	v1 =	vmul.f32 $1.131370830e+01, v11;
	v11 =	vadd.f32 v62, v14  }
0x2ea: {  	s11 =	sadd.s32 $0x4, s11;
	s2 =	simm.s32 $0x0;
	s3 =	simm.s32 $0x12600;
	v3 =	vmul.f32 $1.131370830e+01, v3;
	v0 =	vmul.f32 $1.131370830e+01, v9;
	v9 =	vld [tilespmem:s19+$0x170];
	[tilespmem:s21+$0x1F0] =	vst v10;
	v10 =	vadd.f32 v63, v15  }
.LBB2_7:
0x2eb: {  	v12 =	vld [tilespmem:s3+$0x180];
	s2 =	sadd.s32 $0x8, s2;
	[tilespmem:s21+$0xFFFFFE70] =	vst v11;
	v6 =	vadd.f32 v7, v6  }
0x2ec: {  	s19 =	sadd.s32 $0x400, s19;
	v7 =	vld [tilespmem:s3+$0xFFFFFE80];
	p0 =	slt.u32 s2, $0x78;
	[tilespmem:s21+$0xFFFFFEF0] =	vst v10;
	v3 =	vadd.f32 v4, v3  }
0x2ed: {  	v4 =	vld [tilespmem:s19+$0x180];
	[tilespmem:s21+$0xFFFFFF70] =	vst v6;
	v2 =	vadd.f32 v5, v2  }
0x2ee: {  	v5 =	vld [tilespmem:s3+$0xFFFFFF00];
	[tilespmem:s21+$0xFFFFFFF0] =	vst v3;
	v0 =	vadd.f32 v8, v0  }
0x2ef: {  	v3 =	vld [tilespmem:s3+$0xFFFFFF80];
	[tilespmem:s21+$0x70] =	vst v2;
	v1 =	vadd.f32 v9, v1  }
0x2f0: {  	v2 =	vld [tilespmem:s3+$0x0];
	v6 =	vmul.f32 $1.131370830e+01, v12;
	[tilespmem:s21+$0xF0] =	vst v0  }
0x2f1: {  	v0 =	vmul.f32 $1.131370830e+01, v7;
	v7 =	vld [tilespmem:s3+$0x80];
	[tilespmem:s21+$0x170] =	vst v1;
	s21 =	smov.u32 s3  }
0x2f2: {  	v1 =	vld [tilespmem:s3+$0x100];
	v4 =	vadd.f32 v4, v6  }
0x2f3: {  	v5 =	vmul.f32 $1.131370830e+01, v5;
	v6 =	vld [tilespmem:s3+$0x190]  }
0x2f4: {  	v8 =	vld [tilespmem:s3+$0xFFFFFE00];
	v3 =	vmul.f32 $1.131370830e+01, v3;
	[tilespmem:s3+$0x180] =	vst v4  }
0x2f5: {  	v2 =	vmul.f32 $1.131370830e+01, v2;
	v4 =	vld [tilespmem:s19+$0x190]  }
0x2f6: {  	v9 =	vld [tilespmem:s19+$0xFFFFFE00];
	v7 =	vmul.f32 $1.131370830e+01, v7  }
0x2f7: {  	v10 =	vld [tilespmem:s19+$0xFFFFFE80];
	v1 =	vmul.f32 $1.131370830e+01, v1  }
0x2f8: {  	v11 =	vld [tilespmem:s19+$0xFFFFFF00];
	v6 =	vmul.f32 $1.131370830e+01, v6  }
0x2f9: {  	v8 =	vmul.f32 $1.131370830e+01, v8;
	v12 =	vld [tilespmem:s19+$0xFFFFFF80]  }
0x2fa: {  	v13 =	vld [tilespmem:s19+$0x0];
	v4 =	vadd.f32 v4, v6  }
0x2fb: {  	v6 =	vadd.f32 v9, v8;
	v8 =	vld [tilespmem:s3+$0x1A0]  }
0x2fc: {  	v0 =	vadd.f32 v10, v0;
	v9 =	vld [tilespmem:s19+$0x80];
	[tilespmem:s3+$0x190] =	vst v4  }
0x2fd: {  	[tilespmem:s3+$0xFFFFFE00] =	vst v6;
	v4 =	vadd.f32 v11, v5;
	v5 =	vld [tilespmem:s19+$0x1A0]  }
0x2fe: {  	[tilespmem:s3+$0xFFFFFE80] =	vst v0;
	v0 =	vadd.f32 v12, v3;
	v3 =	vld [tilespmem:s19+$0x100]  }
0x2ff: {  	v6 =	vld [tilespmem:s3+$0xFFFFFE10];
	[tilespmem:s3+$0xFFFFFF00] =	vst v4;
	v2 =	vadd.f32 v13, v2  }
0x300: {  	v4 =	vld [tilespmem:s3+$0xFFFFFE90];
	[tilespmem:s3+$0xFFFFFF80] =	vst v0;
	v0 =	vmul.f32 $1.131370830e+01, v8  }
0x301: {  	v8 =	vld [tilespmem:s3+$0xFFFFFF10];
	[tilespmem:s3+$0x0] =	vst v2;
	v2 =	vadd.f32 v9, v7  }
0x302: {  	v7 =	vld [tilespmem:s3+$0xFFFFFF90];
	v0 =	vadd.f32 v5, v0  }
0x303: {  	[tilespmem:s3+$0x80] =	vst v2;
	v1 =	vadd.f32 v3, v1;
	v2 =	vld [tilespmem:s3+$0x1B0]  }
0x304: {  	v3 =	vmul.f32 $1.131370830e+01, v6;
	v5 =	vld [tilespmem:s3+$0x10];
	[tilespmem:s3+$0x1A0] =	vst v0  }
0x305: {  	v0 =	vmul.f32 $1.131370830e+01, v4;
	[tilespmem:s3+$0x100] =	vst v1;
	v1 =	vld [tilespmem:s19+$0x1B0]  }
0x306: {  	v4 =	vmul.f32 $1.131370830e+01, v8;
	v6 =	vld [tilespmem:s3+$0x90]  }
0x307: {  	v7 =	vmul.f32 $1.131370830e+01, v7;
	v8 =	vld [tilespmem:s3+$0x110]  }
0x308: {  	v9 =	vld [tilespmem:s19+$0xFFFFFE10];
	v2 =	vmul.f32 $1.131370830e+01, v2  }
0x309: {  	v10 =	vld [tilespmem:s19+$0xFFFFFE90];
	v5 =	vmul.f32 $1.131370830e+01, v5  }
0x30a: {  	v11 =	vld [tilespmem:s19+$0xFFFFFF10];
	v1 =	vadd.f32 v1, v2  }
0x30b: {  	v2 =	vmul.f32 $1.131370830e+01, v6;
	v6 =	vld [tilespmem:s3+$0x1C0]  }
0x30c: {  	v12 =	vld [tilespmem:s19+$0xFFFFFF90];
	v8 =	vmul.f32 $1.131370830e+01, v8;
	[tilespmem:s3+$0x1B0] =	vst v1  }
0x30d: {  	v1 =	vadd.f32 v9, v3;
	v3 =	vld [tilespmem:s19+$0x1C0]  }
0x30e: {  	v0 =	vadd.f32 v10, v0;
	v9 =	vld [tilespmem:s19+$0x10]  }
0x30f: {  	[tilespmem:s3+$0xFFFFFE10] =	vst v1;
	v1 =	vadd.f32 v11, v4;
	v4 =	vld [tilespmem:s19+$0x90]  }
0x310: {  	[tilespmem:s3+$0xFFFFFE90] =	vst v0;
	v0 =	vld [tilespmem:s19+$0x110];
	v6 =	vmul.f32 $1.131370830e+01, v6  }
0x311: {  	v10 =	vld [tilespmem:s3+$0xFFFFFE20];
	[tilespmem:s3+$0xFFFFFF10] =	vst v1;
	v1 =	vadd.f32 v12, v7  }
0x312: {  	v7 =	vld [tilespmem:s3+$0xFFFFFEA0];
	v3 =	vadd.f32 v3, v6  }
0x313: {  	[tilespmem:s3+$0xFFFFFF90] =	vst v1;
	v1 =	vadd.f32 v9, v5;
	v5 =	vld [tilespmem:s3+$0x1D0]  }
0x314: {  	v6 =	vld [tilespmem:s3+$0xFFFFFF20];
	v2 =	vadd.f32 v4, v2;
	[tilespmem:s3+$0x1C0] =	vst v3  }
0x315: {  	[tilespmem:s3+$0x10] =	vst v1;
	v0 =	vadd.f32 v0, v8;
	v1 =	vld [tilespmem:s19+$0x1D0]  }
0x316: {  	v3 =	vmul.f32 $1.131370830e+01, v10;
	v4 =	vld [tilespmem:s3+$0xFFFFFFA0];
	[tilespmem:s3+$0x90] =	vst v2  }
0x317: {  	v2 =	vmul.f32 $1.131370830e+01, v7;
	v7 =	vld [tilespmem:s3+$0x20];
	[tilespmem:s3+$0x110] =	vst v0  }
0x318: {  	v0 =	vld [tilespmem:s3+$0xA0];
	v5 =	vmul.f32 $1.131370830e+01, v5  }
0x319: {  	v6 =	vmul.f32 $1.131370830e+01, v6;
	v8 =	vld [tilespmem:s3+$0x120]  }
0x31a: {  	v9 =	vld [tilespmem:s19+$0xFFFFFE20];
	v1 =	vadd.f32 v1, v5  }
0x31b: {  	v4 =	vmul.f32 $1.131370830e+01, v4;
	v5 =	vld [tilespmem:s3+$0x1E0]  }
0x31c: {  	v10 =	vld [tilespmem:s19+$0xFFFFFEA0];
	v7 =	vmul.f32 $1.131370830e+01, v7;
	[tilespmem:s3+$0x1D0] =	vst v1  }
0x31d: {  	v0 =	vmul.f32 $1.131370830e+01, v0;
	v1 =	vld [tilespmem:s19+$0x1E0]  }
0x31e: {  	v11 =	vld [tilespmem:s19+$0xFFFFFF20];
	v8 =	vmul.f32 $1.131370830e+01, v8  }
0x31f: {  	v3 =	vadd.f32 v9, v3;
	v9 =	vld [tilespmem:s19+$0xFFFFFFA0]  }
0x320: {  	v12 =	vld [tilespmem:s19+$0x20];
	v5 =	vmul.f32 $1.131370830e+01, v5  }
0x321: {  	[tilespmem:s3+$0xFFFFFE20] =	vst v3;
	v2 =	vadd.f32 v10, v2;
	v3 =	vld [tilespmem:s19+$0xA0]  }
0x322: {  	v10 =	vld [tilespmem:s19+$0x120];
	v1 =	vadd.f32 v1, v5  }
0x323: {  	[tilespmem:s3+$0xFFFFFEA0] =	vst v2;
	v2 =	vadd.f32 v11, v6;
	v5 =	vld [tilespmem:s3+$0x1F0]  }
0x324: {  	v6 =	vld [tilespmem:s3+$0xFFFFFE30];
	v4 =	vadd.f32 v9, v4;
	[tilespmem:s3+$0x1E0] =	vst v1  }
0x325: {  	[tilespmem:s3+$0xFFFFFF20] =	vst v2;
	v1 =	vadd.f32 v12, v7;
	v2 =	vld [tilespmem:s19+$0x1F0]  }
0x326: {  	v7 =	vld [tilespmem:s3+$0xFFFFFEB0];
	[tilespmem:s3+$0xFFFFFFA0] =	vst v4;
	v0 =	vadd.f32 v3, v0  }
0x327: {  	v3 =	vld [tilespmem:s3+$0xFFFFFF30];
	[tilespmem:s3+$0x20] =	vst v1;
	v1 =	vadd.f32 v10, v8  }
0x328: {  	v4 =	vld [tilespmem:s3+$0xFFFFFFB0];
	[tilespmem:s3+$0xA0] =	vst v0;
	v0 =	vmul.f32 $1.131370830e+01, v5  }
0x329: {  	v5 =	vmul.f32 $1.131370830e+01, v6;
	v6 =	vld [tilespmem:s3+$0x30];
	[tilespmem:s3+$0x120] =	vst v1  }
0x32a: {  	v1 =	vld [tilespmem:s3+$0xB0];
	v0 =	vadd.f32 v2, v0  }
0x32b: {  	v2 =	vmul.f32 $1.131370830e+01, v7;
	v7 =	vld [tilespmem:s3+$0x130]  }
0x32c: {  	v8 =	vld [tilespmem:s19+$0xFFFFFE30];
	v3 =	vmul.f32 $1.131370830e+01, v3;
	[tilespmem:s3+$0x1F0] =	vst v0  }
0x32d: {  	v0 =	vld [tilespmem:s19+$0xFFFFFEB0];
	v4 =	vmul.f32 $1.131370830e+01, v4  }
0x32e: {  	v9 =	vld [tilespmem:s19+$0xFFFFFF30];
	v6 =	vmul.f32 $1.131370830e+01, v6  }
0x32f: {  	v10 =	vld [tilespmem:s19+$0xFFFFFFB0];
	v1 =	vmul.f32 $1.131370830e+01, v1  }
0x330: {  	v11 =	vld [tilespmem:s19+$0x30];
	v7 =	vmul.f32 $1.131370830e+01, v7  }
0x331: {  	v5 =	vadd.f32 v8, v5;
	v8 =	vld [tilespmem:s19+$0xB0]  }
0x332: {  	v0 =	vadd.f32 v0, v2;
	v2 =	vld [tilespmem:s19+$0x130]  }
0x333: {  	[tilespmem:s3+$0xFFFFFE30] =	vst v5;
	v5 =	vld [tilespmem:s3+$0xFFFFFE40];
	v3 =	vadd.f32 v9, v3  }
0x334: {  	[tilespmem:s3+$0xFFFFFEB0] =	vst v0;
	v0 =	vld [tilespmem:s3+$0xFFFFFEC0];
	v4 =	vadd.f32 v10, v4  }
0x335: {  	[tilespmem:s3+$0xFFFFFF30] =	vst v3;
	v3 =	vld [tilespmem:s3+$0xFFFFFF40];
	v6 =	vadd.f32 v11, v6  }
0x336: {  	[tilespmem:s3+$0xFFFFFFB0] =	vst v4;
	v4 =	vld [tilespmem:s3+$0xFFFFFFC0];
	v1 =	vadd.f32 v8, v1  }
0x337: {  	[tilespmem:s3+$0x30] =	vst v6;
	v6 =	vld [tilespmem:s3+$0x40];
	v2 =	vadd.f32 v2, v7  }
0x338: {  	v5 =	vmul.f32 $1.131370830e+01, v5;
	[tilespmem:s3+$0xB0] =	vst v1;
	v1 =	vld [tilespmem:s3+$0xC0]  }
0x339: {  	v0 =	vmul.f32 $1.131370830e+01, v0;
	[tilespmem:s3+$0x130] =	vst v2;
	v2 =	vld [tilespmem:s3+$0x140]  }
0x33a: {  	v7 =	vld [tilespmem:s19+$0xFFFFFE40];
	v3 =	vmul.f32 $1.131370830e+01, v3  }
0x33b: {  	v8 =	vld [tilespmem:s19+$0xFFFFFEC0];
	v4 =	vmul.f32 $1.131370830e+01, v4  }
0x33c: {  	v9 =	vld [tilespmem:s19+$0xFFFFFF40];
	v6 =	vmul.f32 $1.131370830e+01, v6  }
0x33d: {  	v10 =	vld [tilespmem:s19+$0xFFFFFFC0];
	v1 =	vmul.f32 $1.131370830e+01, v1  }
0x33e: {  	v11 =	vld [tilespmem:s19+$0x40];
	v2 =	vmul.f32 $1.131370830e+01, v2  }
0x33f: {  	v5 =	vadd.f32 v7, v5;
	v7 =	vld [tilespmem:s19+$0xC0]  }
0x340: {  	v0 =	vadd.f32 v8, v0;
	v8 =	vld [tilespmem:s19+$0x140]  }
0x341: {  	[tilespmem:s3+$0xFFFFFE40] =	vst v5;
	v5 =	vld [tilespmem:s3+$0xFFFFFE50];
	v3 =	vadd.f32 v9, v3  }
0x342: {  	[tilespmem:s3+$0xFFFFFEC0] =	vst v0;
	v0 =	vld [tilespmem:s3+$0xFFFFFED0];
	v4 =	vadd.f32 v10, v4  }
0x343: {  	[tilespmem:s3+$0xFFFFFF40] =	vst v3;
	v3 =	vld [tilespmem:s3+$0xFFFFFF50];
	v6 =	vadd.f32 v11, v6  }
0x344: {  	[tilespmem:s3+$0xFFFFFFC0] =	vst v4;
	v4 =	vld [tilespmem:s3+$0xFFFFFFD0];
	v1 =	vadd.f32 v7, v1  }
0x345: {  	[tilespmem:s3+$0x40] =	vst v6;
	v6 =	vld [tilespmem:s3+$0x50];
	v2 =	vadd.f32 v8, v2  }
0x346: {  	v5 =	vmul.f32 $1.131370830e+01, v5;
	[tilespmem:s3+$0xC0] =	vst v1;
	v1 =	vld [tilespmem:s3+$0xD0]  }
0x347: {  	v0 =	vmul.f32 $1.131370830e+01, v0;
	[tilespmem:s3+$0x140] =	vst v2;
	v2 =	vld [tilespmem:s3+$0x150]  }
0x348: {  	v7 =	vld [tilespmem:s19+$0xFFFFFE50];
	v3 =	vmul.f32 $1.131370830e+01, v3  }
0x349: {  	v8 =	vld [tilespmem:s19+$0xFFFFFED0];
	v4 =	vmul.f32 $1.131370830e+01, v4  }
0x34a: {  	v9 =	vld [tilespmem:s19+$0xFFFFFF50];
	v6 =	vmul.f32 $1.131370830e+01, v6  }
0x34b: {  	v10 =	vld [tilespmem:s19+$0xFFFFFFD0];
	v1 =	vmul.f32 $1.131370830e+01, v1  }
0x34c: {  	v11 =	vld [tilespmem:s19+$0x50];
	v2 =	vmul.f32 $1.131370830e+01, v2  }
0x34d: {  	v5 =	vadd.f32 v7, v5;
	v7 =	vld [tilespmem:s19+$0xD0]  }
0x34e: {  	v0 =	vadd.f32 v8, v0;
	v8 =	vld [tilespmem:s19+$0x150]  }
0x34f: {  	[tilespmem:s3+$0xFFFFFE50] =	vst v5;
	v5 =	vld [tilespmem:s3+$0xFFFFFE60];
	v3 =	vadd.f32 v9, v3  }
0x350: {  	[tilespmem:s3+$0xFFFFFED0] =	vst v0;
	v0 =	vld [tilespmem:s3+$0xFFFFFEE0];
	v4 =	vadd.f32 v10, v4  }
0x351: {  	[tilespmem:s3+$0xFFFFFF50] =	vst v3;
	v3 =	vld [tilespmem:s3+$0xFFFFFF60];
	v6 =	vadd.f32 v11, v6  }
0x352: {  	[tilespmem:s3+$0xFFFFFFD0] =	vst v4;
	v4 =	vld [tilespmem:s3+$0xFFFFFFE0];
	v1 =	vadd.f32 v7, v1  }
0x353: {  	[tilespmem:s3+$0x50] =	vst v6;
	v6 =	vld [tilespmem:s3+$0x60];
	v2 =	vadd.f32 v8, v2  }
0x354: {  	v5 =	vmul.f32 $1.131370830e+01, v5;
	[tilespmem:s3+$0xD0] =	vst v1;
	v1 =	vld [tilespmem:s3+$0xE0]  }
0x355: {  	v0 =	vmul.f32 $1.131370830e+01, v0;
	[tilespmem:s3+$0x150] =	vst v2;
	v2 =	vld [tilespmem:s3+$0x160]  }
0x356: {  	v7 =	vld [tilespmem:s19+$0xFFFFFE60];
	v3 =	vmul.f32 $1.131370830e+01, v3  }
0x357: {  	v8 =	vld [tilespmem:s19+$0xFFFFFEE0];
	v4 =	vmul.f32 $1.131370830e+01, v4  }
0x358: {  	v9 =	vld [tilespmem:s19+$0xFFFFFF60];
	v6 =	vmul.f32 $1.131370830e+01, v6  }
0x359: {  	v10 =	vld [tilespmem:s19+$0xFFFFFFE0];
	v1 =	vmul.f32 $1.131370830e+01, v1  }
0x35a: {  	v11 =	vld [tilespmem:s19+$0x60];
	v2 =	vmul.f32 $1.131370830e+01, v2  }
0x35b: {  	v5 =	vadd.f32 v7, v5;
	v7 =	vld [tilespmem:s19+$0xE0]  }
0x35c: {  	v0 =	vadd.f32 v8, v0;
	v8 =	vld [tilespmem:s19+$0x160]  }
0x35d: {  	[tilespmem:s3+$0xFFFFFE60] =	vst v5;
	v5 =	vld [tilespmem:s3+$0xFFFFFE70];
	v3 =	vadd.f32 v9, v3  }
0x35e: {  	[tilespmem:s3+$0xFFFFFEE0] =	vst v0;
	v0 =	vld [tilespmem:s3+$0xFFFFFEF0];
	v4 =	vadd.f32 v10, v4  }
0x35f: {  	[tilespmem:s3+$0xFFFFFF60] =	vst v3;
	v3 =	vld [tilespmem:s3+$0xFFFFFF70];
	v6 =	vadd.f32 v11, v6  }
0x360: {  	[tilespmem:s3+$0xFFFFFFE0] =	vst v4;
	v4 =	vld [tilespmem:s3+$0xFFFFFFF0];
	v1 =	vadd.f32 v7, v1  }
0x361: {  	[tilespmem:s3+$0x60] =	vst v6;
	v9 =	vld [tilespmem:s3+$0x70];
	v2 =	vadd.f32 v8, v2  }
0x362: {  	v8 =	vmul.f32 $1.131370830e+01, v5;
	[tilespmem:s3+$0xE0] =	vst v1;
	v1 =	vld [tilespmem:s3+$0xF0]  }
0x363: {  	v10 =	vmul.f32 $1.131370830e+01, v0;
	[tilespmem:s3+$0x160] =	vst v2;
	v11 =	vld [tilespmem:s3+$0x170]  }
0x364: {  	v12 =	vld [tilespmem:s19+$0xFFFFFE70];
	v6 =	vmul.f32 $1.131370830e+01, v3  }
0x365: {  	v13 =	vld [tilespmem:s19+$0xFFFFFEF0];
	v3 =	vmul.f32 $1.131370830e+01, v4  }
.Ltmp2:
0x366: {  	v7 =	vld [tilespmem:s19+$0xFFFFFF70];
	v2 =	vmul.f32 $1.131370830e+01, v9;
	(pc) =	sbr.rel @p0 .LBB2_7-.Ltmp2, $4  }
0x367: {  	v4 =	vld [tilespmem:s19+$0xFFFFFFF0];
	v0 =	vmul.f32 $1.131370830e+01, v1  }
0x368: {  	v5 =	vld [tilespmem:s19+$0x70];
	v1 =	vmul.f32 $1.131370830e+01, v11  }
0x369: {  	v11 =	vadd.f32 v12, v8;
	v8 =	vld [tilespmem:s19+$0xF0]  }
0x36a: {  	s3 =	sadd.s32 $0x400, s3;
	v10 =	vadd.f32 v13, v10;
	v9 =	vld [tilespmem:s19+$0x170]  }
0x36b: {  	[tilespmem:s21+$0xFFFFFE70] =	vst v11;
	v6 =	vadd.f32 v7, v6  }
0x36c: {  	[tilespmem:s21+$0xFFFFFEF0] =	vst v10;
	v3 =	vadd.f32 v4, v3  }
0x36d: {  	[tilespmem:s21+$0xFFFFFF70] =	vst v6;
	v2 =	vadd.f32 v5, v2  }
0x36e: {  	s2 =	sadd.s32 s6, s18;
	[tilespmem:s21+$0xFFFFFFF0] =	vst v3;
	v0 =	vadd.f32 v8, v0  }
0x36f: {  	s2 =	sshll.u32 s2, $0xB;
	[tilespmem:s21+$0x70] =	vst v2;
	v1 =	vadd.f32 v9, v1  }
0x370: {  	s2 =	sand.u32 $0x1FFFF800, s2;
	[tilespmem:s21+$0xF0] =	vst v0  }
0x371: {  	p0 =	sne.s32 s8, $0x27;
	s19 =	simm.s32 $0x12000;
	s2 =	sadd.s32 s4, s2;
	[tilespmem:s21+$0x170] =	vst v1  }
0x372: {  	[hbm4b:s2+s5] =	stream.linear.scatter [tilespmem:s19], [sflag:$0x8], $0x4000, $0x38;
	[tilespmem:$0x1E280] =	vst v63  }
0x373: {  	s2 =	simm.s32 @p0 $0x6  }
0x374: {  	_ =	swait.ge @p0 [sflag:s2], $0x4000  }
0x375: {  	[sflag:s2] =	ssyncset.done @p0 $0x0  }
0x376: {  	[sflag:s2] =	ssyncadd.s32 @p0 $0xFFFFC000;
	s2 =	simm.s32 @p0 $0xB  }
0x377: {  	_ =	swait.ge @p0 [sflag:s2], $0x80  }
0x378: {  	s3 =	simm.s32 @p0 $0x1E000;
	[sflag:s2] =	ssyncset.done @p0 $0x0  }
0x379: {  	s18 =	simm.s32 @p0 $0xA000;
	[sflag:s2] =	ssyncadd.s32 @p0 $0xFFFFFF80;
	s2 =	simm.s32 @p0 $0x80  }
0x37a: {  	[tilespmem:s18], [sflag:$0x1] =	stream.indirect.gather @p0 [hbm4b:s1+s2], $0x80, s3, s2, $0xb8;
	[tilespmem:$0x1E280] =	vst v63  }
0x37b: {  	s2 =	simm.s32 @p0 $0x4  }
0x37c: {  	_ =	swait.ge @p0 [sflag:s2], $0x4000  }
0x37d: {  	s3 =	sadd.s32 @p0 s6, s17;
	[sflag:s2] =	ssyncset.done @p0 $0x0  }
0x37e: {  	[sflag:s2] =	ssyncadd.s32 @p0 $0xFFFFC000;
	s2 =	sshll.u32 @p0 s3, $0x4  }
0x37f: {  	s18 =	simm.s32 @p0 $0x1E180;
	s3 =	simm.s32 @p0 $0x0;
	s2 =	sadd.s32 @p0 s13, s2  }
0x380: {  	[tilespmem:s18], [sflag:$0xE] =	stream.linear.gather @p0 [hbm4b:s2+s3], $0x80, $0x38;
	[tilespmem:$0x1E280] =	vst v63  }
0x381: {  	s2 =	simm.s32 @!p0 $0x4  }
0x382: {  	_ =	swait.ge @!p0 [sflag:s2], $0x4000  }
0x383: {  	[sflag:s2] =	ssyncset.done @!p0 $0x0  }
0x384: {  	s18 =	simm.s32 $0x16200;
	[sflag:s2] =	ssyncadd.s32 @!p0 $0xFFFFC000  }
0x385: {  	v0 =	vld [tilespmem:s18+$0x180]  }
0x386: {  	v1 =	vld [tilespmem:s18+$0xFFFFFE80]  }
0x387: {  	v2 =	vld [tilespmem:s10+$0x180]  }
0x388: {  	v3 =	vld [tilespmem:s18+$0xFFFFFF00]  }
0x389: {  	v4 =	vld [tilespmem:s18+$0xFFFFFF80]  }
0x38a: {  	v5 =	vld [tilespmem:s18+$0x0]  }
0x38b: {  	v6 =	vld [tilespmem:s18+$0x80]  }
0x38c: {  	v7 =	vld [tilespmem:s18+$0x100]  }
0x38d: {  	v8 =	vld [tilespmem:s18+$0xFFFFFE00];
	v0 =	vmul.f32 $1.131370830e+01, v0  }
0x38e: {  	v9 =	vld [tilespmem:s10+$0xFFFFFE00]  }
0x38f: {  	v10 =	vld [tilespmem:s10+$0xFFFFFE80];
	v0 =	vadd.f32 v2, v0  }
0x390: {  	v2 =	vld [tilespmem:s18+$0x190]  }
0x391: {  	v11 =	vld [tilespmem:s10+$0xFFFFFF00];
	[tilespmem:s18+$0x180] =	vst v0  }
0x392: {  	v0 =	vld [tilespmem:s10+$0x190]  }
0x393: {  	v12 =	vld [tilespmem:s10+$0xFFFFFF80];
	v8 =	vmul.f32 $1.131370830e+01, v8  }
0x394: {  	v13 =	vld [tilespmem:s10+$0x0];
	v1 =	vmul.f32 $1.131370830e+01, v1  }
0x395: {  	v8 =	vadd.f32 v9, v8;
	v9 =	vld [tilespmem:s10+$0x80];
	v2 =	vmul.f32 $1.131370830e+01, v2  }
0x396: {  	v1 =	vadd.f32 v10, v1;
	v10 =	vld [tilespmem:s18+$0xFFFFFF90]  }
0x397: {  	v3 =	vmul.f32 $1.131370830e+01, v3;
	[tilespmem:s18+$0xFFFFFE00] =	vst v8;
	v8 =	vld [tilespmem:s10+$0x100];
	v0 =	vadd.f32 v0, v2  }
0x398: {  	v5 =	vmul.f32 $1.131370830e+01, v5;
	[tilespmem:s18+$0xFFFFFE80] =	vst v1;
	v2 =	vld [tilespmem:s18+$0x1A0]  }
0x399: {  	v3 =	vadd.f32 v11, v3;
	v1 =	vld [tilespmem:s18+$0xFFFFFE10];
	[tilespmem:s18+$0x190] =	vst v0  }
0x39a: {  	v5 =	vadd.f32 v13, v5;
	v0 =	vmul.f32 $1.131370830e+01, v4;
	v4 =	vld [tilespmem:s10+$0x1A0]  }
0x39b: {  	[tilespmem:s18+$0xFFFFFF00] =	vst v3;
	v3 =	vld [tilespmem:s18+$0xFFFFFE90]  }
0x39c: {  	[tilespmem:s18+$0x0] =	vst v5;
	v5 =	vld [tilespmem:s18+$0x1B0];
	v0 =	vadd.f32 v12, v0  }
0x39d: {  	v11 =	vld [tilespmem:s10+$0xFFFFFF10];
	v2 =	vmul.f32 $1.131370830e+01, v2  }
0x39e: {  	v6 =	vmul.f32 $1.131370830e+01, v6;
	v7 =	vmul.f32 $1.131370830e+01, v7;
	[tilespmem:s18+$0xFFFFFF80] =	vst v0;
	v0 =	vld [tilespmem:s18+$0xFFFFFF10]  }
0x39f: {  	v51 =	vld [tilespmem:s10+$0xFFFFFF90];
	v2 =	vadd.f32 v4, v2  }
0x3a0: {  	v4 =	vadd.f32 v9, v6;
	v6 =	vadd.f32 v8, v7;
	v7 =	vld [tilespmem:s18+$0x10]  }
0x3a1: {  	v8 =	vld [tilespmem:s10+$0xFFFFFE10]  }
0x3a2: {  	v9 =	vld [tilespmem:s10+$0xFFFFFE90];
	[tilespmem:s18+$0x1A0] =	vst v2  }
0x3a3: {  	v10 =	vmul.f32 $1.131370830e+01, v10;
	[tilespmem:s18+$0x80] =	vst v4;
	v4 =	vld [tilespmem:s18+$0x90]  }
0x3a4: {  	v1 =	vmul.f32 $1.131370830e+01, v1;
	[tilespmem:s18+$0x100] =	vst v6;
	v6 =	vld [tilespmem:s18+$0x110]  }
0x3a5: {  	v2 =	vld [tilespmem:s10+$0x1B0];
	v0 =	vmul.f32 $1.131370830e+01, v0;
	v10 =	vadd.f32 v51, v10  }
0x3a6: {  	v1 =	vadd.f32 v8, v1;
	v8 =	vld [tilespmem:s10+$0x10]  }
0x3a7: {  	v0 =	vadd.f32 v11, v0;
	v11 =	vld [tilespmem:s18+$0xFFFFFEA0];
	[tilespmem:s18+$0xFFFFFF90] =	vst v10  }
0x3a8: {  	v5 =	vmul.f32 $1.131370830e+01, v5;
	[tilespmem:s18+$0xFFFFFE10] =	vst v1;
	v1 =	vld [tilespmem:s10+$0x110]  }
0x3a9: {  	v53 =	vld [tilespmem:s10+$0xFFFFFFA0]  }
0x3aa: {  	v7 =	vmul.f32 $1.131370830e+01, v7;
	[tilespmem:s18+$0xFFFFFF10] =	vst v0;
	v2 =	vadd.f32 v2, v5;
	v5 =	vld [tilespmem:s18+$0x1C0]  }
0x3ab: {  	v52 =	vld [tilespmem:s10+$0xFFFFFF20]  }
0x3ac: {  	v0 =	vadd.f32 v8, v7;
	v7 =	vld [tilespmem:s18+$0x1D0]  }
0x3ad: {  	[tilespmem:s18+$0x1B0] =	vst v2;
	v2 =	vmul.f32 $1.131370830e+01, v3;
	v8 =	vld [tilespmem:s18+$0xFFFFFF20]  }
0x3ae: {  	v6 =	vmul.f32 $1.131370830e+01, v6;
	v3 =	vld [tilespmem:s10+$0x1C0]  }
0x3af: {  	v2 =	vadd.f32 v9, v2;
	v9 =	vld [tilespmem:s10+$0x90]  }
0x3b0: {  	[tilespmem:s18+$0x10] =	vst v0;
	v0 =	vadd.f32 v1, v6;
	v1 =	vld [tilespmem:s18+$0xFFFFFFA0]  }
0x3b1: {  	v6 =	vld [tilespmem:s18+$0x120]  }
0x3b2: {  	[tilespmem:s18+$0xFFFFFE90] =	vst v2;
	v2 =	vld [tilespmem:s18+$0xFFFFFE20]  }
0x3b3: {  	v4 =	vmul.f32 $1.131370830e+01, v4;
	v5 =	vmul.f32 $1.131370830e+01, v5;
	v10 =	vld [tilespmem:s10+$0xFFFFFEA0]  }
0x3b4: {  	[tilespmem:s18+$0x110] =	vst v0;
	v0 =	vld [tilespmem:s18+$0xA0]  }
0x3b5: {  	v3 =	vadd.f32 v3, v5;
	v5 =	vmul.f32 $1.131370830e+01, v11;
	v11 =	vld [tilespmem:s10+$0x20];
	v4 =	vadd.f32 v9, v4  }
0x3b6: {  	v9 =	vld [tilespmem:s10+$0xFFFFFE20];
	v1 =	vmul.f32 $1.131370830e+01, v1  }
0x3b7: {  	[tilespmem:s18+$0x90] =	vst v4;
	v4 =	vld [tilespmem:s18+$0x20]  }
0x3b8: {  	[tilespmem:s18+$0x1C0] =	vst v3;
	v1 =	vadd.f32 v53, v1;
	v3 =	vadd.f32 v10, v5;
	v5 =	vld [tilespmem:s10+$0x120]  }
0x3b9: {  	v2 =	vmul.f32 $1.131370830e+01, v2;
	v10 =	vld [tilespmem:s10+$0x1D0]  }
0x3ba: {  	[tilespmem:s18+$0xFFFFFFA0] =	vst v1;
	v1 =	vld [tilespmem:s18+$0xFFFFFF30]  }
0x3bb: {  	v8 =	vmul.f32 $1.131370830e+01, v8;
	v2 =	vadd.f32 v9, v2;
	v9 =	vld [tilespmem:s10+$0xA0]  }
0x3bc: {  	[tilespmem:s18+$0xFFFFFEA0] =	vst v3;
	v3 =	vld [tilespmem:s18+$0xFFFFFE30]  }
0x3bd: {  	v54 =	vld [tilespmem:s10+$0xFFFFFFB0];
	v4 =	vmul.f32 $1.131370830e+01, v4;
	[tilespmem:s18+$0xFFFFFE20] =	vst v2;
	v2 =	vadd.f32 v52, v8  }
0x3be: {  	v0 =	vmul.f32 $1.131370830e+01, v0;
	v8 =	vld [tilespmem:s10+$0xFFFFFE30]  }
0x3bf: {  	[tilespmem:s18+$0xFFFFFF20] =	vst v2;
	v2 =	vadd.f32 v11, v4;
	v4 =	vld [tilespmem:s18+$0xFFFFFEB0]  }
0x3c0: {  	v6 =	vmul.f32 $1.131370830e+01, v6;
	v0 =	vadd.f32 v9, v0;
	v9 =	vld [tilespmem:s10+$0xFFFFFEB0]  }
0x3c1: {  	v11 =	vld [tilespmem:s10+$0xFFFFFF30]  }
0x3c2: {  	[tilespmem:s18+$0x20] =	vst v2;
	v2 =	vadd.f32 v5, v6;
	v5 =	vld [tilespmem:s18+$0xFFFFFFB0]  }
0x3c3: {  	v6 =	vld [tilespmem:s18+$0x130]  }
0x3c4: {  	v3 =	vmul.f32 $1.131370830e+01, v3;
	[tilespmem:s18+$0xA0] =	vst v0;
	v0 =	vld [tilespmem:s18+$0x30]  }
0x3c5: {  	v55 =	vld [tilespmem:s10+$0x30]  }
0x3c6: {  	[tilespmem:s18+$0x120] =	vst v2;
	v2 =	vld [tilespmem:s18+$0xB0];
	v3 =	vadd.f32 v8, v3  }
0x3c7: {  	v1 =	vmul.f32 $1.131370830e+01, v1;
	v8 =	vld [tilespmem:s10+$0xB0]  }
0x3c8: {  	v4 =	vmul.f32 $1.131370830e+01, v4;
	[tilespmem:s18+$0xFFFFFE30] =	vst v3;
	v3 =	vld [tilespmem:s18+$0x1E0]  }
0x3c9: {  	v1 =	vadd.f32 v11, v1;
	v11 =	vld [tilespmem:s18+$0xFFFFFE40]  }
0x3ca: {  	v5 =	vmul.f32 $1.131370830e+01, v5;
	v4 =	vadd.f32 v9, v4;
	v9 =	vld [tilespmem:s10+$0x130]  }
0x3cb: {  	[tilespmem:s18+$0xFFFFFF30] =	vst v1;
	v1 =	vld [tilespmem:s18+$0xFFFFFF40]  }
0x3cc: {  	v0 =	vmul.f32 $1.131370830e+01, v0;
	[tilespmem:s18+$0xFFFFFEB0] =	vst v4;
	v4 =	vadd.f32 v54, v5;
	v5 =	vmul.f32 $1.131370830e+01, v6;
	v6 =	vld [tilespmem:s18+$0xFFFFFEC0]  }
0x3cd: {  	v2 =	vmul.f32 $1.131370830e+01, v2;
	v56 =	vld [tilespmem:s10+$0xFFFFFF40]  }
0x3ce: {  	v0 =	vadd.f32 v55, v0;
	[tilespmem:s18+$0xFFFFFFB0] =	vst v4;
	v4 =	vld [tilespmem:s18+$0xFFFFFFC0]  }
0x3cf: {  	v2 =	vadd.f32 v8, v2;
	v8 =	vld [tilespmem:s10+$0xFFFFFE40]  }
0x3d0: {  	[tilespmem:s18+$0x30] =	vst v0;
	v0 =	vadd.f32 v9, v5;
	v5 =	vld [tilespmem:s18+$0x40]  }
0x3d1: {  	v9 =	vld [tilespmem:s10+$0xFFFFFEC0]  }
0x3d2: {  	v7 =	vmul.f32 $1.131370830e+01, v7;
	v57 =	vld [tilespmem:s10+$0xFFFFFFC0]  }
0x3d3: {  	[tilespmem:s18+$0xB0] =	vst v2;
	v2 =	vld [tilespmem:s18+$0xC0]  }
0x3d4: {  	v7 =	vadd.f32 v10, v7;
	v10 =	vld [tilespmem:s10+$0x40]  }
0x3d5: {  	v11 =	vmul.f32 $1.131370830e+01, v11;
	[tilespmem:s18+$0x130] =	vst v0;
	v0 =	vld [tilespmem:s18+$0x140]  }
0x3d6: {  	[tilespmem:s18+$0x1D0] =	vst v7;
	v6 =	vmul.f32 $1.131370830e+01, v6;
	v7 =	vld [tilespmem:s10+$0x140]  }
0x3d7: {  	v1 =	vmul.f32 $1.131370830e+01, v1;
	v8 =	vadd.f32 v8, v11;
	v11 =	vld [tilespmem:s10+$0xC0]  }
0x3d8: {  	v4 =	vmul.f32 $1.131370830e+01, v4;
	v6 =	vadd.f32 v9, v6;
	v9 =	vld [tilespmem:s10+$0x1E0]  }
0x3d9: {  	v1 =	vadd.f32 v56, v1;
	v5 =	vmul.f32 $1.131370830e+01, v5;
	[tilespmem:s18+$0xFFFFFE40] =	vst v8;
	v8 =	vld [tilespmem:s18+$0xFFFFFE50]  }
0x3da: {  	v4 =	vadd.f32 v57, v4;
	[tilespmem:s18+$0xFFFFFEC0] =	vst v6;
	v6 =	vld [tilespmem:s18+$0xFFFFFED0]  }
0x3db: {  	[tilespmem:s18+$0xFFFFFF40] =	vst v1;
	v1 =	vadd.f32 v10, v5;
	v5 =	vld [tilespmem:s18+$0xFFFFFF50]  }
0x3dc: {  	[tilespmem:s18+$0xFFFFFFC0] =	vst v4;
	v4 =	vld [tilespmem:s18+$0xFFFFFFD0]  }
0x3dd: {  	v0 =	vmul.f32 $1.131370830e+01, v0;
	v10 =	vld [tilespmem:s10+$0xFFFFFED0]  }
0x3de: {  	v2 =	vmul.f32 $1.131370830e+01, v2;
	[tilespmem:s18+$0x40] =	vst v1;
	v1 =	vld [tilespmem:s18+$0x50]  }
0x3df: {  	v0 =	vadd.f32 v7, v0;
	v7 =	vld [tilespmem:s10+$0xFFFFFE50]  }
0x3e0: {  	v2 =	vadd.f32 v11, v2;
	v11 =	vld [tilespmem:s10+$0xFFFFFF50]  }
0x3e1: {  	v58 =	vld [tilespmem:s10+$0xFFFFFFD0]  }
0x3e2: {  	v59 =	vld [tilespmem:s10+$0x50]  }
0x3e3: {  	[tilespmem:s18+$0xC0] =	vst v2;
	v2 =	vld [tilespmem:s18+$0xD0];
	v8 =	vmul.f32 $1.131370830e+01, v8  }
0x3e4: {  	[tilespmem:s18+$0x140] =	vst v0;
	v0 =	vld [tilespmem:s18+$0x150];
	v6 =	vmul.f32 $1.131370830e+01, v6  }
0x3e5: {  	v5 =	vmul.f32 $1.131370830e+01, v5;
	v7 =	vadd.f32 v7, v8;
	v8 =	vld [tilespmem:s10+$0xD0]  }
0x3e6: {  	v6 =	vadd.f32 v10, v6;
	v10 =	vld [tilespmem:s10+$0x150]  }
0x3e7: {  	v4 =	vmul.f32 $1.131370830e+01, v4;
	v5 =	vadd.f32 v11, v5;
	v11 =	vld [tilespmem:s18+$0xFFFFFE60]  }
0x3e8: {  	[tilespmem:s18+$0xFFFFFE50] =	vst v7;
	v7 =	vld [tilespmem:s18+$0x1F0]  }
0x3e9: {  	v1 =	vmul.f32 $1.131370830e+01, v1;
	v4 =	vadd.f32 v58, v4;
	[tilespmem:s18+$0xFFFFFED0] =	vst v6;
	v6 =	vld [tilespmem:s18+$0xFFFFFEE0]  }
0x3ea: {  	[tilespmem:s18+$0xFFFFFF50] =	vst v5;
	v5 =	vld [tilespmem:s18+$0xFFFFFF60]  }
0x3eb: {  	v1 =	vadd.f32 v59, v1;
	[tilespmem:s18+$0xFFFFFFD0] =	vst v4;
	v4 =	vld [tilespmem:s18+$0xFFFFFFE0]  }
0x3ec: {  	v60 =	vld [tilespmem:s10+$0xFFFFFF60]  }
0x3ed: {  	v2 =	vmul.f32 $1.131370830e+01, v2;
	[tilespmem:s18+$0x50] =	vst v1;
	v1 =	vld [tilespmem:s18+$0x60]  }
0x3ee: {  	v0 =	vmul.f32 $1.131370830e+01, v0;
	v61 =	vld [tilespmem:s10+$0xFFFFFFE0]  }
0x3ef: {  	v3 =	vmul.f32 $1.131370830e+01, v3;
	v2 =	vadd.f32 v8, v2;
	v8 =	vld [tilespmem:s10+$0xFFFFFE60]  }
0x3f0: {  	v0 =	vadd.f32 v10, v0;
	v10 =	vld [tilespmem:s10+$0xFFFFFEE0]  }
0x3f1: {  	v3 =	vadd.f32 v9, v3;
	v9 =	vld [tilespmem:s10+$0x60]  }
0x3f2: {  	v11 =	vmul.f32 $1.131370830e+01, v11;
	[tilespmem:s18+$0xD0] =	vst v2;
	v2 =	vld [tilespmem:s18+$0xE0]  }
0x3f3: {  	[tilespmem:s18+$0x150] =	vst v0;
	v0 =	vld [tilespmem:s18+$0x160];
	v6 =	vmul.f32 $1.131370830e+01, v6;
	v5 =	vmul.f32 $1.131370830e+01, v5  }
0x3f4: {  	v8 =	vadd.f32 v8, v11;
	v11 =	vld [tilespmem:s10+$0xE0]  }
0x3f5: {  	[tilespmem:s18+$0x1E0] =	vst v3;
	v3 =	vmul.f32 $1.131370830e+01, v4;
	v5 =	vadd.f32 v60, v5;
	v4 =	vadd.f32 v10, v6;
	v6 =	vld [tilespmem:s10+$0x160]  }
0x3f6: {  	v1 =	vmul.f32 $1.131370830e+01, v1;
	v10 =	vld [tilespmem:s10+$0x1F0]  }
0x3f7: {  	[tilespmem:s18+$0xFFFFFF60] =	vst v5;
	v5 =	vld [tilespmem:s18+$0xFFFFFF70]  }
0x3f8: {  	v1 =	vadd.f32 v9, v1;
	v9 =	vld [tilespmem:s18+$0xF0]  }
0x3f9: {  	v3 =	vadd.f32 v61, v3;
	[tilespmem:s18+$0xFFFFFE60] =	vst v8;
	v8 =	vld [tilespmem:s18+$0xFFFFFE70]  }
0x3fa: {  	[tilespmem:s18+$0xFFFFFEE0] =	vst v4;
	v4 =	vld [tilespmem:s18+$0xFFFFFEF0]  }
0x3fb: {  	[tilespmem:s18+$0xFFFFFFE0] =	vst v3;
	v3 =	vld [tilespmem:s18+$0xFFFFFFF0]  }
0x3fc: {  	v2 =	vmul.f32 $1.131370830e+01, v2;
	v0 =	vmul.f32 $1.131370830e+01, v0;
	[tilespmem:s18+$0x60] =	vst v1;
	v1 =	vld [tilespmem:s18+$0x70]  }
0x3fd: {  	v62 =	vld [tilespmem:s10+$0xFFFFFE70]  }
0x3fe: {  	v2 =	vadd.f32 v11, v2;
	v0 =	vadd.f32 v6, v0;
	v11 =	vld [tilespmem:s18+$0x170]  }
0x3ff: {  	v63 =	vld [tilespmem:s10+$0xFFFFFEF0]  }
0x400: {  	[tilespmem:s18+$0x160] =	vst v0;
	v0 =	vmul.f32 $1.131370830e+01, v7;
	v7 =	vld [tilespmem:s10+$0xFFFFFF70]  }
0x401: {  	v14 =	vmul.f32 $1.131370830e+01, v8;
	v15 =	vmul.f32 $1.131370830e+01, v4;
	v4 =	vld [tilespmem:s10+$0xFFFFFFF0]  }
0x402: {  	v6 =	vmul.f32 $1.131370830e+01, v5;
	v5 =	vld [tilespmem:s10+$0x70];
	[tilespmem:s18+$0xE0] =	vst v2;
	v10 =	vadd.f32 v10, v0  }
0x403: {  	v2 =	vmul.f32 $1.131370830e+01, v1;
	v8 =	vld [tilespmem:s10+$0xF0];
	v1 =	vmul.f32 $1.131370830e+01, v11;
	v11 =	vadd.f32 v62, v14  }
0x404: {  	s3 =	simm.s32 $0x16600;
	s2 =	simm.s32 $0x0;
	v3 =	vmul.f32 $1.131370830e+01, v3;
	v0 =	vmul.f32 $1.131370830e+01, v9;
	v9 =	vld [tilespmem:s10+$0x170];
	[tilespmem:s18+$0x1F0] =	vst v10;
	v10 =	vadd.f32 v63, v15  }
.LBB2_9:
0x405: {  	v12 =	vld [tilespmem:s3+$0x180];
	s2 =	sadd.s32 $0x8, s2;
	[tilespmem:s18+$0xFFFFFE70] =	vst v11;
	v6 =	vadd.f32 v7, v6  }
0x406: {  	s10 =	sadd.s32 $0x400, s10;
	v7 =	vld [tilespmem:s3+$0xFFFFFE80];
	p1 =	slt.u32 s2, $0x78;
	[tilespmem:s18+$0xFFFFFEF0] =	vst v10;
	v3 =	vadd.f32 v4, v3  }
0x407: {  	v4 =	vld [tilespmem:s10+$0x180];
	[tilespmem:s18+$0xFFFFFF70] =	vst v6;
	v2 =	vadd.f32 v5, v2  }
0x408: {  	v5 =	vld [tilespmem:s3+$0xFFFFFF00];
	[tilespmem:s18+$0xFFFFFFF0] =	vst v3;
	v0 =	vadd.f32 v8, v0  }
0x409: {  	v3 =	vld [tilespmem:s3+$0xFFFFFF80];
	[tilespmem:s18+$0x70] =	vst v2;
	v1 =	vadd.f32 v9, v1  }
0x40a: {  	v2 =	vld [tilespmem:s3+$0x0];
	v6 =	vmul.f32 $1.131370830e+01, v12;
	[tilespmem:s18+$0xF0] =	vst v0  }
0x40b: {  	v0 =	vmul.f32 $1.131370830e+01, v7;
	v7 =	vld [tilespmem:s3+$0x80];
	[tilespmem:s18+$0x170] =	vst v1;
	s18 =	smov.u32 s3  }
0x40c: {  	v1 =	vld [tilespmem:s3+$0x100];
	v4 =	vadd.f32 v4, v6  }
0x40d: {  	v5 =	vmul.f32 $1.131370830e+01, v5;
	v6 =	vld [tilespmem:s3+$0x190]  }
0x40e: {  	v8 =	vld [tilespmem:s3+$0xFFFFFE00];
	v3 =	vmul.f32 $1.131370830e+01, v3;
	[tilespmem:s3+$0x180] =	vst v4  }
0x40f: {  	v2 =	vmul.f32 $1.131370830e+01, v2;
	v4 =	vld [tilespmem:s10+$0x190]  }
0x410: {  	v9 =	vld [tilespmem:s10+$0xFFFFFE00];
	v7 =	vmul.f32 $1.131370830e+01, v7  }
0x411: {  	v10 =	vld [tilespmem:s10+$0xFFFFFE80];
	v1 =	vmul.f32 $1.131370830e+01, v1  }
0x412: {  	v11 =	vld [tilespmem:s10+$0xFFFFFF00];
	v6 =	vmul.f32 $1.131370830e+01, v6  }
0x413: {  	v8 =	vmul.f32 $1.131370830e+01, v8;
	v12 =	vld [tilespmem:s10+$0xFFFFFF80]  }
0x414: {  	v13 =	vld [tilespmem:s10+$0x0];
	v4 =	vadd.f32 v4, v6  }
0x415: {  	v6 =	vadd.f32 v9, v8;
	v8 =	vld [tilespmem:s3+$0x1A0]  }
0x416: {  	v0 =	vadd.f32 v10, v0;
	v9 =	vld [tilespmem:s10+$0x80];
	[tilespmem:s3+$0x190] =	vst v4  }
0x417: {  	[tilespmem:s3+$0xFFFFFE00] =	vst v6;
	v4 =	vadd.f32 v11, v5;
	v5 =	vld [tilespmem:s10+$0x1A0]  }
0x418: {  	[tilespmem:s3+$0xFFFFFE80] =	vst v0;
	v0 =	vadd.f32 v12, v3;
	v3 =	vld [tilespmem:s10+$0x100]  }
0x419: {  	v6 =	vld [tilespmem:s3+$0xFFFFFE10];
	[tilespmem:s3+$0xFFFFFF00] =	vst v4;
	v2 =	vadd.f32 v13, v2  }
0x41a: {  	v4 =	vld [tilespmem:s3+$0xFFFFFE90];
	[tilespmem:s3+$0xFFFFFF80] =	vst v0;
	v0 =	vmul.f32 $1.131370830e+01, v8  }
0x41b: {  	v8 =	vld [tilespmem:s3+$0xFFFFFF10];
	[tilespmem:s3+$0x0] =	vst v2;
	v2 =	vadd.f32 v9, v7  }
0x41c: {  	v7 =	vld [tilespmem:s3+$0xFFFFFF90];
	v0 =	vadd.f32 v5, v0  }
0x41d: {  	[tilespmem:s3+$0x80] =	vst v2;
	v1 =	vadd.f32 v3, v1;
	v2 =	vld [tilespmem:s3+$0x1B0]  }
0x41e: {  	v3 =	vmul.f32 $1.131370830e+01, v6;
	v5 =	vld [tilespmem:s3+$0x10];
	[tilespmem:s3+$0x1A0] =	vst v0  }
0x41f: {  	v0 =	vmul.f32 $1.131370830e+01, v4;
	[tilespmem:s3+$0x100] =	vst v1;
	v1 =	vld [tilespmem:s10+$0x1B0]  }
0x420: {  	v4 =	vmul.f32 $1.131370830e+01, v8;
	v6 =	vld [tilespmem:s3+$0x90]  }
0x421: {  	v7 =	vmul.f32 $1.131370830e+01, v7;
	v8 =	vld [tilespmem:s3+$0x110]  }
0x422: {  	v9 =	vld [tilespmem:s10+$0xFFFFFE10];
	v2 =	vmul.f32 $1.131370830e+01, v2  }
0x423: {  	v10 =	vld [tilespmem:s10+$0xFFFFFE90];
	v5 =	vmul.f32 $1.131370830e+01, v5  }
0x424: {  	v11 =	vld [tilespmem:s10+$0xFFFFFF10];
	v1 =	vadd.f32 v1, v2  }
0x425: {  	v2 =	vmul.f32 $1.131370830e+01, v6;
	v6 =	vld [tilespmem:s3+$0x1C0]  }
0x426: {  	v12 =	vld [tilespmem:s10+$0xFFFFFF90];
	v8 =	vmul.f32 $1.131370830e+01, v8;
	[tilespmem:s3+$0x1B0] =	vst v1  }
0x427: {  	v1 =	vadd.f32 v9, v3;
	v3 =	vld [tilespmem:s10+$0x1C0]  }
0x428: {  	v0 =	vadd.f32 v10, v0;
	v9 =	vld [tilespmem:s10+$0x10]  }
0x429: {  	[tilespmem:s3+$0xFFFFFE10] =	vst v1;
	v1 =	vadd.f32 v11, v4;
	v4 =	vld [tilespmem:s10+$0x90]  }
0x42a: {  	[tilespmem:s3+$0xFFFFFE90] =	vst v0;
	v0 =	vld [tilespmem:s10+$0x110];
	v6 =	vmul.f32 $1.131370830e+01, v6  }
0x42b: {  	v10 =	vld [tilespmem:s3+$0xFFFFFE20];
	[tilespmem:s3+$0xFFFFFF10] =	vst v1;
	v1 =	vadd.f32 v12, v7  }
0x42c: {  	v7 =	vld [tilespmem:s3+$0xFFFFFEA0];
	v3 =	vadd.f32 v3, v6  }
0x42d: {  	[tilespmem:s3+$0xFFFFFF90] =	vst v1;
	v1 =	vadd.f32 v9, v5;
	v5 =	vld [tilespmem:s3+$0x1D0]  }
0x42e: {  	v6 =	vld [tilespmem:s3+$0xFFFFFF20];
	v2 =	vadd.f32 v4, v2;
	[tilespmem:s3+$0x1C0] =	vst v3  }
0x42f: {  	[tilespmem:s3+$0x10] =	vst v1;
	v0 =	vadd.f32 v0, v8;
	v1 =	vld [tilespmem:s10+$0x1D0]  }
0x430: {  	v3 =	vmul.f32 $1.131370830e+01, v10;
	v4 =	vld [tilespmem:s3+$0xFFFFFFA0];
	[tilespmem:s3+$0x90] =	vst v2  }
0x431: {  	v2 =	vmul.f32 $1.131370830e+01, v7;
	v7 =	vld [tilespmem:s3+$0x20];
	[tilespmem:s3+$0x110] =	vst v0  }
0x432: {  	v0 =	vld [tilespmem:s3+$0xA0];
	v5 =	vmul.f32 $1.131370830e+01, v5  }
0x433: {  	v6 =	vmul.f32 $1.131370830e+01, v6;
	v8 =	vld [tilespmem:s3+$0x120]  }
0x434: {  	v9 =	vld [tilespmem:s10+$0xFFFFFE20];
	v1 =	vadd.f32 v1, v5  }
0x435: {  	v4 =	vmul.f32 $1.131370830e+01, v4;
	v5 =	vld [tilespmem:s3+$0x1E0]  }
0x436: {  	v10 =	vld [tilespmem:s10+$0xFFFFFEA0];
	v7 =	vmul.f32 $1.131370830e+01, v7;
	[tilespmem:s3+$0x1D0] =	vst v1  }
0x437: {  	v0 =	vmul.f32 $1.131370830e+01, v0;
	v1 =	vld [tilespmem:s10+$0x1E0]  }
0x438: {  	v11 =	vld [tilespmem:s10+$0xFFFFFF20];
	v8 =	vmul.f32 $1.131370830e+01, v8  }
0x439: {  	v3 =	vadd.f32 v9, v3;
	v9 =	vld [tilespmem:s10+$0xFFFFFFA0]  }
0x43a: {  	v12 =	vld [tilespmem:s10+$0x20];
	v5 =	vmul.f32 $1.131370830e+01, v5  }
0x43b: {  	[tilespmem:s3+$0xFFFFFE20] =	vst v3;
	v2 =	vadd.f32 v10, v2;
	v3 =	vld [tilespmem:s10+$0xA0]  }
0x43c: {  	v10 =	vld [tilespmem:s10+$0x120];
	v1 =	vadd.f32 v1, v5  }
0x43d: {  	[tilespmem:s3+$0xFFFFFEA0] =	vst v2;
	v2 =	vadd.f32 v11, v6;
	v5 =	vld [tilespmem:s3+$0x1F0]  }
0x43e: {  	v6 =	vld [tilespmem:s3+$0xFFFFFE30];
	v4 =	vadd.f32 v9, v4;
	[tilespmem:s3+$0x1E0] =	vst v1  }
0x43f: {  	[tilespmem:s3+$0xFFFFFF20] =	vst v2;
	v1 =	vadd.f32 v12, v7;
	v2 =	vld [tilespmem:s10+$0x1F0]  }
0x440: {  	v7 =	vld [tilespmem:s3+$0xFFFFFEB0];
	[tilespmem:s3+$0xFFFFFFA0] =	vst v4;
	v0 =	vadd.f32 v3, v0  }
0x441: {  	v3 =	vld [tilespmem:s3+$0xFFFFFF30];
	[tilespmem:s3+$0x20] =	vst v1;
	v1 =	vadd.f32 v10, v8  }
0x442: {  	v4 =	vld [tilespmem:s3+$0xFFFFFFB0];
	[tilespmem:s3+$0xA0] =	vst v0;
	v0 =	vmul.f32 $1.131370830e+01, v5  }
0x443: {  	v5 =	vmul.f32 $1.131370830e+01, v6;
	v6 =	vld [tilespmem:s3+$0x30];
	[tilespmem:s3+$0x120] =	vst v1  }
0x444: {  	v1 =	vld [tilespmem:s3+$0xB0];
	v0 =	vadd.f32 v2, v0  }
0x445: {  	v2 =	vmul.f32 $1.131370830e+01, v7;
	v7 =	vld [tilespmem:s3+$0x130]  }
0x446: {  	v8 =	vld [tilespmem:s10+$0xFFFFFE30];
	v3 =	vmul.f32 $1.131370830e+01, v3;
	[tilespmem:s3+$0x1F0] =	vst v0  }
0x447: {  	v0 =	vld [tilespmem:s10+$0xFFFFFEB0];
	v4 =	vmul.f32 $1.131370830e+01, v4  }
0x448: {  	v9 =	vld [tilespmem:s10+$0xFFFFFF30];
	v6 =	vmul.f32 $1.131370830e+01, v6  }
0x449: {  	v10 =	vld [tilespmem:s10+$0xFFFFFFB0];
	v1 =	vmul.f32 $1.131370830e+01, v1  }
0x44a: {  	v11 =	vld [tilespmem:s10+$0x30];
	v7 =	vmul.f32 $1.131370830e+01, v7  }
0x44b: {  	v5 =	vadd.f32 v8, v5;
	v8 =	vld [tilespmem:s10+$0xB0]  }
0x44c: {  	v0 =	vadd.f32 v0, v2;
	v2 =	vld [tilespmem:s10+$0x130]  }
0x44d: {  	[tilespmem:s3+$0xFFFFFE30] =	vst v5;
	v5 =	vld [tilespmem:s3+$0xFFFFFE40];
	v3 =	vadd.f32 v9, v3  }
0x44e: {  	[tilespmem:s3+$0xFFFFFEB0] =	vst v0;
	v0 =	vld [tilespmem:s3+$0xFFFFFEC0];
	v4 =	vadd.f32 v10, v4  }
0x44f: {  	[tilespmem:s3+$0xFFFFFF30] =	vst v3;
	v3 =	vld [tilespmem:s3+$0xFFFFFF40];
	v6 =	vadd.f32 v11, v6  }
0x450: {  	[tilespmem:s3+$0xFFFFFFB0] =	vst v4;
	v4 =	vld [tilespmem:s3+$0xFFFFFFC0];
	v1 =	vadd.f32 v8, v1  }
0x451: {  	[tilespmem:s3+$0x30] =	vst v6;
	v6 =	vld [tilespmem:s3+$0x40];
	v2 =	vadd.f32 v2, v7  }
0x452: {  	v5 =	vmul.f32 $1.131370830e+01, v5;
	[tilespmem:s3+$0xB0] =	vst v1;
	v1 =	vld [tilespmem:s3+$0xC0]  }
0x453: {  	v0 =	vmul.f32 $1.131370830e+01, v0;
	[tilespmem:s3+$0x130] =	vst v2;
	v2 =	vld [tilespmem:s3+$0x140]  }
0x454: {  	v7 =	vld [tilespmem:s10+$0xFFFFFE40];
	v3 =	vmul.f32 $1.131370830e+01, v3  }
0x455: {  	v8 =	vld [tilespmem:s10+$0xFFFFFEC0];
	v4 =	vmul.f32 $1.131370830e+01, v4  }
0x456: {  	v9 =	vld [tilespmem:s10+$0xFFFFFF40];
	v6 =	vmul.f32 $1.131370830e+01, v6  }
0x457: {  	v10 =	vld [tilespmem:s10+$0xFFFFFFC0];
	v1 =	vmul.f32 $1.131370830e+01, v1  }
0x458: {  	v11 =	vld [tilespmem:s10+$0x40];
	v2 =	vmul.f32 $1.131370830e+01, v2  }
0x459: {  	v5 =	vadd.f32 v7, v5;
	v7 =	vld [tilespmem:s10+$0xC0]  }
0x45a: {  	v0 =	vadd.f32 v8, v0;
	v8 =	vld [tilespmem:s10+$0x140]  }
0x45b: {  	[tilespmem:s3+$0xFFFFFE40] =	vst v5;
	v5 =	vld [tilespmem:s3+$0xFFFFFE50];
	v3 =	vadd.f32 v9, v3  }
0x45c: {  	[tilespmem:s3+$0xFFFFFEC0] =	vst v0;
	v0 =	vld [tilespmem:s3+$0xFFFFFED0];
	v4 =	vadd.f32 v10, v4  }
0x45d: {  	[tilespmem:s3+$0xFFFFFF40] =	vst v3;
	v3 =	vld [tilespmem:s3+$0xFFFFFF50];
	v6 =	vadd.f32 v11, v6  }
0x45e: {  	[tilespmem:s3+$0xFFFFFFC0] =	vst v4;
	v4 =	vld [tilespmem:s3+$0xFFFFFFD0];
	v1 =	vadd.f32 v7, v1  }
0x45f: {  	[tilespmem:s3+$0x40] =	vst v6;
	v6 =	vld [tilespmem:s3+$0x50];
	v2 =	vadd.f32 v8, v2  }
0x460: {  	v5 =	vmul.f32 $1.131370830e+01, v5;
	[tilespmem:s3+$0xC0] =	vst v1;
	v1 =	vld [tilespmem:s3+$0xD0]  }
0x461: {  	v0 =	vmul.f32 $1.131370830e+01, v0;
	[tilespmem:s3+$0x140] =	vst v2;
	v2 =	vld [tilespmem:s3+$0x150]  }
0x462: {  	v7 =	vld [tilespmem:s10+$0xFFFFFE50];
	v3 =	vmul.f32 $1.131370830e+01, v3  }
0x463: {  	v8 =	vld [tilespmem:s10+$0xFFFFFED0];
	v4 =	vmul.f32 $1.131370830e+01, v4  }
0x464: {  	v9 =	vld [tilespmem:s10+$0xFFFFFF50];
	v6 =	vmul.f32 $1.131370830e+01, v6  }
0x465: {  	v10 =	vld [tilespmem:s10+$0xFFFFFFD0];
	v1 =	vmul.f32 $1.131370830e+01, v1  }
0x466: {  	v11 =	vld [tilespmem:s10+$0x50];
	v2 =	vmul.f32 $1.131370830e+01, v2  }
0x467: {  	v5 =	vadd.f32 v7, v5;
	v7 =	vld [tilespmem:s10+$0xD0]  }
0x468: {  	v0 =	vadd.f32 v8, v0;
	v8 =	vld [tilespmem:s10+$0x150]  }
0x469: {  	[tilespmem:s3+$0xFFFFFE50] =	vst v5;
	v5 =	vld [tilespmem:s3+$0xFFFFFE60];
	v3 =	vadd.f32 v9, v3  }
0x46a: {  	[tilespmem:s3+$0xFFFFFED0] =	vst v0;
	v0 =	vld [tilespmem:s3+$0xFFFFFEE0];
	v4 =	vadd.f32 v10, v4  }
0x46b: {  	[tilespmem:s3+$0xFFFFFF50] =	vst v3;
	v3 =	vld [tilespmem:s3+$0xFFFFFF60];
	v6 =	vadd.f32 v11, v6  }
0x46c: {  	[tilespmem:s3+$0xFFFFFFD0] =	vst v4;
	v4 =	vld [tilespmem:s3+$0xFFFFFFE0];
	v1 =	vadd.f32 v7, v1  }
0x46d: {  	[tilespmem:s3+$0x50] =	vst v6;
	v6 =	vld [tilespmem:s3+$0x60];
	v2 =	vadd.f32 v8, v2  }
0x46e: {  	v5 =	vmul.f32 $1.131370830e+01, v5;
	[tilespmem:s3+$0xD0] =	vst v1;
	v1 =	vld [tilespmem:s3+$0xE0]  }
0x46f: {  	v0 =	vmul.f32 $1.131370830e+01, v0;
	[tilespmem:s3+$0x150] =	vst v2;
	v2 =	vld [tilespmem:s3+$0x160]  }
0x470: {  	v7 =	vld [tilespmem:s10+$0xFFFFFE60];
	v3 =	vmul.f32 $1.131370830e+01, v3  }
0x471: {  	v8 =	vld [tilespmem:s10+$0xFFFFFEE0];
	v4 =	vmul.f32 $1.131370830e+01, v4  }
0x472: {  	v9 =	vld [tilespmem:s10+$0xFFFFFF60];
	v6 =	vmul.f32 $1.131370830e+01, v6  }
0x473: {  	v10 =	vld [tilespmem:s10+$0xFFFFFFE0];
	v1 =	vmul.f32 $1.131370830e+01, v1  }
0x474: {  	v11 =	vld [tilespmem:s10+$0x60];
	v2 =	vmul.f32 $1.131370830e+01, v2  }
0x475: {  	v5 =	vadd.f32 v7, v5;
	v7 =	vld [tilespmem:s10+$0xE0]  }
0x476: {  	v0 =	vadd.f32 v8, v0;
	v8 =	vld [tilespmem:s10+$0x160]  }
0x477: {  	[tilespmem:s3+$0xFFFFFE60] =	vst v5;
	v5 =	vld [tilespmem:s3+$0xFFFFFE70];
	v3 =	vadd.f32 v9, v3  }
0x478: {  	[tilespmem:s3+$0xFFFFFEE0] =	vst v0;
	v0 =	vld [tilespmem:s3+$0xFFFFFEF0];
	v4 =	vadd.f32 v10, v4  }
0x479: {  	[tilespmem:s3+$0xFFFFFF60] =	vst v3;
	v3 =	vld [tilespmem:s3+$0xFFFFFF70];
	v6 =	vadd.f32 v11, v6  }
0x47a: {  	[tilespmem:s3+$0xFFFFFFE0] =	vst v4;
	v4 =	vld [tilespmem:s3+$0xFFFFFFF0];
	v1 =	vadd.f32 v7, v1  }
0x47b: {  	[tilespmem:s3+$0x60] =	vst v6;
	v9 =	vld [tilespmem:s3+$0x70];
	v2 =	vadd.f32 v8, v2  }
0x47c: {  	v8 =	vmul.f32 $1.131370830e+01, v5;
	[tilespmem:s3+$0xE0] =	vst v1;
	v1 =	vld [tilespmem:s3+$0xF0]  }
0x47d: {  	v10 =	vmul.f32 $1.131370830e+01, v0;
	[tilespmem:s3+$0x160] =	vst v2;
	v11 =	vld [tilespmem:s3+$0x170]  }
0x47e: {  	v12 =	vld [tilespmem:s10+$0xFFFFFE70];
	v6 =	vmul.f32 $1.131370830e+01, v3  }
0x47f: {  	v13 =	vld [tilespmem:s10+$0xFFFFFEF0];
	v3 =	vmul.f32 $1.131370830e+01, v4  }
.Ltmp3:
0x480: {  	v7 =	vld [tilespmem:s10+$0xFFFFFF70];
	v2 =	vmul.f32 $1.131370830e+01, v9;
	(pc) =	sbr.rel @p1 .LBB2_9-.Ltmp3, $4  }
0x481: {  	v4 =	vld [tilespmem:s10+$0xFFFFFFF0];
	v0 =	vmul.f32 $1.131370830e+01, v1  }
0x482: {  	v5 =	vld [tilespmem:s10+$0x70];
	v1 =	vmul.f32 $1.131370830e+01, v11  }
0x483: {  	v11 =	vadd.f32 v12, v8;
	v8 =	vld [tilespmem:s10+$0xF0]  }
0x484: {  	s3 =	sadd.s32 $0x400, s3;
	v10 =	vadd.f32 v13, v10;
	v9 =	vld [tilespmem:s10+$0x170]  }
0x485: {  	[tilespmem:s18+$0xFFFFFE70] =	vst v11;
	v6 =	vadd.f32 v7, v6  }
0x486: {  	[tilespmem:s18+$0xFFFFFEF0] =	vst v10;
	v3 =	vadd.f32 v4, v3  }
0x487: {  	[tilespmem:s18+$0xFFFFFF70] =	vst v6;
	v2 =	vadd.f32 v5, v2  }
0x488: {  	s2 =	sadd.s32 s6, s17;
	[tilespmem:s18+$0xFFFFFFF0] =	vst v3;
	v0 =	vadd.f32 v8, v0  }
0x489: {  	s2 =	sshll.u32 s2, $0xB;
	[tilespmem:s18+$0x70] =	vst v2;
	v1 =	vadd.f32 v9, v1  }
0x48a: {  	s2 =	sand.u32 $0x1FFFF800, s2;
	[tilespmem:s18+$0xF0] =	vst v0  }
0x48b: {  	s3 =	simm.s32 $0x16000;
	s2 =	sadd.s32 s4, s2;
	[tilespmem:s18+$0x170] =	vst v1  }
0x48c: {  	[hbm4b:s2+s5] =	stream.linear.scatter [tilespmem:s3], [sflag:$0x9], $0x4000, $0x38;
	[tilespmem:$0x1E280] =	vst v63  }
0x48d: {  	s2 =	simm.s32 @p0 $0x7  }
0x48e: {  	_ =	swait.ge @p0 [sflag:s2], $0x4000  }
0x48f: {  	[sflag:s2] =	ssyncset.done @p0 $0x0  }
0x490: {  	[sflag:s2] =	ssyncadd.s32 @p0 $0xFFFFC000;
	s2 =	simm.s32 @p0 $0xC  }
0x491: {  	_ =	swait.ge @p0 [sflag:s2], $0x80  }
0x492: {  	s10 =	simm.s32 @p0 $0xE000;
	[sflag:s2] =	ssyncset.done @p0 $0x0  }
0x493: {  	s3 =	simm.s32 @p0 $0x1E080;
	[sflag:s2] =	ssyncadd.s32 @p0 $0xFFFFFF80;
	s2 =	simm.s32 @p0 $0x80  }
0x494: {  	[tilespmem:s10], [sflag:$0x2] =	stream.indirect.gather @p0 [hbm4b:s1+s2], $0x80, s3, s2, $0xb8;
	[tilespmem:$0x1E280] =	vst v63  }
0x495: {  	s2 =	simm.s32 @p0 $0x5  }
0x496: {  	_ =	swait.ge @p0 [sflag:s2], $0x4000  }
0x497: {  	s3 =	sadd.s32 @p0 s6, s11;
	[sflag:s2] =	ssyncset.done @p0 $0x0  }
0x498: {  	[sflag:s2] =	ssyncadd.s32 @p0 $0xFFFFC000;
	s2 =	sshll.u32 @p0 s3, $0x4  }
0x499: {  	s10 =	simm.s32 @p0 $0x1E200;
	s3 =	simm.s32 @p0 $0x0;
	s2 =	sadd.s32 @p0 s13, s2  }
0x49a: {  	[tilespmem:s10], [sflag:$0xF] =	stream.linear.gather @p0 [hbm4b:s2+s3], $0x80, $0x38;
	[tilespmem:$0x1E280] =	vst v63  }
0x49b: {  	s2 =	simm.s32 @!p0 $0x5  }
0x49c: {  	_ =	swait.ge @!p0 [sflag:s2], $0x4000  }
0x49d: {  	[sflag:s2] =	ssyncset.done @!p0 $0x0  }
0x49e: {  	s10 =	simm.s32 $0x1A200;
	[sflag:s2] =	ssyncadd.s32 @!p0 $0xFFFFC000  }
0x49f: {  	v0 =	vld [tilespmem:s10+$0x180]  }
0x4a0: {  	v1 =	vld [tilespmem:s10+$0xFFFFFE80]  }
0x4a1: {  	v2 =	vld [tilespmem:s9+$0x180]  }
0x4a2: {  	v3 =	vld [tilespmem:s10+$0xFFFFFF00]  }
0x4a3: {  	v4 =	vld [tilespmem:s10+$0xFFFFFF80]  }
0x4a4: {  	v5 =	vld [tilespmem:s10+$0x0]  }
0x4a5: {  	v6 =	vld [tilespmem:s10+$0x80]  }
0x4a6: {  	v7 =	vld [tilespmem:s10+$0x100]  }
0x4a7: {  	v8 =	vld [tilespmem:s10+$0xFFFFFE00];
	v0 =	vmul.f32 $1.131370830e+01, v0  }
0x4a8: {  	v9 =	vld [tilespmem:s9+$0xFFFFFE00]  }
0x4a9: {  	v10 =	vld [tilespmem:s9+$0xFFFFFE80];
	v0 =	vadd.f32 v2, v0  }
0x4aa: {  	v2 =	vld [tilespmem:s10+$0x190]  }
0x4ab: {  	v11 =	vld [tilespmem:s9+$0xFFFFFF00];
	[tilespmem:s10+$0x180] =	vst v0  }
0x4ac: {  	v0 =	vld [tilespmem:s9+$0x190]  }
0x4ad: {  	v12 =	vld [tilespmem:s9+$0xFFFFFF80];
	v8 =	vmul.f32 $1.131370830e+01, v8  }
0x4ae: {  	v13 =	vld [tilespmem:s9+$0x0];
	v1 =	vmul.f32 $1.131370830e+01, v1  }
0x4af: {  	v8 =	vadd.f32 v9, v8;
	v9 =	vld [tilespmem:s9+$0x80];
	v2 =	vmul.f32 $1.131370830e+01, v2  }
0x4b0: {  	v1 =	vadd.f32 v10, v1;
	v10 =	vld [tilespmem:s10+$0xFFFFFF90]  }
0x4b1: {  	v3 =	vmul.f32 $1.131370830e+01, v3;
	[tilespmem:s10+$0xFFFFFE00] =	vst v8;
	v8 =	vld [tilespmem:s9+$0x100];
	v0 =	vadd.f32 v0, v2  }
0x4b2: {  	v5 =	vmul.f32 $1.131370830e+01, v5;
	[tilespmem:s10+$0xFFFFFE80] =	vst v1;
	v2 =	vld [tilespmem:s10+$0x1A0]  }
0x4b3: {  	v3 =	vadd.f32 v11, v3;
	v1 =	vld [tilespmem:s10+$0xFFFFFE10];
	[tilespmem:s10+$0x190] =	vst v0  }
0x4b4: {  	v5 =	vadd.f32 v13, v5;
	v0 =	vmul.f32 $1.131370830e+01, v4;
	v4 =	vld [tilespmem:s9+$0x1A0]  }
0x4b5: {  	[tilespmem:s10+$0xFFFFFF00] =	vst v3;
	v3 =	vld [tilespmem:s10+$0xFFFFFE90]  }
0x4b6: {  	[tilespmem:s10+$0x0] =	vst v5;
	v5 =	vld [tilespmem:s10+$0x1B0];
	v0 =	vadd.f32 v12, v0  }
0x4b7: {  	v11 =	vld [tilespmem:s9+$0xFFFFFF10];
	v2 =	vmul.f32 $1.131370830e+01, v2  }
0x4b8: {  	v6 =	vmul.f32 $1.131370830e+01, v6;
	v7 =	vmul.f32 $1.131370830e+01, v7;
	[tilespmem:s10+$0xFFFFFF80] =	vst v0;
	v0 =	vld [tilespmem:s10+$0xFFFFFF10]  }
0x4b9: {  	v51 =	vld [tilespmem:s9+$0xFFFFFF90];
	v2 =	vadd.f32 v4, v2  }
0x4ba: {  	v4 =	vadd.f32 v9, v6;
	v6 =	vadd.f32 v8, v7;
	v7 =	vld [tilespmem:s10+$0x10]  }
0x4bb: {  	v8 =	vld [tilespmem:s9+$0xFFFFFE10]  }
0x4bc: {  	v9 =	vld [tilespmem:s9+$0xFFFFFE90];
	[tilespmem:s10+$0x1A0] =	vst v2  }
0x4bd: {  	v10 =	vmul.f32 $1.131370830e+01, v10;
	[tilespmem:s10+$0x80] =	vst v4;
	v4 =	vld [tilespmem:s10+$0x90]  }
0x4be: {  	v1 =	vmul.f32 $1.131370830e+01, v1;
	[tilespmem:s10+$0x100] =	vst v6;
	v6 =	vld [tilespmem:s10+$0x110]  }
0x4bf: {  	v2 =	vld [tilespmem:s9+$0x1B0];
	v0 =	vmul.f32 $1.131370830e+01, v0;
	v10 =	vadd.f32 v51, v10  }
0x4c0: {  	v1 =	vadd.f32 v8, v1;
	v8 =	vld [tilespmem:s9+$0x10]  }
0x4c1: {  	v0 =	vadd.f32 v11, v0;
	v11 =	vld [tilespmem:s10+$0xFFFFFEA0];
	[tilespmem:s10+$0xFFFFFF90] =	vst v10  }
0x4c2: {  	v5 =	vmul.f32 $1.131370830e+01, v5;
	[tilespmem:s10+$0xFFFFFE10] =	vst v1;
	v1 =	vld [tilespmem:s9+$0x110]  }
0x4c3: {  	v53 =	vld [tilespmem:s9+$0xFFFFFFA0]  }
0x4c4: {  	v7 =	vmul.f32 $1.131370830e+01, v7;
	[tilespmem:s10+$0xFFFFFF10] =	vst v0;
	v2 =	vadd.f32 v2, v5;
	v5 =	vld [tilespmem:s10+$0x1C0]  }
0x4c5: {  	v52 =	vld [tilespmem:s9+$0xFFFFFF20]  }
0x4c6: {  	v0 =	vadd.f32 v8, v7;
	v7 =	vld [tilespmem:s10+$0x1D0]  }
0x4c7: {  	[tilespmem:s10+$0x1B0] =	vst v2;
	v2 =	vmul.f32 $1.131370830e+01, v3;
	v8 =	vld [tilespmem:s10+$0xFFFFFF20]  }
0x4c8: {  	v6 =	vmul.f32 $1.131370830e+01, v6;
	v3 =	vld [tilespmem:s9+$0x1C0]  }
0x4c9: {  	v2 =	vadd.f32 v9, v2;
	v9 =	vld [tilespmem:s9+$0x90]  }
0x4ca: {  	[tilespmem:s10+$0x10] =	vst v0;
	v0 =	vadd.f32 v1, v6;
	v1 =	vld [tilespmem:s10+$0xFFFFFFA0]  }
0x4cb: {  	v6 =	vld [tilespmem:s10+$0x120]  }
0x4cc: {  	[tilespmem:s10+$0xFFFFFE90] =	vst v2;
	v2 =	vld [tilespmem:s10+$0xFFFFFE20]  }
0x4cd: {  	v4 =	vmul.f32 $1.131370830e+01, v4;
	v5 =	vmul.f32 $1.131370830e+01, v5;
	v10 =	vld [tilespmem:s9+$0xFFFFFEA0]  }
0x4ce: {  	[tilespmem:s10+$0x110] =	vst v0;
	v0 =	vld [tilespmem:s10+$0xA0]  }
0x4cf: {  	v3 =	vadd.f32 v3, v5;
	v5 =	vmul.f32 $1.131370830e+01, v11;
	v11 =	vld [tilespmem:s9+$0x20];
	v4 =	vadd.f32 v9, v4  }
0x4d0: {  	v9 =	vld [tilespmem:s9+$0xFFFFFE20];
	v1 =	vmul.f32 $1.131370830e+01, v1  }
0x4d1: {  	[tilespmem:s10+$0x90] =	vst v4;
	v4 =	vld [tilespmem:s10+$0x20]  }
0x4d2: {  	[tilespmem:s10+$0x1C0] =	vst v3;
	v1 =	vadd.f32 v53, v1;
	v3 =	vadd.f32 v10, v5;
	v5 =	vld [tilespmem:s9+$0x120]  }
0x4d3: {  	v2 =	vmul.f32 $1.131370830e+01, v2;
	v10 =	vld [tilespmem:s9+$0x1D0]  }
0x4d4: {  	[tilespmem:s10+$0xFFFFFFA0] =	vst v1;
	v1 =	vld [tilespmem:s10+$0xFFFFFF30]  }
0x4d5: {  	v8 =	vmul.f32 $1.131370830e+01, v8;
	v2 =	vadd.f32 v9, v2;
	v9 =	vld [tilespmem:s9+$0xA0]  }
0x4d6: {  	[tilespmem:s10+$0xFFFFFEA0] =	vst v3;
	v3 =	vld [tilespmem:s10+$0xFFFFFE30]  }
0x4d7: {  	v54 =	vld [tilespmem:s9+$0xFFFFFFB0];
	v4 =	vmul.f32 $1.131370830e+01, v4;
	[tilespmem:s10+$0xFFFFFE20] =	vst v2;
	v2 =	vadd.f32 v52, v8  }
0x4d8: {  	v0 =	vmul.f32 $1.131370830e+01, v0;
	v8 =	vld [tilespmem:s9+$0xFFFFFE30]  }
0x4d9: {  	[tilespmem:s10+$0xFFFFFF20] =	vst v2;
	v2 =	vadd.f32 v11, v4;
	v4 =	vld [tilespmem:s10+$0xFFFFFEB0]  }
0x4da: {  	v6 =	vmul.f32 $1.131370830e+01, v6;
	v0 =	vadd.f32 v9, v0;
	v9 =	vld [tilespmem:s9+$0xFFFFFEB0]  }
0x4db: {  	v11 =	vld [tilespmem:s9+$0xFFFFFF30]  }
0x4dc: {  	[tilespmem:s10+$0x20] =	vst v2;
	v2 =	vadd.f32 v5, v6;
	v5 =	vld [tilespmem:s10+$0xFFFFFFB0]  }
0x4dd: {  	v6 =	vld [tilespmem:s10+$0x130]  }
0x4de: {  	v3 =	vmul.f32 $1.131370830e+01, v3;
	[tilespmem:s10+$0xA0] =	vst v0;
	v0 =	vld [tilespmem:s10+$0x30]  }
0x4df: {  	v55 =	vld [tilespmem:s9+$0x30]  }
0x4e0: {  	[tilespmem:s10+$0x120] =	vst v2;
	v2 =	vld [tilespmem:s10+$0xB0];
	v3 =	vadd.f32 v8, v3  }
0x4e1: {  	v1 =	vmul.f32 $1.131370830e+01, v1;
	v8 =	vld [tilespmem:s9+$0xB0]  }
0x4e2: {  	v4 =	vmul.f32 $1.131370830e+01, v4;
	[tilespmem:s10+$0xFFFFFE30] =	vst v3;
	v3 =	vld [tilespmem:s10+$0x1E0]  }
0x4e3: {  	v1 =	vadd.f32 v11, v1;
	v11 =	vld [tilespmem:s10+$0xFFFFFE40]  }
0x4e4: {  	v5 =	vmul.f32 $1.131370830e+01, v5;
	v4 =	vadd.f32 v9, v4;
	v9 =	vld [tilespmem:s9+$0x130]  }
0x4e5: {  	[tilespmem:s10+$0xFFFFFF30] =	vst v1;
	v1 =	vld [tilespmem:s10+$0xFFFFFF40]  }
0x4e6: {  	v0 =	vmul.f32 $1.131370830e+01, v0;
	[tilespmem:s10+$0xFFFFFEB0] =	vst v4;
	v4 =	vadd.f32 v54, v5;
	v5 =	vmul.f32 $1.131370830e+01, v6;
	v6 =	vld [tilespmem:s10+$0xFFFFFEC0]  }
0x4e7: {  	v2 =	vmul.f32 $1.131370830e+01, v2;
	v56 =	vld [tilespmem:s9+$0xFFFFFF40]  }
0x4e8: {  	v0 =	vadd.f32 v55, v0;
	[tilespmem:s10+$0xFFFFFFB0] =	vst v4;
	v4 =	vld [tilespmem:s10+$0xFFFFFFC0]  }
0x4e9: {  	v2 =	vadd.f32 v8, v2;
	v8 =	vld [tilespmem:s9+$0xFFFFFE40]  }
0x4ea: {  	[tilespmem:s10+$0x30] =	vst v0;
	v0 =	vadd.f32 v9, v5;
	v5 =	vld [tilespmem:s10+$0x40]  }
0x4eb: {  	v9 =	vld [tilespmem:s9+$0xFFFFFEC0]  }
0x4ec: {  	v7 =	vmul.f32 $1.131370830e+01, v7;
	v57 =	vld [tilespmem:s9+$0xFFFFFFC0]  }
0x4ed: {  	[tilespmem:s10+$0xB0] =	vst v2;
	v2 =	vld [tilespmem:s10+$0xC0]  }
0x4ee: {  	v7 =	vadd.f32 v10, v7;
	v10 =	vld [tilespmem:s9+$0x40]  }
0x4ef: {  	v11 =	vmul.f32 $1.131370830e+01, v11;
	[tilespmem:s10+$0x130] =	vst v0;
	v0 =	vld [tilespmem:s10+$0x140]  }
0x4f0: {  	[tilespmem:s10+$0x1D0] =	vst v7;
	v6 =	vmul.f32 $1.131370830e+01, v6;
	v7 =	vld [tilespmem:s9+$0x140]  }
0x4f1: {  	v1 =	vmul.f32 $1.131370830e+01, v1;
	v8 =	vadd.f32 v8, v11;
	v11 =	vld [tilespmem:s9+$0xC0]  }
0x4f2: {  	v4 =	vmul.f32 $1.131370830e+01, v4;
	v6 =	vadd.f32 v9, v6;
	v9 =	vld [tilespmem:s9+$0x1E0]  }
0x4f3: {  	v1 =	vadd.f32 v56, v1;
	v5 =	vmul.f32 $1.131370830e+01, v5;
	[tilespmem:s10+$0xFFFFFE40] =	vst v8;
	v8 =	vld [tilespmem:s10+$0xFFFFFE50]  }
0x4f4: {  	v4 =	vadd.f32 v57, v4;
	[tilespmem:s10+$0xFFFFFEC0] =	vst v6;
	v6 =	vld [tilespmem:s10+$0xFFFFFED0]  }
0x4f5: {  	[tilespmem:s10+$0xFFFFFF40] =	vst v1;
	v1 =	vadd.f32 v10, v5;
	v5 =	vld [tilespmem:s10+$0xFFFFFF50]  }
0x4f6: {  	[tilespmem:s10+$0xFFFFFFC0] =	vst v4;
	v4 =	vld [tilespmem:s10+$0xFFFFFFD0]  }
0x4f7: {  	v0 =	vmul.f32 $1.131370830e+01, v0;
	v10 =	vld [tilespmem:s9+$0xFFFFFED0]  }
0x4f8: {  	v2 =	vmul.f32 $1.131370830e+01, v2;
	[tilespmem:s10+$0x40] =	vst v1;
	v1 =	vld [tilespmem:s10+$0x50]  }
0x4f9: {  	v0 =	vadd.f32 v7, v0;
	v7 =	vld [tilespmem:s9+$0xFFFFFE50]  }
0x4fa: {  	v2 =	vadd.f32 v11, v2;
	v11 =	vld [tilespmem:s9+$0xFFFFFF50]  }
0x4fb: {  	v58 =	vld [tilespmem:s9+$0xFFFFFFD0]  }
0x4fc: {  	v59 =	vld [tilespmem:s9+$0x50]  }
0x4fd: {  	[tilespmem:s10+$0xC0] =	vst v2;
	v2 =	vld [tilespmem:s10+$0xD0];
	v8 =	vmul.f32 $1.131370830e+01, v8  }
0x4fe: {  	[tilespmem:s10+$0x140] =	vst v0;
	v0 =	vld [tilespmem:s10+$0x150];
	v6 =	vmul.f32 $1.131370830e+01, v6  }
0x4ff: {  	v5 =	vmul.f32 $1.131370830e+01, v5;
	v7 =	vadd.f32 v7, v8;
	v8 =	vld [tilespmem:s9+$0xD0]  }
0x500: {  	v6 =	vadd.f32 v10, v6;
	v10 =	vld [tilespmem:s9+$0x150]  }
0x501: {  	v4 =	vmul.f32 $1.131370830e+01, v4;
	v5 =	vadd.f32 v11, v5;
	v11 =	vld [tilespmem:s10+$0xFFFFFE60]  }
0x502: {  	[tilespmem:s10+$0xFFFFFE50] =	vst v7;
	v7 =	vld [tilespmem:s10+$0x1F0]  }
0x503: {  	v1 =	vmul.f32 $1.131370830e+01, v1;
	v4 =	vadd.f32 v58, v4;
	[tilespmem:s10+$0xFFFFFED0] =	vst v6;
	v6 =	vld [tilespmem:s10+$0xFFFFFEE0]  }
0x504: {  	[tilespmem:s10+$0xFFFFFF50] =	vst v5;
	v5 =	vld [tilespmem:s10+$0xFFFFFF60]  }
0x505: {  	v1 =	vadd.f32 v59, v1;
	[tilespmem:s10+$0xFFFFFFD0] =	vst v4;
	v4 =	vld [tilespmem:s10+$0xFFFFFFE0]  }
0x506: {  	v60 =	vld [tilespmem:s9+$0xFFFFFF60]  }
0x507: {  	v2 =	vmul.f32 $1.131370830e+01, v2;
	[tilespmem:s10+$0x50] =	vst v1;
	v1 =	vld [tilespmem:s10+$0x60]  }
0x508: {  	v0 =	vmul.f32 $1.131370830e+01, v0;
	v61 =	vld [tilespmem:s9+$0xFFFFFFE0]  }
0x509: {  	v3 =	vmul.f32 $1.131370830e+01, v3;
	v2 =	vadd.f32 v8, v2;
	v8 =	vld [tilespmem:s9+$0xFFFFFE60]  }
0x50a: {  	v0 =	vadd.f32 v10, v0;
	v10 =	vld [tilespmem:s9+$0xFFFFFEE0]  }
0x50b: {  	v3 =	vadd.f32 v9, v3;
	v9 =	vld [tilespmem:s9+$0x60]  }
0x50c: {  	v11 =	vmul.f32 $1.131370830e+01, v11;
	[tilespmem:s10+$0xD0] =	vst v2;
	v2 =	vld [tilespmem:s10+$0xE0]  }
0x50d: {  	[tilespmem:s10+$0x150] =	vst v0;
	v0 =	vld [tilespmem:s10+$0x160];
	v6 =	vmul.f32 $1.131370830e+01, v6;
	v5 =	vmul.f32 $1.131370830e+01, v5  }
0x50e: {  	v8 =	vadd.f32 v8, v11;
	v11 =	vld [tilespmem:s9+$0xE0]  }
0x50f: {  	[tilespmem:s10+$0x1E0] =	vst v3;
	v3 =	vmul.f32 $1.131370830e+01, v4;
	v5 =	vadd.f32 v60, v5;
	v4 =	vadd.f32 v10, v6;
	v6 =	vld [tilespmem:s9+$0x160]  }
0x510: {  	v1 =	vmul.f32 $1.131370830e+01, v1;
	v10 =	vld [tilespmem:s9+$0x1F0]  }
0x511: {  	[tilespmem:s10+$0xFFFFFF60] =	vst v5;
	v5 =	vld [tilespmem:s10+$0xFFFFFF70]  }
0x512: {  	v1 =	vadd.f32 v9, v1;
	v9 =	vld [tilespmem:s10+$0xF0]  }
0x513: {  	v3 =	vadd.f32 v61, v3;
	[tilespmem:s10+$0xFFFFFE60] =	vst v8;
	v8 =	vld [tilespmem:s10+$0xFFFFFE70]  }
0x514: {  	[tilespmem:s10+$0xFFFFFEE0] =	vst v4;
	v4 =	vld [tilespmem:s10+$0xFFFFFEF0]  }
0x515: {  	[tilespmem:s10+$0xFFFFFFE0] =	vst v3;
	v3 =	vld [tilespmem:s10+$0xFFFFFFF0]  }
0x516: {  	v2 =	vmul.f32 $1.131370830e+01, v2;
	v0 =	vmul.f32 $1.131370830e+01, v0;
	[tilespmem:s10+$0x60] =	vst v1;
	v1 =	vld [tilespmem:s10+$0x70]  }
0x517: {  	v62 =	vld [tilespmem:s9+$0xFFFFFE70]  }
0x518: {  	v2 =	vadd.f32 v11, v2;
	v0 =	vadd.f32 v6, v0;
	v11 =	vld [tilespmem:s10+$0x170]  }
0x519: {  	v63 =	vld [tilespmem:s9+$0xFFFFFEF0]  }
0x51a: {  	[tilespmem:s10+$0x160] =	vst v0;
	v0 =	vmul.f32 $1.131370830e+01, v7;
	v7 =	vld [tilespmem:s9+$0xFFFFFF70]  }
0x51b: {  	v14 =	vmul.f32 $1.131370830e+01, v8;
	v15 =	vmul.f32 $1.131370830e+01, v4;
	v4 =	vld [tilespmem:s9+$0xFFFFFFF0]  }
0x51c: {  	v6 =	vmul.f32 $1.131370830e+01, v5;
	v5 =	vld [tilespmem:s9+$0x70];
	[tilespmem:s10+$0xE0] =	vst v2;
	v10 =	vadd.f32 v10, v0  }
0x51d: {  	v2 =	vmul.f32 $1.131370830e+01, v1;
	v8 =	vld [tilespmem:s9+$0xF0];
	v1 =	vmul.f32 $1.131370830e+01, v11;
	v11 =	vadd.f32 v62, v14  }
0x51e: {  	s3 =	simm.s32 $0x1A600;
	s2 =	simm.s32 $0x0;
	v3 =	vmul.f32 $1.131370830e+01, v3;
	v0 =	vmul.f32 $1.131370830e+01, v9;
	v9 =	vld [tilespmem:s9+$0x170];
	[tilespmem:s10+$0x1F0] =	vst v10;
	v10 =	vadd.f32 v63, v15  }
.LBB2_11:
0x51f: {  	v12 =	vld [tilespmem:s3+$0x180];
	s2 =	sadd.s32 $0x8, s2;
	[tilespmem:s10+$0xFFFFFE70] =	vst v11;
	v6 =	vadd.f32 v7, v6  }
0x520: {  	s9 =	sadd.s32 $0x400, s9;
	v7 =	vld [tilespmem:s3+$0xFFFFFE80];
	p0 =	slt.u32 s2, $0x78;
	[tilespmem:s10+$0xFFFFFEF0] =	vst v10;
	v3 =	vadd.f32 v4, v3  }
0x521: {  	v4 =	vld [tilespmem:s9+$0x180];
	[tilespmem:s10+$0xFFFFFF70] =	vst v6;
	v2 =	vadd.f32 v5, v2  }
0x522: {  	v5 =	vld [tilespmem:s3+$0xFFFFFF00];
	[tilespmem:s10+$0xFFFFFFF0] =	vst v3;
	v0 =	vadd.f32 v8, v0  }
0x523: {  	v3 =	vld [tilespmem:s3+$0xFFFFFF80];
	[tilespmem:s10+$0x70] =	vst v2;
	v1 =	vadd.f32 v9, v1  }
0x524: {  	v2 =	vld [tilespmem:s3+$0x0];
	v6 =	vmul.f32 $1.131370830e+01, v12;
	[tilespmem:s10+$0xF0] =	vst v0  }
0x525: {  	v0 =	vmul.f32 $1.131370830e+01, v7;
	v7 =	vld [tilespmem:s3+$0x80];
	[tilespmem:s10+$0x170] =	vst v1;
	s10 =	smov.u32 s3  }
0x526: {  	v1 =	vld [tilespmem:s3+$0x100];
	v4 =	vadd.f32 v4, v6  }
0x527: {  	v5 =	vmul.f32 $1.131370830e+01, v5;
	v6 =	vld [tilespmem:s3+$0x190]  }
0x528: {  	v8 =	vld [tilespmem:s3+$0xFFFFFE00];
	v3 =	vmul.f32 $1.131370830e+01, v3;
	[tilespmem:s3+$0x180] =	vst v4  }
0x529: {  	v2 =	vmul.f32 $1.131370830e+01, v2;
	v4 =	vld [tilespmem:s9+$0x190]  }
0x52a: {  	v9 =	vld [tilespmem:s9+$0xFFFFFE00];
	v7 =	vmul.f32 $1.131370830e+01, v7  }
0x52b: {  	v10 =	vld [tilespmem:s9+$0xFFFFFE80];
	v1 =	vmul.f32 $1.131370830e+01, v1  }
0x52c: {  	v11 =	vld [tilespmem:s9+$0xFFFFFF00];
	v6 =	vmul.f32 $1.131370830e+01, v6  }
0x52d: {  	v8 =	vmul.f32 $1.131370830e+01, v8;
	v12 =	vld [tilespmem:s9+$0xFFFFFF80]  }
0x52e: {  	v13 =	vld [tilespmem:s9+$0x0];
	v4 =	vadd.f32 v4, v6  }
0x52f: {  	v6 =	vadd.f32 v9, v8;
	v8 =	vld [tilespmem:s3+$0x1A0]  }
0x530: {  	v0 =	vadd.f32 v10, v0;
	v9 =	vld [tilespmem:s9+$0x80];
	[tilespmem:s3+$0x190] =	vst v4  }
0x531: {  	[tilespmem:s3+$0xFFFFFE00] =	vst v6;
	v4 =	vadd.f32 v11, v5;
	v5 =	vld [tilespmem:s9+$0x1A0]  }
0x532: {  	[tilespmem:s3+$0xFFFFFE80] =	vst v0;
	v0 =	vadd.f32 v12, v3;
	v3 =	vld [tilespmem:s9+$0x100]  }
0x533: {  	v6 =	vld [tilespmem:s3+$0xFFFFFE10];
	[tilespmem:s3+$0xFFFFFF00] =	vst v4;
	v2 =	vadd.f32 v13, v2  }
0x534: {  	v4 =	vld [tilespmem:s3+$0xFFFFFE90];
	[tilespmem:s3+$0xFFFFFF80] =	vst v0;
	v0 =	vmul.f32 $1.131370830e+01, v8  }
0x535: {  	v8 =	vld [tilespmem:s3+$0xFFFFFF10];
	[tilespmem:s3+$0x0] =	vst v2;
	v2 =	vadd.f32 v9, v7  }
0x536: {  	v7 =	vld [tilespmem:s3+$0xFFFFFF90];
	v0 =	vadd.f32 v5, v0  }
0x537: {  	[tilespmem:s3+$0x80] =	vst v2;
	v1 =	vadd.f32 v3, v1;
	v2 =	vld [tilespmem:s3+$0x1B0]  }
0x538: {  	v3 =	vmul.f32 $1.131370830e+01, v6;
	v5 =	vld [tilespmem:s3+$0x10];
	[tilespmem:s3+$0x1A0] =	vst v0  }
0x539: {  	v0 =	vmul.f32 $1.131370830e+01, v4;
	[tilespmem:s3+$0x100] =	vst v1;
	v1 =	vld [tilespmem:s9+$0x1B0]  }
0x53a: {  	v4 =	vmul.f32 $1.131370830e+01, v8;
	v6 =	vld [tilespmem:s3+$0x90]  }
0x53b: {  	v7 =	vmul.f32 $1.131370830e+01, v7;
	v8 =	vld [tilespmem:s3+$0x110]  }
0x53c: {  	v9 =	vld [tilespmem:s9+$0xFFFFFE10];
	v2 =	vmul.f32 $1.131370830e+01, v2  }
0x53d: {  	v10 =	vld [tilespmem:s9+$0xFFFFFE90];
	v5 =	vmul.f32 $1.131370830e+01, v5  }
0x53e: {  	v11 =	vld [tilespmem:s9+$0xFFFFFF10];
	v1 =	vadd.f32 v1, v2  }
0x53f: {  	v2 =	vmul.f32 $1.131370830e+01, v6;
	v6 =	vld [tilespmem:s3+$0x1C0]  }
0x540: {  	v12 =	vld [tilespmem:s9+$0xFFFFFF90];
	v8 =	vmul.f32 $1.131370830e+01, v8;
	[tilespmem:s3+$0x1B0] =	vst v1  }
0x541: {  	v1 =	vadd.f32 v9, v3;
	v3 =	vld [tilespmem:s9+$0x1C0]  }
0x542: {  	v0 =	vadd.f32 v10, v0;
	v9 =	vld [tilespmem:s9+$0x10]  }
0x543: {  	[tilespmem:s3+$0xFFFFFE10] =	vst v1;
	v1 =	vadd.f32 v11, v4;
	v4 =	vld [tilespmem:s9+$0x90]  }
0x544: {  	[tilespmem:s3+$0xFFFFFE90] =	vst v0;
	v0 =	vld [tilespmem:s9+$0x110];
	v6 =	vmul.f32 $1.131370830e+01, v6  }
0x545: {  	v10 =	vld [tilespmem:s3+$0xFFFFFE20];
	[tilespmem:s3+$0xFFFFFF10] =	vst v1;
	v1 =	vadd.f32 v12, v7  }
0x546: {  	v7 =	vld [tilespmem:s3+$0xFFFFFEA0];
	v3 =	vadd.f32 v3, v6  }
0x547: {  	[tilespmem:s3+$0xFFFFFF90] =	vst v1;
	v1 =	vadd.f32 v9, v5;
	v5 =	vld [tilespmem:s3+$0x1D0]  }
0x548: {  	v6 =	vld [tilespmem:s3+$0xFFFFFF20];
	v2 =	vadd.f32 v4, v2;
	[tilespmem:s3+$0x1C0] =	vst v3  }
0x549: {  	[tilespmem:s3+$0x10] =	vst v1;
	v0 =	vadd.f32 v0, v8;
	v1 =	vld [tilespmem:s9+$0x1D0]  }
0x54a: {  	v3 =	vmul.f32 $1.131370830e+01, v10;
	v4 =	vld [tilespmem:s3+$0xFFFFFFA0];
	[tilespmem:s3+$0x90] =	vst v2  }
0x54b: {  	v2 =	vmul.f32 $1.131370830e+01, v7;
	v7 =	vld [tilespmem:s3+$0x20];
	[tilespmem:s3+$0x110] =	vst v0  }
0x54c: {  	v0 =	vld [tilespmem:s3+$0xA0];
	v5 =	vmul.f32 $1.131370830e+01, v5  }
0x54d: {  	v6 =	vmul.f32 $1.131370830e+01, v6;
	v8 =	vld [tilespmem:s3+$0x120]  }
0x54e: {  	v9 =	vld [tilespmem:s9+$0xFFFFFE20];
	v1 =	vadd.f32 v1, v5  }
0x54f: {  	v4 =	vmul.f32 $1.131370830e+01, v4;
	v5 =	vld [tilespmem:s3+$0x1E0]  }
0x550: {  	v10 =	vld [tilespmem:s9+$0xFFFFFEA0];
	v7 =	vmul.f32 $1.131370830e+01, v7;
	[tilespmem:s3+$0x1D0] =	vst v1  }
0x551: {  	v0 =	vmul.f32 $1.131370830e+01, v0;
	v1 =	vld [tilespmem:s9+$0x1E0]  }
0x552: {  	v11 =	vld [tilespmem:s9+$0xFFFFFF20];
	v8 =	vmul.f32 $1.131370830e+01, v8  }
0x553: {  	v3 =	vadd.f32 v9, v3;
	v9 =	vld [tilespmem:s9+$0xFFFFFFA0]  }
0x554: {  	v12 =	vld [tilespmem:s9+$0x20];
	v5 =	vmul.f32 $1.131370830e+01, v5  }
0x555: {  	[tilespmem:s3+$0xFFFFFE20] =	vst v3;
	v2 =	vadd.f32 v10, v2;
	v3 =	vld [tilespmem:s9+$0xA0]  }
0x556: {  	v10 =	vld [tilespmem:s9+$0x120];
	v1 =	vadd.f32 v1, v5  }
0x557: {  	[tilespmem:s3+$0xFFFFFEA0] =	vst v2;
	v2 =	vadd.f32 v11, v6;
	v5 =	vld [tilespmem:s3+$0x1F0]  }
0x558: {  	v6 =	vld [tilespmem:s3+$0xFFFFFE30];
	v4 =	vadd.f32 v9, v4;
	[tilespmem:s3+$0x1E0] =	vst v1  }
0x559: {  	[tilespmem:s3+$0xFFFFFF20] =	vst v2;
	v1 =	vadd.f32 v12, v7;
	v2 =	vld [tilespmem:s9+$0x1F0]  }
0x55a: {  	v7 =	vld [tilespmem:s3+$0xFFFFFEB0];
	[tilespmem:s3+$0xFFFFFFA0] =	vst v4;
	v0 =	vadd.f32 v3, v0  }
0x55b: {  	v3 =	vld [tilespmem:s3+$0xFFFFFF30];
	[tilespmem:s3+$0x20] =	vst v1;
	v1 =	vadd.f32 v10, v8  }
0x55c: {  	v4 =	vld [tilespmem:s3+$0xFFFFFFB0];
	[tilespmem:s3+$0xA0] =	vst v0;
	v0 =	vmul.f32 $1.131370830e+01, v5  }
0x55d: {  	v5 =	vmul.f32 $1.131370830e+01, v6;
	v6 =	vld [tilespmem:s3+$0x30];
	[tilespmem:s3+$0x120] =	vst v1  }
0x55e: {  	v1 =	vld [tilespmem:s3+$0xB0];
	v0 =	vadd.f32 v2, v0  }
0x55f: {  	v2 =	vmul.f32 $1.131370830e+01, v7;
	v7 =	vld [tilespmem:s3+$0x130]  }
0x560: {  	v8 =	vld [tilespmem:s9+$0xFFFFFE30];
	v3 =	vmul.f32 $1.131370830e+01, v3;
	[tilespmem:s3+$0x1F0] =	vst v0  }
0x561: {  	v0 =	vld [tilespmem:s9+$0xFFFFFEB0];
	v4 =	vmul.f32 $1.131370830e+01, v4  }
0x562: {  	v9 =	vld [tilespmem:s9+$0xFFFFFF30];
	v6 =	vmul.f32 $1.131370830e+01, v6  }
0x563: {  	v10 =	vld [tilespmem:s9+$0xFFFFFFB0];
	v1 =	vmul.f32 $1.131370830e+01, v1  }
0x564: {  	v11 =	vld [tilespmem:s9+$0x30];
	v7 =	vmul.f32 $1.131370830e+01, v7  }
0x565: {  	v5 =	vadd.f32 v8, v5;
	v8 =	vld [tilespmem:s9+$0xB0]  }
0x566: {  	v0 =	vadd.f32 v0, v2;
	v2 =	vld [tilespmem:s9+$0x130]  }
0x567: {  	[tilespmem:s3+$0xFFFFFE30] =	vst v5;
	v5 =	vld [tilespmem:s3+$0xFFFFFE40];
	v3 =	vadd.f32 v9, v3  }
0x568: {  	[tilespmem:s3+$0xFFFFFEB0] =	vst v0;
	v0 =	vld [tilespmem:s3+$0xFFFFFEC0];
	v4 =	vadd.f32 v10, v4  }
0x569: {  	[tilespmem:s3+$0xFFFFFF30] =	vst v3;
	v3 =	vld [tilespmem:s3+$0xFFFFFF40];
	v6 =	vadd.f32 v11, v6  }
0x56a: {  	[tilespmem:s3+$0xFFFFFFB0] =	vst v4;
	v4 =	vld [tilespmem:s3+$0xFFFFFFC0];
	v1 =	vadd.f32 v8, v1  }
0x56b: {  	[tilespmem:s3+$0x30] =	vst v6;
	v6 =	vld [tilespmem:s3+$0x40];
	v2 =	vadd.f32 v2, v7  }
0x56c: {  	v5 =	vmul.f32 $1.131370830e+01, v5;
	[tilespmem:s3+$0xB0] =	vst v1;
	v1 =	vld [tilespmem:s3+$0xC0]  }
0x56d: {  	v0 =	vmul.f32 $1.131370830e+01, v0;
	[tilespmem:s3+$0x130] =	vst v2;
	v2 =	vld [tilespmem:s3+$0x140]  }
0x56e: {  	v7 =	vld [tilespmem:s9+$0xFFFFFE40];
	v3 =	vmul.f32 $1.131370830e+01, v3  }
0x56f: {  	v8 =	vld [tilespmem:s9+$0xFFFFFEC0];
	v4 =	vmul.f32 $1.131370830e+01, v4  }
0x570: {  	v9 =	vld [tilespmem:s9+$0xFFFFFF40];
	v6 =	vmul.f32 $1.131370830e+01, v6  }
0x571: {  	v10 =	vld [tilespmem:s9+$0xFFFFFFC0];
	v1 =	vmul.f32 $1.131370830e+01, v1  }
0x572: {  	v11 =	vld [tilespmem:s9+$0x40];
	v2 =	vmul.f32 $1.131370830e+01, v2  }
0x573: {  	v5 =	vadd.f32 v7, v5;
	v7 =	vld [tilespmem:s9+$0xC0]  }
0x574: {  	v0 =	vadd.f32 v8, v0;
	v8 =	vld [tilespmem:s9+$0x140]  }
0x575: {  	[tilespmem:s3+$0xFFFFFE40] =	vst v5;
	v5 =	vld [tilespmem:s3+$0xFFFFFE50];
	v3 =	vadd.f32 v9, v3  }
0x576: {  	[tilespmem:s3+$0xFFFFFEC0] =	vst v0;
	v0 =	vld [tilespmem:s3+$0xFFFFFED0];
	v4 =	vadd.f32 v10, v4  }
0x577: {  	[tilespmem:s3+$0xFFFFFF40] =	vst v3;
	v3 =	vld [tilespmem:s3+$0xFFFFFF50];
	v6 =	vadd.f32 v11, v6  }
0x578: {  	[tilespmem:s3+$0xFFFFFFC0] =	vst v4;
	v4 =	vld [tilespmem:s3+$0xFFFFFFD0];
	v1 =	vadd.f32 v7, v1  }
0x579: {  	[tilespmem:s3+$0x40] =	vst v6;
	v6 =	vld [tilespmem:s3+$0x50];
	v2 =	vadd.f32 v8, v2  }
0x57a: {  	v5 =	vmul.f32 $1.131370830e+01, v5;
	[tilespmem:s3+$0xC0] =	vst v1;
	v1 =	vld [tilespmem:s3+$0xD0]  }
0x57b: {  	v0 =	vmul.f32 $1.131370830e+01, v0;
	[tilespmem:s3+$0x140] =	vst v2;
	v2 =	vld [tilespmem:s3+$0x150]  }
0x57c: {  	v7 =	vld [tilespmem:s9+$0xFFFFFE50];
	v3 =	vmul.f32 $1.131370830e+01, v3  }
0x57d: {  	v8 =	vld [tilespmem:s9+$0xFFFFFED0];
	v4 =	vmul.f32 $1.131370830e+01, v4  }
0x57e: {  	v9 =	vld [tilespmem:s9+$0xFFFFFF50];
	v6 =	vmul.f32 $1.131370830e+01, v6  }
0x57f: {  	v10 =	vld [tilespmem:s9+$0xFFFFFFD0];
	v1 =	vmul.f32 $1.131370830e+01, v1  }
0x580: {  	v11 =	vld [tilespmem:s9+$0x50];
	v2 =	vmul.f32 $1.131370830e+01, v2  }
0x581: {  	v5 =	vadd.f32 v7, v5;
	v7 =	vld [tilespmem:s9+$0xD0]  }
0x582: {  	v0 =	vadd.f32 v8, v0;
	v8 =	vld [tilespmem:s9+$0x150]  }
0x583: {  	[tilespmem:s3+$0xFFFFFE50] =	vst v5;
	v5 =	vld [tilespmem:s3+$0xFFFFFE60];
	v3 =	vadd.f32 v9, v3  }
0x584: {  	[tilespmem:s3+$0xFFFFFED0] =	vst v0;
	v0 =	vld [tilespmem:s3+$0xFFFFFEE0];
	v4 =	vadd.f32 v10, v4  }
0x585: {  	[tilespmem:s3+$0xFFFFFF50] =	vst v3;
	v3 =	vld [tilespmem:s3+$0xFFFFFF60];
	v6 =	vadd.f32 v11, v6  }
0x586: {  	[tilespmem:s3+$0xFFFFFFD0] =	vst v4;
	v4 =	vld [tilespmem:s3+$0xFFFFFFE0];
	v1 =	vadd.f32 v7, v1  }
0x587: {  	[tilespmem:s3+$0x50] =	vst v6;
	v6 =	vld [tilespmem:s3+$0x60];
	v2 =	vadd.f32 v8, v2  }
0x588: {  	v5 =	vmul.f32 $1.131370830e+01, v5;
	[tilespmem:s3+$0xD0] =	vst v1;
	v1 =	vld [tilespmem:s3+$0xE0]  }
0x589: {  	v0 =	vmul.f32 $1.131370830e+01, v0;
	[tilespmem:s3+$0x150] =	vst v2;
	v2 =	vld [tilespmem:s3+$0x160]  }
0x58a: {  	v7 =	vld [tilespmem:s9+$0xFFFFFE60];
	v3 =	vmul.f32 $1.131370830e+01, v3  }
0x58b: {  	v8 =	vld [tilespmem:s9+$0xFFFFFEE0];
	v4 =	vmul.f32 $1.131370830e+01, v4  }
0x58c: {  	v9 =	vld [tilespmem:s9+$0xFFFFFF60];
	v6 =	vmul.f32 $1.131370830e+01, v6  }
0x58d: {  	v10 =	vld [tilespmem:s9+$0xFFFFFFE0];
	v1 =	vmul.f32 $1.131370830e+01, v1  }
0x58e: {  	v11 =	vld [tilespmem:s9+$0x60];
	v2 =	vmul.f32 $1.131370830e+01, v2  }
0x58f: {  	v5 =	vadd.f32 v7, v5;
	v7 =	vld [tilespmem:s9+$0xE0]  }
0x590: {  	v0 =	vadd.f32 v8, v0;
	v8 =	vld [tilespmem:s9+$0x160]  }
0x591: {  	[tilespmem:s3+$0xFFFFFE60] =	vst v5;
	v5 =	vld [tilespmem:s3+$0xFFFFFE70];
	v3 =	vadd.f32 v9, v3  }
0x592: {  	[tilespmem:s3+$0xFFFFFEE0] =	vst v0;
	v0 =	vld [tilespmem:s3+$0xFFFFFEF0];
	v4 =	vadd.f32 v10, v4  }
0x593: {  	[tilespmem:s3+$0xFFFFFF60] =	vst v3;
	v3 =	vld [tilespmem:s3+$0xFFFFFF70];
	v6 =	vadd.f32 v11, v6  }
0x594: {  	[tilespmem:s3+$0xFFFFFFE0] =	vst v4;
	v4 =	vld [tilespmem:s3+$0xFFFFFFF0];
	v1 =	vadd.f32 v7, v1  }
0x595: {  	[tilespmem:s3+$0x60] =	vst v6;
	v9 =	vld [tilespmem:s3+$0x70];
	v2 =	vadd.f32 v8, v2  }
0x596: {  	v8 =	vmul.f32 $1.131370830e+01, v5;
	[tilespmem:s3+$0xE0] =	vst v1;
	v1 =	vld [tilespmem:s3+$0xF0]  }
0x597: {  	v10 =	vmul.f32 $1.131370830e+01, v0;
	[tilespmem:s3+$0x160] =	vst v2;
	v11 =	vld [tilespmem:s3+$0x170]  }
0x598: {  	v12 =	vld [tilespmem:s9+$0xFFFFFE70];
	v6 =	vmul.f32 $1.131370830e+01, v3  }
0x599: {  	v13 =	vld [tilespmem:s9+$0xFFFFFEF0];
	v3 =	vmul.f32 $1.131370830e+01, v4  }
.Ltmp4:
0x59a: {  	v7 =	vld [tilespmem:s9+$0xFFFFFF70];
	v2 =	vmul.f32 $1.131370830e+01, v9;
	(pc) =	sbr.rel @p0 .LBB2_11-.Ltmp4, $4  }
0x59b: {  	v4 =	vld [tilespmem:s9+$0xFFFFFFF0];
	v0 =	vmul.f32 $1.131370830e+01, v1  }
0x59c: {  	v5 =	vld [tilespmem:s9+$0x70];
	v1 =	vmul.f32 $1.131370830e+01, v11  }
0x59d: {  	v11 =	vadd.f32 v12, v8;
	v8 =	vld [tilespmem:s9+$0xF0]  }
0x59e: {  	s3 =	sadd.s32 $0x400, s3;
	v10 =	vadd.f32 v13, v10;
	v9 =	vld [tilespmem:s9+$0x170]  }
0x59f: {  	[tilespmem:s10+$0xFFFFFE70] =	vst v11;
	v6 =	vadd.f32 v7, v6  }
0x5a0: {  	s8 =	sadd.s32 $0x1, s8;
	[tilespmem:s10+$0xFFFFFEF0] =	vst v10;
	v3 =	vadd.f32 v4, v3  }
0x5a1: {  	p0 =	sne.s32 s8, $0x28;
	[tilespmem:s10+$0xFFFFFF70] =	vst v6;
	v2 =	vadd.f32 v5, v2  }
.Ltmp5:
0x5a2: {  	s2 =	sadd.s32 s6, s11;
	s7 =	sadd.s32 $0x280, s7;
	[tilespmem:s10+$0xFFFFFFF0] =	vst v3;
	v0 =	vadd.f32 v8, v0;
	(pc) =	sbr.rel @p0 .LBB2_2-.Ltmp5, $4  }
0x5a3: {  	s16 =	sadd.s32 $0x5, s16;
	s25 =	sadd.s32 $0x280, s25;
	s2 =	sshll.u32 s2, $0xB;
	[tilespmem:s10+$0x70] =	vst v2;
	v1 =	vadd.f32 v9, v1  }
0x5a4: {  	s24 =	sadd.s32 $0x5, s24;
	s12 =	sadd.s32 $0x280, s12;
	s2 =	sand.u32 $0x1FFFF800, s2;
	[tilespmem:s10+$0xF0] =	vst v0  }
0x5a5: {  	s20 =	sadd.s32 $0x280, s20;
	s22 =	sadd.s32 $0x280, s22;
	s2 =	sadd.s32 s4, s2;
	[tilespmem:s10+$0x170] =	vst v1  }
0x5a6: {  	[hbm4b:s2+s5] =	stream.linear.scatter [tilespmem:s23], [sflag:$0xA], $0x4000, $0x38;
	[tilespmem:$0x1E280] =	vst v63  }
0x5a7: {  	s2 =	simm.s32 $0x6  }
0x5a8: {  	_ =	swait.ge [sflag:s2], $0x4000  }
0x5a9: {  	[sflag:s2] =	ssyncset.done $0x0  }
0x5aa: {  	s23 =	simm.s32 $0x7;
	[sflag:s2] =	ssyncadd.s32 $0xFFFFC000  }
0x5ab: {  	_ =	swait.ge [sflag:s23], $0x4000  }
0x5ac: {  	[sflag:s23] =	ssyncset.done $0x0  }
0x5ad: {  	s24 =	simm.s32 $0x8;
	[sflag:s23] =	ssyncadd.s32 $0xFFFFC000  }
0x5ae: {  	_ =	swait.ge [sflag:s24], $0x4000  }
0x5af: {  	[sflag:s24] =	ssyncset.done $0x0  }
0x5b0: {  	s25 =	simm.s32 $0x9;
	[sflag:s24] =	ssyncadd.s32 $0xFFFFC000  }
0x5b1: {  	_ =	swait.ge [sflag:s25], $0x4000  }
0x5b2: {  	[sflag:s25] =	ssyncset.done $0x0  }
0x5b3: {  	s3 =	simm.s32 $0xA;
	[sflag:s25] =	ssyncadd.s32 $0xFFFFC000  }
0x5b4: {  	_ =	swait.ge [sflag:s3], $0x4000  }
0x5b5: {  	s7 =	rddreg [dreg:$0xb]  }
0x5b6: {  	s29 =	rddreg [dreg:$0xa];
	s7 =	sadd.s32 $0x1, s7  }
0x5b7: {  	p0 =	sne.s32 s7, s29  }
.Ltmp6:
0x5b8: {  	_ = 	snop;
	(pc) =	sbr.rel @p0 .LBB2_1-.Ltmp6, $3  }
0x5b9: {  	_ =	sdelay $0x1  }
0x5ba: {  	[sflag:s3] =	ssyncset.done $0x0  }
0x5bb: {  	[sflag:s3] =	ssyncadd.s32 $0xFFFFC000  }
0x5bc: {  	_ =	sfence.sel $0x180000  }
0x5bd: {  	[bflag:$0x0] =	sbarrier.arrive $0xFFFF  }
0x5be: {  	_ =	strace $0x90000047  }
0x5bf: {  	s0 =	stileid.u32;
	[bflag:$0x2] =	sbarrier.arrive $0xFFFF  }
0x5c0: {  	p0 =	sne.s32 s0, $0x0;
	s0 =	rddreg [dreg:$0x4]  }
0x5c1: {  	s0 =	sadd.s32 @!p0 $0x100000, s0  }
0x5c2: {  	[sflag:s0] =	ssyncadd.tile.s32 @!p0 $0x1;
	_ =	shalt  }
.Lfunc_end2:
_tile_overlayer_lowered:
.L_overlay_start_2:
0x5c3: {  	(tag) =	ssettag $0x2  }
0x5c4: {  	s0 =	rddreg [dreg:$0x0];
	s2 =	stileid.u32  }
0x5c5: {  	s1 =	rddreg [dreg:$0x1];
	p0 =	sne.s32 s2, $0x0  }
0x5c6: {  	s3 =	rddreg [dreg:$0x2];
	[bflag:$0x3] =	sbarrier.arrive $0xFFFF;
	s2 =	simm.s32 @!p0 $0x1C12  }
0x5c7: {  	[timem:s3], [sflag:s2] =	dma.local @!p0 [hbm:s0], s1  }
0x5c8: {  	s0 =	simm.s32 @!p0 $0x12  }
0x5c9: {  	_ =	swait.ge @!p0 [sflag:s0], s1  }
0x5ca: {  	s1 =	ssub.s32 @!p0 $0x0, s1;
	[sflag:s0] =	ssyncset.done @!p0 $0x0  }
0x5cb: {  	[sflag:s0] =	ssyncadd.s32 @!p0 s1  }
0x5cc: {  	[bflag:$0x3] =	sbarrier.arrive $0xFFFF  }
0x5cd: {  	_ =	shalt  }

</sc_bundles>
